<compile_context>
chip_gen: v7x
topology: tpu7x:2x2x1
jax: 0.10.2.dev20260603
libtpu: 0.0.44.dev20260713+nightly
codegen_flags: <defaults>
</compile_context>

<pallas_src>
import functools

import jax
import jax.numpy as jnp
import numpy as np
from jax import lax
from jax.experimental import pallas as pl
from jax.experimental.pallas import tpu as pltpu
from jax.experimental.pallas import tpu_sc as plsc

NW = 32
LANES = 16


def _mesh():
    return plsc.VectorSubcoreMesh(core_axis_name="c", subcore_axis_name="s")


def _wid():
    return lax.axis_index("s") * 2 + lax.axis_index("c")


def _gather_rows(table, idx, chunk, nbuf, tc_tiling=True):
    n = idx.shape[0]
    d = table.shape[1]
    per = n // NW
    assert per * NW == n and per % chunk == 0
    nchunks = per // chunk
    assert nchunks % nbuf == 0 and chunk % 8 == 0 and chunk <= 128
    ngroups = nchunks // nbuf

    @functools.partial(
        pl.kernel,
        mesh=_mesh(),
        compiler_params=pltpu.CompilerParams(use_tc_tiling_on_sc=tc_tiling),
        out_type=jax.ShapeDtypeStruct((n, d), table.dtype),
        scratch_types=[
            pltpu.VMEM((per,), jnp.int32),
            pltpu.VMEM((2 * nbuf, chunk, d), table.dtype),
            pltpu.SemaphoreType.DMA,
            pltpu.SemaphoreType.DMA,
        ],
    )
    def k(table_hbm, idx_hbm, out_hbm, idx_v, bufs, gsem, osem):
        base = _wid() * per
        pltpu.sync_copy(idx_hbm.at[pl.ds(base, per)], idx_v)

        def group(g, carry):
            bank = (g % 2) * nbuf

            @pl.when(g > 1)
            def _():
                for b in range(nbuf):
                    pltpu.make_async_copy(
                        out_hbm.at[pl.ds(base, chunk), :], bufs.at[0], osem
                    ).wait()

            hs = []
            for b in range(nbuf):
                c = g * nbuf + b
                hs.append(
                    pltpu.async_copy(
                        table_hbm.at[idx_v.at[pl.ds(c * chunk, chunk)]],
                        bufs.at[bank + b],
                        gsem,
                    )
                )
            for h in hs:
                h.wait()
            for b in range(nbuf):
                c = g * nbuf + b
                pltpu.async_copy(
                    bufs.at[bank + b],
                    out_hbm.at[pl.ds(base + c * chunk, chunk), :],
                    osem,
                )
            return carry

        lax.fori_loop(0, ngroups, group, 0)
        for g in range(min(2, ngroups)):
            for b in range(nbuf):
                pltpu.make_async_copy(
                    out_hbm.at[pl.ds(base, chunk), :], bufs.at[0], osem
                ).wait()

    return k(table, idx)


def _scatter_update(nf_pad, nodes, h1):
    vp, d = nf_pad.shape
    n3 = nodes.shape[0]
    rng = vp // NW
    assert rng * NW == vp and rng % LANES == 0 and n3 % LANES == 0
    nwin = rng // LANES

    @functools.partial(
        pl.kernel,
        mesh=_mesh(),
        compiler_params=pltpu.CompilerParams(needs_layout_passes=False),
        out_type=jax.ShapeDtypeStruct((vp, d), nf_pad.dtype),
        scratch_types=[
            pltpu.VMEM((n3,), jnp.int32),
            pltpu.VMEM((rng,), jnp.int32),
            pltpu.VMEM((rng, d), nf_pad.dtype),
            pltpu.SemaphoreType.DMA,
            pltpu.SemaphoreType.DMA,
            pltpu.SemaphoreType.DMA,
        ],
    )
    def k(nf_hbm, nodes_hbm, h1_hbm, out_hbm, nodes_v, lp, rows, csem, gsem, ssem):
        lo = _wid() * rng
        ch = pltpu.async_copy(
            nf_hbm.at[pl.ds(lo, rng), :], out_hbm.at[pl.ds(lo, rng), :], csem
        )
        pltpu.sync_copy(nodes_hbm, nodes_v)
        neg1 = jnp.full((LANES,), -1, jnp.int32)
        for w in range(nwin):
            lp[pl.ds(w * LANES, LANES)] = neg1
        iota = lax.iota(jnp.int32, LANES)

        def scan(i, carry):
            vv = nodes_v[pl.ds(i * LANES, LANES)]
            bvec = i * LANES + iota
            m = (vv >= lo) & (vv < lo + rng)
            idx = jnp.where(m, vv - lo, 0)
            plsc.store_scatter(lp, [idx], bvec, mask=m)
            return carry

        lax.fori_loop(0, n3 // LANES, scan, 0)

        dsts = []
        ghs = []
        for w in range(nwin):
            mv = lp[pl.ds(w * LANES, LANES)]
            msk = mv >= 0
            src = jnp.where(msk, mv, 0)
            dsts.append(jnp.where(msk, lo + w * LANES + iota, (vp - LANES) + iota))
            ghs.append(
                pltpu.async_copy(
                    h1_hbm.at[src], rows.at[pl.ds(w * LANES, LANES)], gsem
                )
            )
        for h in ghs:
            h.wait()
        ch.wait()
        shs = []
        for w in range(nwin):
            shs.append(
                pltpu.async_copy(
                    rows.at[pl.ds(w * LANES, LANES)], out_hbm.at[dsts[w]], ssem
                )
            )
        for h in shs:
            h.wait()

    return k(nf_pad, nodes, h1)


def _tc_layer(h, ts2, hn_t, ef_t, nbr, qwT, kwnT, kweT, vwnT, vweT, bq, bk, bv,
              owT, ob, tw, tb, out_dtype=jnp.float32):
    n3, d = h.shape
    nbrk = hn_t.shape[0]
    de = ef_t.shape[2]
    qb = 256
    assert n3 % qb == 0
    dh = d // 2
    scale = 1.0 / float(np.sqrt(dh))

    def body(h_ref, ts_ref, hn_ref, ef_ref, nbr_ref, qw_ref, kwn_ref, kwe_ref,
             vwn_ref, vwe_ref, bq_ref, bk_ref, bv_ref, ow_ref, ob_ref, tw_ref,
             tb_ref, out_ref):
        tenc = jnp.cos(ts_ref[...] * tw_ref[...] + tb_ref[...])
        qw16 = qw_ref[...].astype(jnp.bfloat16)
        q = (jnp.dot(h_ref[...].astype(jnp.bfloat16), qw16,
                     preferred_element_type=jnp.float32)
             + jnp.dot(tenc, qw_ref[...], preferred_element_type=jnp.float32)
             + bq_ref[...])

        nbrv = nbr_ref[...]
        pmf = jnp.where(nbrv == 0, 1.0, 0.0)
        invalf = jnp.where(
            jnp.sum(pmf, axis=1, keepdims=True) >= float(nbrk), 1.0, 0.0)
        colzero = jnp.where(
            lax.broadcasted_iota(jnp.int32, pmf.shape, 1) == 0, 1.0, 0.0)
        pmf = pmf * (1.0 - colzero * invalf)

        kwn = kwn_ref[...]
        kwn16 = kwn.astype(jnp.bfloat16)
        kwe = kwe_ref[...]
        tk = (jnp.dot(tenc, kwn, preferred_element_type=jnp.float32)
              + bk_ref[...])
        s0s, s1s = [], []
        for n in range(nbrk):
            kn = (jnp.dot(hn_ref[n].astype(jnp.bfloat16), kwn16,
                          preferred_element_type=jnp.float32)
                  + jnp.dot(ef_ref[n], kwe, preferred_element_type=jnp.float32)
                  + tk)
            qk = q * kn
            s0s.append(jnp.sum(qk[:, :dh], axis=1, keepdims=True))
            s1s.append(jnp.sum(qk[:, dh:], axis=1, keepdims=True))
        s0 = jnp.concatenate(s0s, axis=1) * scale
        s1 = jnp.concatenate(s1s, axis=1) * scale
        s0 = s0 * (1.0 - pmf) + (-1e9) * pmf
        s1 = s1 * (1.0 - pmf) + (-1e9) * pmf

        def smax(s):
            m = jnp.max(s, axis=1, keepdims=True)
            e = jnp.exp(s - m)
            return e / jnp.sum(e, axis=1, keepdims=True)

        a0 = smax(s0)
        a1 = smax(s1)

        vwn = vwn_ref[...]
        vwn16 = vwn.astype(jnp.bfloat16)
        vwe = vwe_ref[...]
        tv = (jnp.dot(tenc, vwn, preferred_element_type=jnp.float32)
              + bv_ref[...])
        lane = lax.broadcasted_iota(jnp.int32, (1, d), 1)
        m0 = (lane < dh).astype(jnp.float32)
        m1 = 1.0 - m0
        acc = jnp.zeros((qb, d), jnp.float32)
        for n in range(nbrk):
            vn = (jnp.dot(hn_ref[n].astype(jnp.bfloat16), vwn16,
                          preferred_element_type=jnp.float32)
                  + jnp.dot(ef_ref[n], vwe, preferred_element_type=jnp.float32)
                  + tv)
            w = a0[:, n:n + 1] * m0 + a1[:, n:n + 1] * m1
            acc = acc + w * vn
        out_ref[...] = (jnp.dot(acc, ow_ref[...],
                                preferred_element_type=jnp.float32)
                        + ob_ref[...]).astype(out_dtype)

    full = lambda i: (0, 0)
    return pl.pallas_call(
        body,
        grid=(n3 // qb,),
        in_specs=[
            pl.BlockSpec((qb, d), lambda i: (i, 0)),
            pl.BlockSpec((qb, 1), lambda i: (i, 0)),
            pl.BlockSpec((nbrk, qb, d), lambda i: (0, i, 0)),
            pl.BlockSpec((nbrk, qb, de), lambda i: (0, i, 0)),
            pl.BlockSpec((qb, nbrk), lambda i: (i, 0)),
            pl.BlockSpec((d, d), full),
            pl.BlockSpec((d, d), full),
            pl.BlockSpec((de, d), full),
            pl.BlockSpec((d, d), full),
            pl.BlockSpec((de, d), full),
            pl.BlockSpec((1, d), full),
            pl.BlockSpec((1, d), full),
            pl.BlockSpec((1, d), full),
            pl.BlockSpec((d, d), full),
            pl.BlockSpec((1, d), full),
            pl.BlockSpec((1, d), full),
            pl.BlockSpec((1, d), full),
        ],
        out_specs=pl.BlockSpec((qb, d), lambda i: (i, 0)),
        out_shape=jax.ShapeDtypeStruct((n3, d), out_dtype),
    )(h, ts2, hn_t, ef_t, nbr, qwT, kwnT, kweT, vwnT, vweT, bq, bk, bv, owT,
      ob, tw, tb)


def kernel(source_nodes, destination_nodes, negative_nodes, edge_times,
           edge_idxs, neighbors, nbr_edge_idxs, n_neighbors, node_features,
           edge_features, time_w, time_b, q_w, k_w, v_w, in_b, out_w, out_b):
    b = source_nodes.shape[0]
    n3 = 3 * b
    nbrk = neighbors.shape[1]
    v, d = node_features.shape
    de = edge_features.shape[1]

    nodes = jnp.concatenate([source_nodes, destination_nodes, negative_nodes])
    nodes = nodes.astype(jnp.int32)
    ts2 = jnp.concatenate([edge_times, edge_times, edge_times])[:, None]

    vp = ((v + NW * LANES - 1) // (NW * LANES)) * NW * LANES
    nf_pad = jnp.concatenate(
        [node_features, jnp.zeros((vp - v, d), jnp.float32)], axis=0)

    nbr_t_flat = neighbors.astype(jnp.int32).T.reshape(-1)
    idx_all = jnp.concatenate([nodes, nbr_t_flat])
    ef_idx = nbr_edge_idxs.astype(jnp.int32).T.reshape(-1)

    qwT = q_w.T
    kwnT = k_w[:, :d].T
    kweT = k_w[:, d:].T
    vwnT = v_w[:, :d].T
    vweT = v_w[:, d:].T
    bq = in_b[:d][None, :]
    bk = in_b[d:2 * d][None, :]
    bv = in_b[2 * d:][None, :]
    ob = out_b[None, :]
    tw = time_w[:, 0][None, :]
    tb = time_b[None, :]

    g1 = _gather_rows(nf_pad, idx_all, chunk=56, nbuf=6)
    efg = _gather_rows(edge_features, ef_idx, chunk=96, nbuf=4, tc_tiling=False)
    h0 = g1[:n3]
    hn_t = g1[n3:].reshape(nbrk, n3, d)
    ef_t = efg.reshape(nbrk, n3, de)

    h1 = _tc_layer(h0, ts2, hn_t, ef_t, neighbors, qwT, kwnT, kweT, vwnT,
                   vweT, bq, bk, bv, out_w.T, ob, tw, tb)

    nf2 = _scatter_update(nf_pad, nodes, h1)
    g2 = _gather_rows(nf2, idx_all, chunk=56, nbuf=6)
    h0b = g2[:n3]
    hn2_t = g2[n3:].reshape(nbrk, n3, d)

    h2 = _tc_layer(h0b, ts2, hn2_t, ef_t, neighbors, qwT, kwnT, kweT, vwnT,
                   vweT, bq, bk, bv, out_w.T, ob, tw, tb)

    return (h2[:b], h2[b:2 * b], h2[2 * b:])

# --- scband reference (transcript-rebuilt; emitter-appended) ---
"""Pipeline reference for scband-dy-gprompt-pretrain-9079560864230 (READ-ONLY COPY).

The authoritative reference and input builder live on the scoring server;
editing this copy changes nothing except your own understanding.
"""

import jax, jax.numpy as jnp
import numpy as np

N_NODES = 10000
N_EDGES = 320000
D = 128
D_E = 16
B = 2048
N_NBR = 20
H = 2
N_LAYERS = 2


def setup_inputs(seed: int = 0) -> dict:
    key = jax.random.key(seed)
    ks = jax.random.split(key, 16)
    s = 0.05
    inp = {}
    inp['source_nodes'] = jax.random.randint(ks[0], (B,), 0, N_NODES)
    inp['destination_nodes'] = jax.random.randint(ks[1], (B,), 0, N_NODES)
    inp['negative_nodes'] = jax.random.randint(ks[2], (B,), 0, N_NODES)
    inp['edge_times'] = jax.random.uniform(ks[3], (B,), dtype=jnp.float32) * 1000.0
    inp['edge_idxs'] = jax.random.randint(ks[4], (B,), 0, N_EDGES)
    inp['neighbors'] = jax.random.randint(ks[5], (3 * B, N_NBR), 0, N_NODES)
    inp['nbr_edge_idxs'] = jax.random.randint(ks[6], (3 * B, N_NBR), 0, N_EDGES)
    inp['n_neighbors'] = N_NBR
    inp['node_features'] = jax.random.normal(ks[7], (N_NODES, D), dtype=jnp.float32)
    inp['edge_features'] = jax.random.normal(ks[8], (N_EDGES, D_E), dtype=jnp.float32)
    inp['time_w'] = jax.random.normal(ks[9], (D, 1), dtype=jnp.float32) * s
    inp['time_b'] = jax.random.normal(ks[10], (D,), dtype=jnp.float32) * s
    inp['q_w'] = jax.random.normal(ks[11], (D, D), dtype=jnp.float32) * s
    inp['k_w'] = jax.random.normal(ks[12], (D, D + D_E), dtype=jnp.float32) * s
    inp['v_w'] = jax.random.normal(ks[13], (D, D + D_E), dtype=jnp.float32) * s
    inp['in_b'] = jnp.zeros((3 * D,), dtype=jnp.float32)
    inp['out_w'] = jax.random.normal(ks[14], (D, D), dtype=jnp.float32) * s
    inp['out_b'] = jnp.zeros((D,), dtype=jnp.float32)
    return inp


def _time_encode(t, w, b):
    # TimeEncoder: cos(Linear(1 -> D)(t))
    return jnp.cos(t[:, None] * w[:, 0][None, :] + b[None, :])


def _mha(q, kv, mask, q_w, k_w, v_w, in_b, out_w, out_b):
    # nn.MultiheadAttention with embed_dim=D, kdim=vdim=D+D_E, seq_len(Q)=1, eval (no dropout)
    d = q.shape[-1]
    Q = q @ q_w.T + in_b[:d]
    K = kv @ k_w.T + in_b[d:2 * d]
    V = kv @ v_w.T + in_b[2 * d:]
    b3, n, _ = K.shape
    dh = d // H
    Qh = Q.reshape(b3, H, dh)
    Kh = K.reshape(b3, n, H, dh)
    Vh = V.reshape(b3, n, H, dh)
    scores = jnp.einsum('bhd,bnhd->bhn', Qh, Kh) / float(np.sqrt(dh))
    scores = jnp.where(mask[:, None, :], -1e9, scores)
    attn = jax.nn.softmax(scores, axis=-1)
    out = jnp.einsum('bhn,bnhd->bhd', attn, Vh).reshape(b3, d)
    return out @ out_w.T + out_b


def _forward(source_nodes, destination_nodes, negative_nodes, edge_times, neighbors, nbr_edge_idxs, n_neighbors, node_features, edge_features, time_w, time_b, q_w, k_w, v_w, in_b, out_w, out_b):
    nodes = jnp.concatenate([source_nodes, destination_nodes, negative_nodes])
    ts = jnp.concatenate([edge_times, edge_times, edge_times])
    t_enc = _time_encode(ts, time_w, time_b)
    n_nbr_static = neighbors.shape[1]
    t_nbr = _time_encode(jnp.repeat(ts, n_neighbors, total_repeat_length=ts.shape[0] * n_nbr_static), time_w, time_b)
    # key padding mask: neighbor id 0 == padding; if a row is fully padded, unmask slot 0
    pm = neighbors == 0
    invalid = jnp.all(pm, axis=1)
    pm = pm.at[:, 0].set(jnp.where(invalid, False, pm[:, 0]))
    nf = node_features
    h = nf[nodes]
    n3 = nodes.shape[0]
    for i in range(N_LAYERS):
        if i != 0:
            # scatter-overwrite updated embeddings back into the node table
            nf = nf.at[nodes].set(h)
            h = nf[nodes]
        Fh = h + t_enc
        hn = nf[neighbors.reshape(-1)]
        Fn = (hn + t_nbr).reshape(n3, n_nbr_static, -1)
        ef = edge_features[nbr_edge_idxs]
        kv = jnp.concatenate([Fn, ef], axis=-1)
        h = _mha(Fh, kv, pm, q_w, k_w, v_w, in_b, out_w, out_b)
    return h


def reference(source_nodes, destination_nodes, negative_nodes, edge_times, edge_idxs, neighbors, nbr_edge_idxs, n_neighbors, node_features, edge_features, time_w, time_b, q_w, k_w, v_w, in_b, out_w, out_b):
    # edge_idxs forward arg is shadowed by the neighbor finder output in the torch code (unused)
    h = _forward(source_nodes, destination_nodes, negative_nodes, edge_times, neighbors, nbr_edge_idxs, n_neighbors, node_features, edge_features, time_w, time_b, q_w, k_w, v_w, in_b, out_w, out_b)
    ns = source_nodes.shape[0]
    return (h[:ns], h[ns:2 * ns], h[2 * ns:])

if __name__ == "__main__":
    import jax
    _d = setup_inputs()
    print(jax.jit(kernel)(*tuple(_d.values())))

</pallas_src>

<mosaic_0001>
#map = affine_map<(d0, d1) -> (0, 0)>
#map1 = affine_map<(d0, d1) -> (0)>
module attributes {stable_mosaic.version = 14 : i64} {
  func.func @k(%arg0: i32, %arg1: i32, %arg2: memref<10240x128xf32, #tpu.memory_space<hbm>>, %arg3: memref<129024xi32, #tpu.memory_space<hbm>>, %arg4: memref<129024x128xf32, #tpu.memory_space<hbm>>, %arg5: memref<4032xi32, #tpu.memory_space<vmem>>, %arg6: memref<12x56x128xf32, #tpu.memory_space<vmem>>, %arg7: memref<!tpu.dma_semaphore, #tpu.memory_space<semaphore_mem>>, %arg8: memref<!tpu.dma_semaphore, #tpu.memory_space<semaphore_mem>>) attributes {dimension_semantics = [#tpu.dimension_semantics<core_parallel>, #tpu.dimension_semantics<subcore_parallel>], iteration_bounds = array<i64: 2, 16>, scalar_prefetch = 0 : i64, scratch_operands = 4 : i64, tpu.core_type = #tpu.core_type<sc_vector_subcore>, window_params = [{transform_indices = #map}, {transform_indices = #map1}, {transform_indices = #map}]} {
    %mul3A = arith.constant 2 : i32
    %mul3A_0 = arith.muli %arg1, %mul3A : i32
    %add3A = arith.addi %mul3A_0, %arg0 : i32
    %mul3A_1 = arith.constant 4032 : i32
    %mul3A_2 = arith.muli %add3A, %mul3A_1 : i32
    "tpu.region"() ({
      %run_scoped3A = tpu.sem_alloc : memref<!tpu.dma_semaphore, #tpu.memory_space<semaphore_mem>>
      %dma_start3A = tpu.memref_slice %arg3[%mul3A_2] : memref<129024xi32, #tpu.memory_space<hbm>> -> memref<4032xi32, #tpu.memory_space<hbm>>
      %dma_start3A_163 = tpu.memref_slice %arg3[%mul3A_2] : memref<129024xi32, #tpu.memory_space<hbm>> -> memref<4032xi32, #tpu.memory_space<hbm>>
      tpu.enqueue_dma source(%dma_start3A_163 : memref<4032xi32, #tpu.memory_space<hbm>>) target(%arg5 : memref<4032xi32, #tpu.memory_space<vmem>>) target_semaphore(%run_scoped3A : memref<!tpu.dma_semaphore, #tpu.memory_space<semaphore_mem>>)
      %dma_wait3A_164 = tpu.memref_slice %arg3[%mul3A_2] : memref<129024xi32, #tpu.memory_space<hbm>> -> memref<4032xi32, #tpu.memory_space<hbm>>
      %dma_wait3A_165 = tpu.memref_slice %arg3[%mul3A_2] : memref<129024xi32, #tpu.memory_space<hbm>> -> memref<4032xi32, #tpu.memory_space<hbm>>
      tpu.wait_dma2 semaphore(%run_scoped3A : memref<!tpu.dma_semaphore, #tpu.memory_space<semaphore_mem>>) src(%dma_wait3A_165 : memref<4032xi32, #tpu.memory_space<hbm>>) dst(%arg5 : memref<4032xi32, #tpu.memory_space<vmem>>)
      tpu.yield
    }) : () -> ()
    %scan3A = arith.constant 0 : i32
    %scan3A_3 = arith.constant 0 : i32
    %scan3A_4 = arith.constant 12 : i32
    %scan3A_5 = arith.addi %scan3A_3, %scan3A_4 : i32
    %scan3A_6 = arith.constant 1 : i32
    scf.for %scan3A_163 = %scan3A_3 to %scan3A_5 step %scan3A_6  : i32 {
      %jit3A = arith.constant 2 : i32
      %eq3A = arith.constant 0 : i32
      %eq3A_164 = arith.cmpi eq, %jit3A, %eq3A : i32
      %jit3A_165 = arith.constant 1 : i32
      %select_n3A = arith.select %eq3A_164, %jit3A_165, %jit3A : i32
      %rem3A = arith.remsi %scan3A_163, %select_n3A : i32
      %ne3A = arith.constant 0 : i32
      %ne3A_166 = arith.cmpi ne, %rem3A, %ne3A : i32
      %lt3A = arith.constant 0 : i32
      %lt3A_167 = arith.cmpi slt, %rem3A, %lt3A : i32
      %lt3A_168 = arith.constant 0 : i32
      %lt3A_169 = arith.cmpi slt, %select_n3A, %lt3A_168 : i32
      %ne3A_170 = arith.xori %lt3A_167, %lt3A_169 : i1
      %and3A = arith.andi %ne3A_170, %ne3A_166 : i1
      %add3A_171 = arith.addi %rem3A, %select_n3A : i32
      %select_n3A_172 = arith.select %and3A, %add3A_171, %rem3A : i32
      %mul3A_173 = arith.constant 6 : i32
      %mul3A_174 = arith.muli %select_n3A_172, %mul3A_173 : i32
      %gt3A = arith.constant 1 : i32
      %gt3A_175 = arith.cmpi sgt, %scan3A_163, %gt3A : i32
      %convert_element_type3A = arith.extui %gt3A_175 : i1 to i32
      %cond3A = arith.constant 0 : i32
      %cond3A_176 = arith.cmpi ne, %convert_element_type3A, %cond3A : i32
      scf.if %cond3A_176 {
        %dma_wait3A_446 = arith.constant 0 : i32
        %dma_wait3A_447 = arith.constant 0 : i32
        %dma_wait3A_448 = arith.constant 0 : i32
        %dma_wait3A_449 = tpu.memref_slice %arg6[%dma_wait3A_446, %dma_wait3A_447, %dma_wait3A_448] : memref<12x56x128xf32, #tpu.memory_space<vmem>> -> memref<1x56x128xf32, #tpu.memory_space<vmem>>
        %dma_wait3A_450 = tpu.memref_squeeze %dma_wait3A_449 : memref<1x56x128xf32, #tpu.memory_space<vmem>> -> memref<56x128xf32, #tpu.memory_space<vmem>>
        %dma_wait3A_451 = arith.constant 0 : i32
        %dma_wait3A_452 = tpu.memref_slice %arg4[%mul3A_2, %dma_wait3A_451] : memref<129024x128xf32, #tpu.memory_space<hbm>> -> memref<56x128xf32, #tpu.memory_space<hbm>>
        %dma_wait3A_453 = arith.constant 0 : i32
        %dma_wait3A_454 = arith.constant 0 : i32
        %dma_wait3A_455 = tpu.memref_slice %arg6[%dma_wait3A_446, %dma_wait3A_453, %dma_wait3A_454] : memref<12x56x128xf32, #tpu.memory_space<vmem>> -> memref<1x56x128xf32, #tpu.memory_space<vmem>>
        %dma_wait3A_456 = tpu.memref_squeeze %dma_wait3A_455 : memref<1x56x128xf32, #tpu.memory_space<vmem>> -> memref<56x128xf32, #tpu.memory_space<vmem>>
        %dma_wait3A_457 = arith.constant 0 : i32
        %dma_wait3A_458 = tpu.memref_slice %arg4[%mul3A_2, %dma_wait3A_457] : memref<129024x128xf32, #tpu.memory_space<hbm>> -> memref<56x128xf32, #tpu.memory_space<hbm>>
        tpu.wait_dma2 semaphore(%arg8 : memref<!tpu.dma_semaphore, #tpu.memory_space<semaphore_mem>>) src(%dma_wait3A_458 : memref<56x128xf32, #tpu.memory_space<hbm>>) dst(%dma_wait3A_456 : memref<56x128xf32, #tpu.memory_space<vmem>>)
        %dma_wait3A_459 = arith.constant 0 : i32
        %dma_wait3A_460 = arith.constant 0 : i32
        %dma_wait3A_461 = arith.constant 0 : i32
        %dma_wait3A_462 = tpu.memref_slice %arg6[%dma_wait3A_459, %dma_wait3A_460, %dma_wait3A_461] : memref<12x56x128xf32, #tpu.memory_space<vmem>> -> memref<1x56x128xf32, #tpu.memory_space<vmem>>
        %dma_wait3A_463 = tpu.memref_squeeze %dma_wait3A_462 : memref<1x56x128xf32, #tpu.memory_space<vmem>> -> memref<56x128xf32, #tpu.memory_space<vmem>>
        %dma_wait3A_464 = arith.constant 0 : i32
        %dma_wait3A_465 = tpu.memref_slice %arg4[%mul3A_2, %dma_wait3A_464] : memref<129024x128xf32, #tpu.memory_space<hbm>> -> memref<56x128xf32, #tpu.memory_space<hbm>>
        %dma_wait3A_466 = arith.constant 0 : i32
        %dma_wait3A_467 = arith.constant 0 : i32
        %dma_wait3A_468 = tpu.memref_slice %arg6[%dma_wait3A_459, %dma_wait3A_466, %dma_wait3A_467] : memref<12x56x128xf32, #tpu.memory_space<vmem>> -> memref<1x56x128xf32, #tpu.memory_space<vmem>>
        %dma_wait3A_469 = tpu.memref_squeeze %dma_wait3A_468 : memref<1x56x128xf32, #tpu.memory_space<vmem>> -> memref<56x128xf32, #tpu.memory_space<vmem>>
        %dma_wait3A_470 = arith.constant 0 : i32
        %dma_wait3A_471 = tpu.memref_slice %arg4[%mul3A_2, %dma_wait3A_470] : memref<129024x128xf32, #tpu.memory_space<hbm>> -> memref<56x128xf32, #tpu.memory_space<hbm>>
        tpu.wait_dma2 semaphore(%arg8 : memref<!tpu.dma_semaphore, #tpu.memory_space<semaphore_mem>>) src(%dma_wait3A_471 : memref<56x128xf32, #tpu.memory_space<hbm>>) dst(%dma_wait3A_469 : memref<56x128xf32, #tpu.memory_space<vmem>>)
        %dma_wait3A_472 = arith.constant 0 : i32
        %dma_wait3A_473 = arith.constant 0 : i32
        %dma_wait3A_474 = arith.constant 0 : i32
        %dma_wait3A_475 = tpu.memref_slice %arg6[%dma_wait3A_472, %dma_wait3A_473, %dma_wait3A_474] : memref<12x56x128xf32, #tpu.memory_space<vmem>> -> memref<1x56x128xf32, #tpu.memory_space<vmem>>
        %dma_wait3A_476 = tpu.memref_squeeze %dma_wait3A_475 : memref<1x56x128xf32, #tpu.memory_space<vmem>> -> memref<56x128xf32, #tpu.memory_space<vmem>>
        %dma_wait3A_477 = arith.constant 0 : i32
        %dma_wait3A_478 = tpu.memref_slice %arg4[%mul3A_2, %dma_wait3A_477] : memref<129024x128xf32, #tpu.memory_space<hbm>> -> memref<56x128xf32, #tpu.memory_space<hbm>>
        %dma_wait3A_479 = arith.constant 0 : i32
        %dma_wait3A_480 = arith.constant 0 : i32
        %dma_wait3A_481 = tpu.memref_slice %arg6[%dma_wait3A_472, %dma_wait3A_479, %dma_wait3A_480] : memref<12x56x128xf32, #tpu.memory_space<vmem>> -> memref<1x56x128xf32, #tpu.memory_space<vmem>>
        %dma_wait3A_482 = tpu.memref_squeeze %dma_wait3A_481 : memref<1x56x128xf32, #tpu.memory_space<vmem>> -> memref<56x128xf32, #tpu.memory_space<vmem>>
        %dma_wait3A_483 = arith.constant 0 : i32
        %dma_wait3A_484 = tpu.memref_slice %arg4[%mul3A_2, %dma_wait3A_483] : memref<129024x128xf32, #tpu.memory_space<hbm>> -> memref<56x128xf32, #tpu.memory_space<hbm>>
        tpu.wait_dma2 semaphore(%arg8 : memref<!tpu.dma_semaphore, #tpu.memory_space<semaphore_mem>>) src(%dma_wait3A_484 : memref<56x128xf32, #tpu.memory_space<hbm>>) dst(%dma_wait3A_482 : memref<56x128xf32, #tpu.memory_space<vmem>>)
        %dma_wait3A_485 = arith.constant 0 : i32
        %dma_wait3A_486 = arith.constant 0 : i32
        %dma_wait3A_487 = arith.constant 0 : i32
        %dma_wait3A_488 = tpu.memref_slice %arg6[%dma_wait3A_485, %dma_wait3A_486, %dma_wait3A_487] : memref<12x56x128xf32, #tpu.memory_space<vmem>> -> memref<1x56x128xf32, #tpu.memory_space<vmem>>
        %dma_wait3A_489 = tpu.memref_squeeze %dma_wait3A_488 : memref<1x56x128xf32, #tpu.memory_space<vmem>> -> memref<56x128xf32, #tpu.memory_space<vmem>>
        %dma_wait3A_490 = arith.constant 0 : i32
        %dma_wait3A_491 = tpu.memref_slice %arg4[%mul3A_2, %dma_wait3A_490] : memref<129024x128xf32, #tpu.memory_space<hbm>> -> memref<56x128xf32, #tpu.memory_space<hbm>>
        %dma_wait3A_492 = arith.constant 0 : i32
        %dma_wait3A_493 = arith.constant 0 : i32
        %dma_wait3A_494 = tpu.memref_slice %arg6[%dma_wait3A_485, %dma_wait3A_492, %dma_wait3A_493] : memref<12x56x128xf32, #tpu.memory_space<vmem>> -> memref<1x56x128xf32, #tpu.memory_space<vmem>>
        %dma_wait3A_495 = tpu.memref_squeeze %dma_wait3A_494 : memref<1x56x128xf32, #tpu.memory_space<vmem>> -> memref<56x128xf32, #tpu.memory_space<vmem>>
        %dma_wait3A_496 = arith.constant 0 : i32
        %dma_wait3A_497 = tpu.memref_slice %arg4[%mul3A_2, %dma_wait3A_496] : memref<129024x128xf32, #tpu.memory_space<hbm>> -> memref<56x128xf32, #tpu.memory_space<hbm>>
        tpu.wait_dma2 semaphore(%arg8 : memref<!tpu.dma_semaphore, #tpu.memory_space<semaphore_mem>>) src(%dma_wait3A_497 : memref<56x128xf32, #tpu.memory_space<hbm>>) dst(%dma_wait3A_495 : memref<56x128xf32, #tpu.memory_space<vmem>>)
        %dma_wait3A_498 = arith.constant 0 : i32
        %dma_wait3A_499 = arith.constant 0 : i32
        %dma_wait3A_500 = arith.constant 0 : i32
        %dma_wait3A_501 = tpu.memref_slice %arg6[%dma_wait3A_498, %dma_wait3A_499, %dma_wait3A_500] : memref<12x56x128xf32, #tpu.memory_space<vmem>> -> memref<1x56x128xf32, #tpu.memory_space<vmem>>
        %dma_wait3A_502 = tpu.memref_squeeze %dma_wait3A_501 : memref<1x56x128xf32, #tpu.memory_space<vmem>> -> memref<56x128xf32, #tpu.memory_space<vmem>>
        %dma_wait3A_503 = arith.constant 0 : i32
        %dma_wait3A_504 = tpu.memref_slice %arg4[%mul3A_2, %dma_wait3A_503] : memref<129024x128xf32, #tpu.memory_space<hbm>> -> memref<56x128xf32, #tpu.memory_space<hbm>>
        %dma_wait3A_505 = arith.constant 0 : i32
        %dma_wait3A_506 = arith.constant 0 : i32
        %dma_wait3A_507 = tpu.memref_slice %arg6[%dma_wait3A_498, %dma_wait3A_505, %dma_wait3A_506] : memref<12x56x128xf32, #tpu.memory_space<vmem>> -> memref<1x56x128xf32, #tpu.memory_space<vmem>>
        %dma_wait3A_508 = tpu.memref_squeeze %dma_wait3A_507 : memref<1x56x128xf32, #tpu.memory_space<vmem>> -> memref<56x128xf32, #tpu.memory_space<vmem>>
        %dma_wait3A_509 = arith.constant 0 : i32
        %dma_wait3A_510 = tpu.memref_slice %arg4[%mul3A_2, %dma_wait3A_509] : memref<129024x128xf32, #tpu.memory_space<hbm>> -> memref<56x128xf32, #tpu.memory_space<hbm>>
        tpu.wait_dma2 semaphore(%arg8 : memref<!tpu.dma_semaphore, #tpu.memory_space<semaphore_mem>>) src(%dma_wait3A_510 : memref<56x128xf32, #tpu.memory_space<hbm>>) dst(%dma_wait3A_508 : memref<56x128xf32, #tpu.memory_space<vmem>>)
        %dma_wait3A_511 = arith.constant 0 : i32
        %dma_wait3A_512 = arith.constant 0 : i32
        %dma_wait3A_513 = arith.constant 0 : i32
        %dma_wait3A_514 = tpu.memref_slice %arg6[%dma_wait3A_511, %dma_wait3A_512, %dma_wait3A_513] : memref<12x56x128xf32, #tpu.memory_space<vmem>> -> memref<1x56x128xf32, #tpu.memory_space<vmem>>
        %dma_wait3A_515 = tpu.memref_squeeze %dma_wait3A_514 : memref<1x56x128xf32, #tpu.memory_space<vmem>> -> memref<56x128xf32, #tpu.memory_space<vmem>>
        %dma_wait3A_516 = arith.constant 0 : i32
        %dma_wait3A_517 = tpu.memref_slice %arg4[%mul3A_2, %dma_wait3A_516] : memref<129024x128xf32, #tpu.memory_space<hbm>> -> memref<56x128xf32, #tpu.memory_space<hbm>>
        %dma_wait3A_518 = arith.constant 0 : i32
        %dma_wait3A_519 = arith.constant 0 : i32
        %dma_wait3A_520 = tpu.memref_slice %arg6[%dma_wait3A_511, %dma_wait3A_518, %dma_wait3A_519] : memref<12x56x128xf32, #tpu.memory_space<vmem>> -> memref<1x56x128xf32, #tpu.memory_space<vmem>>
        %dma_wait3A_521 = tpu.memref_squeeze %dma_wait3A_520 : memref<1x56x128xf32, #tpu.memory_space<vmem>> -> memref<56x128xf32, #tpu.memory_space<vmem>>
        %dma_wait3A_522 = arith.constant 0 : i32
        %dma_wait3A_523 = tpu.memref_slice %arg4[%mul3A_2, %dma_wait3A_522] : memref<129024x128xf32, #tpu.memory_space<hbm>> -> memref<56x128xf32, #tpu.memory_space<hbm>>
        tpu.wait_dma2 semaphore(%arg8 : memref<!tpu.dma_semaphore, #tpu.memory_space<semaphore_mem>>) src(%dma_wait3A_523 : memref<56x128xf32, #tpu.memory_space<hbm>>) dst(%dma_wait3A_521 : memref<56x128xf32, #tpu.memory_space<vmem>>)
      } else {
      }
      %mul3A_177 = arith.constant 6 : i32
      %mul3A_178 = arith.muli %scan3A_163, %mul3A_177 : i32
      %add3A_179 = arith.constant 0 : i32
      %add3A_180 = arith.addi %mul3A_178, %add3A_179 : i32
      %mul3A_181 = arith.constant 56 : i32
      %mul3A_182 = arith.muli %add3A_180, %mul3A_181 : i32
      %add3A_183 = arith.constant 0 : i32
      %add3A_184 = arith.addi %mul3A_174, %add3A_183 : i32
      %dma_start3A = arith.constant 0 : i32
      %dma_start3A_185 = arith.constant 0 : i32
      %dma_start3A_186 = tpu.memref_slice %arg6[%add3A_184, %dma_start3A, %dma_start3A_185] : memref<12x56x128xf32, #tpu.memory_space<vmem>> -> memref<1x56x128xf32, #tpu.memory_space<vmem>>
      %dma_start3A_187 = tpu.memref_squeeze %dma_start3A_186 : memref<1x56x128xf32, #tpu.memory_space<vmem>> -> memref<56x128xf32, #tpu.memory_space<vmem>>
      %dma_start3A_188 = tpu.memref_slice %arg5[%mul3A_182] : memref<4032xi32, #tpu.memory_space<vmem>> -> memref<56xi32, #tpu.memory_space<vmem>>
      %dma_start3A_189 = arith.constant 0 : i32
      %dma_start3A_190 = arith.constant 0 : i32
      %dma_start3A_191 = tpu.memref_slice %arg2[%dma_start3A_189, %dma_start3A_190] : memref<10240x128xf32, #tpu.memory_space<hbm>> -> memref<10240x128xf32, #tpu.memory_space<hbm>>
      tpu.enqueue_indirect_dma source(%dma_start3A_191 : memref<10240x128xf32, #tpu.memory_space<hbm>>) target(%dma_start3A_187 : memref<56x128xf32, #tpu.memory_space<vmem>>) offsets(%dma_start3A_188 : memref<56xi32, #tpu.memory_space<vmem>>) semaphore(%arg7 : memref<!tpu.dma_semaphore, #tpu.memory_space<semaphore_mem>>)
      %mul3A_192 = arith.constant 6 : i32
      %mul3A_193 = arith.muli %scan3A_163, %mul3A_192 : i32
      %add3A_194 = arith.constant 1 : i32
      %add3A_195 = arith.addi %mul3A_193, %add3A_194 : i32
      %mul3A_196 = arith.constant 56 : i32
      %mul3A_197 = arith.muli %add3A_195, %mul3A_196 : i32
      %add3A_198 = arith.constant 1 : i32
      %add3A_199 = arith.addi %mul3A_174, %add3A_198 : i32
      %dma_start3A_200 = arith.constant 0 : i32
      %dma_start3A_201 = arith.constant 0 : i32
      %dma_start3A_202 = tpu.memref_slice %arg6[%add3A_199, %dma_start3A_200, %dma_start3A_201] : memref<12x56x128xf32, #tpu.memory_space<vmem>> -> memref<1x56x128xf32, #tpu.memory_space<vmem>>
      %dma_start3A_203 = tpu.memref_squeeze %dma_start3A_202 : memref<1x56x128xf32, #tpu.memory_space<vmem>> -> memref<56x128xf32, #tpu.memory_space<vmem>>
      %dma_start3A_204 = tpu.memref_slice %arg5[%mul3A_197] : memref<4032xi32, #tpu.memory_space<vmem>> -> memref<56xi32, #tpu.memory_space<vmem>>
      %dma_start3A_205 = arith.constant 0 : i32
      %dma_start3A_206 = arith.constant 0 : i32
      %dma_start3A_207 = tpu.memref_slice %arg2[%dma_start3A_205, %dma_start3A_206] : memref<10240x128xf32, #tpu.memory_space<hbm>> -> memref<10240x128xf32, #tpu.memory_space<hbm>>
      tpu.enqueue_indirect_dma source(%dma_start3A_207 : memref<10240x128xf32, #tpu.memory_space<hbm>>) target(%dma_start3A_203 : memref<56x128xf32, #tpu.memory_space<vmem>>) offsets(%dma_start3A_204 : memref<56xi32, #tpu.memory_space<vmem>>) semaphore(%arg7 : memref<!tpu.dma_semaphore, #tpu.memory_space<semaphore_mem>>)
      %mul3A_208 = arith.constant 6 : i32
      %mul3A_209 = arith.muli %scan3A_163, %mul3A_208 : i32
      %add3A_210 = arith.constant 2 : i32
      %add3A_211 = arith.addi %mul3A_209, %add3A_210 : i32
      %mul3A_212 = arith.constant 56 : i32
      %mul3A_213 = arith.muli %add3A_211, %mul3A_212 : i32
      %add3A_214 = arith.constant 2 : i32
      %add3A_215 = arith.addi %mul3A_174, %add3A_214 : i32
      %dma_start3A_216 = arith.constant 0 : i32
      %dma_start3A_217 = arith.constant 0 : i32
      %dma_start3A_218 = tpu.memref_slice %arg6[%add3A_215, %dma_start3A_216, %dma_start3A_217] : memref<12x56x128xf32, #tpu.memory_space<vmem>> -> memref<1x56x128xf32, #tpu.memory_space<vmem>>
      %dma_start3A_219 = tpu.memref_squeeze %dma_start3A_218 : memref<1x56x128xf32, #tpu.memory_space<vmem>> -> memref<56x128xf32, #tpu.memory_space<vmem>>
      %dma_start3A_220 = tpu.memref_slice %arg5[%mul3A_213] : memref<4032xi32, #tpu.memory_space<vmem>> -> memref<56xi32, #tpu.memory_space<vmem>>
      %dma_start3A_221 = arith.constant 0 : i32
      %dma_start3A_222 = arith.constant 0 : i32
      %dma_start3A_223 = tpu.memref_slice %arg2[%dma_start3A_221, %dma_start3A_222] : memref<10240x128xf32, #tpu.memory_space<hbm>> -> memref<10240x128xf32, #tpu.memory_space<hbm>>
      tpu.enqueue_indirect_dma source(%dma_start3A_223 : memref<10240x128xf32, #tpu.memory_space<hbm>>) target(%dma_start3A_219 : memref<56x128xf32, #tpu.memory_space<vmem>>) offsets(%dma_start3A_220 : memref<56xi32, #tpu.memory_space<vmem>>) semaphore(%arg7 : memref<!tpu.dma_semaphore, #tpu.memory_space<semaphore_mem>>)
      %mul3A_224 = arith.constant 6 : i32
      %mul3A_225 = arith.muli %scan3A_163, %mul3A_224 : i32
      %add3A_226 = arith.constant 3 : i32
      %add3A_227 = arith.addi %mul3A_225, %add3A_226 : i32
      %mul3A_228 = arith.constant 56 : i32
      %mul3A_229 = arith.muli %add3A_227, %mul3A_228 : i32
      %add3A_230 = arith.constant 3 : i32
      %add3A_231 = arith.addi %mul3A_174, %add3A_230 : i32
      %dma_start3A_232 = arith.constant 0 : i32
      %dma_start3A_233 = arith.constant 0 : i32
      %dma_start3A_234 = tpu.memref_slice %arg6[%add3A_231, %dma_start3A_232, %dma_start3A_233] : memref<12x56x128xf32, #tpu.memory_space<vmem>> -> memref<1x56x128xf32, #tpu.memory_space<vmem>>
      %dma_start3A_235 = tpu.memref_squeeze %dma_start3A_234 : memref<1x56x128xf32, #tpu.memory_space<vmem>> -> memref<56x128xf32, #tpu.memory_space<vmem>>
      %dma_start3A_236 = tpu.memref_slice %arg5[%mul3A_229] : memref<4032xi32, #tpu.memory_space<vmem>> -> memref<56xi32, #tpu.memory_space<vmem>>
      %dma_start3A_237 = arith.constant 0 : i32
      %dma_start3A_238 = arith.constant 0 : i32
      %dma_start3A_239 = tpu.memref_slice %arg2[%dma_start3A_237, %dma_start3A_238] : memref<10240x128xf32, #tpu.memory_space<hbm>> -> memref<10240x128xf32, #tpu.memory_space<hbm>>
      tpu.enqueue_indirect_dma source(%dma_start3A_239 : memref<10240x128xf32, #tpu.memory_space<hbm>>) target(%dma_start3A_235 : memref<56x128xf32, #tpu.memory_space<vmem>>) offsets(%dma_start3A_236 : memref<56xi32, #tpu.memory_space<vmem>>) semaphore(%arg7 : memref<!tpu.dma_semaphore, #tpu.memory_space<semaphore_mem>>)
      %mul3A_240 = arith.constant 6 : i32
      %mul3A_241 = arith.muli %scan3A_163, %mul3A_240 : i32
      %add3A_242 = arith.constant 4 : i32
      %add3A_243 = arith.addi %mul3A_241, %add3A_242 : i32
      %mul3A_244 = arith.constant 56 : i32
      %mul3A_245 = arith.muli %add3A_243, %mul3A_244 : i32
      %add3A_246 = arith.constant 4 : i32
      %add3A_247 = arith.addi %mul3A_174, %add3A_246 : i32
      %dma_start3A_248 = arith.constant 0 : i32
      %dma_start3A_249 = arith.constant 0 : i32
      %dma_start3A_250 = tpu.memref_slice %arg6[%add3A_247, %dma_start3A_248, %dma_start3A_249] : memref<12x56x128xf32, #tpu.memory_space<vmem>> -> memref<1x56x128xf32, #tpu.memory_space<vmem>>
      %dma_start3A_251 = tpu.memref_squeeze %dma_start3A_250 : memref<1x56x128xf32, #tpu.memory_space<vmem>> -> memref<56x128xf32, #tpu.memory_space<vmem>>
      %dma_start3A_252 = tpu.memref_slice %arg5[%mul3A_245] : memref<4032xi32, #tpu.memory_space<vmem>> -> memref<56xi32, #tpu.memory_space<vmem>>
      %dma_start3A_253 = arith.constant 0 : i32
      %dma_start3A_254 = arith.constant 0 : i32
      %dma_start3A_255 = tpu.memref_slice %arg2[%dma_start3A_253, %dma_start3A_254] : memref<10240x128xf32, #tpu.memory_space<hbm>> -> memref<10240x128xf32, #tpu.memory_space<hbm>>
      tpu.enqueue_indirect_dma source(%dma_start3A_255 : memref<10240x128xf32, #tpu.memory_space<hbm>>) target(%dma_start3A_251 : memref<56x128xf32, #tpu.memory_space<vmem>>) offsets(%dma_start3A_252 : memref<56xi32, #tpu.memory_space<vmem>>) semaphore(%arg7 : memref<!tpu.dma_semaphore, #tpu.memory_space<semaphore_mem>>)
      %mul3A_256 = arith.constant 6 : i32
      %mul3A_257 = arith.muli %scan3A_163, %mul3A_256 : i32
      %add3A_258 = arith.constant 5 : i32
      %add3A_259 = arith.addi %mul3A_257, %add3A_258 : i32
      %mul3A_260 = arith.constant 56 : i32
      %mul3A_261 = arith.muli %add3A_259, %mul3A_260 : i32
      %add3A_262 = arith.constant 5 : i32
      %add3A_263 = arith.addi %mul3A_174, %add3A_262 : i32
      %dma_start3A_264 = arith.constant 0 : i32
      %dma_start3A_265 = arith.constant 0 : i32
      %dma_start3A_266 = tpu.memref_slice %arg6[%add3A_263, %dma_start3A_264, %dma_start3A_265] : memref<12x56x128xf32, #tpu.memory_space<vmem>> -> memref<1x56x128xf32, #tpu.memory_space<vmem>>
      %dma_start3A_267 = tpu.memref_squeeze %dma_start3A_266 : memref<1x56x128xf32, #tpu.memory_space<vmem>> -> memref<56x128xf32, #tpu.memory_space<vmem>>
      %dma_start3A_268 = tpu.memref_slice %arg5[%mul3A_261] : memref<4032xi32, #tpu.memory_space<vmem>> -> memref<56xi32, #tpu.memory_space<vmem>>
      %dma_start3A_269 = arith.constant 0 : i32
      %dma_start3A_270 = arith.constant 0 : i32
      %dma_start3A_271 = tpu.memref_slice %arg2[%dma_start3A_269, %dma_start3A_270] : memref<10240x128xf32, #tpu.memory_space<hbm>> -> memref<10240x128xf32, #tpu.memory_space<hbm>>
      tpu.enqueue_indirect_dma source(%dma_start3A_271 : memref<10240x128xf32, #tpu.memory_space<hbm>>) target(%dma_start3A_267 : memref<56x128xf32, #tpu.memory_space<vmem>>) offsets(%dma_start3A_268 : memref<56xi32, #tpu.memory_space<vmem>>) semaphore(%arg7 : memref<!tpu.dma_semaphore, #tpu.memory_space<semaphore_mem>>)
      %dma_wait3A_272 = arith.constant 0 : i32
      %dma_wait3A_273 = arith.constant 0 : i32
      %dma_wait3A_274 = tpu.memref_slice %arg6[%add3A_184, %dma_wait3A_272, %dma_wait3A_273] : memref<12x56x128xf32, #tpu.memory_space<vmem>> -> memref<1x56x128xf32, #tpu.memory_space<vmem>>
      %dma_wait3A_275 = tpu.memref_squeeze %dma_wait3A_274 : memref<1x56x128xf32, #tpu.memory_space<vmem>> -> memref<56x128xf32, #tpu.memory_space<vmem>>
      %dma_wait3A_276 = tpu.memref_slice %arg5[%mul3A_182] : memref<4032xi32, #tpu.memory_space<vmem>> -> memref<56xi32, #tpu.memory_space<vmem>>
      %dma_wait3A_277 = arith.constant 0 : i32
      %dma_wait3A_278 = arith.constant 0 : i32
      %dma_wait3A_279 = tpu.memref_slice %arg2[%dma_wait3A_277, %dma_wait3A_278] : memref<10240x128xf32, #tpu.memory_space<hbm>> -> memref<10240x128xf32, #tpu.memory_space<hbm>>
      tpu.wait_indirect_dma semaphore(%arg7 : memref<!tpu.dma_semaphore, #tpu.memory_space<semaphore_mem>>) src(%dma_wait3A_279 : memref<10240x128xf32, #tpu.memory_space<hbm>>) dst(%dma_wait3A_275 : memref<56x128xf32, #tpu.memory_space<vmem>>)
      %dma_wait3A_280 = arith.constant 0 : i32
      %dma_wait3A_281 = arith.constant 0 : i32
      %dma_wait3A_282 = tpu.memref_slice %arg6[%add3A_199, %dma_wait3A_280, %dma_wait3A_281] : memref<12x56x128xf32, #tpu.memory_space<vmem>> -> memref<1x56x128xf32, #tpu.memory_space<vmem>>
      %dma_wait3A_283 = tpu.memref_squeeze %dma_wait3A_282 : memref<1x56x128xf32, #tpu.memory_space<vmem>> -> memref<56x128xf32, #tpu.memory_space<vmem>>
      %dma_wait3A_284 = tpu.memref_slice %arg5[%mul3A_197] : memref<4032xi32, #tpu.memory_space<vmem>> -> memref<56xi32, #tpu.memory_space<vmem>>
      %dma_wait3A_285 = arith.constant 0 : i32
      %dma_wait3A_286 = arith.constant 0 : i32
      %dma_wait3A_287 = tpu.memref_slice %arg2[%dma_wait3A_285, %dma_wait3A_286] : memref<10240x128xf32, #tpu.memory_space<hbm>> -> memref<10240x128xf32, #tpu.memory_space<hbm>>
      tpu.wait_indirect_dma semaphore(%arg7 : memref<!tpu.dma_semaphore, #tpu.memory_space<semaphore_mem>>) src(%dma_wait3A_287 : memref<10240x128xf32, #tpu.memory_space<hbm>>) dst(%dma_wait3A_283 : memref<56x128xf32, #tpu.memory_space<vmem>>)
      %dma_wait3A_288 = arith.constant 0 : i32
      %dma_wait3A_289 = arith.constant 0 : i32
      %dma_wait3A_290 = tpu.memref_slice %arg6[%add3A_215, %dma_wait3A_288, %dma_wait3A_289] : memref<12x56x128xf32, #tpu.memory_space<vmem>> -> memref<1x56x128xf32, #tpu.memory_space<vmem>>
      %dma_wait3A_291 = tpu.memref_squeeze %dma_wait3A_290 : memref<1x56x128xf32, #tpu.memory_space<vmem>> -> memref<56x128xf32, #tpu.memory_space<vmem>>
      %dma_wait3A_292 = tpu.memref_slice %arg5[%mul3A_213] : memref<4032xi32, #tpu.memory_space<vmem>> -> memref<56xi32, #tpu.memory_space<vmem>>
      %dma_wait3A_293 = arith.constant 0 : i32
      %dma_wait3A_294 = arith.constant 0 : i32
      %dma_wait3A_295 = tpu.memref_slice %arg2[%dma_wait3A_293, %dma_wait3A_294] : memref<10240x128xf32, #tpu.memory_space<hbm>> -> memref<10240x128xf32, #tpu.memory_space<hbm>>
      tpu.wait_indirect_dma semaphore(%arg7 : memref<!tpu.dma_semaphore, #tpu.memory_space<semaphore_mem>>) src(%dma_wait3A_295 : memref<10240x128xf32, #tpu.memory_space<hbm>>) dst(%dma_wait3A_291 : memref<56x128xf32, #tpu.memory_space<vmem>>)
      %dma_wait3A_296 = arith.constant 0 : i32
      %dma_wait3A_297 = arith.constant 0 : i32
      %dma_wait3A_298 = tpu.memref_slice %arg6[%add3A_231, %dma_wait3A_296, %dma_wait3A_297] : memref<12x56x128xf32, #tpu.memory_space<vmem>> -> memref<1x56x128xf32, #tpu.memory_space<vmem>>
      %dma_wait3A_299 = tpu.memref_squeeze %dma_wait3A_298 : memref<1x56x128xf32, #tpu.memory_space<vmem>> -> memref<56x128xf32, #tpu.memory_space<vmem>>
      %dma_wait3A_300 = tpu.memref_slice %arg5[%mul3A_229] : memref<4032xi32, #tpu.memory_space<vmem>> -> memref<56xi32, #tpu.memory_space<vmem>>
      %dma_wait3A_301 = arith.constant 0 : i32
      %dma_wait3A_302 = arith.constant 0 : i32
      %dma_wait3A_303 = tpu.memref_slice %arg2[%dma_wait3A_301, %dma_wait3A_302] : memref<10240x128xf32, #tpu.memory_space<hbm>> -> memref<10240x128xf32, #tpu.memory_space<hbm>>
      tpu.wait_indirect_dma semaphore(%arg7 : memref<!tpu.dma_semaphore, #tpu.memory_space<semaphore_mem>>) src(%dma_wait3A_303 : memref<10240x128xf32, #tpu.memory_space<hbm>>) dst(%dma_wait3A_299 : memref<56x128xf32, #tpu.memory_space<vmem>>)
      %dma_wait3A_304 = arith.constant 0 : i32
      %dma_wait3A_305 = arith.constant 0 : i32
      %dma_wait3A_306 = tpu.memref_slice %arg6[%add3A_247, %dma_wait3A_304, %dma_wait3A_305] : memref<12x56x128xf32, #tpu.memory_space<vmem>> -> memref<1x56x128xf32, #tpu.memory_space<vmem>>
      %dma_wait3A_307 = tpu.memref_squeeze %dma_wait3A_306 : memref<1x56x128xf32, #tpu.memory_space<vmem>> -> memref<56x128xf32, #tpu.memory_space<vmem>>
      %dma_wait3A_308 = tpu.memref_slice %arg5[%mul3A_245] : memref<4032xi32, #tpu.memory_space<vmem>> -> memref<56xi32, #tpu.memory_space<vmem>>
      %dma_wait3A_309 = arith.constant 0 : i32
      %dma_wait3A_310 = arith.constant 0 : i32
      %dma_wait3A_311 = tpu.memref_slice %arg2[%dma_wait3A_309, %dma_wait3A_310] : memref<10240x128xf32, #tpu.memory_space<hbm>> -> memref<10240x128xf32, #tpu.memory_space<hbm>>
      tpu.wait_indirect_dma semaphore(%arg7 : memref<!tpu.dma_semaphore, #tpu.memory_space<semaphore_mem>>) src(%dma_wait3A_311 : memref<10240x128xf32, #tpu.memory_space<hbm>>) dst(%dma_wait3A_307 : memref<56x128xf32, #tpu.memory_space<vmem>>)
      %dma_wait3A_312 = arith.constant 0 : i32
      %dma_wait3A_313 = arith.constant 0 : i32
      %dma_wait3A_314 = tpu.memref_slice %arg6[%add3A_263, %dma_wait3A_312, %dma_wait3A_313] : memref<12x56x128xf32, #tpu.memory_space<vmem>> -> memref<1x56x128xf32, #tpu.memory_space<vmem>>
      %dma_wait3A_315 = tpu.memref_squeeze %dma_wait3A_314 : memref<1x56x128xf32, #tpu.memory_space<vmem>> -> memref<56x128xf32, #tpu.memory_space<vmem>>
      %dma_wait3A_316 = tpu.memref_slice %arg5[%mul3A_261] : memref<4032xi32, #tpu.memory_space<vmem>> -> memref<56xi32, #tpu.memory_space<vmem>>
      %dma_wait3A_317 = arith.constant 0 : i32
      %dma_wait3A_318 = arith.constant 0 : i32
      %dma_wait3A_319 = tpu.memref_slice %arg2[%dma_wait3A_317, %dma_wait3A_318] : memref<10240x128xf32, #tpu.memory_space<hbm>> -> memref<10240x128xf32, #tpu.memory_space<hbm>>
      tpu.wait_indirect_dma semaphore(%arg7 : memref<!tpu.dma_semaphore, #tpu.memory_space<semaphore_mem>>) src(%dma_wait3A_319 : memref<10240x128xf32, #tpu.memory_space<hbm>>) dst(%dma_wait3A_315 : memref<56x128xf32, #tpu.memory_space<vmem>>)
      %mul3A_320 = arith.constant 6 : i32
      %mul3A_321 = arith.muli %scan3A_163, %mul3A_320 : i32
      %add3A_322 = arith.constant 0 : i32
      %add3A_323 = arith.addi %mul3A_321, %add3A_322 : i32
      %add3A_324 = arith.constant 0 : i32
      %add3A_325 = arith.addi %mul3A_174, %add3A_324 : i32
      %mul3A_326 = arith.constant 56 : i32
      %mul3A_327 = arith.muli %add3A_323, %mul3A_326 : i32
      %add3A_328 = arith.addi %mul3A_2, %mul3A_327 : i32
      %dma_start3A_329 = arith.constant 0 : i32
      %dma_start3A_330 = arith.constant 0 : i32
      %dma_start3A_331 = tpu.memref_slice %arg6[%add3A_325, %dma_start3A_329, %dma_start3A_330] : memref<12x56x128xf32, #tpu.memory_space<vmem>> -> memref<1x56x128xf32, #tpu.memory_space<vmem>>
      %dma_start3A_332 = tpu.memref_squeeze %dma_start3A_331 : memref<1x56x128xf32, #tpu.memory_space<vmem>> -> memref<56x128xf32, #tpu.memory_space<vmem>>
      %dma_start3A_333 = arith.constant 0 : i32
      %dma_start3A_334 = tpu.memref_slice %arg4[%add3A_328, %dma_start3A_333] : memref<129024x128xf32, #tpu.memory_space<hbm>> -> memref<56x128xf32, #tpu.memory_space<hbm>>
      %dma_start3A_335 = arith.constant 0 : i32
      %dma_start3A_336 = tpu.memref_slice %arg4[%add3A_328, %dma_start3A_335] : memref<129024x128xf32, #tpu.memory_space<hbm>> -> memref<56x128xf32, #tpu.memory_space<hbm>>
      %dma_start3A_337 = arith.constant 0 : i32
      %dma_start3A_338 = arith.constant 0 : i32
      %dma_start3A_339 = tpu.memref_slice %arg6[%add3A_325, %dma_start3A_337, %dma_start3A_338] : memref<12x56x128xf32, #tpu.memory_space<vmem>> -> memref<1x56x128xf32, #tpu.memory_space<vmem>>
      %dma_start3A_340 = tpu.memref_squeeze %dma_start3A_339 : memref<1x56x128xf32, #tpu.memory_space<vmem>> -> memref<56x128xf32, #tpu.memory_space<vmem>>
      tpu.enqueue_dma source(%dma_start3A_340 : memref<56x128xf32, #tpu.memory_space<vmem>>) target(%dma_start3A_336 : memref<56x128xf32, #tpu.memory_space<hbm>>) target_semaphore(%arg8 : memref<!tpu.dma_semaphore, #tpu.memory_space<semaphore_mem>>)
      %mul3A_341 = arith.constant 6 : i32
      %mul3A_342 = arith.muli %scan3A_163, %mul3A_341 : i32
      %add3A_343 = arith.constant 1 : i32
      %add3A_344 = arith.addi %mul3A_342, %add3A_343 : i32
      %add3A_345 = arith.constant 1 : i32
      %add3A_346 = arith.addi %mul3A_174, %add3A_345 : i32
      %mul3A_347 = arith.constant 56 : i32
      %mul3A_348 = arith.muli %add3A_344, %mul3A_347 : i32
      %add3A_349 = arith.addi %mul3A_2, %mul3A_348 : i32
      %dma_start3A_350 = arith.constant 0 : i32
      %dma_start3A_351 = arith.constant 0 : i32
      %dma_start3A_352 = tpu.memref_slice %arg6[%add3A_346, %dma_start3A_350, %dma_start3A_351] : memref<12x56x128xf32, #tpu.memory_space<vmem>> -> memref<1x56x128xf32, #tpu.memory_space<vmem>>
      %dma_start3A_353 = tpu.memref_squeeze %dma_start3A_352 : memref<1x56x128xf32, #tpu.memory_space<vmem>> -> memref<56x128xf32, #tpu.memory_space<vmem>>
      %dma_start3A_354 = arith.constant 0 : i32
      %dma_start3A_355 = tpu.memref_slice %arg4[%add3A_349, %dma_start3A_354] : memref<129024x128xf32, #tpu.memory_space<hbm>> -> memref<56x128xf32, #tpu.memory_space<hbm>>
      %dma_start3A_356 = arith.constant 0 : i32
      %dma_start3A_357 = tpu.memref_slice %arg4[%add3A_349, %dma_start3A_356] : memref<129024x128xf32, #tpu.memory_space<hbm>> -> memref<56x128xf32, #tpu.memory_space<hbm>>
      %dma_start3A_358 = arith.constant 0 : i32
      %dma_start3A_359 = arith.constant 0 : i32
      %dma_start3A_360 = tpu.memref_slice %arg6[%add3A_346, %dma_start3A_358, %dma_start3A_359] : memref<12x56x128xf32, #tpu.memory_space<vmem>> -> memref<1x56x128xf32, #tpu.memory_space<vmem>>
      %dma_start3A_361 = tpu.memref_squeeze %dma_start3A_360 : memref<1x56x128xf32, #tpu.memory_space<vmem>> -> memref<56x128xf32, #tpu.memory_space<vmem>>
      tpu.enqueue_dma source(%dma_start3A_361 : memref<56x128xf32, #tpu.memory_space<vmem>>) target(%dma_start3A_357 : memref<56x128xf32, #tpu.memory_space<hbm>>) target_semaphore(%arg8 : memref<!tpu.dma_semaphore, #tpu.memory_space<semaphore_mem>>)
      %mul3A_362 = arith.constant 6 : i32
      %mul3A_363 = arith.muli %scan3A_163, %mul3A_362 : i32
      %add3A_364 = arith.constant 2 : i32
      %add3A_365 = arith.addi %mul3A_363, %add3A_364 : i32
      %add3A_366 = arith.constant 2 : i32
      %add3A_367 = arith.addi %mul3A_174, %add3A_366 : i32
      %mul3A_368 = arith.constant 56 : i32
      %mul3A_369 = arith.muli %add3A_365, %mul3A_368 : i32
      %add3A_370 = arith.addi %mul3A_2, %mul3A_369 : i32
      %dma_start3A_371 = arith.constant 0 : i32
      %dma_start3A_372 = arith.constant 0 : i32
      %dma_start3A_373 = tpu.memref_slice %arg6[%add3A_367, %dma_start3A_371, %dma_start3A_372] : memref<12x56x128xf32, #tpu.memory_space<vmem>> -> memref<1x56x128xf32, #tpu.memory_space<vmem>>
      %dma_start3A_374 = tpu.memref_squeeze %dma_start3A_373 : memref<1x56x128xf32, #tpu.memory_space<vmem>> -> memref<56x128xf32, #tpu.memory_space<vmem>>
      %dma_start3A_375 = arith.constant 0 : i32
      %dma_start3A_376 = tpu.memref_slice %arg4[%add3A_370, %dma_start3A_375] : memref<129024x128xf32, #tpu.memory_space<hbm>> -> memref<56x128xf32, #tpu.memory_space<hbm>>
      %dma_start3A_377 = arith.constant 0 : i32
      %dma_start3A_378 = tpu.memref_slice %arg4[%add3A_370, %dma_start3A_377] : memref<129024x128xf32, #tpu.memory_space<hbm>> -> memref<56x128xf32, #tpu.memory_space<hbm>>
      %dma_start3A_379 = arith.constant 0 : i32
      %dma_start3A_380 = arith.constant 0 : i32
      %dma_start3A_381 = tpu.memref_slice %arg6[%add3A_367, %dma_start3A_379, %dma_start3A_380] : memref<12x56x128xf32, #tpu.memory_space<vmem>> -> memref<1x56x128xf32, #tpu.memory_space<vmem>>
      %dma_start3A_382 = tpu.memref_squeeze %dma_start3A_381 : memref<1x56x128xf32, #tpu.memory_space<vmem>> -> memref<56x128xf32, #tpu.memory_space<vmem>>
      tpu.enqueue_dma source(%dma_start3A_382 : memref<56x128xf32, #tpu.memory_space<vmem>>) target(%dma_start3A_378 : memref<56x128xf32, #tpu.memory_space<hbm>>) target_semaphore(%arg8 : memref<!tpu.dma_semaphore, #tpu.memory_space<semaphore_mem>>)
      %mul3A_383 = arith.constant 6 : i32
      %mul3A_384 = arith.muli %scan3A_163, %mul3A_383 : i32
      %add3A_385 = arith.constant 3 : i32
      %add3A_386 = arith.addi %mul3A_384, %add3A_385 : i32
      %add3A_387 = arith.constant 3 : i32
      %add3A_388 = arith.addi %mul3A_174, %add3A_387 : i32
      %mul3A_389 = arith.constant 56 : i32
      %mul3A_390 = arith.muli %add3A_386, %mul3A_389 : i32
      %add3A_391 = arith.addi %mul3A_2, %mul3A_390 : i32
      %dma_start3A_392 = arith.constant 0 : i32
      %dma_start3A_393 = arith.constant 0 : i32
      %dma_start3A_394 = tpu.memref_slice %arg6[%add3A_388, %dma_start3A_392, %dma_start3A_393] : memref<12x56x128xf32, #tpu.memory_space<vmem>> -> memref<1x56x128xf32, #tpu.memory_space<vmem>>
      %dma_start3A_395 = tpu.memref_squeeze %dma_start3A_394 : memref<1x56x128xf32, #tpu.memory_space<vmem>> -> memref<56x128xf32, #tpu.memory_space<vmem>>
      %dma_start3A_396 = arith.constant 0 : i32
      %dma_start3A_397 = tpu.memref_slice %arg4[%add3A_391, %dma_start3A_396] : memref<129024x128xf32, #tpu.memory_space<hbm>> -> memref<56x128xf32, #tpu.memory_space<hbm>>
      %dma_start3A_398 = arith.constant 0 : i32
      %dma_start3A_399 = tpu.memref_slice %arg4[%add3A_391, %dma_start3A_398] : memref<129024x128xf32, #tpu.memory_space<hbm>> -> memref<56x128xf32, #tpu.memory_space<hbm>>
      %dma_start3A_400 = arith.constant 0 : i32
      %dma_start3A_401 = arith.constant 0 : i32
      %dma_start3A_402 = tpu.memref_slice %arg6[%add3A_388, %dma_start3A_400, %dma_start3A_401] : memref<12x56x128xf32, #tpu.memory_space<vmem>> -> memref<1x56x128xf32, #tpu.memory_space<vmem>>
      %dma_start3A_403 = tpu.memref_squeeze %dma_start3A_402 : memref<1x56x128xf32, #tpu.memory_space<vmem>> -> memref<56x128xf32, #tpu.memory_space<vmem>>
      tpu.enqueue_dma source(%dma_start3A_403 : memref<56x128xf32, #tpu.memory_space<vmem>>) target(%dma_start3A_399 : memref<56x128xf32, #tpu.memory_space<hbm>>) target_semaphore(%arg8 : memref<!tpu.dma_semaphore, #tpu.memory_space<semaphore_mem>>)
      %mul3A_404 = arith.constant 6 : i32
      %mul3A_405 = arith.muli %scan3A_163, %mul3A_404 : i32
      %add3A_406 = arith.constant 4 : i32
      %add3A_407 = arith.addi %mul3A_405, %add3A_406 : i32
      %add3A_408 = arith.constant 4 : i32
      %add3A_409 = arith.addi %mul3A_174, %add3A_408 : i32
      %mul3A_410 = arith.constant 56 : i32
      %mul3A_411 = arith.muli %add3A_407, %mul3A_410 : i32
      %add3A_412 = arith.addi %mul3A_2, %mul3A_411 : i32
      %dma_start3A_413 = arith.constant 0 : i32
      %dma_start3A_414 = arith.constant 0 : i32
      %dma_start3A_415 = tpu.memref_slice %arg6[%add3A_409, %dma_start3A_413, %dma_start3A_414] : memref<12x56x128xf32, #tpu.memory_space<vmem>> -> memref<1x56x128xf32, #tpu.memory_space<vmem>>
      %dma_start3A_416 = tpu.memref_squeeze %dma_start3A_415 : memref<1x56x128xf32, #tpu.memory_space<vmem>> -> memref<56x128xf32, #tpu.memory_space<vmem>>
      %dma_start3A_417 = arith.constant 0 : i32
      %dma_start3A_418 = tpu.memref_slice %arg4[%add3A_412, %dma_start3A_417] : memref<129024x128xf32, #tpu.memory_space<hbm>> -> memref<56x128xf32, #tpu.memory_space<hbm>>
      %dma_start3A_419 = arith.constant 0 : i32
      %dma_start3A_420 = tpu.memref_slice %arg4[%add3A_412, %dma_start3A_419] : memref<129024x128xf32, #tpu.memory_space<hbm>> -> memref<56x128xf32, #tpu.memory_space<hbm>>
      %dma_start3A_421 = arith.constant 0 : i32
      %dma_start3A_422 = arith.constant 0 : i32
      %dma_start3A_423 = tpu.memref_slice %arg6[%add3A_409, %dma_start3A_421, %dma_start3A_422] : memref<12x56x128xf32, #tpu.memory_space<vmem>> -> memref<1x56x128xf32, #tpu.memory_space<vmem>>
      %dma_start3A_424 = tpu.memref_squeeze %dma_start3A_423 : memref<1x56x128xf32, #tpu.memory_space<vmem>> -> memref<56x128xf32, #tpu.memory_space<vmem>>
      tpu.enqueue_dma source(%dma_start3A_424 : memref<56x128xf32, #tpu.memory_space<vmem>>) target(%dma_start3A_420 : memref<56x128xf32, #tpu.memory_space<hbm>>) target_semaphore(%arg8 : memref<!tpu.dma_semaphore, #tpu.memory_space<semaphore_mem>>)
      %mul3A_425 = arith.constant 6 : i32
      %mul3A_426 = arith.muli %scan3A_163, %mul3A_425 : i32
      %add3A_427 = arith.constant 5 : i32
      %add3A_428 = arith.addi %mul3A_426, %add3A_427 : i32
      %add3A_429 = arith.constant 5 : i32
      %add3A_430 = arith.addi %mul3A_174, %add3A_429 : i32
      %mul3A_431 = arith.constant 56 : i32
      %mul3A_432 = arith.muli %add3A_428, %mul3A_431 : i32
      %add3A_433 = arith.addi %mul3A_2, %mul3A_432 : i32
      %dma_start3A_434 = arith.constant 0 : i32
      %dma_start3A_435 = arith.constant 0 : i32
      %dma_start3A_436 = tpu.memref_slice %arg6[%add3A_430, %dma_start3A_434, %dma_start3A_435] : memref<12x56x128xf32, #tpu.memory_space<vmem>> -> memref<1x56x128xf32, #tpu.memory_space<vmem>>
      %dma_start3A_437 = tpu.memref_squeeze %dma_start3A_436 : memref<1x56x128xf32, #tpu.memory_space<vmem>> -> memref<56x128xf32, #tpu.memory_space<vmem>>
      %dma_start3A_438 = arith.constant 0 : i32
      %dma_start3A_439 = tpu.memref_slice %arg4[%add3A_433, %dma_start3A_438] : memref<129024x128xf32, #tpu.memory_space<hbm>> -> memref<56x128xf32, #tpu.memory_space<hbm>>
      %dma_start3A_440 = arith.constant 0 : i32
      %dma_start3A_441 = tpu.memref_slice %arg4[%add3A_433, %dma_start3A_440] : memref<129024x128xf32, #tpu.memory_space<hbm>> -> memref<56x128xf32, #tpu.memory_space<hbm>>
      %dma_start3A_442 = arith.constant 0 : i32
      %dma_start3A_443 = arith.constant 0 : i32
      %dma_start3A_444 = tpu.memref_slice %arg6[%add3A_430, %dma_start3A_442, %dma_start3A_443] : memref<12x56x128xf32, #tpu.memory_space<vmem>> -> memref<1x56x128xf32, #tpu.memory_space<vmem>>
      %dma_start3A_445 = tpu.memref_squeeze %dma_start3A_444 : memref<1x56x128xf32, #tpu.memory_space<vmem>> -> memref<56x128xf32, #tpu.memory_space<vmem>>
      tpu.enqueue_dma source(%dma_start3A_445 : memref<56x128xf32, #tpu.memory_space<vmem>>) target(%dma_start3A_441 : memref<56x128xf32, #tpu.memory_space<hbm>>) target_semaphore(%arg8 : memref<!tpu.dma_semaphore, #tpu.memory_space<semaphore_mem>>)
    }
    %scan3A_7 = arith.constant 12 : i32
    %dma_wait3A = arith.constant 0 : i32
    %dma_wait3A_8 = arith.constant 0 : i32
    %dma_wait3A_9 = arith.constant 0 : i32
    %dma_wait3A_10 = tpu.memref_slice %arg6[%dma_wait3A, %dma_wait3A_8, %dma_wait3A_9] : memref<12x56x128xf32, #tpu.memory_space<vmem>> -> memref<1x56x128xf32, #tpu.memory_space<vmem>>
    %dma_wait3A_11 = tpu.memref_squeeze %dma_wait3A_10 : memref<1x56x128xf32, #tpu.memory_space<vmem>> -> memref<56x128xf32, #tpu.memory_space<vmem>>
    %dma_wait3A_12 = arith.constant 0 : i32
    %dma_wait3A_13 = tpu.memref_slice %arg4[%mul3A_2, %dma_wait3A_12] : memref<129024x128xf32, #tpu.memory_space<hbm>> -> memref<56x128xf32, #tpu.memory_space<hbm>>
    %dma_wait3A_14 = arith.constant 0 : i32
    %dma_wait3A_15 = arith.constant 0 : i32
    %dma_wait3A_16 = tpu.memref_slice %arg6[%dma_wait3A, %dma_wait3A_14, %dma_wait3A_15] : memref<12x56x128xf32, #tpu.memory_space<vmem>> -> memref<1x56x128xf32, #tpu.memory_space<vmem>>
    %dma_wait3A_17 = tpu.memref_squeeze %dma_wait3A_16 : memref<1x56x128xf32, #tpu.memory_space<vmem>> -> memref<56x128xf32, #tpu.memory_space<vmem>>
    %dma_wait3A_18 = arith.constant 0 : i32
    %dma_wait3A_19 = tpu.memref_slice %arg4[%mul3A_2, %dma_wait3A_18] : memref<129024x128xf32, #tpu.memory_space<hbm>> -> memref<56x128xf32, #tpu.memory_space<hbm>>
    tpu.wait_dma2 semaphore(%arg8 : memref<!tpu.dma_semaphore, #tpu.memory_space<semaphore_mem>>) src(%dma_wait3A_19 : memref<56x128xf32, #tpu.memory_space<hbm>>) dst(%dma_wait3A_17 : memref<56x128xf32, #tpu.memory_space<vmem>>)
    %dma_wait3A_20 = arith.constant 0 : i32
    %dma_wait3A_21 = arith.constant 0 : i32
    %dma_wait3A_22 = arith.constant 0 : i32
    %dma_wait3A_23 = tpu.memref_slice %arg6[%dma_wait3A_20, %dma_wait3A_21, %dma_wait3A_22] : memref<12x56x128xf32, #tpu.memory_space<vmem>> -> memref<1x56x128xf32, #tpu.memory_space<vmem>>
    %dma_wait3A_24 = tpu.memref_squeeze %dma_wait3A_23 : memref<1x56x128xf32, #tpu.memory_space<vmem>> -> memref<56x128xf32, #tpu.memory_space<vmem>>
    %dma_wait3A_25 = arith.constant 0 : i32
    %dma_wait3A_26 = tpu.memref_slice %arg4[%mul3A_2, %dma_wait3A_25] : memref<129024x128xf32, #tpu.memory_space<hbm>> -> memref<56x128xf32, #tpu.memory_space<hbm>>
    %dma_wait3A_27 = arith.constant 0 : i32
    %dma_wait3A_28 = arith.constant 0 : i32
    %dma_wait3A_29 = tpu.memref_slice %arg6[%dma_wait3A_20, %dma_wait3A_27, %dma_wait3A_28] : memref<12x56x128xf32, #tpu.memory_space<vmem>> -> memref<1x56x128xf32, #tpu.memory_space<vmem>>
    %dma_wait3A_30 = tpu.memref_squeeze %dma_wait3A_29 : memref<1x56x128xf32, #tpu.memory_space<vmem>> -> memref<56x128xf32, #tpu.memory_space<vmem>>
    %dma_wait3A_31 = arith.constant 0 : i32
    %dma_wait3A_32 = tpu.memref_slice %arg4[%mul3A_2, %dma_wait3A_31] : memref<129024x128xf32, #tpu.memory_space<hbm>> -> memref<56x128xf32, #tpu.memory_space<hbm>>
    tpu.wait_dma2 semaphore(%arg8 : memref<!tpu.dma_semaphore, #tpu.memory_space<semaphore_mem>>) src(%dma_wait3A_32 : memref<56x128xf32, #tpu.memory_space<hbm>>) dst(%dma_wait3A_30 : memref<56x128xf32, #tpu.memory_space<vmem>>)
    %dma_wait3A_33 = arith.constant 0 : i32
    %dma_wait3A_34 = arith.constant 0 : i32
    %dma_wait3A_35 = arith.constant 0 : i32
    %dma_wait3A_36 = tpu.memref_slice %arg6[%dma_wait3A_33, %dma_wait3A_34, %dma_wait3A_35] : memref<12x56x128xf32, #tpu.memory_space<vmem>> -> memref<1x56x128xf32, #tpu.memory_space<vmem>>
    %dma_wait3A_37 = tpu.memref_squeeze %dma_wait3A_36 : memref<1x56x128xf32, #tpu.memory_space<vmem>> -> memref<56x128xf32, #tpu.memory_space<vmem>>
    %dma_wait3A_38 = arith.constant 0 : i32
    %dma_wait3A_39 = tpu.memref_slice %arg4[%mul3A_2, %dma_wait3A_38] : memref<129024x128xf32, #tpu.memory_space<hbm>> -> memref<56x128xf32, #tpu.memory_space<hbm>>
    %dma_wait3A_40 = arith.constant 0 : i32
    %dma_wait3A_41 = arith.constant 0 : i32
    %dma_wait3A_42 = tpu.memref_slice %arg6[%dma_wait3A_33, %dma_wait3A_40, %dma_wait3A_41] : memref<12x56x128xf32, #tpu.memory_space<vmem>> -> memref<1x56x128xf32, #tpu.memory_space<vmem>>
    %dma_wait3A_43 = tpu.memref_squeeze %dma_wait3A_42 : memref<1x56x128xf32, #tpu.memory_space<vmem>> -> memref<56x128xf32, #tpu.memory_space<vmem>>
    %dma_wait3A_44 = arith.constant 0 : i32
    %dma_wait3A_45 = tpu.memref_slice %arg4[%mul3A_2, %dma_wait3A_44] : memref<129024x128xf32, #tpu.memory_space<hbm>> -> memref<56x128xf32, #tpu.memory_space<hbm>>
    tpu.wait_dma2 semaphore(%arg8 : memref<!tpu.dma_semaphore, #tpu.memory_space<semaphore_mem>>) src(%dma_wait3A_45 : memref<56x128xf32, #tpu.memory_space<hbm>>) dst(%dma_wait3A_43 : memref<56x128xf32, #tpu.memory_space<vmem>>)
    %dma_wait3A_46 = arith.constant 0 : i32
    %dma_wait3A_47 = arith.constant 0 : i32
    %dma_wait3A_48 = arith.constant 0 : i32
    %dma_wait3A_49 = tpu.memref_slice %arg6[%dma_wait3A_46, %dma_wait3A_47, %dma_wait3A_48] : memref<12x56x128xf32, #tpu.memory_space<vmem>> -> memref<1x56x128xf32, #tpu.memory_space<vmem>>
    %dma_wait3A_50 = tpu.memref_squeeze %dma_wait3A_49 : memref<1x56x128xf32, #tpu.memory_space<vmem>> -> memref<56x128xf32, #tpu.memory_space<vmem>>
    %dma_wait3A_51 = arith.constant 0 : i32
    %dma_wait3A_52 = tpu.memref_slice %arg4[%mul3A_2, %dma_wait3A_51] : memref<129024x128xf32, #tpu.memory_space<hbm>> -> memref<56x128xf32, #tpu.memory_space<hbm>>
    %dma_wait3A_53 = arith.constant 0 : i32
    %dma_wait3A_54 = arith.constant 0 : i32
    %dma_wait3A_55 = tpu.memref_slice %arg6[%dma_wait3A_46, %dma_wait3A_53, %dma_wait3A_54] : memref<12x56x128xf32, #tpu.memory_space<vmem>> -> memref<1x56x128xf32, #tpu.memory_space<vmem>>
    %dma_wait3A_56 = tpu.memref_squeeze %dma_wait3A_55 : memref<1x56x128xf32, #tpu.memory_space<vmem>> -> memref<56x128xf32, #tpu.memory_space<vmem>>
    %dma_wait3A_57 = arith.constant 0 : i32
    %dma_wait3A_58 = tpu.memref_slice %arg4[%mul3A_2, %dma_wait3A_57] : memref<129024x128xf32, #tpu.memory_space<hbm>> -> memref<56x128xf32, #tpu.memory_space<hbm>>
    tpu.wait_dma2 semaphore(%arg8 : memref<!tpu.dma_semaphore, #tpu.memory_space<semaphore_mem>>) src(%dma_wait3A_58 : memref<56x128xf32, #tpu.memory_space<hbm>>) dst(%dma_wait3A_56 : memref<56x128xf32, #tpu.memory_space<vmem>>)
    %dma_wait3A_59 = arith.constant 0 : i32
    %dma_wait3A_60 = arith.constant 0 : i32
    %dma_wait3A_61 = arith.constant 0 : i32
    %dma_wait3A_62 = tpu.memref_slice %arg6[%dma_wait3A_59, %dma_wait3A_60, %dma_wait3A_61] : memref<12x56x128xf32, #tpu.memory_space<vmem>> -> memref<1x56x128xf32, #tpu.memory_space<vmem>>
    %dma_wait3A_63 = tpu.memref_squeeze %dma_wait3A_62 : memref<1x56x128xf32, #tpu.memory_space<vmem>> -> memref<56x128xf32, #tpu.memory_space<vmem>>
    %dma_wait3A_64 = arith.constant 0 : i32
    %dma_wait3A_65 = tpu.memref_slice %arg4[%mul3A_2, %dma_wait3A_64] : memref<129024x128xf32, #tpu.memory_space<hbm>> -> memref<56x128xf32, #tpu.memory_space<hbm>>
    %dma_wait3A_66 = arith.constant 0 : i32
    %dma_wait3A_67 = arith.constant 0 : i32
    %dma_wait3A_68 = tpu.memref_slice %arg6[%dma_wait3A_59, %dma_wait3A_66, %dma_wait3A_67] : memref<12x56x128xf32, #tpu.memory_space<vmem>> -> memref<1x56x128xf32, #tpu.memory_space<vmem>>
    %dma_wait3A_69 = tpu.memref_squeeze %dma_wait3A_68 : memref<1x56x128xf32, #tpu.memory_space<vmem>> -> memref<56x128xf32, #tpu.memory_space<vmem>>
    %dma_wait3A_70 = arith.constant 0 : i32
    %dma_wait3A_71 = tpu.memref_slice %arg4[%mul3A_2, %dma_wait3A_70] : memref<129024x128xf32, #tpu.memory_space<hbm>> -> memref<56x128xf32, #tpu.memory_space<hbm>>
    tpu.wait_dma2 semaphore(%arg8 : memref<!tpu.dma_semaphore, #tpu.memory_space<semaphore_mem>>) src(%dma_wait3A_71 : memref<56x128xf32, #tpu.memory_space<hbm>>) dst(%dma_wait3A_69 : memref<56x128xf32, #tpu.memory_space<vmem>>)
    %dma_wait3A_72 = arith.constant 0 : i32
    %dma_wait3A_73 = arith.constant 0 : i32
    %dma_wait3A_74 = arith.constant 0 : i32
    %dma_wait3A_75 = tpu.memref_slice %arg6[%dma_wait3A_72, %dma_wait3A_73, %dma_wait3A_74] : memref<12x56x128xf32, #tpu.memory_space<vmem>> -> memref<1x56x128xf32, #tpu.memory_space<vmem>>
    %dma_wait3A_76 = tpu.memref_squeeze %dma_wait3A_75 : memref<1x56x128xf32, #tpu.memory_space<vmem>> -> memref<56x128xf32, #tpu.memory_space<vmem>>
    %dma_wait3A_77 = arith.constant 0 : i32
    %dma_wait3A_78 = tpu.memref_slice %arg4[%mul3A_2, %dma_wait3A_77] : memref<129024x128xf32, #tpu.memory_space<hbm>> -> memref<56x128xf32, #tpu.memory_space<hbm>>
    %dma_wait3A_79 = arith.constant 0 : i32
    %dma_wait3A_80 = arith.constant 0 : i32
    %dma_wait3A_81 = tpu.memref_slice %arg6[%dma_wait3A_72, %dma_wait3A_79, %dma_wait3A_80] : memref<12x56x128xf32, #tpu.memory_space<vmem>> -> memref<1x56x128xf32, #tpu.memory_space<vmem>>
    %dma_wait3A_82 = tpu.memref_squeeze %dma_wait3A_81 : memref<1x56x128xf32, #tpu.memory_space<vmem>> -> memref<56x128xf32, #tpu.memory_space<vmem>>
    %dma_wait3A_83 = arith.constant 0 : i32
    %dma_wait3A_84 = tpu.memref_slice %arg4[%mul3A_2, %dma_wait3A_83] : memref<129024x128xf32, #tpu.memory_space<hbm>> -> memref<56x128xf32, #tpu.memory_space<hbm>>
    tpu.wait_dma2 semaphore(%arg8 : memref<!tpu.dma_semaphore, #tpu.memory_space<semaphore_mem>>) src(%dma_wait3A_84 : memref<56x128xf32, #tpu.memory_space<hbm>>) dst(%dma_wait3A_82 : memref<56x128xf32, #tpu.memory_space<vmem>>)
    %dma_wait3A_85 = arith.constant 0 : i32
    %dma_wait3A_86 = arith.constant 0 : i32
    %dma_wait3A_87 = arith.constant 0 : i32
    %dma_wait3A_88 = tpu.memref_slice %arg6[%dma_wait3A_85, %dma_wait3A_86, %dma_wait3A_87] : memref<12x56x128xf32, #tpu.memory_space<vmem>> -> memref<1x56x128xf32, #tpu.memory_space<vmem>>
    %dma_wait3A_89 = tpu.memref_squeeze %dma_wait3A_88 : memref<1x56x128xf32, #tpu.memory_space<vmem>> -> memref<56x128xf32, #tpu.memory_space<vmem>>
    %dma_wait3A_90 = arith.constant 0 : i32
    %dma_wait3A_91 = tpu.memref_slice %arg4[%mul3A_2, %dma_wait3A_90] : memref<129024x128xf32, #tpu.memory_space<hbm>> -> memref<56x128xf32, #tpu.memory_space<hbm>>
    %dma_wait3A_92 = arith.constant 0 : i32
    %dma_wait3A_93 = arith.constant 0 : i32
    %dma_wait3A_94 = tpu.memref_slice %arg6[%dma_wait3A_85, %dma_wait3A_92, %dma_wait3A_93] : memref<12x56x128xf32, #tpu.memory_space<vmem>> -> memref<1x56x128xf32, #tpu.memory_space<vmem>>
    %dma_wait3A_95 = tpu.memref_squeeze %dma_wait3A_94 : memref<1x56x128xf32, #tpu.memory_space<vmem>> -> memref<56x128xf32, #tpu.memory_space<vmem>>
    %dma_wait3A_96 = arith.constant 0 : i32
    %dma_wait3A_97 = tpu.memref_slice %arg4[%mul3A_2, %dma_wait3A_96] : memref<129024x128xf32, #tpu.memory_space<hbm>> -> memref<56x128xf32, #tpu.memory_space<hbm>>
    tpu.wait_dma2 semaphore(%arg8 : memref<!tpu.dma_semaphore, #tpu.memory_space<semaphore_mem>>) src(%dma_wait3A_97 : memref<56x128xf32, #tpu.memory_space<hbm>>) dst(%dma_wait3A_95 : memref<56x128xf32, #tpu.memory_space<vmem>>)
    %dma_wait3A_98 = arith.constant 0 : i32
    %dma_wait3A_99 = arith.constant 0 : i32
    %dma_wait3A_100 = arith.constant 0 : i32
    %dma_wait3A_101 = tpu.memref_slice %arg6[%dma_wait3A_98, %dma_wait3A_99, %dma_wait3A_100] : memref<12x56x128xf32, #tpu.memory_space<vmem>> -> memref<1x56x128xf32, #tpu.memory_space<vmem>>
    %dma_wait3A_102 = tpu.memref_squeeze %dma_wait3A_101 : memref<1x56x128xf32, #tpu.memory_space<vmem>> -> memref<56x128xf32, #tpu.memory_space<vmem>>
    %dma_wait3A_103 = arith.constant 0 : i32
    %dma_wait3A_104 = tpu.memref_slice %arg4[%mul3A_2, %dma_wait3A_103] : memref<129024x128xf32, #tpu.memory_space<hbm>> -> memref<56x128xf32, #tpu.memory_space<hbm>>
    %dma_wait3A_105 = arith.constant 0 : i32
    %dma_wait3A_106 = arith.constant 0 : i32
    %dma_wait3A_107 = tpu.memref_slice %arg6[%dma_wait3A_98, %dma_wait3A_105, %dma_wait3A_106] : memref<12x56x128xf32, #tpu.memory_space<vmem>> -> memref<1x56x128xf32, #tpu.memory_space<vmem>>
    %dma_wait3A_108 = tpu.memref_squeeze %dma_wait3A_107 : memref<1x56x128xf32, #tpu.memory_space<vmem>> -> memref<56x128xf32, #tpu.memory_space<vmem>>
    %dma_wait3A_109 = arith.constant 0 : i32
    %dma_wait3A_110 = tpu.memref_slice %arg4[%mul3A_2, %dma_wait3A_109] : memref<129024x128xf32, #tpu.memory_space<hbm>> -> memref<56x128xf32, #tpu.memory_space<hbm>>
    tpu.wait_dma2 semaphore(%arg8 : memref<!tpu.dma_semaphore, #tpu.memory_space<semaphore_mem>>) src(%dma_wait3A_110 : memref<56x128xf32, #tpu.memory_space<hbm>>) dst(%dma_wait3A_108 : memref<56x128xf32, #tpu.memory_space<vmem>>)
    %dma_wait3A_111 = arith.constant 0 : i32
    %dma_wait3A_112 = arith.constant 0 : i32
    %dma_wait3A_113 = arith.constant 0 : i32
    %dma_wait3A_114 = tpu.memref_slice %arg6[%dma_wait3A_111, %dma_wait3A_112, %dma_wait3A_113] : memref<12x56x128xf32, #tpu.memory_space<vmem>> -> memref<1x56x128xf32, #tpu.memory_space<vmem>>
    %dma_wait3A_115 = tpu.memref_squeeze %dma_wait3A_114 : memref<1x56x128xf32, #tpu.memory_space<vmem>> -> memref<56x128xf32, #tpu.memory_space<vmem>>
    %dma_wait3A_116 = arith.constant 0 : i32
    %dma_wait3A_117 = tpu.memref_slice %arg4[%mul3A_2, %dma_wait3A_116] : memref<129024x128xf32, #tpu.memory_space<hbm>> -> memref<56x128xf32, #tpu.memory_space<hbm>>
    %dma_wait3A_118 = arith.constant 0 : i32
    %dma_wait3A_119 = arith.constant 0 : i32
    %dma_wait3A_120 = tpu.memref_slice %arg6[%dma_wait3A_111, %dma_wait3A_118, %dma_wait3A_119] : memref<12x56x128xf32, #tpu.memory_space<vmem>> -> memref<1x56x128xf32, #tpu.memory_space<vmem>>
    %dma_wait3A_121 = tpu.memref_squeeze %dma_wait3A_120 : memref<1x56x128xf32, #tpu.memory_space<vmem>> -> memref<56x128xf32, #tpu.memory_space<vmem>>
    %dma_wait3A_122 = arith.constant 0 : i32
    %dma_wait3A_123 = tpu.memref_slice %arg4[%mul3A_2, %dma_wait3A_122] : memref<129024x128xf32, #tpu.memory_space<hbm>> -> memref<56x128xf32, #tpu.memory_space<hbm>>
    tpu.wait_dma2 semaphore(%arg8 : memref<!tpu.dma_semaphore, #tpu.memory_space<semaphore_mem>>) src(%dma_wait3A_123 : memref<56x128xf32, #tpu.memory_space<hbm>>) dst(%dma_wait3A_121 : memref<56x128xf32, #tpu.memory_space<vmem>>)
    %dma_wait3A_124 = arith.constant 0 : i32
    %dma_wait3A_125 = arith.constant 0 : i32
    %dma_wait3A_126 = arith.constant 0 : i32
    %dma_wait3A_127 = tpu.memref_slice %arg6[%dma_wait3A_124, %dma_wait3A_125, %dma_wait3A_126] : memref<12x56x128xf32, #tpu.memory_space<vmem>> -> memref<1x56x128xf32, #tpu.memory_space<vmem>>
    %dma_wait3A_128 = tpu.memref_squeeze %dma_wait3A_127 : memref<1x56x128xf32, #tpu.memory_space<vmem>> -> memref<56x128xf32, #tpu.memory_space<vmem>>
    %dma_wait3A_129 = arith.constant 0 : i32
    %dma_wait3A_130 = tpu.memref_slice %arg4[%mul3A_2, %dma_wait3A_129] : memref<129024x128xf32, #tpu.memory_space<hbm>> -> memref<56x128xf32, #tpu.memory_space<hbm>>
    %dma_wait3A_131 = arith.constant 0 : i32
    %dma_wait3A_132 = arith.constant 0 : i32
    %dma_wait3A_133 = tpu.memref_slice %arg6[%dma_wait3A_124, %dma_wait3A_131, %dma_wait3A_132] : memref<12x56x128xf32, #tpu.memory_space<vmem>> -> memref<1x56x128xf32, #tpu.memory_space<vmem>>
    %dma_wait3A_134 = tpu.memref_squeeze %dma_wait3A_133 : memref<1x56x128xf32, #tpu.memory_space<vmem>> -> memref<56x128xf32, #tpu.memory_space<vmem>>
    %dma_wait3A_135 = arith.constant 0 : i32
    %dma_wait3A_136 = tpu.memref_slice %arg4[%mul3A_2, %dma_wait3A_135] : memref<129024x128xf32, #tpu.memory_space<hbm>> -> memref<56x128xf32, #tpu.memory_space<hbm>>
    tpu.wait_dma2 semaphore(%arg8 : memref<!tpu.dma_semaphore, #tpu.memory_space<semaphore_mem>>) src(%dma_wait3A_136 : memref<56x128xf32, #tpu.memory_space<hbm>>) dst(%dma_wait3A_134 : memref<56x128xf32, #tpu.memory_space<vmem>>)
    %dma_wait3A_137 = arith.constant 0 : i32
    %dma_wait3A_138 = arith.constant 0 : i32
    %dma_wait3A_139 = arith.constant 0 : i32
    %dma_wait3A_140 = tpu.memref_slice %arg6[%dma_wait3A_137, %dma_wait3A_138, %dma_wait3A_139] : memref<12x56x128xf32, #tpu.memory_space<vmem>> -> memref<1x56x128xf32, #tpu.memory_space<vmem>>
    %dma_wait3A_141 = tpu.memref_squeeze %dma_wait3A_140 : memref<1x56x128xf32, #tpu.memory_space<vmem>> -> memref<56x128xf32, #tpu.memory_space<vmem>>
    %dma_wait3A_142 = arith.constant 0 : i32
    %dma_wait3A_143 = tpu.memref_slice %arg4[%mul3A_2, %dma_wait3A_142] : memref<129024x128xf32, #tpu.memory_space<hbm>> -> memref<56x128xf32, #tpu.memory_space<hbm>>
    %dma_wait3A_144 = arith.constant 0 : i32
    %dma_wait3A_145 = arith.constant 0 : i32
    %dma_wait3A_146 = tpu.memref_slice %arg6[%dma_wait3A_137, %dma_wait3A_144, %dma_wait3A_145] : memref<12x56x128xf32, #tpu.memory_space<vmem>> -> memref<1x56x128xf32, #tpu.memory_space<vmem>>
    %dma_wait3A_147 = tpu.memref_squeeze %dma_wait3A_146 : memref<1x56x128xf32, #tpu.memory_space<vmem>> -> memref<56x128xf32, #tpu.memory_space<vmem>>
    %dma_wait3A_148 = arith.constant 0 : i32
    %dma_wait3A_149 = tpu.memref_slice %arg4[%mul3A_2, %dma_wait3A_148] : memref<129024x128xf32, #tpu.memory_space<hbm>> -> memref<56x128xf32, #tpu.memory_space<hbm>>
    tpu.wait_dma2 semaphore(%arg8 : memref<!tpu.dma_semaphore, #tpu.memory_space<semaphore_mem>>) src(%dma_wait3A_149 : memref<56x128xf32, #tpu.memory_space<hbm>>) dst(%dma_wait3A_147 : memref<56x128xf32, #tpu.memory_space<vmem>>)
    %dma_wait3A_150 = arith.constant 0 : i32
    %dma_wait3A_151 = arith.constant 0 : i32
    %dma_wait3A_152 = arith.constant 0 : i32
    %dma_wait3A_153 = tpu.memref_slice %arg6[%dma_wait3A_150, %dma_wait3A_151, %dma_wait3A_152] : memref<12x56x128xf32, #tpu.memory_space<vmem>> -> memref<1x56x128xf32, #tpu.memory_space<vmem>>
    %dma_wait3A_154 = tpu.memref_squeeze %dma_wait3A_153 : memref<1x56x128xf32, #tpu.memory_space<vmem>> -> memref<56x128xf32, #tpu.memory_space<vmem>>
    %dma_wait3A_155 = arith.constant 0 : i32
    %dma_wait3A_156 = tpu.memref_slice %arg4[%mul3A_2, %dma_wait3A_155] : memref<129024x128xf32, #tpu.memory_space<hbm>> -> memref<56x128xf32, #tpu.memory_space<hbm>>
    %dma_wait3A_157 = arith.constant 0 : i32
    %dma_wait3A_158 = arith.constant 0 : i32
    %dma_wait3A_159 = tpu.memref_slice %arg6[%dma_wait3A_150, %dma_wait3A_157, %dma_wait3A_158] : memref<12x56x128xf32, #tpu.memory_space<vmem>> -> memref<1x56x128xf32, #tpu.memory_space<vmem>>
    %dma_wait3A_160 = tpu.memref_squeeze %dma_wait3A_159 : memref<1x56x128xf32, #tpu.memory_space<vmem>> -> memref<56x128xf32, #tpu.memory_space<vmem>>
    %dma_wait3A_161 = arith.constant 0 : i32
    %dma_wait3A_162 = tpu.memref_slice %arg4[%mul3A_2, %dma_wait3A_161] : memref<129024x128xf32, #tpu.memory_space<hbm>> -> memref<56x128xf32, #tpu.memory_space<hbm>>
    tpu.wait_dma2 semaphore(%arg8 : memref<!tpu.dma_semaphore, #tpu.memory_space<semaphore_mem>>) src(%dma_wait3A_162 : memref<56x128xf32, #tpu.memory_space<hbm>>) dst(%dma_wait3A_160 : memref<56x128xf32, #tpu.memory_space<vmem>>)
    return
  }
}

#map = affine_map<(d0, d1) -> (0, 0)>
#map1 = affine_map<(d0, d1) -> (0)>
module attributes {stable_mosaic.version = 14 : i64} {
  func.func @k(%arg0: i32, %arg1: i32, %arg2: memref<10240x128xf32, #tpu.memory_space<hbm>>, %arg3: memref<6144xi32, #tpu.memory_space<hbm>>, %arg4: memref<6144x128xf32, #tpu.memory_space<hbm>>, %arg5: memref<10240x128xf32, #tpu.memory_space<hbm>>, %arg6: memref<6144xi32, #tpu.memory_space<vmem>>, %arg7: memref<320xi32, #tpu.memory_space<vmem>>, %arg8: memref<320x128xf32, #tpu.memory_space<vmem>>, %arg9: memref<!tpu.dma_semaphore, #tpu.memory_space<semaphore_mem>>, %arg10: memref<!tpu.dma_semaphore, #tpu.memory_space<semaphore_mem>>, %arg11: memref<!tpu.dma_semaphore, #tpu.memory_space<semaphore_mem>>) attributes {dimension_semantics = [#tpu.dimension_semantics<core_parallel>, #tpu.dimension_semantics<subcore_parallel>], iteration_bounds = array<i64: 2, 16>, scalar_prefetch = 0 : i64, scratch_operands = 6 : i64, tpu.core_type = #tpu.core_type<sc_vector_subcore>, window_params = [{transform_indices = #map}, {transform_indices = #map1}, {transform_indices = #map}, {transform_indices = #map}]} {
    %mul3A = arith.constant 2 : i32
    %mul3A_0 = arith.muli %arg1, %mul3A : i32
    %add3A = arith.addi %mul3A_0, %arg0 : i32
    %mul3A_1 = arith.constant 320 : i32
    %mul3A_2 = arith.muli %add3A, %mul3A_1 : i32
    %dma_start3A = arith.constant 0 : i32
    %dma_start3A_3 = tpu.memref_slice %arg5[%mul3A_2, %dma_start3A] : memref<10240x128xf32, #tpu.memory_space<hbm>> -> memref<320x128xf32, #tpu.memory_space<hbm>>
    %dma_start3A_4 = arith.constant 0 : i32
    %dma_start3A_5 = tpu.memref_slice %arg2[%mul3A_2, %dma_start3A_4] : memref<10240x128xf32, #tpu.memory_space<hbm>> -> memref<320x128xf32, #tpu.memory_space<hbm>>
    tpu.enqueue_dma source(%dma_start3A_5 : memref<320x128xf32, #tpu.memory_space<hbm>>) target(%dma_start3A_3 : memref<320x128xf32, #tpu.memory_space<hbm>>) target_semaphore(%arg9 : memref<!tpu.dma_semaphore, #tpu.memory_space<semaphore_mem>>)
    "tpu.region"() ({
      %run_scoped3A = tpu.sem_alloc : memref<!tpu.dma_semaphore, #tpu.memory_space<semaphore_mem>>
      tpu.enqueue_dma source(%arg3 : memref<6144xi32, #tpu.memory_space<hbm>>) target(%arg6 : memref<6144xi32, #tpu.memory_space<vmem>>) target_semaphore(%run_scoped3A : memref<!tpu.dma_semaphore, #tpu.memory_space<semaphore_mem>>)
      tpu.wait_dma2 semaphore(%run_scoped3A : memref<!tpu.dma_semaphore, #tpu.memory_space<semaphore_mem>>) src(%arg3 : memref<6144xi32, #tpu.memory_space<hbm>>) dst(%arg6 : memref<6144xi32, #tpu.memory_space<vmem>>)
      tpu.yield
    }) : () -> ()
    %broadcast_in_dim3A = arith.constant -1 : i32
    %broadcast_in_dim3A_6 = vector.broadcast %broadcast_in_dim3A : i32 to vector<16xi32>
    %swap3A = arith.constant 0 : index
    %swap3A_7 = tpu.vector_load %arg7[%swap3A] {strides = array<i32>} : memref<320xi32, #tpu.memory_space<vmem>>, vector<16xi32>,
    tpu.vector_store %arg7[%swap3A], %broadcast_in_dim3A_6 {strides = array<i32>} : memref<320xi32, #tpu.memory_space<vmem>>, vector<16xi32>,
    %swap3A_8 = arith.constant 16 : index
    %swap3A_9 = tpu.vector_load %arg7[%swap3A_8] {strides = array<i32>} : memref<320xi32, #tpu.memory_space<vmem>>, vector<16xi32>,
    tpu.vector_store %arg7[%swap3A_8], %broadcast_in_dim3A_6 {strides = array<i32>} : memref<320xi32, #tpu.memory_space<vmem>>, vector<16xi32>,
    %swap3A_10 = arith.constant 32 : index
    %swap3A_11 = tpu.vector_load %arg7[%swap3A_10] {strides = array<i32>} : memref<320xi32, #tpu.memory_space<vmem>>, vector<16xi32>,
    tpu.vector_store %arg7[%swap3A_10], %broadcast_in_dim3A_6 {strides = array<i32>} : memref<320xi32, #tpu.memory_space<vmem>>, vector<16xi32>,
    %swap3A_12 = arith.constant 48 : index
    %swap3A_13 = tpu.vector_load %arg7[%swap3A_12] {strides = array<i32>} : memref<320xi32, #tpu.memory_space<vmem>>, vector<16xi32>,
    tpu.vector_store %arg7[%swap3A_12], %broadcast_in_dim3A_6 {strides = array<i32>} : memref<320xi32, #tpu.memory_space<vmem>>, vector<16xi32>,
    %swap3A_14 = arith.constant 64 : index
    %swap3A_15 = tpu.vector_load %arg7[%swap3A_14] {strides = array<i32>} : memref<320xi32, #tpu.memory_space<vmem>>, vector<16xi32>,
    tpu.vector_store %arg7[%swap3A_14], %broadcast_in_dim3A_6 {strides = array<i32>} : memref<320xi32, #tpu.memory_space<vmem>>, vector<16xi32>,
    %swap3A_16 = arith.constant 80 : index
    %swap3A_17 = tpu.vector_load %arg7[%swap3A_16] {strides = array<i32>} : memref<320xi32, #tpu.memory_space<vmem>>, vector<16xi32>,
    tpu.vector_store %arg7[%swap3A_16], %broadcast_in_dim3A_6 {strides = array<i32>} : memref<320xi32, #tpu.memory_space<vmem>>, vector<16xi32>,
    %swap3A_18 = arith.constant 96 : index
    %swap3A_19 = tpu.vector_load %arg7[%swap3A_18] {strides = array<i32>} : memref<320xi32, #tpu.memory_space<vmem>>, vector<16xi32>,
    tpu.vector_store %arg7[%swap3A_18], %broadcast_in_dim3A_6 {strides = array<i32>} : memref<320xi32, #tpu.memory_space<vmem>>, vector<16xi32>,
    %swap3A_20 = arith.constant 112 : index
    %swap3A_21 = tpu.vector_load %arg7[%swap3A_20] {strides = array<i32>} : memref<320xi32, #tpu.memory_space<vmem>>, vector<16xi32>,
    tpu.vector_store %arg7[%swap3A_20], %broadcast_in_dim3A_6 {strides = array<i32>} : memref<320xi32, #tpu.memory_space<vmem>>, vector<16xi32>,
    %swap3A_22 = arith.constant 128 : index
    %swap3A_23 = tpu.vector_load %arg7[%swap3A_22] {strides = array<i32>} : memref<320xi32, #tpu.memory_space<vmem>>, vector<16xi32>,
    tpu.vector_store %arg7[%swap3A_22], %broadcast_in_dim3A_6 {strides = array<i32>} : memref<320xi32, #tpu.memory_space<vmem>>, vector<16xi32>,
    %swap3A_24 = arith.constant 144 : index
    %swap3A_25 = tpu.vector_load %arg7[%swap3A_24] {strides = array<i32>} : memref<320xi32, #tpu.memory_space<vmem>>, vector<16xi32>,
    tpu.vector_store %arg7[%swap3A_24], %broadcast_in_dim3A_6 {strides = array<i32>} : memref<320xi32, #tpu.memory_space<vmem>>, vector<16xi32>,
    %swap3A_26 = arith.constant 160 : index
    %swap3A_27 = tpu.vector_load %arg7[%swap3A_26] {strides = array<i32>} : memref<320xi32, #tpu.memory_space<vmem>>, vector<16xi32>,
    tpu.vector_store %arg7[%swap3A_26], %broadcast_in_dim3A_6 {strides = array<i32>} : memref<320xi32, #tpu.memory_space<vmem>>, vector<16xi32>,
    %swap3A_28 = arith.constant 176 : index
    %swap3A_29 = tpu.vector_load %arg7[%swap3A_28] {strides = array<i32>} : memref<320xi32, #tpu.memory_space<vmem>>, vector<16xi32>,
    tpu.vector_store %arg7[%swap3A_28], %broadcast_in_dim3A_6 {strides = array<i32>} : memref<320xi32, #tpu.memory_space<vmem>>, vector<16xi32>,
    %swap3A_30 = arith.constant 192 : index
    %swap3A_31 = tpu.vector_load %arg7[%swap3A_30] {strides = array<i32>} : memref<320xi32, #tpu.memory_space<vmem>>, vector<16xi32>,
    tpu.vector_store %arg7[%swap3A_30], %broadcast_in_dim3A_6 {strides = array<i32>} : memref<320xi32, #tpu.memory_space<vmem>>, vector<16xi32>,
    %swap3A_32 = arith.constant 208 : index
    %swap3A_33 = tpu.vector_load %arg7[%swap3A_32] {strides = array<i32>} : memref<320xi32, #tpu.memory_space<vmem>>, vector<16xi32>,
    tpu.vector_store %arg7[%swap3A_32], %broadcast_in_dim3A_6 {strides = array<i32>} : memref<320xi32, #tpu.memory_space<vmem>>, vector<16xi32>,
    %swap3A_34 = arith.constant 224 : index
    %swap3A_35 = tpu.vector_load %arg7[%swap3A_34] {strides = array<i32>} : memref<320xi32, #tpu.memory_space<vmem>>, vector<16xi32>,
    tpu.vector_store %arg7[%swap3A_34], %broadcast_in_dim3A_6 {strides = array<i32>} : memref<320xi32, #tpu.memory_space<vmem>>, vector<16xi32>,
    %swap3A_36 = arith.constant 240 : index
    %swap3A_37 = tpu.vector_load %arg7[%swap3A_36] {strides = array<i32>} : memref<320xi32, #tpu.memory_space<vmem>>, vector<16xi32>,
    tpu.vector_store %arg7[%swap3A_36], %broadcast_in_dim3A_6 {strides = array<i32>} : memref<320xi32, #tpu.memory_space<vmem>>, vector<16xi32>,
    %swap3A_38 = arith.constant 256 : index
    %swap3A_39 = tpu.vector_load %arg7[%swap3A_38] {strides = array<i32>} : memref<320xi32, #tpu.memory_space<vmem>>, vector<16xi32>,
    tpu.vector_store %arg7[%swap3A_38], %broadcast_in_dim3A_6 {strides = array<i32>} : memref<320xi32, #tpu.memory_space<vmem>>, vector<16xi32>,
    %swap3A_40 = arith.constant 272 : index
    %swap3A_41 = tpu.vector_load %arg7[%swap3A_40] {strides = array<i32>} : memref<320xi32, #tpu.memory_space<vmem>>, vector<16xi32>,
    tpu.vector_store %arg7[%swap3A_40], %broadcast_in_dim3A_6 {strides = array<i32>} : memref<320xi32, #tpu.memory_space<vmem>>, vector<16xi32>,
    %swap3A_42 = arith.constant 288 : index
    %swap3A_43 = tpu.vector_load %arg7[%swap3A_42] {strides = array<i32>} : memref<320xi32, #tpu.memory_space<vmem>>, vector<16xi32>,
    tpu.vector_store %arg7[%swap3A_42], %broadcast_in_dim3A_6 {strides = array<i32>} : memref<320xi32, #tpu.memory_space<vmem>>, vector<16xi32>,
    %swap3A_44 = arith.constant 304 : index
    %swap3A_45 = tpu.vector_load %arg7[%swap3A_44] {strides = array<i32>} : memref<320xi32, #tpu.memory_space<vmem>>, vector<16xi32>,
    tpu.vector_store %arg7[%swap3A_44], %broadcast_in_dim3A_6 {strides = array<i32>} : memref<320xi32, #tpu.memory_space<vmem>>, vector<16xi32>,
    %iota3A = tpu.iota {dimensions = array<i32: 0>} : vector<16xi32>
    %scan3A = arith.constant 0 : i32
    %scan3A_46 = arith.constant 0 : i32
    %scan3A_47 = arith.constant 384 : i32
    %scan3A_48 = arith.addi %scan3A_46, %scan3A_47 : i32
    %scan3A_49 = arith.constant 1 : i32
    scf.for %scan3A_850 = %scan3A_46 to %scan3A_48 step %scan3A_49  : i32 {
      %mul3A_851 = arith.constant 16 : i32
      %mul3A_852 = arith.muli %scan3A_850, %mul3A_851 : i32
      %get3A_853 = arith.index_cast %mul3A_852 : i32 to index
      %get3A_854 = tpu.vector_load %arg6[%get3A_853] {strides = array<i32>} : memref<6144xi32, #tpu.memory_space<vmem>>, vector<16xi32>,
      %mul3A_855 = arith.constant 16 : i32
      %mul3A_856 = arith.muli %scan3A_850, %mul3A_855 : i32
      %add3A_857 = vector.broadcast %mul3A_856 : i32 to vector<16xi32>
      %add3A_858 = arith.addi %add3A_857, %iota3A : vector<16xi32>
      %ge3A_859 = vector.broadcast %mul3A_2 : i32 to vector<16xi32>
      %ge3A_860 = arith.cmpi sge, %get3A_854, %ge3A_859 : vector<16xi32>
      %add3A_861 = arith.constant 320 : i32
      %add3A_862 = arith.addi %mul3A_2, %add3A_861 : i32
      %lt3A = vector.broadcast %add3A_862 : i32 to vector<16xi32>
      %lt3A_863 = arith.cmpi slt, %get3A_854, %lt3A : vector<16xi32>
      %and3A = arith.andi %ge3A_860, %lt3A_863 : vector<16xi1>
      %sub3A = vector.broadcast %mul3A_2 : i32 to vector<16xi32>
      %sub3A_864 = arith.subi %get3A_854, %sub3A : vector<16xi32>
      %jit3A_865 = arith.constant 0 : i32
      %broadcast_in_dim3A_866 = vector.broadcast %jit3A_865 : i32 to vector<16xi32>
      %select_n3A_867 = arith.select %and3A, %sub3A_864, %broadcast_in_dim3A_866 : vector<16xi1>, vector<16xi32>
      tpu.vector_store_idx %arg7[%select_n3A_867], %add3A_858 masked %and3A : memref<320xi32, #tpu.memory_space<vmem>>[vector<16xi32>], vector<16xi32>, vector<16xi1>
    }
    %scan3A_50 = arith.constant 384 : i32
    %get3A = arith.constant 0 : index
    %get3A_51 = tpu.vector_load %arg7[%get3A] {strides = array<i32>} : memref<320xi32, #tpu.memory_space<vmem>>, vector<16xi32>,
    %ge3A = arith.constant 0 : i32
    %ge3A_52 = vector.broadcast %ge3A : i32 to vector<16xi32>
    %ge3A_53 = arith.cmpi sge, %get3A_51, %ge3A_52 : vector<16xi32>
    %jit3A = arith.constant 0 : i32
    %broadcast_in_dim3A_54 = vector.broadcast %jit3A : i32 to vector<16xi32>
    %select_n3A = arith.select %ge3A_53, %get3A_51, %broadcast_in_dim3A_54 : vector<16xi1>, vector<16xi32>
    %add3A_55 = arith.constant 0 : i32
    %add3A_56 = arith.addi %mul3A_2, %add3A_55 : i32
    %add3A_57 = vector.broadcast %add3A_56 : i32 to vector<16xi32>
    %add3A_58 = arith.addi %add3A_57, %iota3A : vector<16xi32>
    %add3A_59 = arith.constant 10224 : i32
    %add3A_60 = vector.broadcast %add3A_59 : i32 to vector<16xi32>
    %add3A_61 = arith.addi %add3A_60, %iota3A : vector<16xi32>
    %select_n3A_62 = arith.select %ge3A_53, %add3A_58, %add3A_61 : vector<16xi1>, vector<16xi32>
    %dma_start3A_63 = arith.constant 0 : i32
    %dma_start3A_64 = arith.constant 0 : i32
    %dma_start3A_65 = tpu.memref_slice %arg8[%dma_start3A_63, %dma_start3A_64] : memref<320x128xf32, #tpu.memory_space<vmem>> -> memref<16x128xf32, #tpu.memory_space<vmem>>
    %dma_start3A_66 = arith.constant 0 : i32
    %dma_start3A_67 = arith.constant 0 : i32
    %dma_start3A_68 = tpu.memref_slice %arg4[%dma_start3A_66, %dma_start3A_67] : memref<6144x128xf32, #tpu.memory_space<hbm>> -> memref<6144x128xf32, #tpu.memory_space<hbm>>
    tpu.enqueue_indirect_dma source(%dma_start3A_68 : memref<6144x128xf32, #tpu.memory_space<hbm>>) target(%dma_start3A_65 : memref<16x128xf32, #tpu.memory_space<vmem>>) offsets(%select_n3A : vector<16xi32>) semaphore(%arg10 : memref<!tpu.dma_semaphore, #tpu.memory_space<semaphore_mem>>)
    %get3A_69 = arith.constant 16 : index
    %get3A_70 = tpu.vector_load %arg7[%get3A_69] {strides = array<i32>} : memref<320xi32, #tpu.memory_space<vmem>>, vector<16xi32>,
    %ge3A_71 = arith.constant 0 : i32
    %ge3A_72 = vector.broadcast %ge3A_71 : i32 to vector<16xi32>
    %ge3A_73 = arith.cmpi sge, %get3A_70, %ge3A_72 : vector<16xi32>
    %jit3A_74 = arith.constant 0 : i32
    %broadcast_in_dim3A_75 = vector.broadcast %jit3A_74 : i32 to vector<16xi32>
    %select_n3A_76 = arith.select %ge3A_73, %get3A_70, %broadcast_in_dim3A_75 : vector<16xi1>, vector<16xi32>
    %add3A_77 = arith.constant 16 : i32
    %add3A_78 = arith.addi %mul3A_2, %add3A_77 : i32
    %add3A_79 = vector.broadcast %add3A_78 : i32 to vector<16xi32>
    %add3A_80 = arith.addi %add3A_79, %iota3A : vector<16xi32>
    %add3A_81 = arith.constant 10224 : i32
    %add3A_82 = vector.broadcast %add3A_81 : i32 to vector<16xi32>
    %add3A_83 = arith.addi %add3A_82, %iota3A : vector<16xi32>
    %select_n3A_84 = arith.select %ge3A_73, %add3A_80, %add3A_83 : vector<16xi1>, vector<16xi32>
    %dma_start3A_85 = arith.constant 16 : i32
    %dma_start3A_86 = arith.constant 0 : i32
    %dma_start3A_87 = tpu.memref_slice %arg8[%dma_start3A_85, %dma_start3A_86] : memref<320x128xf32, #tpu.memory_space<vmem>> -> memref<16x128xf32, #tpu.memory_space<vmem>>
    %dma_start3A_88 = arith.constant 0 : i32
    %dma_start3A_89 = arith.constant 0 : i32
    %dma_start3A_90 = tpu.memref_slice %arg4[%dma_start3A_88, %dma_start3A_89] : memref<6144x128xf32, #tpu.memory_space<hbm>> -> memref<6144x128xf32, #tpu.memory_space<hbm>>
    tpu.enqueue_indirect_dma source(%dma_start3A_90 : memref<6144x128xf32, #tpu.memory_space<hbm>>) target(%dma_start3A_87 : memref<16x128xf32, #tpu.memory_space<vmem>>) offsets(%select_n3A_76 : vector<16xi32>) semaphore(%arg10 : memref<!tpu.dma_semaphore, #tpu.memory_space<semaphore_mem>>)
    %get3A_91 = arith.constant 32 : index
    %get3A_92 = tpu.vector_load %arg7[%get3A_91] {strides = array<i32>} : memref<320xi32, #tpu.memory_space<vmem>>, vector<16xi32>,
    %ge3A_93 = arith.constant 0 : i32
    %ge3A_94 = vector.broadcast %ge3A_93 : i32 to vector<16xi32>
    %ge3A_95 = arith.cmpi sge, %get3A_92, %ge3A_94 : vector<16xi32>
    %jit3A_96 = arith.constant 0 : i32
    %broadcast_in_dim3A_97 = vector.broadcast %jit3A_96 : i32 to vector<16xi32>
    %select_n3A_98 = arith.select %ge3A_95, %get3A_92, %broadcast_in_dim3A_97 : vector<16xi1>, vector<16xi32>
    %add3A_99 = arith.constant 32 : i32
    %add3A_100 = arith.addi %mul3A_2, %add3A_99 : i32
    %add3A_101 = vector.broadcast %add3A_100 : i32 to vector<16xi32>
    %add3A_102 = arith.addi %add3A_101, %iota3A : vector<16xi32>
    %add3A_103 = arith.constant 10224 : i32
    %add3A_104 = vector.broadcast %add3A_103 : i32 to vector<16xi32>
    %add3A_105 = arith.addi %add3A_104, %iota3A : vector<16xi32>
    %select_n3A_106 = arith.select %ge3A_95, %add3A_102, %add3A_105 : vector<16xi1>, vector<16xi32>
    %dma_start3A_107 = arith.constant 32 : i32
    %dma_start3A_108 = arith.constant 0 : i32
    %dma_start3A_109 = tpu.memref_slice %arg8[%dma_start3A_107, %dma_start3A_108] : memref<320x128xf32, #tpu.memory_space<vmem>> -> memref<16x128xf32, #tpu.memory_space<vmem>>
    %dma_start3A_110 = arith.constant 0 : i32
    %dma_start3A_111 = arith.constant 0 : i32
    %dma_start3A_112 = tpu.memref_slice %arg4[%dma_start3A_110, %dma_start3A_111] : memref<6144x128xf32, #tpu.memory_space<hbm>> -> memref<6144x128xf32, #tpu.memory_space<hbm>>
    tpu.enqueue_indirect_dma source(%dma_start3A_112 : memref<6144x128xf32, #tpu.memory_space<hbm>>) target(%dma_start3A_109 : memref<16x128xf32, #tpu.memory_space<vmem>>) offsets(%select_n3A_98 : vector<16xi32>) semaphore(%arg10 : memref<!tpu.dma_semaphore, #tpu.memory_space<semaphore_mem>>)
    %get3A_113 = arith.constant 48 : index
    %get3A_114 = tpu.vector_load %arg7[%get3A_113] {strides = array<i32>} : memref<320xi32, #tpu.memory_space<vmem>>, vector<16xi32>,
    %ge3A_115 = arith.constant 0 : i32
    %ge3A_116 = vector.broadcast %ge3A_115 : i32 to vector<16xi32>
    %ge3A_117 = arith.cmpi sge, %get3A_114, %ge3A_116 : vector<16xi32>
    %jit3A_118 = arith.constant 0 : i32
    %broadcast_in_dim3A_119 = vector.broadcast %jit3A_118 : i32 to vector<16xi32>
    %select_n3A_120 = arith.select %ge3A_117, %get3A_114, %broadcast_in_dim3A_119 : vector<16xi1>, vector<16xi32>
    %add3A_121 = arith.constant 48 : i32
    %add3A_122 = arith.addi %mul3A_2, %add3A_121 : i32
    %add3A_123 = vector.broadcast %add3A_122 : i32 to vector<16xi32>
    %add3A_124 = arith.addi %add3A_123, %iota3A : vector<16xi32>
    %add3A_125 = arith.constant 10224 : i32
    %add3A_126 = vector.broadcast %add3A_125 : i32 to vector<16xi32>
    %add3A_127 = arith.addi %add3A_126, %iota3A : vector<16xi32>
    %select_n3A_128 = arith.select %ge3A_117, %add3A_124, %add3A_127 : vector<16xi1>, vector<16xi32>
    %dma_start3A_129 = arith.constant 48 : i32
    %dma_start3A_130 = arith.constant 0 : i32
    %dma_start3A_131 = tpu.memref_slice %arg8[%dma_start3A_129, %dma_start3A_130] : memref<320x128xf32, #tpu.memory_space<vmem>> -> memref<16x128xf32, #tpu.memory_space<vmem>>
    %dma_start3A_132 = arith.constant 0 : i32
    %dma_start3A_133 = arith.constant 0 : i32
    %dma_start3A_134 = tpu.memref_slice %arg4[%dma_start3A_132, %dma_start3A_133] : memref<6144x128xf32, #tpu.memory_space<hbm>> -> memref<6144x128xf32, #tpu.memory_space<hbm>>
    tpu.enqueue_indirect_dma source(%dma_start3A_134 : memref<6144x128xf32, #tpu.memory_space<hbm>>) target(%dma_start3A_131 : memref<16x128xf32, #tpu.memory_space<vmem>>) offsets(%select_n3A_120 : vector<16xi32>) semaphore(%arg10 : memref<!tpu.dma_semaphore, #tpu.memory_space<semaphore_mem>>)
    %get3A_135 = arith.constant 64 : index
    %get3A_136 = tpu.vector_load %arg7[%get3A_135] {strides = array<i32>} : memref<320xi32, #tpu.memory_space<vmem>>, vector<16xi32>,
    %ge3A_137 = arith.constant 0 : i32
    %ge3A_138 = vector.broadcast %ge3A_137 : i32 to vector<16xi32>
    %ge3A_139 = arith.cmpi sge, %get3A_136, %ge3A_138 : vector<16xi32>
    %jit3A_140 = arith.constant 0 : i32
    %broadcast_in_dim3A_141 = vector.broadcast %jit3A_140 : i32 to vector<16xi32>
    %select_n3A_142 = arith.select %ge3A_139, %get3A_136, %broadcast_in_dim3A_141 : vector<16xi1>, vector<16xi32>
    %add3A_143 = arith.constant 64 : i32
    %add3A_144 = arith.addi %mul3A_2, %add3A_143 : i32
    %add3A_145 = vector.broadcast %add3A_144 : i32 to vector<16xi32>
    %add3A_146 = arith.addi %add3A_145, %iota3A : vector<16xi32>
    %add3A_147 = arith.constant 10224 : i32
    %add3A_148 = vector.broadcast %add3A_147 : i32 to vector<16xi32>
    %add3A_149 = arith.addi %add3A_148, %iota3A : vector<16xi32>
    %select_n3A_150 = arith.select %ge3A_139, %add3A_146, %add3A_149 : vector<16xi1>, vector<16xi32>
    %dma_start3A_151 = arith.constant 64 : i32
    %dma_start3A_152 = arith.constant 0 : i32
    %dma_start3A_153 = tpu.memref_slice %arg8[%dma_start3A_151, %dma_start3A_152] : memref<320x128xf32, #tpu.memory_space<vmem>> -> memref<16x128xf32, #tpu.memory_space<vmem>>
    %dma_start3A_154 = arith.constant 0 : i32
    %dma_start3A_155 = arith.constant 0 : i32
    %dma_start3A_156 = tpu.memref_slice %arg4[%dma_start3A_154, %dma_start3A_155] : memref<6144x128xf32, #tpu.memory_space<hbm>> -> memref<6144x128xf32, #tpu.memory_space<hbm>>
    tpu.enqueue_indirect_dma source(%dma_start3A_156 : memref<6144x128xf32, #tpu.memory_space<hbm>>) target(%dma_start3A_153 : memref<16x128xf32, #tpu.memory_space<vmem>>) offsets(%select_n3A_142 : vector<16xi32>) semaphore(%arg10 : memref<!tpu.dma_semaphore, #tpu.memory_space<semaphore_mem>>)
    %get3A_157 = arith.constant 80 : index
    %get3A_158 = tpu.vector_load %arg7[%get3A_157] {strides = array<i32>} : memref<320xi32, #tpu.memory_space<vmem>>, vector<16xi32>,
    %ge3A_159 = arith.constant 0 : i32
    %ge3A_160 = vector.broadcast %ge3A_159 : i32 to vector<16xi32>
    %ge3A_161 = arith.cmpi sge, %get3A_158, %ge3A_160 : vector<16xi32>
    %jit3A_162 = arith.constant 0 : i32
    %broadcast_in_dim3A_163 = vector.broadcast %jit3A_162 : i32 to vector<16xi32>
    %select_n3A_164 = arith.select %ge3A_161, %get3A_158, %broadcast_in_dim3A_163 : vector<16xi1>, vector<16xi32>
    %add3A_165 = arith.constant 80 : i32
    %add3A_166 = arith.addi %mul3A_2, %add3A_165 : i32
    %add3A_167 = vector.broadcast %add3A_166 : i32 to vector<16xi32>
    %add3A_168 = arith.addi %add3A_167, %iota3A : vector<16xi32>
    %add3A_169 = arith.constant 10224 : i32
    %add3A_170 = vector.broadcast %add3A_169 : i32 to vector<16xi32>
    %add3A_171 = arith.addi %add3A_170, %iota3A : vector<16xi32>
    %select_n3A_172 = arith.select %ge3A_161, %add3A_168, %add3A_171 : vector<16xi1>, vector<16xi32>
    %dma_start3A_173 = arith.constant 80 : i32
    %dma_start3A_174 = arith.constant 0 : i32
    %dma_start3A_175 = tpu.memref_slice %arg8[%dma_start3A_173, %dma_start3A_174] : memref<320x128xf32, #tpu.memory_space<vmem>> -> memref<16x128xf32, #tpu.memory_space<vmem>>
    %dma_start3A_176 = arith.constant 0 : i32
    %dma_start3A_177 = arith.constant 0 : i32
    %dma_start3A_178 = tpu.memref_slice %arg4[%dma_start3A_176, %dma_start3A_177] : memref<6144x128xf32, #tpu.memory_space<hbm>> -> memref<6144x128xf32, #tpu.memory_space<hbm>>
    tpu.enqueue_indirect_dma source(%dma_start3A_178 : memref<6144x128xf32, #tpu.memory_space<hbm>>) target(%dma_start3A_175 : memref<16x128xf32, #tpu.memory_space<vmem>>) offsets(%select_n3A_164 : vector<16xi32>) semaphore(%arg10 : memref<!tpu.dma_semaphore, #tpu.memory_space<semaphore_mem>>)
    %get3A_179 = arith.constant 96 : index
    %get3A_180 = tpu.vector_load %arg7[%get3A_179] {strides = array<i32>} : memref<320xi32, #tpu.memory_space<vmem>>, vector<16xi32>,
    %ge3A_181 = arith.constant 0 : i32
    %ge3A_182 = vector.broadcast %ge3A_181 : i32 to vector<16xi32>
    %ge3A_183 = arith.cmpi sge, %get3A_180, %ge3A_182 : vector<16xi32>
    %jit3A_184 = arith.constant 0 : i32
    %broadcast_in_dim3A_185 = vector.broadcast %jit3A_184 : i32 to vector<16xi32>
    %select_n3A_186 = arith.select %ge3A_183, %get3A_180, %broadcast_in_dim3A_185 : vector<16xi1>, vector<16xi32>
    %add3A_187 = arith.constant 96 : i32
    %add3A_188 = arith.addi %mul3A_2, %add3A_187 : i32
    %add3A_189 = vector.broadcast %add3A_188 : i32 to vector<16xi32>
    %add3A_190 = arith.addi %add3A_189, %iota3A : vector<16xi32>
    %add3A_191 = arith.constant 10224 : i32
    %add3A_192 = vector.broadcast %add3A_191 : i32 to vector<16xi32>
    %add3A_193 = arith.addi %add3A_192, %iota3A : vector<16xi32>
    %select_n3A_194 = arith.select %ge3A_183, %add3A_190, %add3A_193 : vector<16xi1>, vector<16xi32>
    %dma_start3A_195 = arith.constant 96 : i32
    %dma_start3A_196 = arith.constant 0 : i32
    %dma_start3A_197 = tpu.memref_slice %arg8[%dma_start3A_195, %dma_start3A_196] : memref<320x128xf32, #tpu.memory_space<vmem>> -> memref<16x128xf32, #tpu.memory_space<vmem>>
    %dma_start3A_198 = arith.constant 0 : i32
    %dma_start3A_199 = arith.constant 0 : i32
    %dma_start3A_200 = tpu.memref_slice %arg4[%dma_start3A_198, %dma_start3A_199] : memref<6144x128xf32, #tpu.memory_space<hbm>> -> memref<6144x128xf32, #tpu.memory_space<hbm>>
    tpu.enqueue_indirect_dma source(%dma_start3A_200 : memref<6144x128xf32, #tpu.memory_space<hbm>>) target(%dma_start3A_197 : memref<16x128xf32, #tpu.memory_space<vmem>>) offsets(%select_n3A_186 : vector<16xi32>) semaphore(%arg10 : memref<!tpu.dma_semaphore, #tpu.memory_space<semaphore_mem>>)
    %get3A_201 = arith.constant 112 : index
    %get3A_202 = tpu.vector_load %arg7[%get3A_201] {strides = array<i32>} : memref<320xi32, #tpu.memory_space<vmem>>, vector<16xi32>,
    %ge3A_203 = arith.constant 0 : i32
    %ge3A_204 = vector.broadcast %ge3A_203 : i32 to vector<16xi32>
    %ge3A_205 = arith.cmpi sge, %get3A_202, %ge3A_204 : vector<16xi32>
    %jit3A_206 = arith.constant 0 : i32
    %broadcast_in_dim3A_207 = vector.broadcast %jit3A_206 : i32 to vector<16xi32>
    %select_n3A_208 = arith.select %ge3A_205, %get3A_202, %broadcast_in_dim3A_207 : vector<16xi1>, vector<16xi32>
    %add3A_209 = arith.constant 112 : i32
    %add3A_210 = arith.addi %mul3A_2, %add3A_209 : i32
    %add3A_211 = vector.broadcast %add3A_210 : i32 to vector<16xi32>
    %add3A_212 = arith.addi %add3A_211, %iota3A : vector<16xi32>
    %add3A_213 = arith.constant 10224 : i32
    %add3A_214 = vector.broadcast %add3A_213 : i32 to vector<16xi32>
    %add3A_215 = arith.addi %add3A_214, %iota3A : vector<16xi32>
    %select_n3A_216 = arith.select %ge3A_205, %add3A_212, %add3A_215 : vector<16xi1>, vector<16xi32>
    %dma_start3A_217 = arith.constant 112 : i32
    %dma_start3A_218 = arith.constant 0 : i32
    %dma_start3A_219 = tpu.memref_slice %arg8[%dma_start3A_217, %dma_start3A_218] : memref<320x128xf32, #tpu.memory_space<vmem>> -> memref<16x128xf32, #tpu.memory_space<vmem>>
    %dma_start3A_220 = arith.constant 0 : i32
    %dma_start3A_221 = arith.constant 0 : i32
    %dma_start3A_222 = tpu.memref_slice %arg4[%dma_start3A_220, %dma_start3A_221] : memref<6144x128xf32, #tpu.memory_space<hbm>> -> memref<6144x128xf32, #tpu.memory_space<hbm>>
    tpu.enqueue_indirect_dma source(%dma_start3A_222 : memref<6144x128xf32, #tpu.memory_space<hbm>>) target(%dma_start3A_219 : memref<16x128xf32, #tpu.memory_space<vmem>>) offsets(%select_n3A_208 : vector<16xi32>) semaphore(%arg10 : memref<!tpu.dma_semaphore, #tpu.memory_space<semaphore_mem>>)
    %get3A_223 = arith.constant 128 : index
    %get3A_224 = tpu.vector_load %arg7[%get3A_223] {strides = array<i32>} : memref<320xi32, #tpu.memory_space<vmem>>, vector<16xi32>,
    %ge3A_225 = arith.constant 0 : i32
    %ge3A_226 = vector.broadcast %ge3A_225 : i32 to vector<16xi32>
    %ge3A_227 = arith.cmpi sge, %get3A_224, %ge3A_226 : vector<16xi32>
    %jit3A_228 = arith.constant 0 : i32
    %broadcast_in_dim3A_229 = vector.broadcast %jit3A_228 : i32 to vector<16xi32>
    %select_n3A_230 = arith.select %ge3A_227, %get3A_224, %broadcast_in_dim3A_229 : vector<16xi1>, vector<16xi32>
    %add3A_231 = arith.constant 128 : i32
    %add3A_232 = arith.addi %mul3A_2, %add3A_231 : i32
    %add3A_233 = vector.broadcast %add3A_232 : i32 to vector<16xi32>
    %add3A_234 = arith.addi %add3A_233, %iota3A : vector<16xi32>
    %add3A_235 = arith.constant 10224 : i32
    %add3A_236 = vector.broadcast %add3A_235 : i32 to vector<16xi32>
    %add3A_237 = arith.addi %add3A_236, %iota3A : vector<16xi32>
    %select_n3A_238 = arith.select %ge3A_227, %add3A_234, %add3A_237 : vector<16xi1>, vector<16xi32>
    %dma_start3A_239 = arith.constant 128 : i32
    %dma_start3A_240 = arith.constant 0 : i32
    %dma_start3A_241 = tpu.memref_slice %arg8[%dma_start3A_239, %dma_start3A_240] : memref<320x128xf32, #tpu.memory_space<vmem>> -> memref<16x128xf32, #tpu.memory_space<vmem>>
    %dma_start3A_242 = arith.constant 0 : i32
    %dma_start3A_243 = arith.constant 0 : i32
    %dma_start3A_244 = tpu.memref_slice %arg4[%dma_start3A_242, %dma_start3A_243] : memref<6144x128xf32, #tpu.memory_space<hbm>> -> memref<6144x128xf32, #tpu.memory_space<hbm>>
    tpu.enqueue_indirect_dma source(%dma_start3A_244 : memref<6144x128xf32, #tpu.memory_space<hbm>>) target(%dma_start3A_241 : memref<16x128xf32, #tpu.memory_space<vmem>>) offsets(%select_n3A_230 : vector<16xi32>) semaphore(%arg10 : memref<!tpu.dma_semaphore, #tpu.memory_space<semaphore_mem>>)
    %get3A_245 = arith.constant 144 : index
    %get3A_246 = tpu.vector_load %arg7[%get3A_245] {strides = array<i32>} : memref<320xi32, #tpu.memory_space<vmem>>, vector<16xi32>,
    %ge3A_247 = arith.constant 0 : i32
    %ge3A_248 = vector.broadcast %ge3A_247 : i32 to vector<16xi32>
    %ge3A_249 = arith.cmpi sge, %get3A_246, %ge3A_248 : vector<16xi32>
    %jit3A_250 = arith.constant 0 : i32
    %broadcast_in_dim3A_251 = vector.broadcast %jit3A_250 : i32 to vector<16xi32>
    %select_n3A_252 = arith.select %ge3A_249, %get3A_246, %broadcast_in_dim3A_251 : vector<16xi1>, vector<16xi32>
    %add3A_253 = arith.constant 144 : i32
    %add3A_254 = arith.addi %mul3A_2, %add3A_253 : i32
    %add3A_255 = vector.broadcast %add3A_254 : i32 to vector<16xi32>
    %add3A_256 = arith.addi %add3A_255, %iota3A : vector<16xi32>
    %add3A_257 = arith.constant 10224 : i32
    %add3A_258 = vector.broadcast %add3A_257 : i32 to vector<16xi32>
    %add3A_259 = arith.addi %add3A_258, %iota3A : vector<16xi32>
    %select_n3A_260 = arith.select %ge3A_249, %add3A_256, %add3A_259 : vector<16xi1>, vector<16xi32>
    %dma_start3A_261 = arith.constant 144 : i32
    %dma_start3A_262 = arith.constant 0 : i32
    %dma_start3A_263 = tpu.memref_slice %arg8[%dma_start3A_261, %dma_start3A_262] : memref<320x128xf32, #tpu.memory_space<vmem>> -> memref<16x128xf32, #tpu.memory_space<vmem>>
    %dma_start3A_264 = arith.constant 0 : i32
    %dma_start3A_265 = arith.constant 0 : i32
    %dma_start3A_266 = tpu.memref_slice %arg4[%dma_start3A_264, %dma_start3A_265] : memref<6144x128xf32, #tpu.memory_space<hbm>> -> memref<6144x128xf32, #tpu.memory_space<hbm>>
    tpu.enqueue_indirect_dma source(%dma_start3A_266 : memref<6144x128xf32, #tpu.memory_space<hbm>>) target(%dma_start3A_263 : memref<16x128xf32, #tpu.memory_space<vmem>>) offsets(%select_n3A_252 : vector<16xi32>) semaphore(%arg10 : memref<!tpu.dma_semaphore, #tpu.memory_space<semaphore_mem>>)
    %get3A_267 = arith.constant 160 : index
    %get3A_268 = tpu.vector_load %arg7[%get3A_267] {strides = array<i32>} : memref<320xi32, #tpu.memory_space<vmem>>, vector<16xi32>,
    %ge3A_269 = arith.constant 0 : i32
    %ge3A_270 = vector.broadcast %ge3A_269 : i32 to vector<16xi32>
    %ge3A_271 = arith.cmpi sge, %get3A_268, %ge3A_270 : vector<16xi32>
    %jit3A_272 = arith.constant 0 : i32
    %broadcast_in_dim3A_273 = vector.broadcast %jit3A_272 : i32 to vector<16xi32>
    %select_n3A_274 = arith.select %ge3A_271, %get3A_268, %broadcast_in_dim3A_273 : vector<16xi1>, vector<16xi32>
    %add3A_275 = arith.constant 160 : i32
    %add3A_276 = arith.addi %mul3A_2, %add3A_275 : i32
    %add3A_277 = vector.broadcast %add3A_276 : i32 to vector<16xi32>
    %add3A_278 = arith.addi %add3A_277, %iota3A : vector<16xi32>
    %add3A_279 = arith.constant 10224 : i32
    %add3A_280 = vector.broadcast %add3A_279 : i32 to vector<16xi32>
    %add3A_281 = arith.addi %add3A_280, %iota3A : vector<16xi32>
    %select_n3A_282 = arith.select %ge3A_271, %add3A_278, %add3A_281 : vector<16xi1>, vector<16xi32>
    %dma_start3A_283 = arith.constant 160 : i32
    %dma_start3A_284 = arith.constant 0 : i32
    %dma_start3A_285 = tpu.memref_slice %arg8[%dma_start3A_283, %dma_start3A_284] : memref<320x128xf32, #tpu.memory_space<vmem>> -> memref<16x128xf32, #tpu.memory_space<vmem>>
    %dma_start3A_286 = arith.constant 0 : i32
    %dma_start3A_287 = arith.constant 0 : i32
    %dma_start3A_288 = tpu.memref_slice %arg4[%dma_start3A_286, %dma_start3A_287] : memref<6144x128xf32, #tpu.memory_space<hbm>> -> memref<6144x128xf32, #tpu.memory_space<hbm>>
    tpu.enqueue_indirect_dma source(%dma_start3A_288 : memref<6144x128xf32, #tpu.memory_space<hbm>>) target(%dma_start3A_285 : memref<16x128xf32, #tpu.memory_space<vmem>>) offsets(%select_n3A_274 : vector<16xi32>) semaphore(%arg10 : memref<!tpu.dma_semaphore, #tpu.memory_space<semaphore_mem>>)
    %get3A_289 = arith.constant 176 : index
    %get3A_290 = tpu.vector_load %arg7[%get3A_289] {strides = array<i32>} : memref<320xi32, #tpu.memory_space<vmem>>, vector<16xi32>,
    %ge3A_291 = arith.constant 0 : i32
    %ge3A_292 = vector.broadcast %ge3A_291 : i32 to vector<16xi32>
    %ge3A_293 = arith.cmpi sge, %get3A_290, %ge3A_292 : vector<16xi32>
    %jit3A_294 = arith.constant 0 : i32
    %broadcast_in_dim3A_295 = vector.broadcast %jit3A_294 : i32 to vector<16xi32>
    %select_n3A_296 = arith.select %ge3A_293, %get3A_290, %broadcast_in_dim3A_295 : vector<16xi1>, vector<16xi32>
    %add3A_297 = arith.constant 176 : i32
    %add3A_298 = arith.addi %mul3A_2, %add3A_297 : i32
    %add3A_299 = vector.broadcast %add3A_298 : i32 to vector<16xi32>
    %add3A_300 = arith.addi %add3A_299, %iota3A : vector<16xi32>
    %add3A_301 = arith.constant 10224 : i32
    %add3A_302 = vector.broadcast %add3A_301 : i32 to vector<16xi32>
    %add3A_303 = arith.addi %add3A_302, %iota3A : vector<16xi32>
    %select_n3A_304 = arith.select %ge3A_293, %add3A_300, %add3A_303 : vector<16xi1>, vector<16xi32>
    %dma_start3A_305 = arith.constant 176 : i32
    %dma_start3A_306 = arith.constant 0 : i32
    %dma_start3A_307 = tpu.memref_slice %arg8[%dma_start3A_305, %dma_start3A_306] : memref<320x128xf32, #tpu.memory_space<vmem>> -> memref<16x128xf32, #tpu.memory_space<vmem>>
    %dma_start3A_308 = arith.constant 0 : i32
    %dma_start3A_309 = arith.constant 0 : i32
    %dma_start3A_310 = tpu.memref_slice %arg4[%dma_start3A_308, %dma_start3A_309] : memref<6144x128xf32, #tpu.memory_space<hbm>> -> memref<6144x128xf32, #tpu.memory_space<hbm>>
    tpu.enqueue_indirect_dma source(%dma_start3A_310 : memref<6144x128xf32, #tpu.memory_space<hbm>>) target(%dma_start3A_307 : memref<16x128xf32, #tpu.memory_space<vmem>>) offsets(%select_n3A_296 : vector<16xi32>) semaphore(%arg10 : memref<!tpu.dma_semaphore, #tpu.memory_space<semaphore_mem>>)
    %get3A_311 = arith.constant 192 : index
    %get3A_312 = tpu.vector_load %arg7[%get3A_311] {strides = array<i32>} : memref<320xi32, #tpu.memory_space<vmem>>, vector<16xi32>,
    %ge3A_313 = arith.constant 0 : i32
    %ge3A_314 = vector.broadcast %ge3A_313 : i32 to vector<16xi32>
    %ge3A_315 = arith.cmpi sge, %get3A_312, %ge3A_314 : vector<16xi32>
    %jit3A_316 = arith.constant 0 : i32
    %broadcast_in_dim3A_317 = vector.broadcast %jit3A_316 : i32 to vector<16xi32>
    %select_n3A_318 = arith.select %ge3A_315, %get3A_312, %broadcast_in_dim3A_317 : vector<16xi1>, vector<16xi32>
    %add3A_319 = arith.constant 192 : i32
    %add3A_320 = arith.addi %mul3A_2, %add3A_319 : i32
    %add3A_321 = vector.broadcast %add3A_320 : i32 to vector<16xi32>
    %add3A_322 = arith.addi %add3A_321, %iota3A : vector<16xi32>
    %add3A_323 = arith.constant 10224 : i32
    %add3A_324 = vector.broadcast %add3A_323 : i32 to vector<16xi32>
    %add3A_325 = arith.addi %add3A_324, %iota3A : vector<16xi32>
    %select_n3A_326 = arith.select %ge3A_315, %add3A_322, %add3A_325 : vector<16xi1>, vector<16xi32>
    %dma_start3A_327 = arith.constant 192 : i32
    %dma_start3A_328 = arith.constant 0 : i32
    %dma_start3A_329 = tpu.memref_slice %arg8[%dma_start3A_327, %dma_start3A_328] : memref<320x128xf32, #tpu.memory_space<vmem>> -> memref<16x128xf32, #tpu.memory_space<vmem>>
    %dma_start3A_330 = arith.constant 0 : i32
    %dma_start3A_331 = arith.constant 0 : i32
    %dma_start3A_332 = tpu.memref_slice %arg4[%dma_start3A_330, %dma_start3A_331] : memref<6144x128xf32, #tpu.memory_space<hbm>> -> memref<6144x128xf32, #tpu.memory_space<hbm>>
    tpu.enqueue_indirect_dma source(%dma_start3A_332 : memref<6144x128xf32, #tpu.memory_space<hbm>>) target(%dma_start3A_329 : memref<16x128xf32, #tpu.memory_space<vmem>>) offsets(%select_n3A_318 : vector<16xi32>) semaphore(%arg10 : memref<!tpu.dma_semaphore, #tpu.memory_space<semaphore_mem>>)
    %get3A_333 = arith.constant 208 : index
    %get3A_334 = tpu.vector_load %arg7[%get3A_333] {strides = array<i32>} : memref<320xi32, #tpu.memory_space<vmem>>, vector<16xi32>,
    %ge3A_335 = arith.constant 0 : i32
    %ge3A_336 = vector.broadcast %ge3A_335 : i32 to vector<16xi32>
    %ge3A_337 = arith.cmpi sge, %get3A_334, %ge3A_336 : vector<16xi32>
    %jit3A_338 = arith.constant 0 : i32
    %broadcast_in_dim3A_339 = vector.broadcast %jit3A_338 : i32 to vector<16xi32>
    %select_n3A_340 = arith.select %ge3A_337, %get3A_334, %broadcast_in_dim3A_339 : vector<16xi1>, vector<16xi32>
    %add3A_341 = arith.constant 208 : i32
    %add3A_342 = arith.addi %mul3A_2, %add3A_341 : i32
    %add3A_343 = vector.broadcast %add3A_342 : i32 to vector<16xi32>
    %add3A_344 = arith.addi %add3A_343, %iota3A : vector<16xi32>
    %add3A_345 = arith.constant 10224 : i32
    %add3A_346 = vector.broadcast %add3A_345 : i32 to vector<16xi32>
    %add3A_347 = arith.addi %add3A_346, %iota3A : vector<16xi32>
    %select_n3A_348 = arith.select %ge3A_337, %add3A_344, %add3A_347 : vector<16xi1>, vector<16xi32>
    %dma_start3A_349 = arith.constant 208 : i32
    %dma_start3A_350 = arith.constant 0 : i32
    %dma_start3A_351 = tpu.memref_slice %arg8[%dma_start3A_349, %dma_start3A_350] : memref<320x128xf32, #tpu.memory_space<vmem>> -> memref<16x128xf32, #tpu.memory_space<vmem>>
    %dma_start3A_352 = arith.constant 0 : i32
    %dma_start3A_353 = arith.constant 0 : i32
    %dma_start3A_354 = tpu.memref_slice %arg4[%dma_start3A_352, %dma_start3A_353] : memref<6144x128xf32, #tpu.memory_space<hbm>> -> memref<6144x128xf32, #tpu.memory_space<hbm>>
    tpu.enqueue_indirect_dma source(%dma_start3A_354 : memref<6144x128xf32, #tpu.memory_space<hbm>>) target(%dma_start3A_351 : memref<16x128xf32, #tpu.memory_space<vmem>>) offsets(%select_n3A_340 : vector<16xi32>) semaphore(%arg10 : memref<!tpu.dma_semaphore, #tpu.memory_space<semaphore_mem>>)
    %get3A_355 = arith.constant 224 : index
    %get3A_356 = tpu.vector_load %arg7[%get3A_355] {strides = array<i32>} : memref<320xi32, #tpu.memory_space<vmem>>, vector<16xi32>,
    %ge3A_357 = arith.constant 0 : i32
    %ge3A_358 = vector.broadcast %ge3A_357 : i32 to vector<16xi32>
    %ge3A_359 = arith.cmpi sge, %get3A_356, %ge3A_358 : vector<16xi32>
    %jit3A_360 = arith.constant 0 : i32
    %broadcast_in_dim3A_361 = vector.broadcast %jit3A_360 : i32 to vector<16xi32>
    %select_n3A_362 = arith.select %ge3A_359, %get3A_356, %broadcast_in_dim3A_361 : vector<16xi1>, vector<16xi32>
    %add3A_363 = arith.constant 224 : i32
    %add3A_364 = arith.addi %mul3A_2, %add3A_363 : i32
    %add3A_365 = vector.broadcast %add3A_364 : i32 to vector<16xi32>
    %add3A_366 = arith.addi %add3A_365, %iota3A : vector<16xi32>
    %add3A_367 = arith.constant 10224 : i32
    %add3A_368 = vector.broadcast %add3A_367 : i32 to vector<16xi32>
    %add3A_369 = arith.addi %add3A_368, %iota3A : vector<16xi32>
    %select_n3A_370 = arith.select %ge3A_359, %add3A_366, %add3A_369 : vector<16xi1>, vector<16xi32>
    %dma_start3A_371 = arith.constant 224 : i32
    %dma_start3A_372 = arith.constant 0 : i32
    %dma_start3A_373 = tpu.memref_slice %arg8[%dma_start3A_371, %dma_start3A_372] : memref<320x128xf32, #tpu.memory_space<vmem>> -> memref<16x128xf32, #tpu.memory_space<vmem>>
    %dma_start3A_374 = arith.constant 0 : i32
    %dma_start3A_375 = arith.constant 0 : i32
    %dma_start3A_376 = tpu.memref_slice %arg4[%dma_start3A_374, %dma_start3A_375] : memref<6144x128xf32, #tpu.memory_space<hbm>> -> memref<6144x128xf32, #tpu.memory_space<hbm>>
    tpu.enqueue_indirect_dma source(%dma_start3A_376 : memref<6144x128xf32, #tpu.memory_space<hbm>>) target(%dma_start3A_373 : memref<16x128xf32, #tpu.memory_space<vmem>>) offsets(%select_n3A_362 : vector<16xi32>) semaphore(%arg10 : memref<!tpu.dma_semaphore, #tpu.memory_space<semaphore_mem>>)
    %get3A_377 = arith.constant 240 : index
    %get3A_378 = tpu.vector_load %arg7[%get3A_377] {strides = array<i32>} : memref<320xi32, #tpu.memory_space<vmem>>, vector<16xi32>,
    %ge3A_379 = arith.constant 0 : i32
    %ge3A_380 = vector.broadcast %ge3A_379 : i32 to vector<16xi32>
    %ge3A_381 = arith.cmpi sge, %get3A_378, %ge3A_380 : vector<16xi32>
    %jit3A_382 = arith.constant 0 : i32
    %broadcast_in_dim3A_383 = vector.broadcast %jit3A_382 : i32 to vector<16xi32>
    %select_n3A_384 = arith.select %ge3A_381, %get3A_378, %broadcast_in_dim3A_383 : vector<16xi1>, vector<16xi32>
    %add3A_385 = arith.constant 240 : i32
    %add3A_386 = arith.addi %mul3A_2, %add3A_385 : i32
    %add3A_387 = vector.broadcast %add3A_386 : i32 to vector<16xi32>
    %add3A_388 = arith.addi %add3A_387, %iota3A : vector<16xi32>
    %add3A_389 = arith.constant 10224 : i32
    %add3A_390 = vector.broadcast %add3A_389 : i32 to vector<16xi32>
    %add3A_391 = arith.addi %add3A_390, %iota3A : vector<16xi32>
    %select_n3A_392 = arith.select %ge3A_381, %add3A_388, %add3A_391 : vector<16xi1>, vector<16xi32>
    %dma_start3A_393 = arith.constant 240 : i32
    %dma_start3A_394 = arith.constant 0 : i32
    %dma_start3A_395 = tpu.memref_slice %arg8[%dma_start3A_393, %dma_start3A_394] : memref<320x128xf32, #tpu.memory_space<vmem>> -> memref<16x128xf32, #tpu.memory_space<vmem>>
    %dma_start3A_396 = arith.constant 0 : i32
    %dma_start3A_397 = arith.constant 0 : i32
    %dma_start3A_398 = tpu.memref_slice %arg4[%dma_start3A_396, %dma_start3A_397] : memref<6144x128xf32, #tpu.memory_space<hbm>> -> memref<6144x128xf32, #tpu.memory_space<hbm>>
    tpu.enqueue_indirect_dma source(%dma_start3A_398 : memref<6144x128xf32, #tpu.memory_space<hbm>>) target(%dma_start3A_395 : memref<16x128xf32, #tpu.memory_space<vmem>>) offsets(%select_n3A_384 : vector<16xi32>) semaphore(%arg10 : memref<!tpu.dma_semaphore, #tpu.memory_space<semaphore_mem>>)
    %get3A_399 = arith.constant 256 : index
    %get3A_400 = tpu.vector_load %arg7[%get3A_399] {strides = array<i32>} : memref<320xi32, #tpu.memory_space<vmem>>, vector<16xi32>,
    %ge3A_401 = arith.constant 0 : i32
    %ge3A_402 = vector.broadcast %ge3A_401 : i32 to vector<16xi32>
    %ge3A_403 = arith.cmpi sge, %get3A_400, %ge3A_402 : vector<16xi32>
    %jit3A_404 = arith.constant 0 : i32
    %broadcast_in_dim3A_405 = vector.broadcast %jit3A_404 : i32 to vector<16xi32>
    %select_n3A_406 = arith.select %ge3A_403, %get3A_400, %broadcast_in_dim3A_405 : vector<16xi1>, vector<16xi32>
    %add3A_407 = arith.constant 256 : i32
    %add3A_408 = arith.addi %mul3A_2, %add3A_407 : i32
    %add3A_409 = vector.broadcast %add3A_408 : i32 to vector<16xi32>
    %add3A_410 = arith.addi %add3A_409, %iota3A : vector<16xi32>
    %add3A_411 = arith.constant 10224 : i32
    %add3A_412 = vector.broadcast %add3A_411 : i32 to vector<16xi32>
    %add3A_413 = arith.addi %add3A_412, %iota3A : vector<16xi32>
    %select_n3A_414 = arith.select %ge3A_403, %add3A_410, %add3A_413 : vector<16xi1>, vector<16xi32>
    %dma_start3A_415 = arith.constant 256 : i32
    %dma_start3A_416 = arith.constant 0 : i32
    %dma_start3A_417 = tpu.memref_slice %arg8[%dma_start3A_415, %dma_start3A_416] : memref<320x128xf32, #tpu.memory_space<vmem>> -> memref<16x128xf32, #tpu.memory_space<vmem>>
    %dma_start3A_418 = arith.constant 0 : i32
    %dma_start3A_419 = arith.constant 0 : i32
    %dma_start3A_420 = tpu.memref_slice %arg4[%dma_start3A_418, %dma_start3A_419] : memref<6144x128xf32, #tpu.memory_space<hbm>> -> memref<6144x128xf32, #tpu.memory_space<hbm>>
    tpu.enqueue_indirect_dma source(%dma_start3A_420 : memref<6144x128xf32, #tpu.memory_space<hbm>>) target(%dma_start3A_417 : memref<16x128xf32, #tpu.memory_space<vmem>>) offsets(%select_n3A_406 : vector<16xi32>) semaphore(%arg10 : memref<!tpu.dma_semaphore, #tpu.memory_space<semaphore_mem>>)
    %get3A_421 = arith.constant 272 : index
    %get3A_422 = tpu.vector_load %arg7[%get3A_421] {strides = array<i32>} : memref<320xi32, #tpu.memory_space<vmem>>, vector<16xi32>,
    %ge3A_423 = arith.constant 0 : i32
    %ge3A_424 = vector.broadcast %ge3A_423 : i32 to vector<16xi32>
    %ge3A_425 = arith.cmpi sge, %get3A_422, %ge3A_424 : vector<16xi32>
    %jit3A_426 = arith.constant 0 : i32
    %broadcast_in_dim3A_427 = vector.broadcast %jit3A_426 : i32 to vector<16xi32>
    %select_n3A_428 = arith.select %ge3A_425, %get3A_422, %broadcast_in_dim3A_427 : vector<16xi1>, vector<16xi32>
    %add3A_429 = arith.constant 272 : i32
    %add3A_430 = arith.addi %mul3A_2, %add3A_429 : i32
    %add3A_431 = vector.broadcast %add3A_430 : i32 to vector<16xi32>
    %add3A_432 = arith.addi %add3A_431, %iota3A : vector<16xi32>
    %add3A_433 = arith.constant 10224 : i32
    %add3A_434 = vector.broadcast %add3A_433 : i32 to vector<16xi32>
    %add3A_435 = arith.addi %add3A_434, %iota3A : vector<16xi32>
    %select_n3A_436 = arith.select %ge3A_425, %add3A_432, %add3A_435 : vector<16xi1>, vector<16xi32>
    %dma_start3A_437 = arith.constant 272 : i32
    %dma_start3A_438 = arith.constant 0 : i32
    %dma_start3A_439 = tpu.memref_slice %arg8[%dma_start3A_437, %dma_start3A_438] : memref<320x128xf32, #tpu.memory_space<vmem>> -> memref<16x128xf32, #tpu.memory_space<vmem>>
    %dma_start3A_440 = arith.constant 0 : i32
    %dma_start3A_441 = arith.constant 0 : i32
    %dma_start3A_442 = tpu.memref_slice %arg4[%dma_start3A_440, %dma_start3A_441] : memref<6144x128xf32, #tpu.memory_space<hbm>> -> memref<6144x128xf32, #tpu.memory_space<hbm>>
    tpu.enqueue_indirect_dma source(%dma_start3A_442 : memref<6144x128xf32, #tpu.memory_space<hbm>>) target(%dma_start3A_439 : memref<16x128xf32, #tpu.memory_space<vmem>>) offsets(%select_n3A_428 : vector<16xi32>) semaphore(%arg10 : memref<!tpu.dma_semaphore, #tpu.memory_space<semaphore_mem>>)
    %get3A_443 = arith.constant 288 : index
    %get3A_444 = tpu.vector_load %arg7[%get3A_443] {strides = array<i32>} : memref<320xi32, #tpu.memory_space<vmem>>, vector<16xi32>,
    %ge3A_445 = arith.constant 0 : i32
    %ge3A_446 = vector.broadcast %ge3A_445 : i32 to vector<16xi32>
    %ge3A_447 = arith.cmpi sge, %get3A_444, %ge3A_446 : vector<16xi32>
    %jit3A_448 = arith.constant 0 : i32
    %broadcast_in_dim3A_449 = vector.broadcast %jit3A_448 : i32 to vector<16xi32>
    %select_n3A_450 = arith.select %ge3A_447, %get3A_444, %broadcast_in_dim3A_449 : vector<16xi1>, vector<16xi32>
    %add3A_451 = arith.constant 288 : i32
    %add3A_452 = arith.addi %mul3A_2, %add3A_451 : i32
    %add3A_453 = vector.broadcast %add3A_452 : i32 to vector<16xi32>
    %add3A_454 = arith.addi %add3A_453, %iota3A : vector<16xi32>
    %add3A_455 = arith.constant 10224 : i32
    %add3A_456 = vector.broadcast %add3A_455 : i32 to vector<16xi32>
    %add3A_457 = arith.addi %add3A_456, %iota3A : vector<16xi32>
    %select_n3A_458 = arith.select %ge3A_447, %add3A_454, %add3A_457 : vector<16xi1>, vector<16xi32>
    %dma_start3A_459 = arith.constant 288 : i32
    %dma_start3A_460 = arith.constant 0 : i32
    %dma_start3A_461 = tpu.memref_slice %arg8[%dma_start3A_459, %dma_start3A_460] : memref<320x128xf32, #tpu.memory_space<vmem>> -> memref<16x128xf32, #tpu.memory_space<vmem>>
    %dma_start3A_462 = arith.constant 0 : i32
    %dma_start3A_463 = arith.constant 0 : i32
    %dma_start3A_464 = tpu.memref_slice %arg4[%dma_start3A_462, %dma_start3A_463] : memref<6144x128xf32, #tpu.memory_space<hbm>> -> memref<6144x128xf32, #tpu.memory_space<hbm>>
    tpu.enqueue_indirect_dma source(%dma_start3A_464 : memref<6144x128xf32, #tpu.memory_space<hbm>>) target(%dma_start3A_461 : memref<16x128xf32, #tpu.memory_space<vmem>>) offsets(%select_n3A_450 : vector<16xi32>) semaphore(%arg10 : memref<!tpu.dma_semaphore, #tpu.memory_space<semaphore_mem>>)
    %get3A_465 = arith.constant 304 : index
    %get3A_466 = tpu.vector_load %arg7[%get3A_465] {strides = array<i32>} : memref<320xi32, #tpu.memory_space<vmem>>, vector<16xi32>,
    %ge3A_467 = arith.constant 0 : i32
    %ge3A_468 = vector.broadcast %ge3A_467 : i32 to vector<16xi32>
    %ge3A_469 = arith.cmpi sge, %get3A_466, %ge3A_468 : vector<16xi32>
    %jit3A_470 = arith.constant 0 : i32
    %broadcast_in_dim3A_471 = vector.broadcast %jit3A_470 : i32 to vector<16xi32>
    %select_n3A_472 = arith.select %ge3A_469, %get3A_466, %broadcast_in_dim3A_471 : vector<16xi1>, vector<16xi32>
    %add3A_473 = arith.constant 304 : i32
    %add3A_474 = arith.addi %mul3A_2, %add3A_473 : i32
    %add3A_475 = vector.broadcast %add3A_474 : i32 to vector<16xi32>
    %add3A_476 = arith.addi %add3A_475, %iota3A : vector<16xi32>
    %add3A_477 = arith.constant 10224 : i32
    %add3A_478 = vector.broadcast %add3A_477 : i32 to vector<16xi32>
    %add3A_479 = arith.addi %add3A_478, %iota3A : vector<16xi32>
    %select_n3A_480 = arith.select %ge3A_469, %add3A_476, %add3A_479 : vector<16xi1>, vector<16xi32>
    %dma_start3A_481 = arith.constant 304 : i32
    %dma_start3A_482 = arith.constant 0 : i32
    %dma_start3A_483 = tpu.memref_slice %arg8[%dma_start3A_481, %dma_start3A_482] : memref<320x128xf32, #tpu.memory_space<vmem>> -> memref<16x128xf32, #tpu.memory_space<vmem>>
    %dma_start3A_484 = arith.constant 0 : i32
    %dma_start3A_485 = arith.constant 0 : i32
    %dma_start3A_486 = tpu.memref_slice %arg4[%dma_start3A_484, %dma_start3A_485] : memref<6144x128xf32, #tpu.memory_space<hbm>> -> memref<6144x128xf32, #tpu.memory_space<hbm>>
    tpu.enqueue_indirect_dma source(%dma_start3A_486 : memref<6144x128xf32, #tpu.memory_space<hbm>>) target(%dma_start3A_483 : memref<16x128xf32, #tpu.memory_space<vmem>>) offsets(%select_n3A_472 : vector<16xi32>) semaphore(%arg10 : memref<!tpu.dma_semaphore, #tpu.memory_space<semaphore_mem>>)
    %dma_wait3A = arith.constant 0 : i32
    %dma_wait3A_487 = arith.constant 0 : i32
    %dma_wait3A_488 = tpu.memref_slice %arg8[%dma_wait3A, %dma_wait3A_487] : memref<320x128xf32, #tpu.memory_space<vmem>> -> memref<16x128xf32, #tpu.memory_space<vmem>>
    %dma_wait3A_489 = arith.constant 0 : i32
    %dma_wait3A_490 = arith.constant 0 : i32
    %dma_wait3A_491 = tpu.memref_slice %arg4[%dma_wait3A_489, %dma_wait3A_490] : memref<6144x128xf32, #tpu.memory_space<hbm>> -> memref<6144x128xf32, #tpu.memory_space<hbm>>
    tpu.wait_indirect_dma semaphore(%arg10 : memref<!tpu.dma_semaphore, #tpu.memory_space<semaphore_mem>>) src(%dma_wait3A_491 : memref<6144x128xf32, #tpu.memory_space<hbm>>) dst(%dma_wait3A_488 : memref<16x128xf32, #tpu.memory_space<vmem>>)
    %dma_wait3A_492 = arith.constant 16 : i32
    %dma_wait3A_493 = arith.constant 0 : i32
    %dma_wait3A_494 = tpu.memref_slice %arg8[%dma_wait3A_492, %dma_wait3A_493] : memref<320x128xf32, #tpu.memory_space<vmem>> -> memref<16x128xf32, #tpu.memory_space<vmem>>
    %dma_wait3A_495 = arith.constant 0 : i32
    %dma_wait3A_496 = arith.constant 0 : i32
    %dma_wait3A_497 = tpu.memref_slice %arg4[%dma_wait3A_495, %dma_wait3A_496] : memref<6144x128xf32, #tpu.memory_space<hbm>> -> memref<6144x128xf32, #tpu.memory_space<hbm>>
    tpu.wait_indirect_dma semaphore(%arg10 : memref<!tpu.dma_semaphore, #tpu.memory_space<semaphore_mem>>) src(%dma_wait3A_497 : memref<6144x128xf32, #tpu.memory_space<hbm>>) dst(%dma_wait3A_494 : memref<16x128xf32, #tpu.memory_space<vmem>>)
    %dma_wait3A_498 = arith.constant 32 : i32
    %dma_wait3A_499 = arith.constant 0 : i32
    %dma_wait3A_500 = tpu.memref_slice %arg8[%dma_wait3A_498, %dma_wait3A_499] : memref<320x128xf32, #tpu.memory_space<vmem>> -> memref<16x128xf32, #tpu.memory_space<vmem>>
    %dma_wait3A_501 = arith.constant 0 : i32
    %dma_wait3A_502 = arith.constant 0 : i32
    %dma_wait3A_503 = tpu.memref_slice %arg4[%dma_wait3A_501, %dma_wait3A_502] : memref<6144x128xf32, #tpu.memory_space<hbm>> -> memref<6144x128xf32, #tpu.memory_space<hbm>>
    tpu.wait_indirect_dma semaphore(%arg10 : memref<!tpu.dma_semaphore, #tpu.memory_space<semaphore_mem>>) src(%dma_wait3A_503 : memref<6144x128xf32, #tpu.memory_space<hbm>>) dst(%dma_wait3A_500 : memref<16x128xf32, #tpu.memory_space<vmem>>)
    %dma_wait3A_504 = arith.constant 48 : i32
    %dma_wait3A_505 = arith.constant 0 : i32
    %dma_wait3A_506 = tpu.memref_slice %arg8[%dma_wait3A_504, %dma_wait3A_505] : memref<320x128xf32, #tpu.memory_space<vmem>> -> memref<16x128xf32, #tpu.memory_space<vmem>>
    %dma_wait3A_507 = arith.constant 0 : i32
    %dma_wait3A_508 = arith.constant 0 : i32
    %dma_wait3A_509 = tpu.memref_slice %arg4[%dma_wait3A_507, %dma_wait3A_508] : memref<6144x128xf32, #tpu.memory_space<hbm>> -> memref<6144x128xf32, #tpu.memory_space<hbm>>
    tpu.wait_indirect_dma semaphore(%arg10 : memref<!tpu.dma_semaphore, #tpu.memory_space<semaphore_mem>>) src(%dma_wait3A_509 : memref<6144x128xf32, #tpu.memory_space<hbm>>) dst(%dma_wait3A_506 : memref<16x128xf32, #tpu.memory_space<vmem>>)
    %dma_wait3A_510 = arith.constant 64 : i32
    %dma_wait3A_511 = arith.constant 0 : i32
    %dma_wait3A_512 = tpu.memref_slice %arg8[%dma_wait3A_510, %dma_wait3A_511] : memref<320x128xf32, #tpu.memory_space<vmem>> -> memref<16x128xf32, #tpu.memory_space<vmem>>
    %dma_wait3A_513 = arith.constant 0 : i32
    %dma_wait3A_514 = arith.constant 0 : i32
    %dma_wait3A_515 = tpu.memref_slice %arg4[%dma_wait3A_513, %dma_wait3A_514] : memref<6144x128xf32, #tpu.memory_space<hbm>> -> memref<6144x128xf32, #tpu.memory_space<hbm>>
    tpu.wait_indirect_dma semaphore(%arg10 : memref<!tpu.dma_semaphore, #tpu.memory_space<semaphore_mem>>) src(%dma_wait3A_515 : memref<6144x128xf32, #tpu.memory_space<hbm>>) dst(%dma_wait3A_512 : memref<16x128xf32, #tpu.memory_space<vmem>>)
    %dma_wait3A_516 = arith.constant 80 : i32
    %dma_wait3A_517 = arith.constant 0 : i32
    %dma_wait3A_518 = tpu.memref_slice %arg8[%dma_wait3A_516, %dma_wait3A_517] : memref<320x128xf32, #tpu.memory_space<vmem>> -> memref<16x128xf32, #tpu.memory_space<vmem>>
    %dma_wait3A_519 = arith.constant 0 : i32
    %dma_wait3A_520 = arith.constant 0 : i32
    %dma_wait3A_521 = tpu.memref_slice %arg4[%dma_wait3A_519, %dma_wait3A_520] : memref<6144x128xf32, #tpu.memory_space<hbm>> -> memref<6144x128xf32, #tpu.memory_space<hbm>>
    tpu.wait_indirect_dma semaphore(%arg10 : memref<!tpu.dma_semaphore, #tpu.memory_space<semaphore_mem>>) src(%dma_wait3A_521 : memref<6144x128xf32, #tpu.memory_space<hbm>>) dst(%dma_wait3A_518 : memref<16x128xf32, #tpu.memory_space<vmem>>)
    %dma_wait3A_522 = arith.constant 96 : i32
    %dma_wait3A_523 = arith.constant 0 : i32
    %dma_wait3A_524 = tpu.memref_slice %arg8[%dma_wait3A_522, %dma_wait3A_523] : memref<320x128xf32, #tpu.memory_space<vmem>> -> memref<16x128xf32, #tpu.memory_space<vmem>>
    %dma_wait3A_525 = arith.constant 0 : i32
    %dma_wait3A_526 = arith.constant 0 : i32
    %dma_wait3A_527 = tpu.memref_slice %arg4[%dma_wait3A_525, %dma_wait3A_526] : memref<6144x128xf32, #tpu.memory_space<hbm>> -> memref<6144x128xf32, #tpu.memory_space<hbm>>
    tpu.wait_indirect_dma semaphore(%arg10 : memref<!tpu.dma_semaphore, #tpu.memory_space<semaphore_mem>>) src(%dma_wait3A_527 : memref<6144x128xf32, #tpu.memory_space<hbm>>) dst(%dma_wait3A_524 : memref<16x128xf32, #tpu.memory_space<vmem>>)
    %dma_wait3A_528 = arith.constant 112 : i32
    %dma_wait3A_529 = arith.constant 0 : i32
    %dma_wait3A_530 = tpu.memref_slice %arg8[%dma_wait3A_528, %dma_wait3A_529] : memref<320x128xf32, #tpu.memory_space<vmem>> -> memref<16x128xf32, #tpu.memory_space<vmem>>
    %dma_wait3A_531 = arith.constant 0 : i32
    %dma_wait3A_532 = arith.constant 0 : i32
    %dma_wait3A_533 = tpu.memref_slice %arg4[%dma_wait3A_531, %dma_wait3A_532] : memref<6144x128xf32, #tpu.memory_space<hbm>> -> memref<6144x128xf32, #tpu.memory_space<hbm>>
    tpu.wait_indirect_dma semaphore(%arg10 : memref<!tpu.dma_semaphore, #tpu.memory_space<semaphore_mem>>) src(%dma_wait3A_533 : memref<6144x128xf32, #tpu.memory_space<hbm>>) dst(%dma_wait3A_530 : memref<16x128xf32, #tpu.memory_space<vmem>>)
    %dma_wait3A_534 = arith.constant 128 : i32
    %dma_wait3A_535 = arith.constant 0 : i32
    %dma_wait3A_536 = tpu.memref_slice %arg8[%dma_wait3A_534, %dma_wait3A_535] : memref<320x128xf32, #tpu.memory_space<vmem>> -> memref<16x128xf32, #tpu.memory_space<vmem>>
    %dma_wait3A_537 = arith.constant 0 : i32
    %dma_wait3A_538 = arith.constant 0 : i32
    %dma_wait3A_539 = tpu.memref_slice %arg4[%dma_wait3A_537, %dma_wait3A_538] : memref<6144x128xf32, #tpu.memory_space<hbm>> -> memref<6144x128xf32, #tpu.memory_space<hbm>>
    tpu.wait_indirect_dma semaphore(%arg10 : memref<!tpu.dma_semaphore, #tpu.memory_space<semaphore_mem>>) src(%dma_wait3A_539 : memref<6144x128xf32, #tpu.memory_space<hbm>>) dst(%dma_wait3A_536 : memref<16x128xf32, #tpu.memory_space<vmem>>)
    %dma_wait3A_540 = arith.constant 144 : i32
    %dma_wait3A_541 = arith.constant 0 : i32
    %dma_wait3A_542 = tpu.memref_slice %arg8[%dma_wait3A_540, %dma_wait3A_541] : memref<320x128xf32, #tpu.memory_space<vmem>> -> memref<16x128xf32, #tpu.memory_space<vmem>>
    %dma_wait3A_543 = arith.constant 0 : i32
    %dma_wait3A_544 = arith.constant 0 : i32
    %dma_wait3A_545 = tpu.memref_slice %arg4[%dma_wait3A_543, %dma_wait3A_544] : memref<6144x128xf32, #tpu.memory_space<hbm>> -> memref<6144x128xf32, #tpu.memory_space<hbm>>
    tpu.wait_indirect_dma semaphore(%arg10 : memref<!tpu.dma_semaphore, #tpu.memory_space<semaphore_mem>>) src(%dma_wait3A_545 : memref<6144x128xf32, #tpu.memory_space<hbm>>) dst(%dma_wait3A_542 : memref<16x128xf32, #tpu.memory_space<vmem>>)
    %dma_wait3A_546 = arith.constant 160 : i32
    %dma_wait3A_547 = arith.constant 0 : i32
    %dma_wait3A_548 = tpu.memref_slice %arg8[%dma_wait3A_546, %dma_wait3A_547] : memref<320x128xf32, #tpu.memory_space<vmem>> -> memref<16x128xf32, #tpu.memory_space<vmem>>
    %dma_wait3A_549 = arith.constant 0 : i32
    %dma_wait3A_550 = arith.constant 0 : i32
    %dma_wait3A_551 = tpu.memref_slice %arg4[%dma_wait3A_549, %dma_wait3A_550] : memref<6144x128xf32, #tpu.memory_space<hbm>> -> memref<6144x128xf32, #tpu.memory_space<hbm>>
    tpu.wait_indirect_dma semaphore(%arg10 : memref<!tpu.dma_semaphore, #tpu.memory_space<semaphore_mem>>) src(%dma_wait3A_551 : memref<6144x128xf32, #tpu.memory_space<hbm>>) dst(%dma_wait3A_548 : memref<16x128xf32, #tpu.memory_space<vmem>>)
    %dma_wait3A_552 = arith.constant 176 : i32
    %dma_wait3A_553 = arith.constant 0 : i32
    %dma_wait3A_554 = tpu.memref_slice %arg8[%dma_wait3A_552, %dma_wait3A_553] : memref<320x128xf32, #tpu.memory_space<vmem>> -> memref<16x128xf32, #tpu.memory_space<vmem>>
    %dma_wait3A_555 = arith.constant 0 : i32
    %dma_wait3A_556 = arith.constant 0 : i32
    %dma_wait3A_557 = tpu.memref_slice %arg4[%dma_wait3A_555, %dma_wait3A_556] : memref<6144x128xf32, #tpu.memory_space<hbm>> -> memref<6144x128xf32, #tpu.memory_space<hbm>>
    tpu.wait_indirect_dma semaphore(%arg10 : memref<!tpu.dma_semaphore, #tpu.memory_space<semaphore_mem>>) src(%dma_wait3A_557 : memref<6144x128xf32, #tpu.memory_space<hbm>>) dst(%dma_wait3A_554 : memref<16x128xf32, #tpu.memory_space<vmem>>)
    %dma_wait3A_558 = arith.constant 192 : i32
    %dma_wait3A_559 = arith.constant 0 : i32
    %dma_wait3A_560 = tpu.memref_slice %arg8[%dma_wait3A_558, %dma_wait3A_559] : memref<320x128xf32, #tpu.memory_space<vmem>> -> memref<16x128xf32, #tpu.memory_space<vmem>>
    %dma_wait3A_561 = arith.constant 0 : i32
    %dma_wait3A_562 = arith.constant 0 : i32
    %dma_wait3A_563 = tpu.memref_slice %arg4[%dma_wait3A_561, %dma_wait3A_562] : memref<6144x128xf32, #tpu.memory_space<hbm>> -> memref<6144x128xf32, #tpu.memory_space<hbm>>
    tpu.wait_indirect_dma semaphore(%arg10 : memref<!tpu.dma_semaphore, #tpu.memory_space<semaphore_mem>>) src(%dma_wait3A_563 : memref<6144x128xf32, #tpu.memory_space<hbm>>) dst(%dma_wait3A_560 : memref<16x128xf32, #tpu.memory_space<vmem>>)
    %dma_wait3A_564 = arith.constant 208 : i32
    %dma_wait3A_565 = arith.constant 0 : i32
    %dma_wait3A_566 = tpu.memref_slice %arg8[%dma_wait3A_564, %dma_wait3A_565] : memref<320x128xf32, #tpu.memory_space<vmem>> -> memref<16x128xf32, #tpu.memory_space<vmem>>
    %dma_wait3A_567 = arith.constant 0 : i32
    %dma_wait3A_568 = arith.constant 0 : i32
    %dma_wait3A_569 = tpu.memref_slice %arg4[%dma_wait3A_567, %dma_wait3A_568] : memref<6144x128xf32, #tpu.memory_space<hbm>> -> memref<6144x128xf32, #tpu.memory_space<hbm>>
    tpu.wait_indirect_dma semaphore(%arg10 : memref<!tpu.dma_semaphore, #tpu.memory_space<semaphore_mem>>) src(%dma_wait3A_569 : memref<6144x128xf32, #tpu.memory_space<hbm>>) dst(%dma_wait3A_566 : memref<16x128xf32, #tpu.memory_space<vmem>>)
    %dma_wait3A_570 = arith.constant 224 : i32
    %dma_wait3A_571 = arith.constant 0 : i32
    %dma_wait3A_572 = tpu.memref_slice %arg8[%dma_wait3A_570, %dma_wait3A_571] : memref<320x128xf32, #tpu.memory_space<vmem>> -> memref<16x128xf32, #tpu.memory_space<vmem>>
    %dma_wait3A_573 = arith.constant 0 : i32
    %dma_wait3A_574 = arith.constant 0 : i32
    %dma_wait3A_575 = tpu.memref_slice %arg4[%dma_wait3A_573, %dma_wait3A_574] : memref<6144x128xf32, #tpu.memory_space<hbm>> -> memref<6144x128xf32, #tpu.memory_space<hbm>>
    tpu.wait_indirect_dma semaphore(%arg10 : memref<!tpu.dma_semaphore, #tpu.memory_space<semaphore_mem>>) src(%dma_wait3A_575 : memref<6144x128xf32, #tpu.memory_space<hbm>>) dst(%dma_wait3A_572 : memref<16x128xf32, #tpu.memory_space<vmem>>)
    %dma_wait3A_576 = arith.constant 240 : i32
    %dma_wait3A_577 = arith.constant 0 : i32
    %dma_wait3A_578 = tpu.memref_slice %arg8[%dma_wait3A_576, %dma_wait3A_577] : memref<320x128xf32, #tpu.memory_space<vmem>> -> memref<16x128xf32, #tpu.memory_space<vmem>>
    %dma_wait3A_579 = arith.constant 0 : i32
    %dma_wait3A_580 = arith.constant 0 : i32
    %dma_wait3A_581 = tpu.memref_slice %arg4[%dma_wait3A_579, %dma_wait3A_580] : memref<6144x128xf32, #tpu.memory_space<hbm>> -> memref<6144x128xf32, #tpu.memory_space<hbm>>
    tpu.wait_indirect_dma semaphore(%arg10 : memref<!tpu.dma_semaphore, #tpu.memory_space<semaphore_mem>>) src(%dma_wait3A_581 : memref<6144x128xf32, #tpu.memory_space<hbm>>) dst(%dma_wait3A_578 : memref<16x128xf32, #tpu.memory_space<vmem>>)
    %dma_wait3A_582 = arith.constant 256 : i32
    %dma_wait3A_583 = arith.constant 0 : i32
    %dma_wait3A_584 = tpu.memref_slice %arg8[%dma_wait3A_582, %dma_wait3A_583] : memref<320x128xf32, #tpu.memory_space<vmem>> -> memref<16x128xf32, #tpu.memory_space<vmem>>
    %dma_wait3A_585 = arith.constant 0 : i32
    %dma_wait3A_586 = arith.constant 0 : i32
    %dma_wait3A_587 = tpu.memref_slice %arg4[%dma_wait3A_585, %dma_wait3A_586] : memref<6144x128xf32, #tpu.memory_space<hbm>> -> memref<6144x128xf32, #tpu.memory_space<hbm>>
    tpu.wait_indirect_dma semaphore(%arg10 : memref<!tpu.dma_semaphore, #tpu.memory_space<semaphore_mem>>) src(%dma_wait3A_587 : memref<6144x128xf32, #tpu.memory_space<hbm>>) dst(%dma_wait3A_584 : memref<16x128xf32, #tpu.memory_space<vmem>>)
    %dma_wait3A_588 = arith.constant 272 : i32
    %dma_wait3A_589 = arith.constant 0 : i32
    %dma_wait3A_590 = tpu.memref_slice %arg8[%dma_wait3A_588, %dma_wait3A_589] : memref<320x128xf32, #tpu.memory_space<vmem>> -> memref<16x128xf32, #tpu.memory_space<vmem>>
    %dma_wait3A_591 = arith.constant 0 : i32
    %dma_wait3A_592 = arith.constant 0 : i32
    %dma_wait3A_593 = tpu.memref_slice %arg4[%dma_wait3A_591, %dma_wait3A_592] : memref<6144x128xf32, #tpu.memory_space<hbm>> -> memref<6144x128xf32, #tpu.memory_space<hbm>>
    tpu.wait_indirect_dma semaphore(%arg10 : memref<!tpu.dma_semaphore, #tpu.memory_space<semaphore_mem>>) src(%dma_wait3A_593 : memref<6144x128xf32, #tpu.memory_space<hbm>>) dst(%dma_wait3A_590 : memref<16x128xf32, #tpu.memory_space<vmem>>)
    %dma_wait3A_594 = arith.constant 288 : i32
    %dma_wait3A_595 = arith.constant 0 : i32
    %dma_wait3A_596 = tpu.memref_slice %arg8[%dma_wait3A_594, %dma_wait3A_595] : memref<320x128xf32, #tpu.memory_space<vmem>> -> memref<16x128xf32, #tpu.memory_space<vmem>>
    %dma_wait3A_597 = arith.constant 0 : i32
    %dma_wait3A_598 = arith.constant 0 : i32
    %dma_wait3A_599 = tpu.memref_slice %arg4[%dma_wait3A_597, %dma_wait3A_598] : memref<6144x128xf32, #tpu.memory_space<hbm>> -> memref<6144x128xf32, #tpu.memory_space<hbm>>
    tpu.wait_indirect_dma semaphore(%arg10 : memref<!tpu.dma_semaphore, #tpu.memory_space<semaphore_mem>>) src(%dma_wait3A_599 : memref<6144x128xf32, #tpu.memory_space<hbm>>) dst(%dma_wait3A_596 : memref<16x128xf32, #tpu.memory_space<vmem>>)
    %dma_wait3A_600 = arith.constant 304 : i32
    %dma_wait3A_601 = arith.constant 0 : i32
    %dma_wait3A_602 = tpu.memref_slice %arg8[%dma_wait3A_600, %dma_wait3A_601] : memref<320x128xf32, #tpu.memory_space<vmem>> -> memref<16x128xf32, #tpu.memory_space<vmem>>
    %dma_wait3A_603 = arith.constant 0 : i32
    %dma_wait3A_604 = arith.constant 0 : i32
    %dma_wait3A_605 = tpu.memref_slice %arg4[%dma_wait3A_603, %dma_wait3A_604] : memref<6144x128xf32, #tpu.memory_space<hbm>> -> memref<6144x128xf32, #tpu.memory_space<hbm>>
    tpu.wait_indirect_dma semaphore(%arg10 : memref<!tpu.dma_semaphore, #tpu.memory_space<semaphore_mem>>) src(%dma_wait3A_605 : memref<6144x128xf32, #tpu.memory_space<hbm>>) dst(%dma_wait3A_602 : memref<16x128xf32, #tpu.memory_space<vmem>>)
    %dma_wait3A_606 = arith.constant 0 : i32
    %dma_wait3A_607 = tpu.memref_slice %arg5[%mul3A_2, %dma_wait3A_606] : memref<10240x128xf32, #tpu.memory_space<hbm>> -> memref<320x128xf32, #tpu.memory_space<hbm>>
    %dma_wait3A_608 = arith.constant 0 : i32
    %dma_wait3A_609 = tpu.memref_slice %arg2[%mul3A_2, %dma_wait3A_608] : memref<10240x128xf32, #tpu.memory_space<hbm>> -> memref<320x128xf32, #tpu.memory_space<hbm>>
    tpu.wait_dma2 semaphore(%arg9 : memref<!tpu.dma_semaphore, #tpu.memory_space<semaphore_mem>>) src(%dma_wait3A_609 : memref<320x128xf32, #tpu.memory_space<hbm>>) dst(%dma_wait3A_607 : memref<320x128xf32, #tpu.memory_space<hbm>>)
    %dma_start3A_610 = arith.constant 0 : i32
    %dma_start3A_611 = arith.constant 0 : i32
    %dma_start3A_612 = tpu.memref_slice %arg8[%dma_start3A_610, %dma_start3A_611] : memref<320x128xf32, #tpu.memory_space<vmem>> -> memref<16x128xf32, #tpu.memory_space<vmem>>
    %dma_start3A_613 = arith.constant 0 : i32
    %dma_start3A_614 = arith.constant 0 : i32
    %dma_start3A_615 = tpu.memref_slice %arg5[%dma_start3A_613, %dma_start3A_614] : memref<10240x128xf32, #tpu.memory_space<hbm>> -> memref<10240x128xf32, #tpu.memory_space<hbm>>
    tpu.enqueue_indirect_dma source(%dma_start3A_612 : memref<16x128xf32, #tpu.memory_space<vmem>>) target(%dma_start3A_615 : memref<10240x128xf32, #tpu.memory_space<hbm>>) offsets(%select_n3A_62 : vector<16xi32>) semaphore(%arg11 : memref<!tpu.dma_semaphore, #tpu.memory_space<semaphore_mem>>)
    %dma_start3A_616 = arith.constant 16 : i32
    %dma_start3A_617 = arith.constant 0 : i32
    %dma_start3A_618 = tpu.memref_slice %arg8[%dma_start3A_616, %dma_start3A_617] : memref<320x128xf32, #tpu.memory_space<vmem>> -> memref<16x128xf32, #tpu.memory_space<vmem>>
    %dma_start3A_619 = arith.constant 0 : i32
    %dma_start3A_620 = arith.constant 0 : i32
    %dma_start3A_621 = tpu.memref_slice %arg5[%dma_start3A_619, %dma_start3A_620] : memref<10240x128xf32, #tpu.memory_space<hbm>> -> memref<10240x128xf32, #tpu.memory_space<hbm>>
    tpu.enqueue_indirect_dma source(%dma_start3A_618 : memref<16x128xf32, #tpu.memory_space<vmem>>) target(%dma_start3A_621 : memref<10240x128xf32, #tpu.memory_space<hbm>>) offsets(%select_n3A_84 : vector<16xi32>) semaphore(%arg11 : memref<!tpu.dma_semaphore, #tpu.memory_space<semaphore_mem>>)
    %dma_start3A_622 = arith.constant 32 : i32
    %dma_start3A_623 = arith.constant 0 : i32
    %dma_start3A_624 = tpu.memref_slice %arg8[%dma_start3A_622, %dma_start3A_623] : memref<320x128xf32, #tpu.memory_space<vmem>> -> memref<16x128xf32, #tpu.memory_space<vmem>>
    %dma_start3A_625 = arith.constant 0 : i32
    %dma_start3A_626 = arith.constant 0 : i32
    %dma_start3A_627 = tpu.memref_slice %arg5[%dma_start3A_625, %dma_start3A_626] : memref<10240x128xf32, #tpu.memory_space<hbm>> -> memref<10240x128xf32, #tpu.memory_space<hbm>>
    tpu.enqueue_indirect_dma source(%dma_start3A_624 : memref<16x128xf32, #tpu.memory_space<vmem>>) target(%dma_start3A_627 : memref<10240x128xf32, #tpu.memory_space<hbm>>) offsets(%select_n3A_106 : vector<16xi32>) semaphore(%arg11 : memref<!tpu.dma_semaphore, #tpu.memory_space<semaphore_mem>>)
    %dma_start3A_628 = arith.constant 48 : i32
    %dma_start3A_629 = arith.constant 0 : i32
    %dma_start3A_630 = tpu.memref_slice %arg8[%dma_start3A_628, %dma_start3A_629] : memref<320x128xf32, #tpu.memory_space<vmem>> -> memref<16x128xf32, #tpu.memory_space<vmem>>
    %dma_start3A_631 = arith.constant 0 : i32
    %dma_start3A_632 = arith.constant 0 : i32
    %dma_start3A_633 = tpu.memref_slice %arg5[%dma_start3A_631, %dma_start3A_632] : memref<10240x128xf32, #tpu.memory_space<hbm>> -> memref<10240x128xf32, #tpu.memory_space<hbm>>
    tpu.enqueue_indirect_dma source(%dma_start3A_630 : memref<16x128xf32, #tpu.memory_space<vmem>>) target(%dma_start3A_633 : memref<10240x128xf32, #tpu.memory_space<hbm>>) offsets(%select_n3A_128 : vector<16xi32>) semaphore(%arg11 : memref<!tpu.dma_semaphore, #tpu.memory_space<semaphore_mem>>)
    %dma_start3A_634 = arith.constant 64 : i32
    %dma_start3A_635 = arith.constant 0 : i32
    %dma_start3A_636 = tpu.memref_slice %arg8[%dma_start3A_634, %dma_start3A_635] : memref<320x128xf32, #tpu.memory_space<vmem>> -> memref<16x128xf32, #tpu.memory_space<vmem>>
    %dma_start3A_637 = arith.constant 0 : i32
    %dma_start3A_638 = arith.constant 0 : i32
    %dma_start3A_639 = tpu.memref_slice %arg5[%dma_start3A_637, %dma_start3A_638] : memref<10240x128xf32, #tpu.memory_space<hbm>> -> memref<10240x128xf32, #tpu.memory_space<hbm>>
    tpu.enqueue_indirect_dma source(%dma_start3A_636 : memref<16x128xf32, #tpu.memory_space<vmem>>) target(%dma_start3A_639 : memref<10240x128xf32, #tpu.memory_space<hbm>>) offsets(%select_n3A_150 : vector<16xi32>) semaphore(%arg11 : memref<!tpu.dma_semaphore, #tpu.memory_space<semaphore_mem>>)
    %dma_start3A_640 = arith.constant 80 : i32
    %dma_start3A_641 = arith.constant 0 : i32
    %dma_start3A_642 = tpu.memref_slice %arg8[%dma_start3A_640, %dma_start3A_641] : memref<320x128xf32, #tpu.memory_space<vmem>> -> memref<16x128xf32, #tpu.memory_space<vmem>>
    %dma_start3A_643 = arith.constant 0 : i32
    %dma_start3A_644 = arith.constant 0 : i32
    %dma_start3A_645 = tpu.memref_slice %arg5[%dma_start3A_643, %dma_start3A_644] : memref<10240x128xf32, #tpu.memory_space<hbm>> -> memref<10240x128xf32, #tpu.memory_space<hbm>>
    tpu.enqueue_indirect_dma source(%dma_start3A_642 : memref<16x128xf32, #tpu.memory_space<vmem>>) target(%dma_start3A_645 : memref<10240x128xf32, #tpu.memory_space<hbm>>) offsets(%select_n3A_172 : vector<16xi32>) semaphore(%arg11 : memref<!tpu.dma_semaphore, #tpu.memory_space<semaphore_mem>>)
    %dma_start3A_646 = arith.constant 96 : i32
    %dma_start3A_647 = arith.constant 0 : i32
    %dma_start3A_648 = tpu.memref_slice %arg8[%dma_start3A_646, %dma_start3A_647] : memref<320x128xf32, #tpu.memory_space<vmem>> -> memref<16x128xf32, #tpu.memory_space<vmem>>
    %dma_start3A_649 = arith.constant 0 : i32
    %dma_start3A_650 = arith.constant 0 : i32
    %dma_start3A_651 = tpu.memref_slice %arg5[%dma_start3A_649, %dma_start3A_650] : memref<10240x128xf32, #tpu.memory_space<hbm>> -> memref<10240x128xf32, #tpu.memory_space<hbm>>
    tpu.enqueue_indirect_dma source(%dma_start3A_648 : memref<16x128xf32, #tpu.memory_space<vmem>>) target(%dma_start3A_651 : memref<10240x128xf32, #tpu.memory_space<hbm>>) offsets(%select_n3A_194 : vector<16xi32>) semaphore(%arg11 : memref<!tpu.dma_semaphore, #tpu.memory_space<semaphore_mem>>)
    %dma_start3A_652 = arith.constant 112 : i32
    %dma_start3A_653 = arith.constant 0 : i32
    %dma_start3A_654 = tpu.memref_slice %arg8[%dma_start3A_652, %dma_start3A_653] : memref<320x128xf32, #tpu.memory_space<vmem>> -> memref<16x128xf32, #tpu.memory_space<vmem>>
    %dma_start3A_655 = arith.constant 0 : i32
    %dma_start3A_656 = arith.constant 0 : i32
    %dma_start3A_657 = tpu.memref_slice %arg5[%dma_start3A_655, %dma_start3A_656] : memref<10240x128xf32, #tpu.memory_space<hbm>> -> memref<10240x128xf32, #tpu.memory_space<hbm>>
    tpu.enqueue_indirect_dma source(%dma_start3A_654 : memref<16x128xf32, #tpu.memory_space<vmem>>) target(%dma_start3A_657 : memref<10240x128xf32, #tpu.memory_space<hbm>>) offsets(%select_n3A_216 : vector<16xi32>) semaphore(%arg11 : memref<!tpu.dma_semaphore, #tpu.memory_space<semaphore_mem>>)
    %dma_start3A_658 = arith.constant 128 : i32
    %dma_start3A_659 = arith.constant 0 : i32
    %dma_start3A_660 = tpu.memref_slice %arg8[%dma_start3A_658, %dma_start3A_659] : memref<320x128xf32, #tpu.memory_space<vmem>> -> memref<16x128xf32, #tpu.memory_space<vmem>>
    %dma_start3A_661 = arith.constant 0 : i32
    %dma_start3A_662 = arith.constant 0 : i32
    %dma_start3A_663 = tpu.memref_slice %arg5[%dma_start3A_661, %dma_start3A_662] : memref<10240x128xf32, #tpu.memory_space<hbm>> -> memref<10240x128xf32, #tpu.memory_space<hbm>>
    tpu.enqueue_indirect_dma source(%dma_start3A_660 : memref<16x128xf32, #tpu.memory_space<vmem>>) target(%dma_start3A_663 : memref<10240x128xf32, #tpu.memory_space<hbm>>) offsets(%select_n3A_238 : vector<16xi32>) semaphore(%arg11 : memref<!tpu.dma_semaphore, #tpu.memory_space<semaphore_mem>>)
    %dma_start3A_664 = arith.constant 144 : i32
    %dma_start3A_665 = arith.constant 0 : i32
    %dma_start3A_666 = tpu.memref_slice %arg8[%dma_start3A_664, %dma_start3A_665] : memref<320x128xf32, #tpu.memory_space<vmem>> -> memref<16x128xf32, #tpu.memory_space<vmem>>
    %dma_start3A_667 = arith.constant 0 : i32
    %dma_start3A_668 = arith.constant 0 : i32
    %dma_start3A_669 = tpu.memref_slice %arg5[%dma_start3A_667, %dma_start3A_668] : memref<10240x128xf32, #tpu.memory_space<hbm>> -> memref<10240x128xf32, #tpu.memory_space<hbm>>
    tpu.enqueue_indirect_dma source(%dma_start3A_666 : memref<16x128xf32, #tpu.memory_space<vmem>>) target(%dma_start3A_669 : memref<10240x128xf32, #tpu.memory_space<hbm>>) offsets(%select_n3A_260 : vector<16xi32>) semaphore(%arg11 : memref<!tpu.dma_semaphore, #tpu.memory_space<semaphore_mem>>)
    %dma_start3A_670 = arith.constant 160 : i32
    %dma_start3A_671 = arith.constant 0 : i32
    %dma_start3A_672 = tpu.memref_slice %arg8[%dma_start3A_670, %dma_start3A_671] : memref<320x128xf32, #tpu.memory_space<vmem>> -> memref<16x128xf32, #tpu.memory_space<vmem>>
    %dma_start3A_673 = arith.constant 0 : i32
    %dma_start3A_674 = arith.constant 0 : i32
    %dma_start3A_675 = tpu.memref_slice %arg5[%dma_start3A_673, %dma_start3A_674] : memref<10240x128xf32, #tpu.memory_space<hbm>> -> memref<10240x128xf32, #tpu.memory_space<hbm>>
    tpu.enqueue_indirect_dma source(%dma_start3A_672 : memref<16x128xf32, #tpu.memory_space<vmem>>) target(%dma_start3A_675 : memref<10240x128xf32, #tpu.memory_space<hbm>>) offsets(%select_n3A_282 : vector<16xi32>) semaphore(%arg11 : memref<!tpu.dma_semaphore, #tpu.memory_space<semaphore_mem>>)
    %dma_start3A_676 = arith.constant 176 : i32
    %dma_start3A_677 = arith.constant 0 : i32
    %dma_start3A_678 = tpu.memref_slice %arg8[%dma_start3A_676, %dma_start3A_677] : memref<320x128xf32, #tpu.memory_space<vmem>> -> memref<16x128xf32, #tpu.memory_space<vmem>>
    %dma_start3A_679 = arith.constant 0 : i32
    %dma_start3A_680 = arith.constant 0 : i32
    %dma_start3A_681 = tpu.memref_slice %arg5[%dma_start3A_679, %dma_start3A_680] : memref<10240x128xf32, #tpu.memory_space<hbm>> -> memref<10240x128xf32, #tpu.memory_space<hbm>>
    tpu.enqueue_indirect_dma source(%dma_start3A_678 : memref<16x128xf32, #tpu.memory_space<vmem>>) target(%dma_start3A_681 : memref<10240x128xf32, #tpu.memory_space<hbm>>) offsets(%select_n3A_304 : vector<16xi32>) semaphore(%arg11 : memref<!tpu.dma_semaphore, #tpu.memory_space<semaphore_mem>>)
    %dma_start3A_682 = arith.constant 192 : i32
    %dma_start3A_683 = arith.constant 0 : i32
    %dma_start3A_684 = tpu.memref_slice %arg8[%dma_start3A_682, %dma_start3A_683] : memref<320x128xf32, #tpu.memory_space<vmem>> -> memref<16x128xf32, #tpu.memory_space<vmem>>
    %dma_start3A_685 = arith.constant 0 : i32
    %dma_start3A_686 = arith.constant 0 : i32
    %dma_start3A_687 = tpu.memref_slice %arg5[%dma_start3A_685, %dma_start3A_686] : memref<10240x128xf32, #tpu.memory_space<hbm>> -> memref<10240x128xf32, #tpu.memory_space<hbm>>
    tpu.enqueue_indirect_dma source(%dma_start3A_684 : memref<16x128xf32, #tpu.memory_space<vmem>>) target(%dma_start3A_687 : memref<10240x128xf32, #tpu.memory_space<hbm>>) offsets(%select_n3A_326 : vector<16xi32>) semaphore(%arg11 : memref<!tpu.dma_semaphore, #tpu.memory_space<semaphore_mem>>)
    %dma_start3A_688 = arith.constant 208 : i32
    %dma_start3A_689 = arith.constant 0 : i32
    %dma_start3A_690 = tpu.memref_slice %arg8[%dma_start3A_688, %dma_start3A_689] : memref<320x128xf32, #tpu.memory_space<vmem>> -> memref<16x128xf32, #tpu.memory_space<vmem>>
    %dma_start3A_691 = arith.constant 0 : i32
    %dma_start3A_692 = arith.constant 0 : i32
    %dma_start3A_693 = tpu.memref_slice %arg5[%dma_start3A_691, %dma_start3A_692] : memref<10240x128xf32, #tpu.memory_space<hbm>> -> memref<10240x128xf32, #tpu.memory_space<hbm>>
    tpu.enqueue_indirect_dma source(%dma_start3A_690 : memref<16x128xf32, #tpu.memory_space<vmem>>) target(%dma_start3A_693 : memref<10240x128xf32, #tpu.memory_space<hbm>>) offsets(%select_n3A_348 : vector<16xi32>) semaphore(%arg11 : memref<!tpu.dma_semaphore, #tpu.memory_space<semaphore_mem>>)
    %dma_start3A_694 = arith.constant 224 : i32
    %dma_start3A_695 = arith.constant 0 : i32
    %dma_start3A_696 = tpu.memref_slice %arg8[%dma_start3A_694, %dma_start3A_695] : memref<320x128xf32, #tpu.memory_space<vmem>> -> memref<16x128xf32, #tpu.memory_space<vmem>>
    %dma_start3A_697 = arith.constant 0 : i32
    %dma_start3A_698 = arith.constant 0 : i32
    %dma_start3A_699 = tpu.memref_slice %arg5[%dma_start3A_697, %dma_start3A_698] : memref<10240x128xf32, #tpu.memory_space<hbm>> -> memref<10240x128xf32, #tpu.memory_space<hbm>>
    tpu.enqueue_indirect_dma source(%dma_start3A_696 : memref<16x128xf32, #tpu.memory_space<vmem>>) target(%dma_start3A_699 : memref<10240x128xf32, #tpu.memory_space<hbm>>) offsets(%select_n3A_370 : vector<16xi32>) semaphore(%arg11 : memref<!tpu.dma_semaphore, #tpu.memory_space<semaphore_mem>>)
    %dma_start3A_700 = arith.constant 240 : i32
    %dma_start3A_701 = arith.constant 0 : i32
    %dma_start3A_702 = tpu.memref_slice %arg8[%dma_start3A_700, %dma_start3A_701] : memref<320x128xf32, #tpu.memory_space<vmem>> -> memref<16x128xf32, #tpu.memory_space<vmem>>
    %dma_start3A_703 = arith.constant 0 : i32
    %dma_start3A_704 = arith.constant 0 : i32
    %dma_start3A_705 = tpu.memref_slice %arg5[%dma_start3A_703, %dma_start3A_704] : memref<10240x128xf32, #tpu.memory_space<hbm>> -> memref<10240x128xf32, #tpu.memory_space<hbm>>
    tpu.enqueue_indirect_dma source(%dma_start3A_702 : memref<16x128xf32, #tpu.memory_space<vmem>>) target(%dma_start3A_705 : memref<10240x128xf32, #tpu.memory_space<hbm>>) offsets(%select_n3A_392 : vector<16xi32>) semaphore(%arg11 : memref<!tpu.dma_semaphore, #tpu.memory_space<semaphore_mem>>)
    %dma_start3A_706 = arith.constant 256 : i32
    %dma_start3A_707 = arith.constant 0 : i32
    %dma_start3A_708 = tpu.memref_slice %arg8[%dma_start3A_706, %dma_start3A_707] : memref<320x128xf32, #tpu.memory_space<vmem>> -> memref<16x128xf32, #tpu.memory_space<vmem>>
    %dma_start3A_709 = arith.constant 0 : i32
    %dma_start3A_710 = arith.constant 0 : i32
    %dma_start3A_711 = tpu.memref_slice %arg5[%dma_start3A_709, %dma_start3A_710] : memref<10240x128xf32, #tpu.memory_space<hbm>> -> memref<10240x128xf32, #tpu.memory_space<hbm>>
    tpu.enqueue_indirect_dma source(%dma_start3A_708 : memref<16x128xf32, #tpu.memory_space<vmem>>) target(%dma_start3A_711 : memref<10240x128xf32, #tpu.memory_space<hbm>>) offsets(%select_n3A_414 : vector<16xi32>) semaphore(%arg11 : memref<!tpu.dma_semaphore, #tpu.memory_space<semaphore_mem>>)
    %dma_start3A_712 = arith.constant 272 : i32
    %dma_start3A_713 = arith.constant 0 : i32
    %dma_start3A_714 = tpu.memref_slice %arg8[%dma_start3A_712, %dma_start3A_713] : memref<320x128xf32, #tpu.memory_space<vmem>> -> memref<16x128xf32, #tpu.memory_space<vmem>>
    %dma_start3A_715 = arith.constant 0 : i32
    %dma_start3A_716 = arith.constant 0 : i32
    %dma_start3A_717 = tpu.memref_slice %arg5[%dma_start3A_715, %dma_start3A_716] : memref<10240x128xf32, #tpu.memory_space<hbm>> -> memref<10240x128xf32, #tpu.memory_space<hbm>>
    tpu.enqueue_indirect_dma source(%dma_start3A_714 : memref<16x128xf32, #tpu.memory_space<vmem>>) target(%dma_start3A_717 : memref<10240x128xf32, #tpu.memory_space<hbm>>) offsets(%select_n3A_436 : vector<16xi32>) semaphore(%arg11 : memref<!tpu.dma_semaphore, #tpu.memory_space<semaphore_mem>>)
    %dma_start3A_718 = arith.constant 288 : i32
    %dma_start3A_719 = arith.constant 0 : i32
    %dma_start3A_720 = tpu.memref_slice %arg8[%dma_start3A_718, %dma_start3A_719] : memref<320x128xf32, #tpu.memory_space<vmem>> -> memref<16x128xf32, #tpu.memory_space<vmem>>
    %dma_start3A_721 = arith.constant 0 : i32
    %dma_start3A_722 = arith.constant 0 : i32
    %dma_start3A_723 = tpu.memref_slice %arg5[%dma_start3A_721, %dma_start3A_722] : memref<10240x128xf32, #tpu.memory_space<hbm>> -> memref<10240x128xf32, #tpu.memory_space<hbm>>
    tpu.enqueue_indirect_dma source(%dma_start3A_720 : memref<16x128xf32, #tpu.memory_space<vmem>>) target(%dma_start3A_723 : memref<10240x128xf32, #tpu.memory_space<hbm>>) offsets(%select_n3A_458 : vector<16xi32>) semaphore(%arg11 : memref<!tpu.dma_semaphore, #tpu.memory_space<semaphore_mem>>)
    %dma_start3A_724 = arith.constant 304 : i32
    %dma_start3A_725 = arith.constant 0 : i32
    %dma_start3A_726 = tpu.memref_slice %arg8[%dma_start3A_724, %dma_start3A_725] : memref<320x128xf32, #tpu.memory_space<vmem>> -> memref<16x128xf32, #tpu.memory_space<vmem>>
    %dma_start3A_727 = arith.constant 0 : i32
    %dma_start3A_728 = arith.constant 0 : i32
    %dma_start3A_729 = tpu.memref_slice %arg5[%dma_start3A_727, %dma_start3A_728] : memref<10240x128xf32, #tpu.memory_space<hbm>> -> memref<10240x128xf32, #tpu.memory_space<hbm>>
    tpu.enqueue_indirect_dma source(%dma_start3A_726 : memref<16x128xf32, #tpu.memory_space<vmem>>) target(%dma_start3A_729 : memref<10240x128xf32, #tpu.memory_space<hbm>>) offsets(%select_n3A_480 : vector<16xi32>) semaphore(%arg11 : memref<!tpu.dma_semaphore, #tpu.memory_space<semaphore_mem>>)
    %dma_wait3A_730 = arith.constant 0 : i32
    %dma_wait3A_731 = arith.constant 0 : i32
    %dma_wait3A_732 = tpu.memref_slice %arg8[%dma_wait3A_730, %dma_wait3A_731] : memref<320x128xf32, #tpu.memory_space<vmem>> -> memref<16x128xf32, #tpu.memory_space<vmem>>
    %dma_wait3A_733 = arith.constant 0 : i32
    %dma_wait3A_734 = arith.constant 0 : i32
    %dma_wait3A_735 = tpu.memref_slice %arg5[%dma_wait3A_733, %dma_wait3A_734] : memref<10240x128xf32, #tpu.memory_space<hbm>> -> memref<10240x128xf32, #tpu.memory_space<hbm>>
    tpu.wait_indirect_dma semaphore(%arg11 : memref<!tpu.dma_semaphore, #tpu.memory_space<semaphore_mem>>) src(%dma_wait3A_732 : memref<16x128xf32, #tpu.memory_space<vmem>>) dst(%dma_wait3A_735 : memref<10240x128xf32, #tpu.memory_space<hbm>>)
    %dma_wait3A_736 = arith.constant 16 : i32
    %dma_wait3A_737 = arith.constant 0 : i32
    %dma_wait3A_738 = tpu.memref_slice %arg8[%dma_wait3A_736, %dma_wait3A_737] : memref<320x128xf32, #tpu.memory_space<vmem>> -> memref<16x128xf32, #tpu.memory_space<vmem>>
    %dma_wait3A_739 = arith.constant 0 : i32
    %dma_wait3A_740 = arith.constant 0 : i32
    %dma_wait3A_741 = tpu.memref_slice %arg5[%dma_wait3A_739, %dma_wait3A_740] : memref<10240x128xf32, #tpu.memory_space<hbm>> -> memref<10240x128xf32, #tpu.memory_space<hbm>>
    tpu.wait_indirect_dma semaphore(%arg11 : memref<!tpu.dma_semaphore, #tpu.memory_space<semaphore_mem>>) src(%dma_wait3A_738 : memref<16x128xf32, #tpu.memory_space<vmem>>) dst(%dma_wait3A_741 : memref<10240x128xf32, #tpu.memory_space<hbm>>)
    %dma_wait3A_742 = arith.constant 32 : i32
    %dma_wait3A_743 = arith.constant 0 : i32
    %dma_wait3A_744 = tpu.memref_slice %arg8[%dma_wait3A_742, %dma_wait3A_743] : memref<320x128xf32, #tpu.memory_space<vmem>> -> memref<16x128xf32, #tpu.memory_space<vmem>>
    %dma_wait3A_745 = arith.constant 0 : i32
    %dma_wait3A_746 = arith.constant 0 : i32
    %dma_wait3A_747 = tpu.memref_slice %arg5[%dma_wait3A_745, %dma_wait3A_746] : memref<10240x128xf32, #tpu.memory_space<hbm>> -> memref<10240x128xf32, #tpu.memory_space<hbm>>
    tpu.wait_indirect_dma semaphore(%arg11 : memref<!tpu.dma_semaphore, #tpu.memory_space<semaphore_mem>>) src(%dma_wait3A_744 : memref<16x128xf32, #tpu.memory_space<vmem>>) dst(%dma_wait3A_747 : memref<10240x128xf32, #tpu.memory_space<hbm>>)
    %dma_wait3A_748 = arith.constant 48 : i32
    %dma_wait3A_749 = arith.constant 0 : i32
    %dma_wait3A_750 = tpu.memref_slice %arg8[%dma_wait3A_748, %dma_wait3A_749] : memref<320x128xf32, #tpu.memory_space<vmem>> -> memref<16x128xf32, #tpu.memory_space<vmem>>
    %dma_wait3A_751 = arith.constant 0 : i32
    %dma_wait3A_752 = arith.constant 0 : i32
    %dma_wait3A_753 = tpu.memref_slice %arg5[%dma_wait3A_751, %dma_wait3A_752] : memref<10240x128xf32, #tpu.memory_space<hbm>> -> memref<10240x128xf32, #tpu.memory_space<hbm>>
    tpu.wait_indirect_dma semaphore(%arg11 : memref<!tpu.dma_semaphore, #tpu.memory_space<semaphore_mem>>) src(%dma_wait3A_750 : memref<16x128xf32, #tpu.memory_space<vmem>>) dst(%dma_wait3A_753 : memref<10240x128xf32, #tpu.memory_space<hbm>>)
    %dma_wait3A_754 = arith.constant 64 : i32
    %dma_wait3A_755 = arith.constant 0 : i32
    %dma_wait3A_756 = tpu.memref_slice %arg8[%dma_wait3A_754, %dma_wait3A_755] : memref<320x128xf32, #tpu.memory_space<vmem>> -> memref<16x128xf32, #tpu.memory_space<vmem>>
    %dma_wait3A_757 = arith.constant 0 : i32
    %dma_wait3A_758 = arith.constant 0 : i32
    %dma_wait3A_759 = tpu.memref_slice %arg5[%dma_wait3A_757, %dma_wait3A_758] : memref<10240x128xf32, #tpu.memory_space<hbm>> -> memref<10240x128xf32, #tpu.memory_space<hbm>>
    tpu.wait_indirect_dma semaphore(%arg11 : memref<!tpu.dma_semaphore, #tpu.memory_space<semaphore_mem>>) src(%dma_wait3A_756 : memref<16x128xf32, #tpu.memory_space<vmem>>) dst(%dma_wait3A_759 : memref<10240x128xf32, #tpu.memory_space<hbm>>)
    %dma_wait3A_760 = arith.constant 80 : i32
    %dma_wait3A_761 = arith.constant 0 : i32
    %dma_wait3A_762 = tpu.memref_slice %arg8[%dma_wait3A_760, %dma_wait3A_761] : memref<320x128xf32, #tpu.memory_space<vmem>> -> memref<16x128xf32, #tpu.memory_space<vmem>>
    %dma_wait3A_763 = arith.constant 0 : i32
    %dma_wait3A_764 = arith.constant 0 : i32
    %dma_wait3A_765 = tpu.memref_slice %arg5[%dma_wait3A_763, %dma_wait3A_764] : memref<10240x128xf32, #tpu.memory_space<hbm>> -> memref<10240x128xf32, #tpu.memory_space<hbm>>
    tpu.wait_indirect_dma semaphore(%arg11 : memref<!tpu.dma_semaphore, #tpu.memory_space<semaphore_mem>>) src(%dma_wait3A_762 : memref<16x128xf32, #tpu.memory_space<vmem>>) dst(%dma_wait3A_765 : memref<10240x128xf32, #tpu.memory_space<hbm>>)
    %dma_wait3A_766 = arith.constant 96 : i32
    %dma_wait3A_767 = arith.constant 0 : i32
    %dma_wait3A_768 = tpu.memref_slice %arg8[%dma_wait3A_766, %dma_wait3A_767] : memref<320x128xf32, #tpu.memory_space<vmem>> -> memref<16x128xf32, #tpu.memory_space<vmem>>
    %dma_wait3A_769 = arith.constant 0 : i32
    %dma_wait3A_770 = arith.constant 0 : i32
    %dma_wait3A_771 = tpu.memref_slice %arg5[%dma_wait3A_769, %dma_wait3A_770] : memref<10240x128xf32, #tpu.memory_space<hbm>> -> memref<10240x128xf32, #tpu.memory_space<hbm>>
    tpu.wait_indirect_dma semaphore(%arg11 : memref<!tpu.dma_semaphore, #tpu.memory_space<semaphore_mem>>) src(%dma_wait3A_768 : memref<16x128xf32, #tpu.memory_space<vmem>>) dst(%dma_wait3A_771 : memref<10240x128xf32, #tpu.memory_space<hbm>>)
    %dma_wait3A_772 = arith.constant 112 : i32
    %dma_wait3A_773 = arith.constant 0 : i32
    %dma_wait3A_774 = tpu.memref_slice %arg8[%dma_wait3A_772, %dma_wait3A_773] : memref<320x128xf32, #tpu.memory_space<vmem>> -> memref<16x128xf32, #tpu.memory_space<vmem>>
    %dma_wait3A_775 = arith.constant 0 : i32
    %dma_wait3A_776 = arith.constant 0 : i32
    %dma_wait3A_777 = tpu.memref_slice %arg5[%dma_wait3A_775, %dma_wait3A_776] : memref<10240x128xf32, #tpu.memory_space<hbm>> -> memref<10240x128xf32, #tpu.memory_space<hbm>>
    tpu.wait_indirect_dma semaphore(%arg11 : memref<!tpu.dma_semaphore, #tpu.memory_space<semaphore_mem>>) src(%dma_wait3A_774 : memref<16x128xf32, #tpu.memory_space<vmem>>) dst(%dma_wait3A_777 : memref<10240x128xf32, #tpu.memory_space<hbm>>)
    %dma_wait3A_778 = arith.constant 128 : i32
    %dma_wait3A_779 = arith.constant 0 : i32
    %dma_wait3A_780 = tpu.memref_slice %arg8[%dma_wait3A_778, %dma_wait3A_779] : memref<320x128xf32, #tpu.memory_space<vmem>> -> memref<16x128xf32, #tpu.memory_space<vmem>>
    %dma_wait3A_781 = arith.constant 0 : i32
    %dma_wait3A_782 = arith.constant 0 : i32
    %dma_wait3A_783 = tpu.memref_slice %arg5[%dma_wait3A_781, %dma_wait3A_782] : memref<10240x128xf32, #tpu.memory_space<hbm>> -> memref<10240x128xf32, #tpu.memory_space<hbm>>
    tpu.wait_indirect_dma semaphore(%arg11 : memref<!tpu.dma_semaphore, #tpu.memory_space<semaphore_mem>>) src(%dma_wait3A_780 : memref<16x128xf32, #tpu.memory_space<vmem>>) dst(%dma_wait3A_783 : memref<10240x128xf32, #tpu.memory_space<hbm>>)
    %dma_wait3A_784 = arith.constant 144 : i32
    %dma_wait3A_785 = arith.constant 0 : i32
    %dma_wait3A_786 = tpu.memref_slice %arg8[%dma_wait3A_784, %dma_wait3A_785] : memref<320x128xf32, #tpu.memory_space<vmem>> -> memref<16x128xf32, #tpu.memory_space<vmem>>
    %dma_wait3A_787 = arith.constant 0 : i32
    %dma_wait3A_788 = arith.constant 0 : i32
    %dma_wait3A_789 = tpu.memref_slice %arg5[%dma_wait3A_787, %dma_wait3A_788] : memref<10240x128xf32, #tpu.memory_space<hbm>> -> memref<10240x128xf32, #tpu.memory_space<hbm>>
    tpu.wait_indirect_dma semaphore(%arg11 : memref<!tpu.dma_semaphore, #tpu.memory_space<semaphore_mem>>) src(%dma_wait3A_786 : memref<16x128xf32, #tpu.memory_space<vmem>>) dst(%dma_wait3A_789 : memref<10240x128xf32, #tpu.memory_space<hbm>>)
    %dma_wait3A_790 = arith.constant 160 : i32
    %dma_wait3A_791 = arith.constant 0 : i32
    %dma_wait3A_792 = tpu.memref_slice %arg8[%dma_wait3A_790, %dma_wait3A_791] : memref<320x128xf32, #tpu.memory_space<vmem>> -> memref<16x128xf32, #tpu.memory_space<vmem>>
    %dma_wait3A_793 = arith.constant 0 : i32
    %dma_wait3A_794 = arith.constant 0 : i32
    %dma_wait3A_795 = tpu.memref_slice %arg5[%dma_wait3A_793, %dma_wait3A_794] : memref<10240x128xf32, #tpu.memory_space<hbm>> -> memref<10240x128xf32, #tpu.memory_space<hbm>>
    tpu.wait_indirect_dma semaphore(%arg11 : memref<!tpu.dma_semaphore, #tpu.memory_space<semaphore_mem>>) src(%dma_wait3A_792 : memref<16x128xf32, #tpu.memory_space<vmem>>) dst(%dma_wait3A_795 : memref<10240x128xf32, #tpu.memory_space<hbm>>)
    %dma_wait3A_796 = arith.constant 176 : i32
    %dma_wait3A_797 = arith.constant 0 : i32
    %dma_wait3A_798 = tpu.memref_slice %arg8[%dma_wait3A_796, %dma_wait3A_797] : memref<320x128xf32, #tpu.memory_space<vmem>> -> memref<16x128xf32, #tpu.memory_space<vmem>>
    %dma_wait3A_799 = arith.constant 0 : i32
    %dma_wait3A_800 = arith.constant 0 : i32
    %dma_wait3A_801 = tpu.memref_slice %arg5[%dma_wait3A_799, %dma_wait3A_800] : memref<10240x128xf32, #tpu.memory_space<hbm>> -> memref<10240x128xf32, #tpu.memory_space<hbm>>
    tpu.wait_indirect_dma semaphore(%arg11 : memref<!tpu.dma_semaphore, #tpu.memory_space<semaphore_mem>>) src(%dma_wait3A_798 : memref<16x128xf32, #tpu.memory_space<vmem>>) dst(%dma_wait3A_801 : memref<10240x128xf32, #tpu.memory_space<hbm>>)
    %dma_wait3A_802 = arith.constant 192 : i32
    %dma_wait3A_803 = arith.constant 0 : i32
    %dma_wait3A_804 = tpu.memref_slice %arg8[%dma_wait3A_802, %dma_wait3A_803] : memref<320x128xf32, #tpu.memory_space<vmem>> -> memref<16x128xf32, #tpu.memory_space<vmem>>
    %dma_wait3A_805 = arith.constant 0 : i32
    %dma_wait3A_806 = arith.constant 0 : i32
    %dma_wait3A_807 = tpu.memref_slice %arg5[%dma_wait3A_805, %dma_wait3A_806] : memref<10240x128xf32, #tpu.memory_space<hbm>> -> memref<10240x128xf32, #tpu.memory_space<hbm>>
    tpu.wait_indirect_dma semaphore(%arg11 : memref<!tpu.dma_semaphore, #tpu.memory_space<semaphore_mem>>) src(%dma_wait3A_804 : memref<16x128xf32, #tpu.memory_space<vmem>>) dst(%dma_wait3A_807 : memref<10240x128xf32, #tpu.memory_space<hbm>>)
    %dma_wait3A_808 = arith.constant 208 : i32
    %dma_wait3A_809 = arith.constant 0 : i32
    %dma_wait3A_810 = tpu.memref_slice %arg8[%dma_wait3A_808, %dma_wait3A_809] : memref<320x128xf32, #tpu.memory_space<vmem>> -> memref<16x128xf32, #tpu.memory_space<vmem>>
    %dma_wait3A_811 = arith.constant 0 : i32
    %dma_wait3A_812 = arith.constant 0 : i32
    %dma_wait3A_813 = tpu.memref_slice %arg5[%dma_wait3A_811, %dma_wait3A_812] : memref<10240x128xf32, #tpu.memory_space<hbm>> -> memref<10240x128xf32, #tpu.memory_space<hbm>>
    tpu.wait_indirect_dma semaphore(%arg11 : memref<!tpu.dma_semaphore, #tpu.memory_space<semaphore_mem>>) src(%dma_wait3A_810 : memref<16x128xf32, #tpu.memory_space<vmem>>) dst(%dma_wait3A_813 : memref<10240x128xf32, #tpu.memory_space<hbm>>)
    %dma_wait3A_814 = arith.constant 224 : i32
    %dma_wait3A_815 = arith.constant 0 : i32
    %dma_wait3A_816 = tpu.memref_slice %arg8[%dma_wait3A_814, %dma_wait3A_815] : memref<320x128xf32, #tpu.memory_space<vmem>> -> memref<16x128xf32, #tpu.memory_space<vmem>>
    %dma_wait3A_817 = arith.constant 0 : i32
    %dma_wait3A_818 = arith.constant 0 : i32
    %dma_wait3A_819 = tpu.memref_slice %arg5[%dma_wait3A_817, %dma_wait3A_818] : memref<10240x128xf32, #tpu.memory_space<hbm>> -> memref<10240x128xf32, #tpu.memory_space<hbm>>
    tpu.wait_indirect_dma semaphore(%arg11 : memref<!tpu.dma_semaphore, #tpu.memory_space<semaphore_mem>>) src(%dma_wait3A_816 : memref<16x128xf32, #tpu.memory_space<vmem>>) dst(%dma_wait3A_819 : memref<10240x128xf32, #tpu.memory_space<hbm>>)
    %dma_wait3A_820 = arith.constant 240 : i32
    %dma_wait3A_821 = arith.constant 0 : i32
    %dma_wait3A_822 = tpu.memref_slice %arg8[%dma_wait3A_820, %dma_wait3A_821] : memref<320x128xf32, #tpu.memory_space<vmem>> -> memref<16x128xf32, #tpu.memory_space<vmem>>
    %dma_wait3A_823 = arith.constant 0 : i32
    %dma_wait3A_824 = arith.constant 0 : i32
    %dma_wait3A_825 = tpu.memref_slice %arg5[%dma_wait3A_823, %dma_wait3A_824] : memref<10240x128xf32, #tpu.memory_space<hbm>> -> memref<10240x128xf32, #tpu.memory_space<hbm>>
    tpu.wait_indirect_dma semaphore(%arg11 : memref<!tpu.dma_semaphore, #tpu.memory_space<semaphore_mem>>) src(%dma_wait3A_822 : memref<16x128xf32, #tpu.memory_space<vmem>>) dst(%dma_wait3A_825 : memref<10240x128xf32, #tpu.memory_space<hbm>>)
    %dma_wait3A_826 = arith.constant 256 : i32
    %dma_wait3A_827 = arith.constant 0 : i32
    %dma_wait3A_828 = tpu.memref_slice %arg8[%dma_wait3A_826, %dma_wait3A_827] : memref<320x128xf32, #tpu.memory_space<vmem>> -> memref<16x128xf32, #tpu.memory_space<vmem>>
    %dma_wait3A_829 = arith.constant 0 : i32
    %dma_wait3A_830 = arith.constant 0 : i32
    %dma_wait3A_831 = tpu.memref_slice %arg5[%dma_wait3A_829, %dma_wait3A_830] : memref<10240x128xf32, #tpu.memory_space<hbm>> -> memref<10240x128xf32, #tpu.memory_space<hbm>>
    tpu.wait_indirect_dma semaphore(%arg11 : memref<!tpu.dma_semaphore, #tpu.memory_space<semaphore_mem>>) src(%dma_wait3A_828 : memref<16x128xf32, #tpu.memory_space<vmem>>) dst(%dma_wait3A_831 : memref<10240x128xf32, #tpu.memory_space<hbm>>)
    %dma_wait3A_832 = arith.constant 272 : i32
    %dma_wait3A_833 = arith.constant 0 : i32
    %dma_wait3A_834 = tpu.memref_slice %arg8[%dma_wait3A_832, %dma_wait3A_833] : memref<320x128xf32, #tpu.memory_space<vmem>> -> memref<16x128xf32, #tpu.memory_space<vmem>>
    %dma_wait3A_835 = arith.constant 0 : i32
    %dma_wait3A_836 = arith.constant 0 : i32
    %dma_wait3A_837 = tpu.memref_slice %arg5[%dma_wait3A_835, %dma_wait3A_836] : memref<10240x128xf32, #tpu.memory_space<hbm>> -> memref<10240x128xf32, #tpu.memory_space<hbm>>
    tpu.wait_indirect_dma semaphore(%arg11 : memref<!tpu.dma_semaphore, #tpu.memory_space<semaphore_mem>>) src(%dma_wait3A_834 : memref<16x128xf32, #tpu.memory_space<vmem>>) dst(%dma_wait3A_837 : memref<10240x128xf32, #tpu.memory_space<hbm>>)
    %dma_wait3A_838 = arith.constant 288 : i32
    %dma_wait3A_839 = arith.constant 0 : i32
    %dma_wait3A_840 = tpu.memref_slice %arg8[%dma_wait3A_838, %dma_wait3A_839] : memref<320x128xf32, #tpu.memory_space<vmem>> -> memref<16x128xf32, #tpu.memory_space<vmem>>
    %dma_wait3A_841 = arith.constant 0 : i32
    %dma_wait3A_842 = arith.constant 0 : i32
    %dma_wait3A_843 = tpu.memref_slice %arg5[%dma_wait3A_841, %dma_wait3A_842] : memref<10240x128xf32, #tpu.memory_space<hbm>> -> memref<10240x128xf32, #tpu.memory_space<hbm>>
    tpu.wait_indirect_dma semaphore(%arg11 : memref<!tpu.dma_semaphore, #tpu.memory_space<semaphore_mem>>) src(%dma_wait3A_840 : memref<16x128xf32, #tpu.memory_space<vmem>>) dst(%dma_wait3A_843 : memref<10240x128xf32, #tpu.memory_space<hbm>>)
    %dma_wait3A_844 = arith.constant 304 : i32
    %dma_wait3A_845 = arith.constant 0 : i32
    %dma_wait3A_846 = tpu.memref_slice %arg8[%dma_wait3A_844, %dma_wait3A_845] : memref<320x128xf32, #tpu.memory_space<vmem>> -> memref<16x128xf32, #tpu.memory_space<vmem>>
    %dma_wait3A_847 = arith.constant 0 : i32
    %dma_wait3A_848 = arith.constant 0 : i32
    %dma_wait3A_849 = tpu.memref_slice %arg5[%dma_wait3A_847, %dma_wait3A_848] : memref<10240x128xf32, #tpu.memory_space<hbm>> -> memref<10240x128xf32, #tpu.memory_space<hbm>>
    tpu.wait_indirect_dma semaphore(%arg11 : memref<!tpu.dma_semaphore, #tpu.memory_space<semaphore_mem>>) src(%dma_wait3A_846 : memref<16x128xf32, #tpu.memory_space<vmem>>) dst(%dma_wait3A_849 : memref<10240x128xf32, #tpu.memory_space<hbm>>)
    return
  }
}

#map = affine_map<(d0, d1) -> (0, 0)>
#map1 = affine_map<(d0, d1) -> (0)>
module attributes {stable_mosaic.version = 14 : i64} {
  func.func @k(%arg0: i32, %arg1: i32, %arg2: memref<320000x16xf32, #tpu.memory_space<hbm>>, %arg3: memref<122880xi32, #tpu.memory_space<hbm>>, %arg4: memref<122880x16xf32, #tpu.memory_space<hbm>>, %arg5: memref<3840xi32, #tpu.memory_space<vmem>>, %arg6: memref<8x96x16xf32, #tpu.memory_space<vmem>>, %arg7: memref<!tpu.dma_semaphore, #tpu.memory_space<semaphore_mem>>, %arg8: memref<!tpu.dma_semaphore, #tpu.memory_space<semaphore_mem>>) attributes {dimension_semantics = [#tpu.dimension_semantics<core_parallel>, #tpu.dimension_semantics<subcore_parallel>], iteration_bounds = array<i64: 2, 16>, scalar_prefetch = 0 : i64, scratch_operands = 4 : i64, tpu.core_type = #tpu.core_type<sc_vector_subcore>, window_params = [{transform_indices = #map}, {transform_indices = #map1}, {transform_indices = #map}]} {
    %mul3A = arith.constant 2 : i32
    %mul3A_0 = arith.muli %arg1, %mul3A : i32
    %add3A = arith.addi %mul3A_0, %arg0 : i32
    %mul3A_1 = arith.constant 3840 : i32
    %mul3A_2 = arith.muli %add3A, %mul3A_1 : i32
    "tpu.region"() ({
      %run_scoped3A = tpu.sem_alloc : memref<!tpu.dma_semaphore, #tpu.memory_space<semaphore_mem>>
      %dma_start3A = tpu.memref_slice %arg3[%mul3A_2] : memref<122880xi32, #tpu.memory_space<hbm>> -> memref<3840xi32, #tpu.memory_space<hbm>>
      %dma_start3A_111 = tpu.memref_slice %arg3[%mul3A_2] : memref<122880xi32, #tpu.memory_space<hbm>> -> memref<3840xi32, #tpu.memory_space<hbm>>
      tpu.enqueue_dma source(%dma_start3A_111 : memref<3840xi32, #tpu.memory_space<hbm>>) target(%arg5 : memref<3840xi32, #tpu.memory_space<vmem>>) target_semaphore(%run_scoped3A : memref<!tpu.dma_semaphore, #tpu.memory_space<semaphore_mem>>)
      %dma_wait3A_112 = tpu.memref_slice %arg3[%mul3A_2] : memref<122880xi32, #tpu.memory_space<hbm>> -> memref<3840xi32, #tpu.memory_space<hbm>>
      %dma_wait3A_113 = tpu.memref_slice %arg3[%mul3A_2] : memref<122880xi32, #tpu.memory_space<hbm>> -> memref<3840xi32, #tpu.memory_space<hbm>>
      tpu.wait_dma2 semaphore(%run_scoped3A : memref<!tpu.dma_semaphore, #tpu.memory_space<semaphore_mem>>) src(%dma_wait3A_113 : memref<3840xi32, #tpu.memory_space<hbm>>) dst(%arg5 : memref<3840xi32, #tpu.memory_space<vmem>>)
      tpu.yield
    }) : () -> ()
    %scan3A = arith.constant 0 : i32
    %scan3A_3 = arith.constant 0 : i32
    %scan3A_4 = arith.constant 10 : i32
    %scan3A_5 = arith.addi %scan3A_3, %scan3A_4 : i32
    %scan3A_6 = arith.constant 1 : i32
    scf.for %scan3A_111 = %scan3A_3 to %scan3A_5 step %scan3A_6  : i32 {
      %jit3A = arith.constant 2 : i32
      %eq3A = arith.constant 0 : i32
      %eq3A_112 = arith.cmpi eq, %jit3A, %eq3A : i32
      %jit3A_113 = arith.constant 1 : i32
      %select_n3A = arith.select %eq3A_112, %jit3A_113, %jit3A : i32
      %rem3A = arith.remsi %scan3A_111, %select_n3A : i32
      %ne3A = arith.constant 0 : i32
      %ne3A_114 = arith.cmpi ne, %rem3A, %ne3A : i32
      %lt3A = arith.constant 0 : i32
      %lt3A_115 = arith.cmpi slt, %rem3A, %lt3A : i32
      %lt3A_116 = arith.constant 0 : i32
      %lt3A_117 = arith.cmpi slt, %select_n3A, %lt3A_116 : i32
      %ne3A_118 = arith.xori %lt3A_115, %lt3A_117 : i1
      %and3A = arith.andi %ne3A_118, %ne3A_114 : i1
      %add3A_119 = arith.addi %rem3A, %select_n3A : i32
      %select_n3A_120 = arith.select %and3A, %add3A_119, %rem3A : i32
      %mul3A_121 = arith.constant 4 : i32
      %mul3A_122 = arith.muli %select_n3A_120, %mul3A_121 : i32
      %gt3A = arith.constant 1 : i32
      %gt3A_123 = arith.cmpi sgt, %scan3A_111, %gt3A : i32
      %convert_element_type3A = arith.extui %gt3A_123 : i1 to i32
      %cond3A = arith.constant 0 : i32
      %cond3A_124 = arith.cmpi ne, %convert_element_type3A, %cond3A : i32
      scf.if %cond3A_124 {
        %dma_wait3A_304 = arith.constant 0 : i32
        %dma_wait3A_305 = arith.constant 0 : i32
        %dma_wait3A_306 = arith.constant 0 : i32
        %dma_wait3A_307 = tpu.memref_slice %arg6[%dma_wait3A_304, %dma_wait3A_305, %dma_wait3A_306] : memref<8x96x16xf32, #tpu.memory_space<vmem>> -> memref<1x96x16xf32, #tpu.memory_space<vmem>>
        %dma_wait3A_308 = tpu.memref_squeeze %dma_wait3A_307 : memref<1x96x16xf32, #tpu.memory_space<vmem>> -> memref<96x16xf32, #tpu.memory_space<vmem>>
        %dma_wait3A_309 = arith.constant 0 : i32
        %dma_wait3A_310 = tpu.memref_slice %arg4[%mul3A_2, %dma_wait3A_309] : memref<122880x16xf32, #tpu.memory_space<hbm>> -> memref<96x16xf32, #tpu.memory_space<hbm>>
        %dma_wait3A_311 = arith.constant 0 : i32
        %dma_wait3A_312 = arith.constant 0 : i32
        %dma_wait3A_313 = tpu.memref_slice %arg6[%dma_wait3A_304, %dma_wait3A_311, %dma_wait3A_312] : memref<8x96x16xf32, #tpu.memory_space<vmem>> -> memref<1x96x16xf32, #tpu.memory_space<vmem>>
        %dma_wait3A_314 = tpu.memref_squeeze %dma_wait3A_313 : memref<1x96x16xf32, #tpu.memory_space<vmem>> -> memref<96x16xf32, #tpu.memory_space<vmem>>
        %dma_wait3A_315 = arith.constant 0 : i32
        %dma_wait3A_316 = tpu.memref_slice %arg4[%mul3A_2, %dma_wait3A_315] : memref<122880x16xf32, #tpu.memory_space<hbm>> -> memref<96x16xf32, #tpu.memory_space<hbm>>
        tpu.wait_dma2 semaphore(%arg8 : memref<!tpu.dma_semaphore, #tpu.memory_space<semaphore_mem>>) src(%dma_wait3A_316 : memref<96x16xf32, #tpu.memory_space<hbm>>) dst(%dma_wait3A_314 : memref<96x16xf32, #tpu.memory_space<vmem>>)
        %dma_wait3A_317 = arith.constant 0 : i32
        %dma_wait3A_318 = arith.constant 0 : i32
        %dma_wait3A_319 = arith.constant 0 : i32
        %dma_wait3A_320 = tpu.memref_slice %arg6[%dma_wait3A_317, %dma_wait3A_318, %dma_wait3A_319] : memref<8x96x16xf32, #tpu.memory_space<vmem>> -> memref<1x96x16xf32, #tpu.memory_space<vmem>>
        %dma_wait3A_321 = tpu.memref_squeeze %dma_wait3A_320 : memref<1x96x16xf32, #tpu.memory_space<vmem>> -> memref<96x16xf32, #tpu.memory_space<vmem>>
        %dma_wait3A_322 = arith.constant 0 : i32
        %dma_wait3A_323 = tpu.memref_slice %arg4[%mul3A_2, %dma_wait3A_322] : memref<122880x16xf32, #tpu.memory_space<hbm>> -> memref<96x16xf32, #tpu.memory_space<hbm>>
        %dma_wait3A_324 = arith.constant 0 : i32
        %dma_wait3A_325 = arith.constant 0 : i32
        %dma_wait3A_326 = tpu.memref_slice %arg6[%dma_wait3A_317, %dma_wait3A_324, %dma_wait3A_325] : memref<8x96x16xf32, #tpu.memory_space<vmem>> -> memref<1x96x16xf32, #tpu.memory_space<vmem>>
        %dma_wait3A_327 = tpu.memref_squeeze %dma_wait3A_326 : memref<1x96x16xf32, #tpu.memory_space<vmem>> -> memref<96x16xf32, #tpu.memory_space<vmem>>
        %dma_wait3A_328 = arith.constant 0 : i32
        %dma_wait3A_329 = tpu.memref_slice %arg4[%mul3A_2, %dma_wait3A_328] : memref<122880x16xf32, #tpu.memory_space<hbm>> -> memref<96x16xf32, #tpu.memory_space<hbm>>
        tpu.wait_dma2 semaphore(%arg8 : memref<!tpu.dma_semaphore, #tpu.memory_space<semaphore_mem>>) src(%dma_wait3A_329 : memref<96x16xf32, #tpu.memory_space<hbm>>) dst(%dma_wait3A_327 : memref<96x16xf32, #tpu.memory_space<vmem>>)
        %dma_wait3A_330 = arith.constant 0 : i32
        %dma_wait3A_331 = arith.constant 0 : i32
        %dma_wait3A_332 = arith.constant 0 : i32
        %dma_wait3A_333 = tpu.memref_slice %arg6[%dma_wait3A_330, %dma_wait3A_331, %dma_wait3A_332] : memref<8x96x16xf32, #tpu.memory_space<vmem>> -> memref<1x96x16xf32, #tpu.memory_space<vmem>>
        %dma_wait3A_334 = tpu.memref_squeeze %dma_wait3A_333 : memref<1x96x16xf32, #tpu.memory_space<vmem>> -> memref<96x16xf32, #tpu.memory_space<vmem>>
        %dma_wait3A_335 = arith.constant 0 : i32
        %dma_wait3A_336 = tpu.memref_slice %arg4[%mul3A_2, %dma_wait3A_335] : memref<122880x16xf32, #tpu.memory_space<hbm>> -> memref<96x16xf32, #tpu.memory_space<hbm>>
        %dma_wait3A_337 = arith.constant 0 : i32
        %dma_wait3A_338 = arith.constant 0 : i32
        %dma_wait3A_339 = tpu.memref_slice %arg6[%dma_wait3A_330, %dma_wait3A_337, %dma_wait3A_338] : memref<8x96x16xf32, #tpu.memory_space<vmem>> -> memref<1x96x16xf32, #tpu.memory_space<vmem>>
        %dma_wait3A_340 = tpu.memref_squeeze %dma_wait3A_339 : memref<1x96x16xf32, #tpu.memory_space<vmem>> -> memref<96x16xf32, #tpu.memory_space<vmem>>
        %dma_wait3A_341 = arith.constant 0 : i32
        %dma_wait3A_342 = tpu.memref_slice %arg4[%mul3A_2, %dma_wait3A_341] : memref<122880x16xf32, #tpu.memory_space<hbm>> -> memref<96x16xf32, #tpu.memory_space<hbm>>
        tpu.wait_dma2 semaphore(%arg8 : memref<!tpu.dma_semaphore, #tpu.memory_space<semaphore_mem>>) src(%dma_wait3A_342 : memref<96x16xf32, #tpu.memory_space<hbm>>) dst(%dma_wait3A_340 : memref<96x16xf32, #tpu.memory_space<vmem>>)
        %dma_wait3A_343 = arith.constant 0 : i32
        %dma_wait3A_344 = arith.constant 0 : i32
        %dma_wait3A_345 = arith.constant 0 : i32
        %dma_wait3A_346 = tpu.memref_slice %arg6[%dma_wait3A_343, %dma_wait3A_344, %dma_wait3A_345] : memref<8x96x16xf32, #tpu.memory_space<vmem>> -> memref<1x96x16xf32, #tpu.memory_space<vmem>>
        %dma_wait3A_347 = tpu.memref_squeeze %dma_wait3A_346 : memref<1x96x16xf32, #tpu.memory_space<vmem>> -> memref<96x16xf32, #tpu.memory_space<vmem>>
        %dma_wait3A_348 = arith.constant 0 : i32
        %dma_wait3A_349 = tpu.memref_slice %arg4[%mul3A_2, %dma_wait3A_348] : memref<122880x16xf32, #tpu.memory_space<hbm>> -> memref<96x16xf32, #tpu.memory_space<hbm>>
        %dma_wait3A_350 = arith.constant 0 : i32
        %dma_wait3A_351 = arith.constant 0 : i32
        %dma_wait3A_352 = tpu.memref_slice %arg6[%dma_wait3A_343, %dma_wait3A_350, %dma_wait3A_351] : memref<8x96x16xf32, #tpu.memory_space<vmem>> -> memref<1x96x16xf32, #tpu.memory_space<vmem>>
        %dma_wait3A_353 = tpu.memref_squeeze %dma_wait3A_352 : memref<1x96x16xf32, #tpu.memory_space<vmem>> -> memref<96x16xf32, #tpu.memory_space<vmem>>
        %dma_wait3A_354 = arith.constant 0 : i32
        %dma_wait3A_355 = tpu.memref_slice %arg4[%mul3A_2, %dma_wait3A_354] : memref<122880x16xf32, #tpu.memory_space<hbm>> -> memref<96x16xf32, #tpu.memory_space<hbm>>
        tpu.wait_dma2 semaphore(%arg8 : memref<!tpu.dma_semaphore, #tpu.memory_space<semaphore_mem>>) src(%dma_wait3A_355 : memref<96x16xf32, #tpu.memory_space<hbm>>) dst(%dma_wait3A_353 : memref<96x16xf32, #tpu.memory_space<vmem>>)
      } else {
      }
      %mul3A_125 = arith.constant 4 : i32
      %mul3A_126 = arith.muli %scan3A_111, %mul3A_125 : i32
      %add3A_127 = arith.constant 0 : i32
      %add3A_128 = arith.addi %mul3A_126, %add3A_127 : i32
      %mul3A_129 = arith.constant 96 : i32
      %mul3A_130 = arith.muli %add3A_128, %mul3A_129 : i32
      %add3A_131 = arith.constant 0 : i32
      %add3A_132 = arith.addi %mul3A_122, %add3A_131 : i32
      %dma_start3A = arith.constant 0 : i32
      %dma_start3A_133 = arith.constant 0 : i32
      %dma_start3A_134 = tpu.memref_slice %arg6[%add3A_132, %dma_start3A, %dma_start3A_133] : memref<8x96x16xf32, #tpu.memory_space<vmem>> -> memref<1x96x16xf32, #tpu.memory_space<vmem>>
      %dma_start3A_135 = tpu.memref_squeeze %dma_start3A_134 : memref<1x96x16xf32, #tpu.memory_space<vmem>> -> memref<96x16xf32, #tpu.memory_space<vmem>>
      %dma_start3A_136 = tpu.memref_slice %arg5[%mul3A_130] : memref<3840xi32, #tpu.memory_space<vmem>> -> memref<96xi32, #tpu.memory_space<vmem>>
      %dma_start3A_137 = arith.constant 0 : i32
      %dma_start3A_138 = arith.constant 0 : i32
      %dma_start3A_139 = tpu.memref_slice %arg2[%dma_start3A_137, %dma_start3A_138] : memref<320000x16xf32, #tpu.memory_space<hbm>> -> memref<320000x16xf32, #tpu.memory_space<hbm>>
      tpu.enqueue_indirect_dma source(%dma_start3A_139 : memref<320000x16xf32, #tpu.memory_space<hbm>>) target(%dma_start3A_135 : memref<96x16xf32, #tpu.memory_space<vmem>>) offsets(%dma_start3A_136 : memref<96xi32, #tpu.memory_space<vmem>>) semaphore(%arg7 : memref<!tpu.dma_semaphore, #tpu.memory_space<semaphore_mem>>)
      %mul3A_140 = arith.constant 4 : i32
      %mul3A_141 = arith.muli %scan3A_111, %mul3A_140 : i32
      %add3A_142 = arith.constant 1 : i32
      %add3A_143 = arith.addi %mul3A_141, %add3A_142 : i32
      %mul3A_144 = arith.constant 96 : i32
      %mul3A_145 = arith.muli %add3A_143, %mul3A_144 : i32
      %add3A_146 = arith.constant 1 : i32
      %add3A_147 = arith.addi %mul3A_122, %add3A_146 : i32
      %dma_start3A_148 = arith.constant 0 : i32
      %dma_start3A_149 = arith.constant 0 : i32
      %dma_start3A_150 = tpu.memref_slice %arg6[%add3A_147, %dma_start3A_148, %dma_start3A_149] : memref<8x96x16xf32, #tpu.memory_space<vmem>> -> memref<1x96x16xf32, #tpu.memory_space<vmem>>
      %dma_start3A_151 = tpu.memref_squeeze %dma_start3A_150 : memref<1x96x16xf32, #tpu.memory_space<vmem>> -> memref<96x16xf32, #tpu.memory_space<vmem>>
      %dma_start3A_152 = tpu.memref_slice %arg5[%mul3A_145] : memref<3840xi32, #tpu.memory_space<vmem>> -> memref<96xi32, #tpu.memory_space<vmem>>
      %dma_start3A_153 = arith.constant 0 : i32
      %dma_start3A_154 = arith.constant 0 : i32
      %dma_start3A_155 = tpu.memref_slice %arg2[%dma_start3A_153, %dma_start3A_154] : memref<320000x16xf32, #tpu.memory_space<hbm>> -> memref<320000x16xf32, #tpu.memory_space<hbm>>
      tpu.enqueue_indirect_dma source(%dma_start3A_155 : memref<320000x16xf32, #tpu.memory_space<hbm>>) target(%dma_start3A_151 : memref<96x16xf32, #tpu.memory_space<vmem>>) offsets(%dma_start3A_152 : memref<96xi32, #tpu.memory_space<vmem>>) semaphore(%arg7 : memref<!tpu.dma_semaphore, #tpu.memory_space<semaphore_mem>>)
      %mul3A_156 = arith.constant 4 : i32
      %mul3A_157 = arith.muli %scan3A_111, %mul3A_156 : i32
      %add3A_158 = arith.constant 2 : i32
      %add3A_159 = arith.addi %mul3A_157, %add3A_158 : i32
      %mul3A_160 = arith.constant 96 : i32
      %mul3A_161 = arith.muli %add3A_159, %mul3A_160 : i32
      %add3A_162 = arith.constant 2 : i32
      %add3A_163 = arith.addi %mul3A_122, %add3A_162 : i32
      %dma_start3A_164 = arith.constant 0 : i32
      %dma_start3A_165 = arith.constant 0 : i32
      %dma_start3A_166 = tpu.memref_slice %arg6[%add3A_163, %dma_start3A_164, %dma_start3A_165] : memref<8x96x16xf32, #tpu.memory_space<vmem>> -> memref<1x96x16xf32, #tpu.memory_space<vmem>>
      %dma_start3A_167 = tpu.memref_squeeze %dma_start3A_166 : memref<1x96x16xf32, #tpu.memory_space<vmem>> -> memref<96x16xf32, #tpu.memory_space<vmem>>
      %dma_start3A_168 = tpu.memref_slice %arg5[%mul3A_161] : memref<3840xi32, #tpu.memory_space<vmem>> -> memref<96xi32, #tpu.memory_space<vmem>>
      %dma_start3A_169 = arith.constant 0 : i32
      %dma_start3A_170 = arith.constant 0 : i32
      %dma_start3A_171 = tpu.memref_slice %arg2[%dma_start3A_169, %dma_start3A_170] : memref<320000x16xf32, #tpu.memory_space<hbm>> -> memref<320000x16xf32, #tpu.memory_space<hbm>>
      tpu.enqueue_indirect_dma source(%dma_start3A_171 : memref<320000x16xf32, #tpu.memory_space<hbm>>) target(%dma_start3A_167 : memref<96x16xf32, #tpu.memory_space<vmem>>) offsets(%dma_start3A_168 : memref<96xi32, #tpu.memory_space<vmem>>) semaphore(%arg7 : memref<!tpu.dma_semaphore, #tpu.memory_space<semaphore_mem>>)
      %mul3A_172 = arith.constant 4 : i32
      %mul3A_173 = arith.muli %scan3A_111, %mul3A_172 : i32
      %add3A_174 = arith.constant 3 : i32
      %add3A_175 = arith.addi %mul3A_173, %add3A_174 : i32
      %mul3A_176 = arith.constant 96 : i32
      %mul3A_177 = arith.muli %add3A_175, %mul3A_176 : i32
      %add3A_178 = arith.constant 3 : i32
      %add3A_179 = arith.addi %mul3A_122, %add3A_178 : i32
      %dma_start3A_180 = arith.constant 0 : i32
      %dma_start3A_181 = arith.constant 0 : i32
      %dma_start3A_182 = tpu.memref_slice %arg6[%add3A_179, %dma_start3A_180, %dma_start3A_181] : memref<8x96x16xf32, #tpu.memory_space<vmem>> -> memref<1x96x16xf32, #tpu.memory_space<vmem>>
      %dma_start3A_183 = tpu.memref_squeeze %dma_start3A_182 : memref<1x96x16xf32, #tpu.memory_space<vmem>> -> memref<96x16xf32, #tpu.memory_space<vmem>>
      %dma_start3A_184 = tpu.memref_slice %arg5[%mul3A_177] : memref<3840xi32, #tpu.memory_space<vmem>> -> memref<96xi32, #tpu.memory_space<vmem>>
      %dma_start3A_185 = arith.constant 0 : i32
      %dma_start3A_186 = arith.constant 0 : i32
      %dma_start3A_187 = tpu.memref_slice %arg2[%dma_start3A_185, %dma_start3A_186] : memref<320000x16xf32, #tpu.memory_space<hbm>> -> memref<320000x16xf32, #tpu.memory_space<hbm>>
      tpu.enqueue_indirect_dma source(%dma_start3A_187 : memref<320000x16xf32, #tpu.memory_space<hbm>>) target(%dma_start3A_183 : memref<96x16xf32, #tpu.memory_space<vmem>>) offsets(%dma_start3A_184 : memref<96xi32, #tpu.memory_space<vmem>>) semaphore(%arg7 : memref<!tpu.dma_semaphore, #tpu.memory_space<semaphore_mem>>)
      %dma_wait3A_188 = arith.constant 0 : i32
      %dma_wait3A_189 = arith.constant 0 : i32
      %dma_wait3A_190 = tpu.memref_slice %arg6[%add3A_132, %dma_wait3A_188, %dma_wait3A_189] : memref<8x96x16xf32, #tpu.memory_space<vmem>> -> memref<1x96x16xf32, #tpu.memory_space<vmem>>
      %dma_wait3A_191 = tpu.memref_squeeze %dma_wait3A_190 : memref<1x96x16xf32, #tpu.memory_space<vmem>> -> memref<96x16xf32, #tpu.memory_space<vmem>>
      %dma_wait3A_192 = tpu.memref_slice %arg5[%mul3A_130] : memref<3840xi32, #tpu.memory_space<vmem>> -> memref<96xi32, #tpu.memory_space<vmem>>
      %dma_wait3A_193 = arith.constant 0 : i32
      %dma_wait3A_194 = arith.constant 0 : i32
      %dma_wait3A_195 = tpu.memref_slice %arg2[%dma_wait3A_193, %dma_wait3A_194] : memref<320000x16xf32, #tpu.memory_space<hbm>> -> memref<320000x16xf32, #tpu.memory_space<hbm>>
      tpu.wait_indirect_dma semaphore(%arg7 : memref<!tpu.dma_semaphore, #tpu.memory_space<semaphore_mem>>) src(%dma_wait3A_195 : memref<320000x16xf32, #tpu.memory_space<hbm>>) dst(%dma_wait3A_191 : memref<96x16xf32, #tpu.memory_space<vmem>>)
      %dma_wait3A_196 = arith.constant 0 : i32
      %dma_wait3A_197 = arith.constant 0 : i32
      %dma_wait3A_198 = tpu.memref_slice %arg6[%add3A_147, %dma_wait3A_196, %dma_wait3A_197] : memref<8x96x16xf32, #tpu.memory_space<vmem>> -> memref<1x96x16xf32, #tpu.memory_space<vmem>>
      %dma_wait3A_199 = tpu.memref_squeeze %dma_wait3A_198 : memref<1x96x16xf32, #tpu.memory_space<vmem>> -> memref<96x16xf32, #tpu.memory_space<vmem>>
      %dma_wait3A_200 = tpu.memref_slice %arg5[%mul3A_145] : memref<3840xi32, #tpu.memory_space<vmem>> -> memref<96xi32, #tpu.memory_space<vmem>>
      %dma_wait3A_201 = arith.constant 0 : i32
      %dma_wait3A_202 = arith.constant 0 : i32
      %dma_wait3A_203 = tpu.memref_slice %arg2[%dma_wait3A_201, %dma_wait3A_202] : memref<320000x16xf32, #tpu.memory_space<hbm>> -> memref<320000x16xf32, #tpu.memory_space<hbm>>
      tpu.wait_indirect_dma semaphore(%arg7 : memref<!tpu.dma_semaphore, #tpu.memory_space<semaphore_mem>>) src(%dma_wait3A_203 : memref<320000x16xf32, #tpu.memory_space<hbm>>) dst(%dma_wait3A_199 : memref<96x16xf32, #tpu.memory_space<vmem>>)
      %dma_wait3A_204 = arith.constant 0 : i32
      %dma_wait3A_205 = arith.constant 0 : i32
      %dma_wait3A_206 = tpu.memref_slice %arg6[%add3A_163, %dma_wait3A_204, %dma_wait3A_205] : memref<8x96x16xf32, #tpu.memory_space<vmem>> -> memref<1x96x16xf32, #tpu.memory_space<vmem>>
      %dma_wait3A_207 = tpu.memref_squeeze %dma_wait3A_206 : memref<1x96x16xf32, #tpu.memory_space<vmem>> -> memref<96x16xf32, #tpu.memory_space<vmem>>
      %dma_wait3A_208 = tpu.memref_slice %arg5[%mul3A_161] : memref<3840xi32, #tpu.memory_space<vmem>> -> memref<96xi32, #tpu.memory_space<vmem>>
      %dma_wait3A_209 = arith.constant 0 : i32
      %dma_wait3A_210 = arith.constant 0 : i32
      %dma_wait3A_211 = tpu.memref_slice %arg2[%dma_wait3A_209, %dma_wait3A_210] : memref<320000x16xf32, #tpu.memory_space<hbm>> -> memref<320000x16xf32, #tpu.memory_space<hbm>>
      tpu.wait_indirect_dma semaphore(%arg7 : memref<!tpu.dma_semaphore, #tpu.memory_space<semaphore_mem>>) src(%dma_wait3A_211 : memref<320000x16xf32, #tpu.memory_space<hbm>>) dst(%dma_wait3A_207 : memref<96x16xf32, #tpu.memory_space<vmem>>)
      %dma_wait3A_212 = arith.constant 0 : i32
      %dma_wait3A_213 = arith.constant 0 : i32
      %dma_wait3A_214 = tpu.memref_slice %arg6[%add3A_179, %dma_wait3A_212, %dma_wait3A_213] : memref<8x96x16xf32, #tpu.memory_space<vmem>> -> memref<1x96x16xf32, #tpu.memory_space<vmem>>
      %dma_wait3A_215 = tpu.memref_squeeze %dma_wait3A_214 : memref<1x96x16xf32, #tpu.memory_space<vmem>> -> memref<96x16xf32, #tpu.memory_space<vmem>>
      %dma_wait3A_216 = tpu.memref_slice %arg5[%mul3A_177] : memref<3840xi32, #tpu.memory_space<vmem>> -> memref<96xi32, #tpu.memory_space<vmem>>
      %dma_wait3A_217 = arith.constant 0 : i32
      %dma_wait3A_218 = arith.constant 0 : i32
      %dma_wait3A_219 = tpu.memref_slice %arg2[%dma_wait3A_217, %dma_wait3A_218] : memref<320000x16xf32, #tpu.memory_space<hbm>> -> memref<320000x16xf32, #tpu.memory_space<hbm>>
      tpu.wait_indirect_dma semaphore(%arg7 : memref<!tpu.dma_semaphore, #tpu.memory_space<semaphore_mem>>) src(%dma_wait3A_219 : memref<320000x16xf32, #tpu.memory_space<hbm>>) dst(%dma_wait3A_215 : memref<96x16xf32, #tpu.memory_space<vmem>>)
      %mul3A_220 = arith.constant 4 : i32
      %mul3A_221 = arith.muli %scan3A_111, %mul3A_220 : i32
      %add3A_222 = arith.constant 0 : i32
      %add3A_223 = arith.addi %mul3A_221, %add3A_222 : i32
      %add3A_224 = arith.constant 0 : i32
      %add3A_225 = arith.addi %mul3A_122, %add3A_224 : i32
      %mul3A_226 = arith.constant 96 : i32
      %mul3A_227 = arith.muli %add3A_223, %mul3A_226 : i32
      %add3A_228 = arith.addi %mul3A_2, %mul3A_227 : i32
      %dma_start3A_229 = arith.constant 0 : i32
      %dma_start3A_230 = arith.constant 0 : i32
      %dma_start3A_231 = tpu.memref_slice %arg6[%add3A_225, %dma_start3A_229, %dma_start3A_230] : memref<8x96x16xf32, #tpu.memory_space<vmem>> -> memref<1x96x16xf32, #tpu.memory_space<vmem>>
      %dma_start3A_232 = tpu.memref_squeeze %dma_start3A_231 : memref<1x96x16xf32, #tpu.memory_space<vmem>> -> memref<96x16xf32, #tpu.memory_space<vmem>>
      %dma_start3A_233 = arith.constant 0 : i32
      %dma_start3A_234 = tpu.memref_slice %arg4[%add3A_228, %dma_start3A_233] : memref<122880x16xf32, #tpu.memory_space<hbm>> -> memref<96x16xf32, #tpu.memory_space<hbm>>
      %dma_start3A_235 = arith.constant 0 : i32
      %dma_start3A_236 = tpu.memref_slice %arg4[%add3A_228, %dma_start3A_235] : memref<122880x16xf32, #tpu.memory_space<hbm>> -> memref<96x16xf32, #tpu.memory_space<hbm>>
      %dma_start3A_237 = arith.constant 0 : i32
      %dma_start3A_238 = arith.constant 0 : i32
      %dma_start3A_239 = tpu.memref_slice %arg6[%add3A_225, %dma_start3A_237, %dma_start3A_238] : memref<8x96x16xf32, #tpu.memory_space<vmem>> -> memref<1x96x16xf32, #tpu.memory_space<vmem>>
      %dma_start3A_240 = tpu.memref_squeeze %dma_start3A_239 : memref<1x96x16xf32, #tpu.memory_space<vmem>> -> memref<96x16xf32, #tpu.memory_space<vmem>>
      tpu.enqueue_dma source(%dma_start3A_240 : memref<96x16xf32, #tpu.memory_space<vmem>>) target(%dma_start3A_236 : memref<96x16xf32, #tpu.memory_space<hbm>>) target_semaphore(%arg8 : memref<!tpu.dma_semaphore, #tpu.memory_space<semaphore_mem>>)
      %mul3A_241 = arith.constant 4 : i32
      %mul3A_242 = arith.muli %scan3A_111, %mul3A_241 : i32
      %add3A_243 = arith.constant 1 : i32
      %add3A_244 = arith.addi %mul3A_242, %add3A_243 : i32
      %add3A_245 = arith.constant 1 : i32
      %add3A_246 = arith.addi %mul3A_122, %add3A_245 : i32
      %mul3A_247 = arith.constant 96 : i32
      %mul3A_248 = arith.muli %add3A_244, %mul3A_247 : i32
      %add3A_249 = arith.addi %mul3A_2, %mul3A_248 : i32
      %dma_start3A_250 = arith.constant 0 : i32
      %dma_start3A_251 = arith.constant 0 : i32
      %dma_start3A_252 = tpu.memref_slice %arg6[%add3A_246, %dma_start3A_250, %dma_start3A_251] : memref<8x96x16xf32, #tpu.memory_space<vmem>> -> memref<1x96x16xf32, #tpu.memory_space<vmem>>
      %dma_start3A_253 = tpu.memref_squeeze %dma_start3A_252 : memref<1x96x16xf32, #tpu.memory_space<vmem>> -> memref<96x16xf32, #tpu.memory_space<vmem>>
      %dma_start3A_254 = arith.constant 0 : i32
      %dma_start3A_255 = tpu.memref_slice %arg4[%add3A_249, %dma_start3A_254] : memref<122880x16xf32, #tpu.memory_space<hbm>> -> memref<96x16xf32, #tpu.memory_space<hbm>>
      %dma_start3A_256 = arith.constant 0 : i32
      %dma_start3A_257 = tpu.memref_slice %arg4[%add3A_249, %dma_start3A_256] : memref<122880x16xf32, #tpu.memory_space<hbm>> -> memref<96x16xf32, #tpu.memory_space<hbm>>
      %dma_start3A_258 = arith.constant 0 : i32
      %dma_start3A_259 = arith.constant 0 : i32
      %dma_start3A_260 = tpu.memref_slice %arg6[%add3A_246, %dma_start3A_258, %dma_start3A_259] : memref<8x96x16xf32, #tpu.memory_space<vmem>> -> memref<1x96x16xf32, #tpu.memory_space<vmem>>
      %dma_start3A_261 = tpu.memref_squeeze %dma_start3A_260 : memref<1x96x16xf32, #tpu.memory_space<vmem>> -> memref<96x16xf32, #tpu.memory_space<vmem>>
      tpu.enqueue_dma source(%dma_start3A_261 : memref<96x16xf32, #tpu.memory_space<vmem>>) target(%dma_start3A_257 : memref<96x16xf32, #tpu.memory_space<hbm>>) target_semaphore(%arg8 : memref<!tpu.dma_semaphore, #tpu.memory_space<semaphore_mem>>)
      %mul3A_262 = arith.constant 4 : i32
      %mul3A_263 = arith.muli %scan3A_111, %mul3A_262 : i32
      %add3A_264 = arith.constant 2 : i32
      %add3A_265 = arith.addi %mul3A_263, %add3A_264 : i32
      %add3A_266 = arith.constant 2 : i32
      %add3A_267 = arith.addi %mul3A_122, %add3A_266 : i32
      %mul3A_268 = arith.constant 96 : i32
      %mul3A_269 = arith.muli %add3A_265, %mul3A_268 : i32
      %add3A_270 = arith.addi %mul3A_2, %mul3A_269 : i32
      %dma_start3A_271 = arith.constant 0 : i32
      %dma_start3A_272 = arith.constant 0 : i32
      %dma_start3A_273 = tpu.memref_slice %arg6[%add3A_267, %dma_start3A_271, %dma_start3A_272] : memref<8x96x16xf32, #tpu.memory_space<vmem>> -> memref<1x96x16xf32, #tpu.memory_space<vmem>>
      %dma_start3A_274 = tpu.memref_squeeze %dma_start3A_273 : memref<1x96x16xf32, #tpu.memory_space<vmem>> -> memref<96x16xf32, #tpu.memory_space<vmem>>
      %dma_start3A_275 = arith.constant 0 : i32
      %dma_start3A_276 = tpu.memref_slice %arg4[%add3A_270, %dma_start3A_275] : memref<122880x16xf32, #tpu.memory_space<hbm>> -> memref<96x16xf32, #tpu.memory_space<hbm>>
      %dma_start3A_277 = arith.constant 0 : i32
      %dma_start3A_278 = tpu.memref_slice %arg4[%add3A_270, %dma_start3A_277] : memref<122880x16xf32, #tpu.memory_space<hbm>> -> memref<96x16xf32, #tpu.memory_space<hbm>>
      %dma_start3A_279 = arith.constant 0 : i32
      %dma_start3A_280 = arith.constant 0 : i32
      %dma_start3A_281 = tpu.memref_slice %arg6[%add3A_267, %dma_start3A_279, %dma_start3A_280] : memref<8x96x16xf32, #tpu.memory_space<vmem>> -> memref<1x96x16xf32, #tpu.memory_space<vmem>>
      %dma_start3A_282 = tpu.memref_squeeze %dma_start3A_281 : memref<1x96x16xf32, #tpu.memory_space<vmem>> -> memref<96x16xf32, #tpu.memory_space<vmem>>
      tpu.enqueue_dma source(%dma_start3A_282 : memref<96x16xf32, #tpu.memory_space<vmem>>) target(%dma_start3A_278 : memref<96x16xf32, #tpu.memory_space<hbm>>) target_semaphore(%arg8 : memref<!tpu.dma_semaphore, #tpu.memory_space<semaphore_mem>>)
      %mul3A_283 = arith.constant 4 : i32
      %mul3A_284 = arith.muli %scan3A_111, %mul3A_283 : i32
      %add3A_285 = arith.constant 3 : i32
      %add3A_286 = arith.addi %mul3A_284, %add3A_285 : i32
      %add3A_287 = arith.constant 3 : i32
      %add3A_288 = arith.addi %mul3A_122, %add3A_287 : i32
      %mul3A_289 = arith.constant 96 : i32
      %mul3A_290 = arith.muli %add3A_286, %mul3A_289 : i32
      %add3A_291 = arith.addi %mul3A_2, %mul3A_290 : i32
      %dma_start3A_292 = arith.constant 0 : i32
      %dma_start3A_293 = arith.constant 0 : i32
      %dma_start3A_294 = tpu.memref_slice %arg6[%add3A_288, %dma_start3A_292, %dma_start3A_293] : memref<8x96x16xf32, #tpu.memory_space<vmem>> -> memref<1x96x16xf32, #tpu.memory_space<vmem>>
      %dma_start3A_295 = tpu.memref_squeeze %dma_start3A_294 : memref<1x96x16xf32, #tpu.memory_space<vmem>> -> memref<96x16xf32, #tpu.memory_space<vmem>>
      %dma_start3A_296 = arith.constant 0 : i32
      %dma_start3A_297 = tpu.memref_slice %arg4[%add3A_291, %dma_start3A_296] : memref<122880x16xf32, #tpu.memory_space<hbm>> -> memref<96x16xf32, #tpu.memory_space<hbm>>
      %dma_start3A_298 = arith.constant 0 : i32
      %dma_start3A_299 = tpu.memref_slice %arg4[%add3A_291, %dma_start3A_298] : memref<122880x16xf32, #tpu.memory_space<hbm>> -> memref<96x16xf32, #tpu.memory_space<hbm>>
      %dma_start3A_300 = arith.constant 0 : i32
      %dma_start3A_301 = arith.constant 0 : i32
      %dma_start3A_302 = tpu.memref_slice %arg6[%add3A_288, %dma_start3A_300, %dma_start3A_301] : memref<8x96x16xf32, #tpu.memory_space<vmem>> -> memref<1x96x16xf32, #tpu.memory_space<vmem>>
      %dma_start3A_303 = tpu.memref_squeeze %dma_start3A_302 : memref<1x96x16xf32, #tpu.memory_space<vmem>> -> memref<96x16xf32, #tpu.memory_space<vmem>>
      tpu.enqueue_dma source(%dma_start3A_303 : memref<96x16xf32, #tpu.memory_space<vmem>>) target(%dma_start3A_299 : memref<96x16xf32, #tpu.memory_space<hbm>>) target_semaphore(%arg8 : memref<!tpu.dma_semaphore, #tpu.memory_space<semaphore_mem>>)
    }
    %scan3A_7 = arith.constant 10 : i32
    %dma_wait3A = arith.constant 0 : i32
    %dma_wait3A_8 = arith.constant 0 : i32
    %dma_wait3A_9 = arith.constant 0 : i32
    %dma_wait3A_10 = tpu.memref_slice %arg6[%dma_wait3A, %dma_wait3A_8, %dma_wait3A_9] : memref<8x96x16xf32, #tpu.memory_space<vmem>> -> memref<1x96x16xf32, #tpu.memory_space<vmem>>
    %dma_wait3A_11 = tpu.memref_squeeze %dma_wait3A_10 : memref<1x96x16xf32, #tpu.memory_space<vmem>> -> memref<96x16xf32, #tpu.memory_space<vmem>>
    %dma_wait3A_12 = arith.constant 0 : i32
    %dma_wait3A_13 = tpu.memref_slice %arg4[%mul3A_2, %dma_wait3A_12] : memref<122880x16xf32, #tpu.memory_space<hbm>> -> memref<96x16xf32, #tpu.memory_space<hbm>>
    %dma_wait3A_14 = arith.constant 0 : i32
    %dma_wait3A_15 = arith.constant 0 : i32
    %dma_wait3A_16 = tpu.memref_slice %arg6[%dma_wait3A, %dma_wait3A_14, %dma_wait3A_15] : memref<8x96x16xf32, #tpu.memory_space<vmem>> -> memref<1x96x16xf32, #tpu.memory_space<vmem>>
    %dma_wait3A_17 = tpu.memref_squeeze %dma_wait3A_16 : memref<1x96x16xf32, #tpu.memory_space<vmem>> -> memref<96x16xf32, #tpu.memory_space<vmem>>
    %dma_wait3A_18 = arith.constant 0 : i32
    %dma_wait3A_19 = tpu.memref_slice %arg4[%mul3A_2, %dma_wait3A_18] : memref<122880x16xf32, #tpu.memory_space<hbm>> -> memref<96x16xf32, #tpu.memory_space<hbm>>
    tpu.wait_dma2 semaphore(%arg8 : memref<!tpu.dma_semaphore, #tpu.memory_space<semaphore_mem>>) src(%dma_wait3A_19 : memref<96x16xf32, #tpu.memory_space<hbm>>) dst(%dma_wait3A_17 : memref<96x16xf32, #tpu.memory_space<vmem>>)
    %dma_wait3A_20 = arith.constant 0 : i32
    %dma_wait3A_21 = arith.constant 0 : i32
    %dma_wait3A_22 = arith.constant 0 : i32
    %dma_wait3A_23 = tpu.memref_slice %arg6[%dma_wait3A_20, %dma_wait3A_21, %dma_wait3A_22] : memref<8x96x16xf32, #tpu.memory_space<vmem>> -> memref<1x96x16xf32, #tpu.memory_space<vmem>>
    %dma_wait3A_24 = tpu.memref_squeeze %dma_wait3A_23 : memref<1x96x16xf32, #tpu.memory_space<vmem>> -> memref<96x16xf32, #tpu.memory_space<vmem>>
    %dma_wait3A_25 = arith.constant 0 : i32
    %dma_wait3A_26 = tpu.memref_slice %arg4[%mul3A_2, %dma_wait3A_25] : memref<122880x16xf32, #tpu.memory_space<hbm>> -> memref<96x16xf32, #tpu.memory_space<hbm>>
    %dma_wait3A_27 = arith.constant 0 : i32
    %dma_wait3A_28 = arith.constant 0 : i32
    %dma_wait3A_29 = tpu.memref_slice %arg6[%dma_wait3A_20, %dma_wait3A_27, %dma_wait3A_28] : memref<8x96x16xf32, #tpu.memory_space<vmem>> -> memref<1x96x16xf32, #tpu.memory_space<vmem>>
    %dma_wait3A_30 = tpu.memref_squeeze %dma_wait3A_29 : memref<1x96x16xf32, #tpu.memory_space<vmem>> -> memref<96x16xf32, #tpu.memory_space<vmem>>
    %dma_wait3A_31 = arith.constant 0 : i32
    %dma_wait3A_32 = tpu.memref_slice %arg4[%mul3A_2, %dma_wait3A_31] : memref<122880x16xf32, #tpu.memory_space<hbm>> -> memref<96x16xf32, #tpu.memory_space<hbm>>
    tpu.wait_dma2 semaphore(%arg8 : memref<!tpu.dma_semaphore, #tpu.memory_space<semaphore_mem>>) src(%dma_wait3A_32 : memref<96x16xf32, #tpu.memory_space<hbm>>) dst(%dma_wait3A_30 : memref<96x16xf32, #tpu.memory_space<vmem>>)
    %dma_wait3A_33 = arith.constant 0 : i32
    %dma_wait3A_34 = arith.constant 0 : i32
    %dma_wait3A_35 = arith.constant 0 : i32
    %dma_wait3A_36 = tpu.memref_slice %arg6[%dma_wait3A_33, %dma_wait3A_34, %dma_wait3A_35] : memref<8x96x16xf32, #tpu.memory_space<vmem>> -> memref<1x96x16xf32, #tpu.memory_space<vmem>>
    %dma_wait3A_37 = tpu.memref_squeeze %dma_wait3A_36 : memref<1x96x16xf32, #tpu.memory_space<vmem>> -> memref<96x16xf32, #tpu.memory_space<vmem>>
    %dma_wait3A_38 = arith.constant 0 : i32
    %dma_wait3A_39 = tpu.memref_slice %arg4[%mul3A_2, %dma_wait3A_38] : memref<122880x16xf32, #tpu.memory_space<hbm>> -> memref<96x16xf32, #tpu.memory_space<hbm>>
    %dma_wait3A_40 = arith.constant 0 : i32
    %dma_wait3A_41 = arith.constant 0 : i32
    %dma_wait3A_42 = tpu.memref_slice %arg6[%dma_wait3A_33, %dma_wait3A_40, %dma_wait3A_41] : memref<8x96x16xf32, #tpu.memory_space<vmem>> -> memref<1x96x16xf32, #tpu.memory_space<vmem>>
    %dma_wait3A_43 = tpu.memref_squeeze %dma_wait3A_42 : memref<1x96x16xf32, #tpu.memory_space<vmem>> -> memref<96x16xf32, #tpu.memory_space<vmem>>
    %dma_wait3A_44 = arith.constant 0 : i32
    %dma_wait3A_45 = tpu.memref_slice %arg4[%mul3A_2, %dma_wait3A_44] : memref<122880x16xf32, #tpu.memory_space<hbm>> -> memref<96x16xf32, #tpu.memory_space<hbm>>
    tpu.wait_dma2 semaphore(%arg8 : memref<!tpu.dma_semaphore, #tpu.memory_space<semaphore_mem>>) src(%dma_wait3A_45 : memref<96x16xf32, #tpu.memory_space<hbm>>) dst(%dma_wait3A_43 : memref<96x16xf32, #tpu.memory_space<vmem>>)
    %dma_wait3A_46 = arith.constant 0 : i32
    %dma_wait3A_47 = arith.constant 0 : i32
    %dma_wait3A_48 = arith.constant 0 : i32
    %dma_wait3A_49 = tpu.memref_slice %arg6[%dma_wait3A_46, %dma_wait3A_47, %dma_wait3A_48] : memref<8x96x16xf32, #tpu.memory_space<vmem>> -> memref<1x96x16xf32, #tpu.memory_space<vmem>>
    %dma_wait3A_50 = tpu.memref_squeeze %dma_wait3A_49 : memref<1x96x16xf32, #tpu.memory_space<vmem>> -> memref<96x16xf32, #tpu.memory_space<vmem>>
    %dma_wait3A_51 = arith.constant 0 : i32
    %dma_wait3A_52 = tpu.memref_slice %arg4[%mul3A_2, %dma_wait3A_51] : memref<122880x16xf32, #tpu.memory_space<hbm>> -> memref<96x16xf32, #tpu.memory_space<hbm>>
    %dma_wait3A_53 = arith.constant 0 : i32
    %dma_wait3A_54 = arith.constant 0 : i32
    %dma_wait3A_55 = tpu.memref_slice %arg6[%dma_wait3A_46, %dma_wait3A_53, %dma_wait3A_54] : memref<8x96x16xf32, #tpu.memory_space<vmem>> -> memref<1x96x16xf32, #tpu.memory_space<vmem>>
    %dma_wait3A_56 = tpu.memref_squeeze %dma_wait3A_55 : memref<1x96x16xf32, #tpu.memory_space<vmem>> -> memref<96x16xf32, #tpu.memory_space<vmem>>
    %dma_wait3A_57 = arith.constant 0 : i32
    %dma_wait3A_58 = tpu.memref_slice %arg4[%mul3A_2, %dma_wait3A_57] : memref<122880x16xf32, #tpu.memory_space<hbm>> -> memref<96x16xf32, #tpu.memory_space<hbm>>
    tpu.wait_dma2 semaphore(%arg8 : memref<!tpu.dma_semaphore, #tpu.memory_space<semaphore_mem>>) src(%dma_wait3A_58 : memref<96x16xf32, #tpu.memory_space<hbm>>) dst(%dma_wait3A_56 : memref<96x16xf32, #tpu.memory_space<vmem>>)
    %dma_wait3A_59 = arith.constant 0 : i32
    %dma_wait3A_60 = arith.constant 0 : i32
    %dma_wait3A_61 = arith.constant 0 : i32
    %dma_wait3A_62 = tpu.memref_slice %arg6[%dma_wait3A_59, %dma_wait3A_60, %dma_wait3A_61] : memref<8x96x16xf32, #tpu.memory_space<vmem>> -> memref<1x96x16xf32, #tpu.memory_space<vmem>>
    %dma_wait3A_63 = tpu.memref_squeeze %dma_wait3A_62 : memref<1x96x16xf32, #tpu.memory_space<vmem>> -> memref<96x16xf32, #tpu.memory_space<vmem>>
    %dma_wait3A_64 = arith.constant 0 : i32
    %dma_wait3A_65 = tpu.memref_slice %arg4[%mul3A_2, %dma_wait3A_64] : memref<122880x16xf32, #tpu.memory_space<hbm>> -> memref<96x16xf32, #tpu.memory_space<hbm>>
    %dma_wait3A_66 = arith.constant 0 : i32
    %dma_wait3A_67 = arith.constant 0 : i32
    %dma_wait3A_68 = tpu.memref_slice %arg6[%dma_wait3A_59, %dma_wait3A_66, %dma_wait3A_67] : memref<8x96x16xf32, #tpu.memory_space<vmem>> -> memref<1x96x16xf32, #tpu.memory_space<vmem>>
    %dma_wait3A_69 = tpu.memref_squeeze %dma_wait3A_68 : memref<1x96x16xf32, #tpu.memory_space<vmem>> -> memref<96x16xf32, #tpu.memory_space<vmem>>
    %dma_wait3A_70 = arith.constant 0 : i32
    %dma_wait3A_71 = tpu.memref_slice %arg4[%mul3A_2, %dma_wait3A_70] : memref<122880x16xf32, #tpu.memory_space<hbm>> -> memref<96x16xf32, #tpu.memory_space<hbm>>
    tpu.wait_dma2 semaphore(%arg8 : memref<!tpu.dma_semaphore, #tpu.memory_space<semaphore_mem>>) src(%dma_wait3A_71 : memref<96x16xf32, #tpu.memory_space<hbm>>) dst(%dma_wait3A_69 : memref<96x16xf32, #tpu.memory_space<vmem>>)
    %dma_wait3A_72 = arith.constant 0 : i32
    %dma_wait3A_73 = arith.constant 0 : i32
    %dma_wait3A_74 = arith.constant 0 : i32
    %dma_wait3A_75 = tpu.memref_slice %arg6[%dma_wait3A_72, %dma_wait3A_73, %dma_wait3A_74] : memref<8x96x16xf32, #tpu.memory_space<vmem>> -> memref<1x96x16xf32, #tpu.memory_space<vmem>>
    %dma_wait3A_76 = tpu.memref_squeeze %dma_wait3A_75 : memref<1x96x16xf32, #tpu.memory_space<vmem>> -> memref<96x16xf32, #tpu.memory_space<vmem>>
    %dma_wait3A_77 = arith.constant 0 : i32
    %dma_wait3A_78 = tpu.memref_slice %arg4[%mul3A_2, %dma_wait3A_77] : memref<122880x16xf32, #tpu.memory_space<hbm>> -> memref<96x16xf32, #tpu.memory_space<hbm>>
    %dma_wait3A_79 = arith.constant 0 : i32
    %dma_wait3A_80 = arith.constant 0 : i32
    %dma_wait3A_81 = tpu.memref_slice %arg6[%dma_wait3A_72, %dma_wait3A_79, %dma_wait3A_80] : memref<8x96x16xf32, #tpu.memory_space<vmem>> -> memref<1x96x16xf32, #tpu.memory_space<vmem>>
    %dma_wait3A_82 = tpu.memref_squeeze %dma_wait3A_81 : memref<1x96x16xf32, #tpu.memory_space<vmem>> -> memref<96x16xf32, #tpu.memory_space<vmem>>
    %dma_wait3A_83 = arith.constant 0 : i32
    %dma_wait3A_84 = tpu.memref_slice %arg4[%mul3A_2, %dma_wait3A_83] : memref<122880x16xf32, #tpu.memory_space<hbm>> -> memref<96x16xf32, #tpu.memory_space<hbm>>
    tpu.wait_dma2 semaphore(%arg8 : memref<!tpu.dma_semaphore, #tpu.memory_space<semaphore_mem>>) src(%dma_wait3A_84 : memref<96x16xf32, #tpu.memory_space<hbm>>) dst(%dma_wait3A_82 : memref<96x16xf32, #tpu.memory_space<vmem>>)
    %dma_wait3A_85 = arith.constant 0 : i32
    %dma_wait3A_86 = arith.constant 0 : i32
    %dma_wait3A_87 = arith.constant 0 : i32
    %dma_wait3A_88 = tpu.memref_slice %arg6[%dma_wait3A_85, %dma_wait3A_86, %dma_wait3A_87] : memref<8x96x16xf32, #tpu.memory_space<vmem>> -> memref<1x96x16xf32, #tpu.memory_space<vmem>>
    %dma_wait3A_89 = tpu.memref_squeeze %dma_wait3A_88 : memref<1x96x16xf32, #tpu.memory_space<vmem>> -> memref<96x16xf32, #tpu.memory_space<vmem>>
    %dma_wait3A_90 = arith.constant 0 : i32
    %dma_wait3A_91 = tpu.memref_slice %arg4[%mul3A_2, %dma_wait3A_90] : memref<122880x16xf32, #tpu.memory_space<hbm>> -> memref<96x16xf32, #tpu.memory_space<hbm>>
    %dma_wait3A_92 = arith.constant 0 : i32
    %dma_wait3A_93 = arith.constant 0 : i32
    %dma_wait3A_94 = tpu.memref_slice %arg6[%dma_wait3A_85, %dma_wait3A_92, %dma_wait3A_93] : memref<8x96x16xf32, #tpu.memory_space<vmem>> -> memref<1x96x16xf32, #tpu.memory_space<vmem>>
    %dma_wait3A_95 = tpu.memref_squeeze %dma_wait3A_94 : memref<1x96x16xf32, #tpu.memory_space<vmem>> -> memref<96x16xf32, #tpu.memory_space<vmem>>
    %dma_wait3A_96 = arith.constant 0 : i32
    %dma_wait3A_97 = tpu.memref_slice %arg4[%mul3A_2, %dma_wait3A_96] : memref<122880x16xf32, #tpu.memory_space<hbm>> -> memref<96x16xf32, #tpu.memory_space<hbm>>
    tpu.wait_dma2 semaphore(%arg8 : memref<!tpu.dma_semaphore, #tpu.memory_space<semaphore_mem>>) src(%dma_wait3A_97 : memref<96x16xf32, #tpu.memory_space<hbm>>) dst(%dma_wait3A_95 : memref<96x16xf32, #tpu.memory_space<vmem>>)
    %dma_wait3A_98 = arith.constant 0 : i32
    %dma_wait3A_99 = arith.constant 0 : i32
    %dma_wait3A_100 = arith.constant 0 : i32
    %dma_wait3A_101 = tpu.memref_slice %arg6[%dma_wait3A_98, %dma_wait3A_99, %dma_wait3A_100] : memref<8x96x16xf32, #tpu.memory_space<vmem>> -> memref<1x96x16xf32, #tpu.memory_space<vmem>>
    %dma_wait3A_102 = tpu.memref_squeeze %dma_wait3A_101 : memref<1x96x16xf32, #tpu.memory_space<vmem>> -> memref<96x16xf32, #tpu.memory_space<vmem>>
    %dma_wait3A_103 = arith.constant 0 : i32
    %dma_wait3A_104 = tpu.memref_slice %arg4[%mul3A_2, %dma_wait3A_103] : memref<122880x16xf32, #tpu.memory_space<hbm>> -> memref<96x16xf32, #tpu.memory_space<hbm>>
    %dma_wait3A_105 = arith.constant 0 : i32
    %dma_wait3A_106 = arith.constant 0 : i32
    %dma_wait3A_107 = tpu.memref_slice %arg6[%dma_wait3A_98, %dma_wait3A_105, %dma_wait3A_106] : memref<8x96x16xf32, #tpu.memory_space<vmem>> -> memref<1x96x16xf32, #tpu.memory_space<vmem>>
    %dma_wait3A_108 = tpu.memref_squeeze %dma_wait3A_107 : memref<1x96x16xf32, #tpu.memory_space<vmem>> -> memref<96x16xf32, #tpu.memory_space<vmem>>
    %dma_wait3A_109 = arith.constant 0 : i32
    %dma_wait3A_110 = tpu.memref_slice %arg4[%mul3A_2, %dma_wait3A_109] : memref<122880x16xf32, #tpu.memory_space<hbm>> -> memref<96x16xf32, #tpu.memory_space<hbm>>
    tpu.wait_dma2 semaphore(%arg8 : memref<!tpu.dma_semaphore, #tpu.memory_space<semaphore_mem>>) src(%dma_wait3A_110 : memref<96x16xf32, #tpu.memory_space<hbm>>) dst(%dma_wait3A_108 : memref<96x16xf32, #tpu.memory_space<vmem>>)
    return
  }
}

#map = affine_map<(d0, d1) -> (0, 0)>
#map1 = affine_map<(d0, d1) -> (0)>
module attributes {stable_mosaic.version = 14 : i64} {
  func.func @k(%arg0: i32, %arg1: i32, %arg2: memref<10240x128xf32, #tpu.memory_space<hbm>>, %arg3: memref<129024xi32, #tpu.memory_space<hbm>>, %arg4: memref<129024x128xf32, #tpu.memory_space<hbm>>, %arg5: memref<4032xi32, #tpu.memory_space<vmem>>, %arg6: memref<12x56x128xf32, #tpu.memory_space<vmem>>, %arg7: memref<!tpu.dma_semaphore, #tpu.memory_space<semaphore_mem>>, %arg8: memref<!tpu.dma_semaphore, #tpu.memory_space<semaphore_mem>>) attributes {dimension_semantics = [#tpu.dimension_semantics<core_parallel>, #tpu.dimension_semantics<subcore_parallel>], iteration_bounds = array<i64: 2, 16>, scalar_prefetch = 0 : i64, scratch_operands = 4 : i64, tpu.core_type = #tpu.core_type<sc_vector_subcore>, window_params = [{transform_indices = #map}, {transform_indices = #map1}, {transform_indices = #map}]} {
    %mul3A = arith.constant 2 : i32
    %mul3A_0 = arith.muli %arg1, %mul3A : i32
    %add3A = arith.addi %mul3A_0, %arg0 : i32
    %mul3A_1 = arith.constant 4032 : i32
    %mul3A_2 = arith.muli %add3A, %mul3A_1 : i32
    "tpu.region"() ({
      %run_scoped3A = tpu.sem_alloc : memref<!tpu.dma_semaphore, #tpu.memory_space<semaphore_mem>>
      %dma_start3A = tpu.memref_slice %arg3[%mul3A_2] : memref<129024xi32, #tpu.memory_space<hbm>> -> memref<4032xi32, #tpu.memory_space<hbm>>
      %dma_start3A_163 = tpu.memref_slice %arg3[%mul3A_2] : memref<129024xi32, #tpu.memory_space<hbm>> -> memref<4032xi32, #tpu.memory_space<hbm>>
      tpu.enqueue_dma source(%dma_start3A_163 : memref<4032xi32, #tpu.memory_space<hbm>>) target(%arg5 : memref<4032xi32, #tpu.memory_space<vmem>>) target_semaphore(%run_scoped3A : memref<!tpu.dma_semaphore, #tpu.memory_space<semaphore_mem>>)
      %dma_wait3A_164 = tpu.memref_slice %arg3[%mul3A_2] : memref<129024xi32, #tpu.memory_space<hbm>> -> memref<4032xi32, #tpu.memory_space<hbm>>
      %dma_wait3A_165 = tpu.memref_slice %arg3[%mul3A_2] : memref<129024xi32, #tpu.memory_space<hbm>> -> memref<4032xi32, #tpu.memory_space<hbm>>
      tpu.wait_dma2 semaphore(%run_scoped3A : memref<!tpu.dma_semaphore, #tpu.memory_space<semaphore_mem>>) src(%dma_wait3A_165 : memref<4032xi32, #tpu.memory_space<hbm>>) dst(%arg5 : memref<4032xi32, #tpu.memory_space<vmem>>)
      tpu.yield
    }) : () -> ()
    %scan3A = arith.constant 0 : i32
    %scan3A_3 = arith.constant 0 : i32
    %scan3A_4 = arith.constant 12 : i32
    %scan3A_5 = arith.addi %scan3A_3, %scan3A_4 : i32
    %scan3A_6 = arith.constant 1 : i32
    scf.for %scan3A_163 = %scan3A_3 to %scan3A_5 step %scan3A_6  : i32 {
      %jit3A = arith.constant 2 : i32
      %eq3A = arith.constant 0 : i32
      %eq3A_164 = arith.cmpi eq, %jit3A, %eq3A : i32
      %jit3A_165 = arith.constant 1 : i32
      %select_n3A = arith.select %eq3A_164, %jit3A_165, %jit3A : i32
      %rem3A = arith.remsi %scan3A_163, %select_n3A : i32
      %ne3A = arith.constant 0 : i32
      %ne3A_166 = arith.cmpi ne, %rem3A, %ne3A : i32
      %lt3A = arith.constant 0 : i32
      %lt3A_167 = arith.cmpi slt, %rem3A, %lt3A : i32
      %lt3A_168 = arith.constant 0 : i32
      %lt3A_169 = arith.cmpi slt, %select_n3A, %lt3A_168 : i32
      %ne3A_170 = arith.xori %lt3A_167, %lt3A_169 : i1
      %and3A = arith.andi %ne3A_170, %ne3A_166 : i1
      %add3A_171 = arith.addi %rem3A, %select_n3A : i32
      %select_n3A_172 = arith.select %and3A, %add3A_171, %rem3A : i32
      %mul3A_173 = arith.constant 6 : i32
      %mul3A_174 = arith.muli %select_n3A_172, %mul3A_173 : i32
      %gt3A = arith.constant 1 : i32
      %gt3A_175 = arith.cmpi sgt, %scan3A_163, %gt3A : i32
      %convert_element_type3A = arith.extui %gt3A_175 : i1 to i32
      %cond3A = arith.constant 0 : i32
      %cond3A_176 = arith.cmpi ne, %convert_element_type3A, %cond3A : i32
      scf.if %cond3A_176 {
        %dma_wait3A_446 = arith.constant 0 : i32
        %dma_wait3A_447 = arith.constant 0 : i32
        %dma_wait3A_448 = arith.constant 0 : i32
        %dma_wait3A_449 = tpu.memref_slice %arg6[%dma_wait3A_446, %dma_wait3A_447, %dma_wait3A_448] : memref<12x56x128xf32, #tpu.memory_space<vmem>> -> memref<1x56x128xf32, #tpu.memory_space<vmem>>
        %dma_wait3A_450 = tpu.memref_squeeze %dma_wait3A_449 : memref<1x56x128xf32, #tpu.memory_space<vmem>> -> memref<56x128xf32, #tpu.memory_space<vmem>>
        %dma_wait3A_451 = arith.constant 0 : i32
        %dma_wait3A_452 = tpu.memref_slice %arg4[%mul3A_2, %dma_wait3A_451] : memref<129024x128xf32, #tpu.memory_space<hbm>> -> memref<56x128xf32, #tpu.memory_space<hbm>>
        %dma_wait3A_453 = arith.constant 0 : i32
        %dma_wait3A_454 = arith.constant 0 : i32
        %dma_wait3A_455 = tpu.memref_slice %arg6[%dma_wait3A_446, %dma_wait3A_453, %dma_wait3A_454] : memref<12x56x128xf32, #tpu.memory_space<vmem>> -> memref<1x56x128xf32, #tpu.memory_space<vmem>>
        %dma_wait3A_456 = tpu.memref_squeeze %dma_wait3A_455 : memref<1x56x128xf32, #tpu.memory_space<vmem>> -> memref<56x128xf32, #tpu.memory_space<vmem>>
        %dma_wait3A_457 = arith.constant 0 : i32
        %dma_wait3A_458 = tpu.memref_slice %arg4[%mul3A_2, %dma_wait3A_457] : memref<129024x128xf32, #tpu.memory_space<hbm>> -> memref<56x128xf32, #tpu.memory_space<hbm>>
        tpu.wait_dma2 semaphore(%arg8 : memref<!tpu.dma_semaphore, #tpu.memory_space<semaphore_mem>>) src(%dma_wait3A_458 : memref<56x128xf32, #tpu.memory_space<hbm>>) dst(%dma_wait3A_456 : memref<56x128xf32, #tpu.memory_space<vmem>>)
        %dma_wait3A_459 = arith.constant 0 : i32
        %dma_wait3A_460 = arith.constant 0 : i32
        %dma_wait3A_461 = arith.constant 0 : i32
        %dma_wait3A_462 = tpu.memref_slice %arg6[%dma_wait3A_459, %dma_wait3A_460, %dma_wait3A_461] : memref<12x56x128xf32, #tpu.memory_space<vmem>> -> memref<1x56x128xf32, #tpu.memory_space<vmem>>
        %dma_wait3A_463 = tpu.memref_squeeze %dma_wait3A_462 : memref<1x56x128xf32, #tpu.memory_space<vmem>> -> memref<56x128xf32, #tpu.memory_space<vmem>>
        %dma_wait3A_464 = arith.constant 0 : i32
        %dma_wait3A_465 = tpu.memref_slice %arg4[%mul3A_2, %dma_wait3A_464] : memref<129024x128xf32, #tpu.memory_space<hbm>> -> memref<56x128xf32, #tpu.memory_space<hbm>>
        %dma_wait3A_466 = arith.constant 0 : i32
        %dma_wait3A_467 = arith.constant 0 : i32
        %dma_wait3A_468 = tpu.memref_slice %arg6[%dma_wait3A_459, %dma_wait3A_466, %dma_wait3A_467] : memref<12x56x128xf32, #tpu.memory_space<vmem>> -> memref<1x56x128xf32, #tpu.memory_space<vmem>>
        %dma_wait3A_469 = tpu.memref_squeeze %dma_wait3A_468 : memref<1x56x128xf32, #tpu.memory_space<vmem>> -> memref<56x128xf32, #tpu.memory_space<vmem>>
        %dma_wait3A_470 = arith.constant 0 : i32
        %dma_wait3A_471 = tpu.memref_slice %arg4[%mul3A_2, %dma_wait3A_470] : memref<129024x128xf32, #tpu.memory_space<hbm>> -> memref<56x128xf32, #tpu.memory_space<hbm>>
        tpu.wait_dma2 semaphore(%arg8 : memref<!tpu.dma_semaphore, #tpu.memory_space<semaphore_mem>>) src(%dma_wait3A_471 : memref<56x128xf32, #tpu.memory_space<hbm>>) dst(%dma_wait3A_469 : memref<56x128xf32, #tpu.memory_space<vmem>>)
        %dma_wait3A_472 = arith.constant 0 : i32
        %dma_wait3A_473 = arith.constant 0 : i32
        %dma_wait3A_474 = arith.constant 0 : i32
        %dma_wait3A_475 = tpu.memref_slice %arg6[%dma_wait3A_472, %dma_wait3A_473, %dma_wait3A_474] : memref<12x56x128xf32, #tpu.memory_space<vmem>> -> memref<1x56x128xf32, #tpu.memory_space<vmem>>
        %dma_wait3A_476 = tpu.memref_squeeze %dma_wait3A_475 : memref<1x56x128xf32, #tpu.memory_space<vmem>> -> memref<56x128xf32, #tpu.memory_space<vmem>>
        %dma_wait3A_477 = arith.constant 0 : i32
        %dma_wait3A_478 = tpu.memref_slice %arg4[%mul3A_2, %dma_wait3A_477] : memref<129024x128xf32, #tpu.memory_space<hbm>> -> memref<56x128xf32, #tpu.memory_space<hbm>>
        %dma_wait3A_479 = arith.constant 0 : i32
        %dma_wait3A_480 = arith.constant 0 : i32
        %dma_wait3A_481 = tpu.memref_slice %arg6[%dma_wait3A_472, %dma_wait3A_479, %dma_wait3A_480] : memref<12x56x128xf32, #tpu.memory_space<vmem>> -> memref<1x56x128xf32, #tpu.memory_space<vmem>>
        %dma_wait3A_482 = tpu.memref_squeeze %dma_wait3A_481 : memref<1x56x128xf32, #tpu.memory_space<vmem>> -> memref<56x128xf32, #tpu.memory_space<vmem>>
        %dma_wait3A_483 = arith.constant 0 : i32
        %dma_wait3A_484 = tpu.memref_slice %arg4[%mul3A_2, %dma_wait3A_483] : memref<129024x128xf32, #tpu.memory_space<hbm>> -> memref<56x128xf32, #tpu.memory_space<hbm>>
        tpu.wait_dma2 semaphore(%arg8 : memref<!tpu.dma_semaphore, #tpu.memory_space<semaphore_mem>>) src(%dma_wait3A_484 : memref<56x128xf32, #tpu.memory_space<hbm>>) dst(%dma_wait3A_482 : memref<56x128xf32, #tpu.memory_space<vmem>>)
        %dma_wait3A_485 = arith.constant 0 : i32
        %dma_wait3A_486 = arith.constant 0 : i32
        %dma_wait3A_487 = arith.constant 0 : i32
        %dma_wait3A_488 = tpu.memref_slice %arg6[%dma_wait3A_485, %dma_wait3A_486, %dma_wait3A_487] : memref<12x56x128xf32, #tpu.memory_space<vmem>> -> memref<1x56x128xf32, #tpu.memory_space<vmem>>
        %dma_wait3A_489 = tpu.memref_squeeze %dma_wait3A_488 : memref<1x56x128xf32, #tpu.memory_space<vmem>> -> memref<56x128xf32, #tpu.memory_space<vmem>>
        %dma_wait3A_490 = arith.constant 0 : i32
        %dma_wait3A_491 = tpu.memref_slice %arg4[%mul3A_2, %dma_wait3A_490] : memref<129024x128xf32, #tpu.memory_space<hbm>> -> memref<56x128xf32, #tpu.memory_space<hbm>>
        %dma_wait3A_492 = arith.constant 0 : i32
        %dma_wait3A_493 = arith.constant 0 : i32
        %dma_wait3A_494 = tpu.memref_slice %arg6[%dma_wait3A_485, %dma_wait3A_492, %dma_wait3A_493] : memref<12x56x128xf32, #tpu.memory_space<vmem>> -> memref<1x56x128xf32, #tpu.memory_space<vmem>>
        %dma_wait3A_495 = tpu.memref_squeeze %dma_wait3A_494 : memref<1x56x128xf32, #tpu.memory_space<vmem>> -> memref<56x128xf32, #tpu.memory_space<vmem>>
        %dma_wait3A_496 = arith.constant 0 : i32
        %dma_wait3A_497 = tpu.memref_slice %arg4[%mul3A_2, %dma_wait3A_496] : memref<129024x128xf32, #tpu.memory_space<hbm>> -> memref<56x128xf32, #tpu.memory_space<hbm>>
        tpu.wait_dma2 semaphore(%arg8 : memref<!tpu.dma_semaphore, #tpu.memory_space<semaphore_mem>>) src(%dma_wait3A_497 : memref<56x128xf32, #tpu.memory_space<hbm>>) dst(%dma_wait3A_495 : memref<56x128xf32, #tpu.memory_space<vmem>>)
        %dma_wait3A_498 = arith.constant 0 : i32
        %dma_wait3A_499 = arith.constant 0 : i32
        %dma_wait3A_500 = arith.constant 0 : i32
        %dma_wait3A_501 = tpu.memref_slice %arg6[%dma_wait3A_498, %dma_wait3A_499, %dma_wait3A_500] : memref<12x56x128xf32, #tpu.memory_space<vmem>> -> memref<1x56x128xf32, #tpu.memory_space<vmem>>
        %dma_wait3A_502 = tpu.memref_squeeze %dma_wait3A_501 : memref<1x56x128xf32, #tpu.memory_space<vmem>> -> memref<56x128xf32, #tpu.memory_space<vmem>>
        %dma_wait3A_503 = arith.constant 0 : i32
        %dma_wait3A_504 = tpu.memref_slice %arg4[%mul3A_2, %dma_wait3A_503] : memref<129024x128xf32, #tpu.memory_space<hbm>> -> memref<56x128xf32, #tpu.memory_space<hbm>>
        %dma_wait3A_505 = arith.constant 0 : i32
        %dma_wait3A_506 = arith.constant 0 : i32
        %dma_wait3A_507 = tpu.memref_slice %arg6[%dma_wait3A_498, %dma_wait3A_505, %dma_wait3A_506] : memref<12x56x128xf32, #tpu.memory_space<vmem>> -> memref<1x56x128xf32, #tpu.memory_space<vmem>>
        %dma_wait3A_508 = tpu.memref_squeeze %dma_wait3A_507 : memref<1x56x128xf32, #tpu.memory_space<vmem>> -> memref<56x128xf32, #tpu.memory_space<vmem>>
        %dma_wait3A_509 = arith.constant 0 : i32
        %dma_wait3A_510 = tpu.memref_slice %arg4[%mul3A_2, %dma_wait3A_509] : memref<129024x128xf32, #tpu.memory_space<hbm>> -> memref<56x128xf32, #tpu.memory_space<hbm>>
        tpu.wait_dma2 semaphore(%arg8 : memref<!tpu.dma_semaphore, #tpu.memory_space<semaphore_mem>>) src(%dma_wait3A_510 : memref<56x128xf32, #tpu.memory_space<hbm>>) dst(%dma_wait3A_508 : memref<56x128xf32, #tpu.memory_space<vmem>>)
        %dma_wait3A_511 = arith.constant 0 : i32
        %dma_wait3A_512 = arith.constant 0 : i32
        %dma_wait3A_513 = arith.constant 0 : i32
        %dma_wait3A_514 = tpu.memref_slice %arg6[%dma_wait3A_511, %dma_wait3A_512, %dma_wait3A_513] : memref<12x56x128xf32, #tpu.memory_space<vmem>> -> memref<1x56x128xf32, #tpu.memory_space<vmem>>
        %dma_wait3A_515 = tpu.memref_squeeze %dma_wait3A_514 : memref<1x56x128xf32, #tpu.memory_space<vmem>> -> memref<56x128xf32, #tpu.memory_space<vmem>>
        %dma_wait3A_516 = arith.constant 0 : i32
        %dma_wait3A_517 = tpu.memref_slice %arg4[%mul3A_2, %dma_wait3A_516] : memref<129024x128xf32, #tpu.memory_space<hbm>> -> memref<56x128xf32, #tpu.memory_space<hbm>>
        %dma_wait3A_518 = arith.constant 0 : i32
        %dma_wait3A_519 = arith.constant 0 : i32
        %dma_wait3A_520 = tpu.memref_slice %arg6[%dma_wait3A_511, %dma_wait3A_518, %dma_wait3A_519] : memref<12x56x128xf32, #tpu.memory_space<vmem>> -> memref<1x56x128xf32, #tpu.memory_space<vmem>>
        %dma_wait3A_521 = tpu.memref_squeeze %dma_wait3A_520 : memref<1x56x128xf32, #tpu.memory_space<vmem>> -> memref<56x128xf32, #tpu.memory_space<vmem>>
        %dma_wait3A_522 = arith.constant 0 : i32
        %dma_wait3A_523 = tpu.memref_slice %arg4[%mul3A_2, %dma_wait3A_522] : memref<129024x128xf32, #tpu.memory_space<hbm>> -> memref<56x128xf32, #tpu.memory_space<hbm>>
        tpu.wait_dma2 semaphore(%arg8 : memref<!tpu.dma_semaphore, #tpu.memory_space<semaphore_mem>>) src(%dma_wait3A_523 : memref<56x128xf32, #tpu.memory_space<hbm>>) dst(%dma_wait3A_521 : memref<56x128xf32, #tpu.memory_space<vmem>>)
      } else {
      }
      %mul3A_177 = arith.constant 6 : i32
      %mul3A_178 = arith.muli %scan3A_163, %mul3A_177 : i32
      %add3A_179 = arith.constant 0 : i32
      %add3A_180 = arith.addi %mul3A_178, %add3A_179 : i32
      %mul3A_181 = arith.constant 56 : i32
      %mul3A_182 = arith.muli %add3A_180, %mul3A_181 : i32
      %add3A_183 = arith.constant 0 : i32
      %add3A_184 = arith.addi %mul3A_174, %add3A_183 : i32
      %dma_start3A = arith.constant 0 : i32
      %dma_start3A_185 = arith.constant 0 : i32
      %dma_start3A_186 = tpu.memref_slice %arg6[%add3A_184, %dma_start3A, %dma_start3A_185] : memref<12x56x128xf32, #tpu.memory_space<vmem>> -> memref<1x56x128xf32, #tpu.memory_space<vmem>>
      %dma_start3A_187 = tpu.memref_squeeze %dma_start3A_186 : memref<1x56x128xf32, #tpu.memory_space<vmem>> -> memref<56x128xf32, #tpu.memory_space<vmem>>
      %dma_start3A_188 = tpu.memref_slice %arg5[%mul3A_182] : memref<4032xi32, #tpu.memory_space<vmem>> -> memref<56xi32, #tpu.memory_space<vmem>>
      %dma_start3A_189 = arith.constant 0 : i32
      %dma_start3A_190 = arith.constant 0 : i32
      %dma_start3A_191 = tpu.memref_slice %arg2[%dma_start3A_189, %dma_start3A_190] : memref<10240x128xf32, #tpu.memory_space<hbm>> -> memref<10240x128xf32, #tpu.memory_space<hbm>>
      tpu.enqueue_indirect_dma source(%dma_start3A_191 : memref<10240x128xf32, #tpu.memory_space<hbm>>) target(%dma_start3A_187 : memref<56x128xf32, #tpu.memory_space<vmem>>) offsets(%dma_start3A_188 : memref<56xi32, #tpu.memory_space<vmem>>) semaphore(%arg7 : memref<!tpu.dma_semaphore, #tpu.memory_space<semaphore_mem>>)
      %mul3A_192 = arith.constant 6 : i32
      %mul3A_193 = arith.muli %scan3A_163, %mul3A_192 : i32
      %add3A_194 = arith.constant 1 : i32
      %add3A_195 = arith.addi %mul3A_193, %add3A_194 : i32
      %mul3A_196 = arith.constant 56 : i32
      %mul3A_197 = arith.muli %add3A_195, %mul3A_196 : i32
      %add3A_198 = arith.constant 1 : i32
      %add3A_199 = arith.addi %mul3A_174, %add3A_198 : i32
      %dma_start3A_200 = arith.constant 0 : i32
      %dma_start3A_201 = arith.constant 0 : i32
      %dma_start3A_202 = tpu.memref_slice %arg6[%add3A_199, %dma_start3A_200, %dma_start3A_201] : memref<12x56x128xf32, #tpu.memory_space<vmem>> -> memref<1x56x128xf32, #tpu.memory_space<vmem>>
      %dma_start3A_203 = tpu.memref_squeeze %dma_start3A_202 : memref<1x56x128xf32, #tpu.memory_space<vmem>> -> memref<56x128xf32, #tpu.memory_space<vmem>>
      %dma_start3A_204 = tpu.memref_slice %arg5[%mul3A_197] : memref<4032xi32, #tpu.memory_space<vmem>> -> memref<56xi32, #tpu.memory_space<vmem>>
      %dma_start3A_205 = arith.constant 0 : i32
      %dma_start3A_206 = arith.constant 0 : i32
      %dma_start3A_207 = tpu.memref_slice %arg2[%dma_start3A_205, %dma_start3A_206] : memref<10240x128xf32, #tpu.memory_space<hbm>> -> memref<10240x128xf32, #tpu.memory_space<hbm>>
      tpu.enqueue_indirect_dma source(%dma_start3A_207 : memref<10240x128xf32, #tpu.memory_space<hbm>>) target(%dma_start3A_203 : memref<56x128xf32, #tpu.memory_space<vmem>>) offsets(%dma_start3A_204 : memref<56xi32, #tpu.memory_space<vmem>>) semaphore(%arg7 : memref<!tpu.dma_semaphore, #tpu.memory_space<semaphore_mem>>)
      %mul3A_208 = arith.constant 6 : i32
      %mul3A_209 = arith.muli %scan3A_163, %mul3A_208 : i32
      %add3A_210 = arith.constant 2 : i32
      %add3A_211 = arith.addi %mul3A_209, %add3A_210 : i32
      %mul3A_212 = arith.constant 56 : i32
      %mul3A_213 = arith.muli %add3A_211, %mul3A_212 : i32
      %add3A_214 = arith.constant 2 : i32
      %add3A_215 = arith.addi %mul3A_174, %add3A_214 : i32
      %dma_start3A_216 = arith.constant 0 : i32
      %dma_start3A_217 = arith.constant 0 : i32
      %dma_start3A_218 = tpu.memref_slice %arg6[%add3A_215, %dma_start3A_216, %dma_start3A_217] : memref<12x56x128xf32, #tpu.memory_space<vmem>> -> memref<1x56x128xf32, #tpu.memory_space<vmem>>
      %dma_start3A_219 = tpu.memref_squeeze %dma_start3A_218 : memref<1x56x128xf32, #tpu.memory_space<vmem>> -> memref<56x128xf32, #tpu.memory_space<vmem>>
      %dma_start3A_220 = tpu.memref_slice %arg5[%mul3A_213] : memref<4032xi32, #tpu.memory_space<vmem>> -> memref<56xi32, #tpu.memory_space<vmem>>
      %dma_start3A_221 = arith.constant 0 : i32
      %dma_start3A_222 = arith.constant 0 : i32
      %dma_start3A_223 = tpu.memref_slice %arg2[%dma_start3A_221, %dma_start3A_222] : memref<10240x128xf32, #tpu.memory_space<hbm>> -> memref<10240x128xf32, #tpu.memory_space<hbm>>
      tpu.enqueue_indirect_dma source(%dma_start3A_223 : memref<10240x128xf32, #tpu.memory_space<hbm>>) target(%dma_start3A_219 : memref<56x128xf32, #tpu.memory_space<vmem>>) offsets(%dma_start3A_220 : memref<56xi32, #tpu.memory_space<vmem>>) semaphore(%arg7 : memref<!tpu.dma_semaphore, #tpu.memory_space<semaphore_mem>>)
      %mul3A_224 = arith.constant 6 : i32
      %mul3A_225 = arith.muli %scan3A_163, %mul3A_224 : i32
      %add3A_226 = arith.constant 3 : i32
      %add3A_227 = arith.addi %mul3A_225, %add3A_226 : i32
      %mul3A_228 = arith.constant 56 : i32
      %mul3A_229 = arith.muli %add3A_227, %mul3A_228 : i32
      %add3A_230 = arith.constant 3 : i32
      %add3A_231 = arith.addi %mul3A_174, %add3A_230 : i32
      %dma_start3A_232 = arith.constant 0 : i32
      %dma_start3A_233 = arith.constant 0 : i32
      %dma_start3A_234 = tpu.memref_slice %arg6[%add3A_231, %dma_start3A_232, %dma_start3A_233] : memref<12x56x128xf32, #tpu.memory_space<vmem>> -> memref<1x56x128xf32, #tpu.memory_space<vmem>>
      %dma_start3A_235 = tpu.memref_squeeze %dma_start3A_234 : memref<1x56x128xf32, #tpu.memory_space<vmem>> -> memref<56x128xf32, #tpu.memory_space<vmem>>
      %dma_start3A_236 = tpu.memref_slice %arg5[%mul3A_229] : memref<4032xi32, #tpu.memory_space<vmem>> -> memref<56xi32, #tpu.memory_space<vmem>>
      %dma_start3A_237 = arith.constant 0 : i32
      %dma_start3A_238 = arith.constant 0 : i32
      %dma_start3A_239 = tpu.memref_slice %arg2[%dma_start3A_237, %dma_start3A_238] : memref<10240x128xf32, #tpu.memory_space<hbm>> -> memref<10240x128xf32, #tpu.memory_space<hbm>>
      tpu.enqueue_indirect_dma source(%dma_start3A_239 : memref<10240x128xf32, #tpu.memory_space<hbm>>) target(%dma_start3A_235 : memref<56x128xf32, #tpu.memory_space<vmem>>) offsets(%dma_start3A_236 : memref<56xi32, #tpu.memory_space<vmem>>) semaphore(%arg7 : memref<!tpu.dma_semaphore, #tpu.memory_space<semaphore_mem>>)
      %mul3A_240 = arith.constant 6 : i32
      %mul3A_241 = arith.muli %scan3A_163, %mul3A_240 : i32
      %add3A_242 = arith.constant 4 : i32
      %add3A_243 = arith.addi %mul3A_241, %add3A_242 : i32
      %mul3A_244 = arith.constant 56 : i32
      %mul3A_245 = arith.muli %add3A_243, %mul3A_244 : i32
      %add3A_246 = arith.constant 4 : i32
      %add3A_247 = arith.addi %mul3A_174, %add3A_246 : i32
      %dma_start3A_248 = arith.constant 0 : i32
      %dma_start3A_249 = arith.constant 0 : i32
      %dma_start3A_250 = tpu.memref_slice %arg6[%add3A_247, %dma_start3A_248, %dma_start3A_249] : memref<12x56x128xf32, #tpu.memory_space<vmem>> -> memref<1x56x128xf32, #tpu.memory_space<vmem>>
      %dma_start3A_251 = tpu.memref_squeeze %dma_start3A_250 : memref<1x56x128xf32, #tpu.memory_space<vmem>> -> memref<56x128xf32, #tpu.memory_space<vmem>>
      %dma_start3A_252 = tpu.memref_slice %arg5[%mul3A_245] : memref<4032xi32, #tpu.memory_space<vmem>> -> memref<56xi32, #tpu.memory_space<vmem>>
      %dma_start3A_253 = arith.constant 0 : i32
      %dma_start3A_254 = arith.constant 0 : i32
      %dma_start3A_255 = tpu.memref_slice %arg2[%dma_start3A_253, %dma_start3A_254] : memref<10240x128xf32, #tpu.memory_space<hbm>> -> memref<10240x128xf32, #tpu.memory_space<hbm>>
      tpu.enqueue_indirect_dma source(%dma_start3A_255 : memref<10240x128xf32, #tpu.memory_space<hbm>>) target(%dma_start3A_251 : memref<56x128xf32, #tpu.memory_space<vmem>>) offsets(%dma_start3A_252 : memref<56xi32, #tpu.memory_space<vmem>>) semaphore(%arg7 : memref<!tpu.dma_semaphore, #tpu.memory_space<semaphore_mem>>)
      %mul3A_256 = arith.constant 6 : i32
      %mul3A_257 = arith.muli %scan3A_163, %mul3A_256 : i32
      %add3A_258 = arith.constant 5 : i32
      %add3A_259 = arith.addi %mul3A_257, %add3A_258 : i32
      %mul3A_260 = arith.constant 56 : i32
      %mul3A_261 = arith.muli %add3A_259, %mul3A_260 : i32
      %add3A_262 = arith.constant 5 : i32
      %add3A_263 = arith.addi %mul3A_174, %add3A_262 : i32
      %dma_start3A_264 = arith.constant 0 : i32
      %dma_start3A_265 = arith.constant 0 : i32
      %dma_start3A_266 = tpu.memref_slice %arg6[%add3A_263, %dma_start3A_264, %dma_start3A_265] : memref<12x56x128xf32, #tpu.memory_space<vmem>> -> memref<1x56x128xf32, #tpu.memory_space<vmem>>
      %dma_start3A_267 = tpu.memref_squeeze %dma_start3A_266 : memref<1x56x128xf32, #tpu.memory_space<vmem>> -> memref<56x128xf32, #tpu.memory_space<vmem>>
      %dma_start3A_268 = tpu.memref_slice %arg5[%mul3A_261] : memref<4032xi32, #tpu.memory_space<vmem>> -> memref<56xi32, #tpu.memory_space<vmem>>
      %dma_start3A_269 = arith.constant 0 : i32
      %dma_start3A_270 = arith.constant 0 : i32
      %dma_start3A_271 = tpu.memref_slice %arg2[%dma_start3A_269, %dma_start3A_270] : memref<10240x128xf32, #tpu.memory_space<hbm>> -> memref<10240x128xf32, #tpu.memory_space<hbm>>
      tpu.enqueue_indirect_dma source(%dma_start3A_271 : memref<10240x128xf32, #tpu.memory_space<hbm>>) target(%dma_start3A_267 : memref<56x128xf32, #tpu.memory_space<vmem>>) offsets(%dma_start3A_268 : memref<56xi32, #tpu.memory_space<vmem>>) semaphore(%arg7 : memref<!tpu.dma_semaphore, #tpu.memory_space<semaphore_mem>>)
      %dma_wait3A_272 = arith.constant 0 : i32
      %dma_wait3A_273 = arith.constant 0 : i32
      %dma_wait3A_274 = tpu.memref_slice %arg6[%add3A_184, %dma_wait3A_272, %dma_wait3A_273] : memref<12x56x128xf32, #tpu.memory_space<vmem>> -> memref<1x56x128xf32, #tpu.memory_space<vmem>>
      %dma_wait3A_275 = tpu.memref_squeeze %dma_wait3A_274 : memref<1x56x128xf32, #tpu.memory_space<vmem>> -> memref<56x128xf32, #tpu.memory_space<vmem>>
      %dma_wait3A_276 = tpu.memref_slice %arg5[%mul3A_182] : memref<4032xi32, #tpu.memory_space<vmem>> -> memref<56xi32, #tpu.memory_space<vmem>>
      %dma_wait3A_277 = arith.constant 0 : i32
      %dma_wait3A_278 = arith.constant 0 : i32
      %dma_wait3A_279 = tpu.memref_slice %arg2[%dma_wait3A_277, %dma_wait3A_278] : memref<10240x128xf32, #tpu.memory_space<hbm>> -> memref<10240x128xf32, #tpu.memory_space<hbm>>
      tpu.wait_indirect_dma semaphore(%arg7 : memref<!tpu.dma_semaphore, #tpu.memory_space<semaphore_mem>>) src(%dma_wait3A_279 : memref<10240x128xf32, #tpu.memory_space<hbm>>) dst(%dma_wait3A_275 : memref<56x128xf32, #tpu.memory_space<vmem>>)
      %dma_wait3A_280 = arith.constant 0 : i32
      %dma_wait3A_281 = arith.constant 0 : i32
      %dma_wait3A_282 = tpu.memref_slice %arg6[%add3A_199, %dma_wait3A_280, %dma_wait3A_281] : memref<12x56x128xf32, #tpu.memory_space<vmem>> -> memref<1x56x128xf32, #tpu.memory_space<vmem>>
      %dma_wait3A_283 = tpu.memref_squeeze %dma_wait3A_282 : memref<1x56x128xf32, #tpu.memory_space<vmem>> -> memref<56x128xf32, #tpu.memory_space<vmem>>
      %dma_wait3A_284 = tpu.memref_slice %arg5[%mul3A_197] : memref<4032xi32, #tpu.memory_space<vmem>> -> memref<56xi32, #tpu.memory_space<vmem>>
      %dma_wait3A_285 = arith.constant 0 : i32
      %dma_wait3A_286 = arith.constant 0 : i32
      %dma_wait3A_287 = tpu.memref_slice %arg2[%dma_wait3A_285, %dma_wait3A_286] : memref<10240x128xf32, #tpu.memory_space<hbm>> -> memref<10240x128xf32, #tpu.memory_space<hbm>>
      tpu.wait_indirect_dma semaphore(%arg7 : memref<!tpu.dma_semaphore, #tpu.memory_space<semaphore_mem>>) src(%dma_wait3A_287 : memref<10240x128xf32, #tpu.memory_space<hbm>>) dst(%dma_wait3A_283 : memref<56x128xf32, #tpu.memory_space<vmem>>)
      %dma_wait3A_288 = arith.constant 0 : i32
      %dma_wait3A_289 = arith.constant 0 : i32
      %dma_wait3A_290 = tpu.memref_slice %arg6[%add3A_215, %dma_wait3A_288, %dma_wait3A_289] : memref<12x56x128xf32, #tpu.memory_space<vmem>> -> memref<1x56x128xf32, #tpu.memory_space<vmem>>
      %dma_wait3A_291 = tpu.memref_squeeze %dma_wait3A_290 : memref<1x56x128xf32, #tpu.memory_space<vmem>> -> memref<56x128xf32, #tpu.memory_space<vmem>>
      %dma_wait3A_292 = tpu.memref_slice %arg5[%mul3A_213] : memref<4032xi32, #tpu.memory_space<vmem>> -> memref<56xi32, #tpu.memory_space<vmem>>
      %dma_wait3A_293 = arith.constant 0 : i32
      %dma_wait3A_294 = arith.constant 0 : i32
      %dma_wait3A_295 = tpu.memref_slice %arg2[%dma_wait3A_293, %dma_wait3A_294] : memref<10240x128xf32, #tpu.memory_space<hbm>> -> memref<10240x128xf32, #tpu.memory_space<hbm>>
      tpu.wait_indirect_dma semaphore(%arg7 : memref<!tpu.dma_semaphore, #tpu.memory_space<semaphore_mem>>) src(%dma_wait3A_295 : memref<10240x128xf32, #tpu.memory_space<hbm>>) dst(%dma_wait3A_291 : memref<56x128xf32, #tpu.memory_space<vmem>>)
      %dma_wait3A_296 = arith.constant 0 : i32
      %dma_wait3A_297 = arith.constant 0 : i32
      %dma_wait3A_298 = tpu.memref_slice %arg6[%add3A_231, %dma_wait3A_296, %dma_wait3A_297] : memref<12x56x128xf32, #tpu.memory_space<vmem>> -> memref<1x56x128xf32, #tpu.memory_space<vmem>>
      %dma_wait3A_299 = tpu.memref_squeeze %dma_wait3A_298 : memref<1x56x128xf32, #tpu.memory_space<vmem>> -> memref<56x128xf32, #tpu.memory_space<vmem>>
      %dma_wait3A_300 = tpu.memref_slice %arg5[%mul3A_229] : memref<4032xi32, #tpu.memory_space<vmem>> -> memref<56xi32, #tpu.memory_space<vmem>>
      %dma_wait3A_301 = arith.constant 0 : i32
      %dma_wait3A_302 = arith.constant 0 : i32
      %dma_wait3A_303 = tpu.memref_slice %arg2[%dma_wait3A_301, %dma_wait3A_302] : memref<10240x128xf32, #tpu.memory_space<hbm>> -> memref<10240x128xf32, #tpu.memory_space<hbm>>
      tpu.wait_indirect_dma semaphore(%arg7 : memref<!tpu.dma_semaphore, #tpu.memory_space<semaphore_mem>>) src(%dma_wait3A_303 : memref<10240x128xf32, #tpu.memory_space<hbm>>) dst(%dma_wait3A_299 : memref<56x128xf32, #tpu.memory_space<vmem>>)
      %dma_wait3A_304 = arith.constant 0 : i32
      %dma_wait3A_305 = arith.constant 0 : i32
      %dma_wait3A_306 = tpu.memref_slice %arg6[%add3A_247, %dma_wait3A_304, %dma_wait3A_305] : memref<12x56x128xf32, #tpu.memory_space<vmem>> -> memref<1x56x128xf32, #tpu.memory_space<vmem>>
      %dma_wait3A_307 = tpu.memref_squeeze %dma_wait3A_306 : memref<1x56x128xf32, #tpu.memory_space<vmem>> -> memref<56x128xf32, #tpu.memory_space<vmem>>
      %dma_wait3A_308 = tpu.memref_slice %arg5[%mul3A_245] : memref<4032xi32, #tpu.memory_space<vmem>> -> memref<56xi32, #tpu.memory_space<vmem>>
      %dma_wait3A_309 = arith.constant 0 : i32
      %dma_wait3A_310 = arith.constant 0 : i32
      %dma_wait3A_311 = tpu.memref_slice %arg2[%dma_wait3A_309, %dma_wait3A_310] : memref<10240x128xf32, #tpu.memory_space<hbm>> -> memref<10240x128xf32, #tpu.memory_space<hbm>>
      tpu.wait_indirect_dma semaphore(%arg7 : memref<!tpu.dma_semaphore, #tpu.memory_space<semaphore_mem>>) src(%dma_wait3A_311 : memref<10240x128xf32, #tpu.memory_space<hbm>>) dst(%dma_wait3A_307 : memref<56x128xf32, #tpu.memory_space<vmem>>)
      %dma_wait3A_312 = arith.constant 0 : i32
      %dma_wait3A_313 = arith.constant 0 : i32
      %dma_wait3A_314 = tpu.memref_slice %arg6[%add3A_263, %dma_wait3A_312, %dma_wait3A_313] : memref<12x56x128xf32, #tpu.memory_space<vmem>> -> memref<1x56x128xf32, #tpu.memory_space<vmem>>
      %dma_wait3A_315 = tpu.memref_squeeze %dma_wait3A_314 : memref<1x56x128xf32, #tpu.memory_space<vmem>> -> memref<56x128xf32, #tpu.memory_space<vmem>>
      %dma_wait3A_316 = tpu.memref_slice %arg5[%mul3A_261] : memref<4032xi32, #tpu.memory_space<vmem>> -> memref<56xi32, #tpu.memory_space<vmem>>
      %dma_wait3A_317 = arith.constant 0 : i32
      %dma_wait3A_318 = arith.constant 0 : i32
      %dma_wait3A_319 = tpu.memref_slice %arg2[%dma_wait3A_317, %dma_wait3A_318] : memref<10240x128xf32, #tpu.memory_space<hbm>> -> memref<10240x128xf32, #tpu.memory_space<hbm>>
      tpu.wait_indirect_dma semaphore(%arg7 : memref<!tpu.dma_semaphore, #tpu.memory_space<semaphore_mem>>) src(%dma_wait3A_319 : memref<10240x128xf32, #tpu.memory_space<hbm>>) dst(%dma_wait3A_315 : memref<56x128xf32, #tpu.memory_space<vmem>>)
      %mul3A_320 = arith.constant 6 : i32
      %mul3A_321 = arith.muli %scan3A_163, %mul3A_320 : i32
      %add3A_322 = arith.constant 0 : i32
      %add3A_323 = arith.addi %mul3A_321, %add3A_322 : i32
      %add3A_324 = arith.constant 0 : i32
      %add3A_325 = arith.addi %mul3A_174, %add3A_324 : i32
      %mul3A_326 = arith.constant 56 : i32
      %mul3A_327 = arith.muli %add3A_323, %mul3A_326 : i32
      %add3A_328 = arith.addi %mul3A_2, %mul3A_327 : i32
      %dma_start3A_329 = arith.constant 0 : i32
      %dma_start3A_330 = arith.constant 0 : i32
      %dma_start3A_331 = tpu.memref_slice %arg6[%add3A_325, %dma_start3A_329, %dma_start3A_330] : memref<12x56x128xf32, #tpu.memory_space<vmem>> -> memref<1x56x128xf32, #tpu.memory_space<vmem>>
      %dma_start3A_332 = tpu.memref_squeeze %dma_start3A_331 : memref<1x56x128xf32, #tpu.memory_space<vmem>> -> memref<56x128xf32, #tpu.memory_space<vmem>>
      %dma_start3A_333 = arith.constant 0 : i32
      %dma_start3A_334 = tpu.memref_slice %arg4[%add3A_328, %dma_start3A_333] : memref<129024x128xf32, #tpu.memory_space<hbm>> -> memref<56x128xf32, #tpu.memory_space<hbm>>
      %dma_start3A_335 = arith.constant 0 : i32
      %dma_start3A_336 = tpu.memref_slice %arg4[%add3A_328, %dma_start3A_335] : memref<129024x128xf32, #tpu.memory_space<hbm>> -> memref<56x128xf32, #tpu.memory_space<hbm>>
      %dma_start3A_337 = arith.constant 0 : i32
      %dma_start3A_338 = arith.constant 0 : i32
      %dma_start3A_339 = tpu.memref_slice %arg6[%add3A_325, %dma_start3A_337, %dma_start3A_338] : memref<12x56x128xf32, #tpu.memory_space<vmem>> -> memref<1x56x128xf32, #tpu.memory_space<vmem>>
      %dma_start3A_340 = tpu.memref_squeeze %dma_start3A_339 : memref<1x56x128xf32, #tpu.memory_space<vmem>> -> memref<56x128xf32, #tpu.memory_space<vmem>>
      tpu.enqueue_dma source(%dma_start3A_340 : memref<56x128xf32, #tpu.memory_space<vmem>>) target(%dma_start3A_336 : memref<56x128xf32, #tpu.memory_space<hbm>>) target_semaphore(%arg8 : memref<!tpu.dma_semaphore, #tpu.memory_space<semaphore_mem>>)
      %mul3A_341 = arith.constant 6 : i32
      %mul3A_342 = arith.muli %scan3A_163, %mul3A_341 : i32
      %add3A_343 = arith.constant 1 : i32
      %add3A_344 = arith.addi %mul3A_342, %add3A_343 : i32
      %add3A_345 = arith.constant 1 : i32
      %add3A_346 = arith.addi %mul3A_174, %add3A_345 : i32
      %mul3A_347 = arith.constant 56 : i32
      %mul3A_348 = arith.muli %add3A_344, %mul3A_347 : i32
      %add3A_349 = arith.addi %mul3A_2, %mul3A_348 : i32
      %dma_start3A_350 = arith.constant 0 : i32
      %dma_start3A_351 = arith.constant 0 : i32
      %dma_start3A_352 = tpu.memref_slice %arg6[%add3A_346, %dma_start3A_350, %dma_start3A_351] : memref<12x56x128xf32, #tpu.memory_space<vmem>> -> memref<1x56x128xf32, #tpu.memory_space<vmem>>
      %dma_start3A_353 = tpu.memref_squeeze %dma_start3A_352 : memref<1x56x128xf32, #tpu.memory_space<vmem>> -> memref<56x128xf32, #tpu.memory_space<vmem>>
      %dma_start3A_354 = arith.constant 0 : i32
      %dma_start3A_355 = tpu.memref_slice %arg4[%add3A_349, %dma_start3A_354] : memref<129024x128xf32, #tpu.memory_space<hbm>> -> memref<56x128xf32, #tpu.memory_space<hbm>>
      %dma_start3A_356 = arith.constant 0 : i32
      %dma_start3A_357 = tpu.memref_slice %arg4[%add3A_349, %dma_start3A_356] : memref<129024x128xf32, #tpu.memory_space<hbm>> -> memref<56x128xf32, #tpu.memory_space<hbm>>
      %dma_start3A_358 = arith.constant 0 : i32
      %dma_start3A_359 = arith.constant 0 : i32
      %dma_start3A_360 = tpu.memref_slice %arg6[%add3A_346, %dma_start3A_358, %dma_start3A_359] : memref<12x56x128xf32, #tpu.memory_space<vmem>> -> memref<1x56x128xf32, #tpu.memory_space<vmem>>
      %dma_start3A_361 = tpu.memref_squeeze %dma_start3A_360 : memref<1x56x128xf32, #tpu.memory_space<vmem>> -> memref<56x128xf32, #tpu.memory_space<vmem>>
      tpu.enqueue_dma source(%dma_start3A_361 : memref<56x128xf32, #tpu.memory_space<vmem>>) target(%dma_start3A_357 : memref<56x128xf32, #tpu.memory_space<hbm>>) target_semaphore(%arg8 : memref<!tpu.dma_semaphore, #tpu.memory_space<semaphore_mem>>)
      %mul3A_362 = arith.constant 6 : i32
      %mul3A_363 = arith.muli %scan3A_163, %mul3A_362 : i32
      %add3A_364 = arith.constant 2 : i32
      %add3A_365 = arith.addi %mul3A_363, %add3A_364 : i32
      %add3A_366 = arith.constant 2 : i32
      %add3A_367 = arith.addi %mul3A_174, %add3A_366 : i32
      %mul3A_368 = arith.constant 56 : i32
      %mul3A_369 = arith.muli %add3A_365, %mul3A_368 : i32
      %add3A_370 = arith.addi %mul3A_2, %mul3A_369 : i32
      %dma_start3A_371 = arith.constant 0 : i32
      %dma_start3A_372 = arith.constant 0 : i32
      %dma_start3A_373 = tpu.memref_slice %arg6[%add3A_367, %dma_start3A_371, %dma_start3A_372] : memref<12x56x128xf32, #tpu.memory_space<vmem>> -> memref<1x56x128xf32, #tpu.memory_space<vmem>>
      %dma_start3A_374 = tpu.memref_squeeze %dma_start3A_373 : memref<1x56x128xf32, #tpu.memory_space<vmem>> -> memref<56x128xf32, #tpu.memory_space<vmem>>
      %dma_start3A_375 = arith.constant 0 : i32
      %dma_start3A_376 = tpu.memref_slice %arg4[%add3A_370, %dma_start3A_375] : memref<129024x128xf32, #tpu.memory_space<hbm>> -> memref<56x128xf32, #tpu.memory_space<hbm>>
      %dma_start3A_377 = arith.constant 0 : i32
      %dma_start3A_378 = tpu.memref_slice %arg4[%add3A_370, %dma_start3A_377] : memref<129024x128xf32, #tpu.memory_space<hbm>> -> memref<56x128xf32, #tpu.memory_space<hbm>>
      %dma_start3A_379 = arith.constant 0 : i32
      %dma_start3A_380 = arith.constant 0 : i32
      %dma_start3A_381 = tpu.memref_slice %arg6[%add3A_367, %dma_start3A_379, %dma_start3A_380] : memref<12x56x128xf32, #tpu.memory_space<vmem>> -> memref<1x56x128xf32, #tpu.memory_space<vmem>>
      %dma_start3A_382 = tpu.memref_squeeze %dma_start3A_381 : memref<1x56x128xf32, #tpu.memory_space<vmem>> -> memref<56x128xf32, #tpu.memory_space<vmem>>
      tpu.enqueue_dma source(%dma_start3A_382 : memref<56x128xf32, #tpu.memory_space<vmem>>) target(%dma_start3A_378 : memref<56x128xf32, #tpu.memory_space<hbm>>) target_semaphore(%arg8 : memref<!tpu.dma_semaphore, #tpu.memory_space<semaphore_mem>>)
      %mul3A_383 = arith.constant 6 : i32
      %mul3A_384 = arith.muli %scan3A_163, %mul3A_383 : i32
      %add3A_385 = arith.constant 3 : i32
      %add3A_386 = arith.addi %mul3A_384, %add3A_385 : i32
      %add3A_387 = arith.constant 3 : i32
      %add3A_388 = arith.addi %mul3A_174, %add3A_387 : i32
      %mul3A_389 = arith.constant 56 : i32
      %mul3A_390 = arith.muli %add3A_386, %mul3A_389 : i32
      %add3A_391 = arith.addi %mul3A_2, %mul3A_390 : i32
      %dma_start3A_392 = arith.constant 0 : i32
      %dma_start3A_393 = arith.constant 0 : i32
      %dma_start3A_394 = tpu.memref_slice %arg6[%add3A_388, %dma_start3A_392, %dma_start3A_393] : memref<12x56x128xf32, #tpu.memory_space<vmem>> -> memref<1x56x128xf32, #tpu.memory_space<vmem>>
      %dma_start3A_395 = tpu.memref_squeeze %dma_start3A_394 : memref<1x56x128xf32, #tpu.memory_space<vmem>> -> memref<56x128xf32, #tpu.memory_space<vmem>>
      %dma_start3A_396 = arith.constant 0 : i32
      %dma_start3A_397 = tpu.memref_slice %arg4[%add3A_391, %dma_start3A_396] : memref<129024x128xf32, #tpu.memory_space<hbm>> -> memref<56x128xf32, #tpu.memory_space<hbm>>
      %dma_start3A_398 = arith.constant 0 : i32
      %dma_start3A_399 = tpu.memref_slice %arg4[%add3A_391, %dma_start3A_398] : memref<129024x128xf32, #tpu.memory_space<hbm>> -> memref<56x128xf32, #tpu.memory_space<hbm>>
      %dma_start3A_400 = arith.constant 0 : i32
      %dma_start3A_401 = arith.constant 0 : i32
      %dma_start3A_402 = tpu.memref_slice %arg6[%add3A_388, %dma_start3A_400, %dma_start3A_401] : memref<12x56x128xf32, #tpu.memory_space<vmem>> -> memref<1x56x128xf32, #tpu.memory_space<vmem>>
      %dma_start3A_403 = tpu.memref_squeeze %dma_start3A_402 : memref<1x56x128xf32, #tpu.memory_space<vmem>> -> memref<56x128xf32, #tpu.memory_space<vmem>>
      tpu.enqueue_dma source(%dma_start3A_403 : memref<56x128xf32, #tpu.memory_space<vmem>>) target(%dma_start3A_399 : memref<56x128xf32, #tpu.memory_space<hbm>>) target_semaphore(%arg8 : memref<!tpu.dma_semaphore, #tpu.memory_space<semaphore_mem>>)
      %mul3A_404 = arith.constant 6 : i32
      %mul3A_405 = arith.muli %scan3A_163, %mul3A_404 : i32
      %add3A_406 = arith.constant 4 : i32
      %add3A_407 = arith.addi %mul3A_405, %add3A_406 : i32
      %add3A_408 = arith.constant 4 : i32
      %add3A_409 = arith.addi %mul3A_174, %add3A_408 : i32
      %mul3A_410 = arith.constant 56 : i32
      %mul3A_411 = arith.muli %add3A_407, %mul3A_410 : i32
      %add3A_412 = arith.addi %mul3A_2, %mul3A_411 : i32
      %dma_start3A_413 = arith.constant 0 : i32
      %dma_start3A_414 = arith.constant 0 : i32
      %dma_start3A_415 = tpu.memref_slice %arg6[%add3A_409, %dma_start3A_413, %dma_start3A_414] : memref<12x56x128xf32, #tpu.memory_space<vmem>> -> memref<1x56x128xf32, #tpu.memory_space<vmem>>
      %dma_start3A_416 = tpu.memref_squeeze %dma_start3A_415 : memref<1x56x128xf32, #tpu.memory_space<vmem>> -> memref<56x128xf32, #tpu.memory_space<vmem>>
      %dma_start3A_417 = arith.constant 0 : i32
      %dma_start3A_418 = tpu.memref_slice %arg4[%add3A_412, %dma_start3A_417] : memref<129024x128xf32, #tpu.memory_space<hbm>> -> memref<56x128xf32, #tpu.memory_space<hbm>>
      %dma_start3A_419 = arith.constant 0 : i32
      %dma_start3A_420 = tpu.memref_slice %arg4[%add3A_412, %dma_start3A_419] : memref<129024x128xf32, #tpu.memory_space<hbm>> -> memref<56x128xf32, #tpu.memory_space<hbm>>
      %dma_start3A_421 = arith.constant 0 : i32
      %dma_start3A_422 = arith.constant 0 : i32
      %dma_start3A_423 = tpu.memref_slice %arg6[%add3A_409, %dma_start3A_421, %dma_start3A_422] : memref<12x56x128xf32, #tpu.memory_space<vmem>> -> memref<1x56x128xf32, #tpu.memory_space<vmem>>
      %dma_start3A_424 = tpu.memref_squeeze %dma_start3A_423 : memref<1x56x128xf32, #tpu.memory_space<vmem>> -> memref<56x128xf32, #tpu.memory_space<vmem>>
      tpu.enqueue_dma source(%dma_start3A_424 : memref<56x128xf32, #tpu.memory_space<vmem>>) target(%dma_start3A_420 : memref<56x128xf32, #tpu.memory_space<hbm>>) target_semaphore(%arg8 : memref<!tpu.dma_semaphore, #tpu.memory_space<semaphore_mem>>)
      %mul3A_425 = arith.constant 6 : i32
      %mul3A_426 = arith.muli %scan3A_163, %mul3A_425 : i32
      %add3A_427 = arith.constant 5 : i32
      %add3A_428 = arith.addi %mul3A_426, %add3A_427 : i32
      %add3A_429 = arith.constant 5 : i32
      %add3A_430 = arith.addi %mul3A_174, %add3A_429 : i32
      %mul3A_431 = arith.constant 56 : i32
      %mul3A_432 = arith.muli %add3A_428, %mul3A_431 : i32
      %add3A_433 = arith.addi %mul3A_2, %mul3A_432 : i32
      %dma_start3A_434 = arith.constant 0 : i32
      %dma_start3A_435 = arith.constant 0 : i32
      %dma_start3A_436 = tpu.memref_slice %arg6[%add3A_430, %dma_start3A_434, %dma_start3A_435] : memref<12x56x128xf32, #tpu.memory_space<vmem>> -> memref<1x56x128xf32, #tpu.memory_space<vmem>>
      %dma_start3A_437 = tpu.memref_squeeze %dma_start3A_436 : memref<1x56x128xf32, #tpu.memory_space<vmem>> -> memref<56x128xf32, #tpu.memory_space<vmem>>
      %dma_start3A_438 = arith.constant 0 : i32
      %dma_start3A_439 = tpu.memref_slice %arg4[%add3A_433, %dma_start3A_438] : memref<129024x128xf32, #tpu.memory_space<hbm>> -> memref<56x128xf32, #tpu.memory_space<hbm>>
      %dma_start3A_440 = arith.constant 0 : i32
      %dma_start3A_441 = tpu.memref_slice %arg4[%add3A_433, %dma_start3A_440] : memref<129024x128xf32, #tpu.memory_space<hbm>> -> memref<56x128xf32, #tpu.memory_space<hbm>>
      %dma_start3A_442 = arith.constant 0 : i32
      %dma_start3A_443 = arith.constant 0 : i32
      %dma_start3A_444 = tpu.memref_slice %arg6[%add3A_430, %dma_start3A_442, %dma_start3A_443] : memref<12x56x128xf32, #tpu.memory_space<vmem>> -> memref<1x56x128xf32, #tpu.memory_space<vmem>>
      %dma_start3A_445 = tpu.memref_squeeze %dma_start3A_444 : memref<1x56x128xf32, #tpu.memory_space<vmem>> -> memref<56x128xf32, #tpu.memory_space<vmem>>
      tpu.enqueue_dma source(%dma_start3A_445 : memref<56x128xf32, #tpu.memory_space<vmem>>) target(%dma_start3A_441 : memref<56x128xf32, #tpu.memory_space<hbm>>) target_semaphore(%arg8 : memref<!tpu.dma_semaphore, #tpu.memory_space<semaphore_mem>>)
    }
    %scan3A_7 = arith.constant 12 : i32
    %dma_wait3A = arith.constant 0 : i32
    %dma_wait3A_8 = arith.constant 0 : i32
    %dma_wait3A_9 = arith.constant 0 : i32
    %dma_wait3A_10 = tpu.memref_slice %arg6[%dma_wait3A, %dma_wait3A_8, %dma_wait3A_9] : memref<12x56x128xf32, #tpu.memory_space<vmem>> -> memref<1x56x128xf32, #tpu.memory_space<vmem>>
    %dma_wait3A_11 = tpu.memref_squeeze %dma_wait3A_10 : memref<1x56x128xf32, #tpu.memory_space<vmem>> -> memref<56x128xf32, #tpu.memory_space<vmem>>
    %dma_wait3A_12 = arith.constant 0 : i32
    %dma_wait3A_13 = tpu.memref_slice %arg4[%mul3A_2, %dma_wait3A_12] : memref<129024x128xf32, #tpu.memory_space<hbm>> -> memref<56x128xf32, #tpu.memory_space<hbm>>
    %dma_wait3A_14 = arith.constant 0 : i32
    %dma_wait3A_15 = arith.constant 0 : i32
    %dma_wait3A_16 = tpu.memref_slice %arg6[%dma_wait3A, %dma_wait3A_14, %dma_wait3A_15] : memref<12x56x128xf32, #tpu.memory_space<vmem>> -> memref<1x56x128xf32, #tpu.memory_space<vmem>>
    %dma_wait3A_17 = tpu.memref_squeeze %dma_wait3A_16 : memref<1x56x128xf32, #tpu.memory_space<vmem>> -> memref<56x128xf32, #tpu.memory_space<vmem>>
    %dma_wait3A_18 = arith.constant 0 : i32
    %dma_wait3A_19 = tpu.memref_slice %arg4[%mul3A_2, %dma_wait3A_18] : memref<129024x128xf32, #tpu.memory_space<hbm>> -> memref<56x128xf32, #tpu.memory_space<hbm>>
    tpu.wait_dma2 semaphore(%arg8 : memref<!tpu.dma_semaphore, #tpu.memory_space<semaphore_mem>>) src(%dma_wait3A_19 : memref<56x128xf32, #tpu.memory_space<hbm>>) dst(%dma_wait3A_17 : memref<56x128xf32, #tpu.memory_space<vmem>>)
    %dma_wait3A_20 = arith.constant 0 : i32
    %dma_wait3A_21 = arith.constant 0 : i32
    %dma_wait3A_22 = arith.constant 0 : i32
    %dma_wait3A_23 = tpu.memref_slice %arg6[%dma_wait3A_20, %dma_wait3A_21, %dma_wait3A_22] : memref<12x56x128xf32, #tpu.memory_space<vmem>> -> memref<1x56x128xf32, #tpu.memory_space<vmem>>
    %dma_wait3A_24 = tpu.memref_squeeze %dma_wait3A_23 : memref<1x56x128xf32, #tpu.memory_space<vmem>> -> memref<56x128xf32, #tpu.memory_space<vmem>>
    %dma_wait3A_25 = arith.constant 0 : i32
    %dma_wait3A_26 = tpu.memref_slice %arg4[%mul3A_2, %dma_wait3A_25] : memref<129024x128xf32, #tpu.memory_space<hbm>> -> memref<56x128xf32, #tpu.memory_space<hbm>>
    %dma_wait3A_27 = arith.constant 0 : i32
    %dma_wait3A_28 = arith.constant 0 : i32
    %dma_wait3A_29 = tpu.memref_slice %arg6[%dma_wait3A_20, %dma_wait3A_27, %dma_wait3A_28] : memref<12x56x128xf32, #tpu.memory_space<vmem>> -> memref<1x56x128xf32, #tpu.memory_space<vmem>>
    %dma_wait3A_30 = tpu.memref_squeeze %dma_wait3A_29 : memref<1x56x128xf32, #tpu.memory_space<vmem>> -> memref<56x128xf32, #tpu.memory_space<vmem>>
    %dma_wait3A_31 = arith.constant 0 : i32
    %dma_wait3A_32 = tpu.memref_slice %arg4[%mul3A_2, %dma_wait3A_31] : memref<129024x128xf32, #tpu.memory_space<hbm>> -> memref<56x128xf32, #tpu.memory_space<hbm>>
    tpu.wait_dma2 semaphore(%arg8 : memref<!tpu.dma_semaphore, #tpu.memory_space<semaphore_mem>>) src(%dma_wait3A_32 : memref<56x128xf32, #tpu.memory_space<hbm>>) dst(%dma_wait3A_30 : memref<56x128xf32, #tpu.memory_space<vmem>>)
    %dma_wait3A_33 = arith.constant 0 : i32
    %dma_wait3A_34 = arith.constant 0 : i32
    %dma_wait3A_35 = arith.constant 0 : i32
    %dma_wait3A_36 = tpu.memref_slice %arg6[%dma_wait3A_33, %dma_wait3A_34, %dma_wait3A_35] : memref<12x56x128xf32, #tpu.memory_space<vmem>> -> memref<1x56x128xf32, #tpu.memory_space<vmem>>
    %dma_wait3A_37 = tpu.memref_squeeze %dma_wait3A_36 : memref<1x56x128xf32, #tpu.memory_space<vmem>> -> memref<56x128xf32, #tpu.memory_space<vmem>>
    %dma_wait3A_38 = arith.constant 0 : i32
    %dma_wait3A_39 = tpu.memref_slice %arg4[%mul3A_2, %dma_wait3A_38] : memref<129024x128xf32, #tpu.memory_space<hbm>> -> memref<56x128xf32, #tpu.memory_space<hbm>>
    %dma_wait3A_40 = arith.constant 0 : i32
    %dma_wait3A_41 = arith.constant 0 : i32
    %dma_wait3A_42 = tpu.memref_slice %arg6[%dma_wait3A_33, %dma_wait3A_40, %dma_wait3A_41] : memref<12x56x128xf32, #tpu.memory_space<vmem>> -> memref<1x56x128xf32, #tpu.memory_space<vmem>>
    %dma_wait3A_43 = tpu.memref_squeeze %dma_wait3A_42 : memref<1x56x128xf32, #tpu.memory_space<vmem>> -> memref<56x128xf32, #tpu.memory_space<vmem>>
    %dma_wait3A_44 = arith.constant 0 : i32
    %dma_wait3A_45 = tpu.memref_slice %arg4[%mul3A_2, %dma_wait3A_44] : memref<129024x128xf32, #tpu.memory_space<hbm>> -> memref<56x128xf32, #tpu.memory_space<hbm>>
    tpu.wait_dma2 semaphore(%arg8 : memref<!tpu.dma_semaphore, #tpu.memory_space<semaphore_mem>>) src(%dma_wait3A_45 : memref<56x128xf32, #tpu.memory_space<hbm>>) dst(%dma_wait3A_43 : memref<56x128xf32, #tpu.memory_space<vmem>>)
    %dma_wait3A_46 = arith.constant 0 : i32
    %dma_wait3A_47 = arith.constant 0 : i32
    %dma_wait3A_48 = arith.constant 0 : i32
    %dma_wait3A_49 = tpu.memref_slice %arg6[%dma_wait3A_46, %dma_wait3A_47, %dma_wait3A_48] : memref<12x56x128xf32, #tpu.memory_space<vmem>> -> memref<1x56x128xf32, #tpu.memory_space<vmem>>
    %dma_wait3A_50 = tpu.memref_squeeze %dma_wait3A_49 : memref<1x56x128xf32, #tpu.memory_space<vmem>> -> memref<56x128xf32, #tpu.memory_space<vmem>>
    %dma_wait3A_51 = arith.constant 0 : i32
    %dma_wait3A_52 = tpu.memref_slice %arg4[%mul3A_2, %dma_wait3A_51] : memref<129024x128xf32, #tpu.memory_space<hbm>> -> memref<56x128xf32, #tpu.memory_space<hbm>>
    %dma_wait3A_53 = arith.constant 0 : i32
    %dma_wait3A_54 = arith.constant 0 : i32
    %dma_wait3A_55 = tpu.memref_slice %arg6[%dma_wait3A_46, %dma_wait3A_53, %dma_wait3A_54] : memref<12x56x128xf32, #tpu.memory_space<vmem>> -> memref<1x56x128xf32, #tpu.memory_space<vmem>>
    %dma_wait3A_56 = tpu.memref_squeeze %dma_wait3A_55 : memref<1x56x128xf32, #tpu.memory_space<vmem>> -> memref<56x128xf32, #tpu.memory_space<vmem>>
    %dma_wait3A_57 = arith.constant 0 : i32
    %dma_wait3A_58 = tpu.memref_slice %arg4[%mul3A_2, %dma_wait3A_57] : memref<129024x128xf32, #tpu.memory_space<hbm>> -> memref<56x128xf32, #tpu.memory_space<hbm>>
    tpu.wait_dma2 semaphore(%arg8 : memref<!tpu.dma_semaphore, #tpu.memory_space<semaphore_mem>>) src(%dma_wait3A_58 : memref<56x128xf32, #tpu.memory_space<hbm>>) dst(%dma_wait3A_56 : memref<56x128xf32, #tpu.memory_space<vmem>>)
    %dma_wait3A_59 = arith.constant 0 : i32
    %dma_wait3A_60 = arith.constant 0 : i32
    %dma_wait3A_61 = arith.constant 0 : i32
    %dma_wait3A_62 = tpu.memref_slice %arg6[%dma_wait3A_59, %dma_wait3A_60, %dma_wait3A_61] : memref<12x56x128xf32, #tpu.memory_space<vmem>> -> memref<1x56x128xf32, #tpu.memory_space<vmem>>
    %dma_wait3A_63 = tpu.memref_squeeze %dma_wait3A_62 : memref<1x56x128xf32, #tpu.memory_space<vmem>> -> memref<56x128xf32, #tpu.memory_space<vmem>>
    %dma_wait3A_64 = arith.constant 0 : i32
    %dma_wait3A_65 = tpu.memref_slice %arg4[%mul3A_2, %dma_wait3A_64] : memref<129024x128xf32, #tpu.memory_space<hbm>> -> memref<56x128xf32, #tpu.memory_space<hbm>>
    %dma_wait3A_66 = arith.constant 0 : i32
    %dma_wait3A_67 = arith.constant 0 : i32
    %dma_wait3A_68 = tpu.memref_slice %arg6[%dma_wait3A_59, %dma_wait3A_66, %dma_wait3A_67] : memref<12x56x128xf32, #tpu.memory_space<vmem>> -> memref<1x56x128xf32, #tpu.memory_space<vmem>>
    %dma_wait3A_69 = tpu.memref_squeeze %dma_wait3A_68 : memref<1x56x128xf32, #tpu.memory_space<vmem>> -> memref<56x128xf32, #tpu.memory_space<vmem>>
    %dma_wait3A_70 = arith.constant 0 : i32
    %dma_wait3A_71 = tpu.memref_slice %arg4[%mul3A_2, %dma_wait3A_70] : memref<129024x128xf32, #tpu.memory_space<hbm>> -> memref<56x128xf32, #tpu.memory_space<hbm>>
    tpu.wait_dma2 semaphore(%arg8 : memref<!tpu.dma_semaphore, #tpu.memory_space<semaphore_mem>>) src(%dma_wait3A_71 : memref<56x128xf32, #tpu.memory_space<hbm>>) dst(%dma_wait3A_69 : memref<56x128xf32, #tpu.memory_space<vmem>>)
    %dma_wait3A_72 = arith.constant 0 : i32
    %dma_wait3A_73 = arith.constant 0 : i32
    %dma_wait3A_74 = arith.constant 0 : i32
    %dma_wait3A_75 = tpu.memref_slice %arg6[%dma_wait3A_72, %dma_wait3A_73, %dma_wait3A_74] : memref<12x56x128xf32, #tpu.memory_space<vmem>> -> memref<1x56x128xf32, #tpu.memory_space<vmem>>
    %dma_wait3A_76 = tpu.memref_squeeze %dma_wait3A_75 : memref<1x56x128xf32, #tpu.memory_space<vmem>> -> memref<56x128xf32, #tpu.memory_space<vmem>>
    %dma_wait3A_77 = arith.constant 0 : i32
    %dma_wait3A_78 = tpu.memref_slice %arg4[%mul3A_2, %dma_wait3A_77] : memref<129024x128xf32, #tpu.memory_space<hbm>> -> memref<56x128xf32, #tpu.memory_space<hbm>>
    %dma_wait3A_79 = arith.constant 0 : i32
    %dma_wait3A_80 = arith.constant 0 : i32
    %dma_wait3A_81 = tpu.memref_slice %arg6[%dma_wait3A_72, %dma_wait3A_79, %dma_wait3A_80] : memref<12x56x128xf32, #tpu.memory_space<vmem>> -> memref<1x56x128xf32, #tpu.memory_space<vmem>>
    %dma_wait3A_82 = tpu.memref_squeeze %dma_wait3A_81 : memref<1x56x128xf32, #tpu.memory_space<vmem>> -> memref<56x128xf32, #tpu.memory_space<vmem>>
    %dma_wait3A_83 = arith.constant 0 : i32
    %dma_wait3A_84 = tpu.memref_slice %arg4[%mul3A_2, %dma_wait3A_83] : memref<129024x128xf32, #tpu.memory_space<hbm>> -> memref<56x128xf32, #tpu.memory_space<hbm>>
    tpu.wait_dma2 semaphore(%arg8 : memref<!tpu.dma_semaphore, #tpu.memory_space<semaphore_mem>>) src(%dma_wait3A_84 : memref<56x128xf32, #tpu.memory_space<hbm>>) dst(%dma_wait3A_82 : memref<56x128xf32, #tpu.memory_space<vmem>>)
    %dma_wait3A_85 = arith.constant 0 : i32
    %dma_wait3A_86 = arith.constant 0 : i32
    %dma_wait3A_87 = arith.constant 0 : i32
    %dma_wait3A_88 = tpu.memref_slice %arg6[%dma_wait3A_85, %dma_wait3A_86, %dma_wait3A_87] : memref<12x56x128xf32, #tpu.memory_space<vmem>> -> memref<1x56x128xf32, #tpu.memory_space<vmem>>
    %dma_wait3A_89 = tpu.memref_squeeze %dma_wait3A_88 : memref<1x56x128xf32, #tpu.memory_space<vmem>> -> memref<56x128xf32, #tpu.memory_space<vmem>>
    %dma_wait3A_90 = arith.constant 0 : i32
    %dma_wait3A_91 = tpu.memref_slice %arg4[%mul3A_2, %dma_wait3A_90] : memref<129024x128xf32, #tpu.memory_space<hbm>> -> memref<56x128xf32, #tpu.memory_space<hbm>>
    %dma_wait3A_92 = arith.constant 0 : i32
    %dma_wait3A_93 = arith.constant 0 : i32
    %dma_wait3A_94 = tpu.memref_slice %arg6[%dma_wait3A_85, %dma_wait3A_92, %dma_wait3A_93] : memref<12x56x128xf32, #tpu.memory_space<vmem>> -> memref<1x56x128xf32, #tpu.memory_space<vmem>>
    %dma_wait3A_95 = tpu.memref_squeeze %dma_wait3A_94 : memref<1x56x128xf32, #tpu.memory_space<vmem>> -> memref<56x128xf32, #tpu.memory_space<vmem>>
    %dma_wait3A_96 = arith.constant 0 : i32
    %dma_wait3A_97 = tpu.memref_slice %arg4[%mul3A_2, %dma_wait3A_96] : memref<129024x128xf32, #tpu.memory_space<hbm>> -> memref<56x128xf32, #tpu.memory_space<hbm>>
    tpu.wait_dma2 semaphore(%arg8 : memref<!tpu.dma_semaphore, #tpu.memory_space<semaphore_mem>>) src(%dma_wait3A_97 : memref<56x128xf32, #tpu.memory_space<hbm>>) dst(%dma_wait3A_95 : memref<56x128xf32, #tpu.memory_space<vmem>>)
    %dma_wait3A_98 = arith.constant 0 : i32
    %dma_wait3A_99 = arith.constant 0 : i32
    %dma_wait3A_100 = arith.constant 0 : i32
    %dma_wait3A_101 = tpu.memref_slice %arg6[%dma_wait3A_98, %dma_wait3A_99, %dma_wait3A_100] : memref<12x56x128xf32, #tpu.memory_space<vmem>> -> memref<1x56x128xf32, #tpu.memory_space<vmem>>
    %dma_wait3A_102 = tpu.memref_squeeze %dma_wait3A_101 : memref<1x56x128xf32, #tpu.memory_space<vmem>> -> memref<56x128xf32, #tpu.memory_space<vmem>>
    %dma_wait3A_103 = arith.constant 0 : i32
    %dma_wait3A_104 = tpu.memref_slice %arg4[%mul3A_2, %dma_wait3A_103] : memref<129024x128xf32, #tpu.memory_space<hbm>> -> memref<56x128xf32, #tpu.memory_space<hbm>>
    %dma_wait3A_105 = arith.constant 0 : i32
    %dma_wait3A_106 = arith.constant 0 : i32
    %dma_wait3A_107 = tpu.memref_slice %arg6[%dma_wait3A_98, %dma_wait3A_105, %dma_wait3A_106] : memref<12x56x128xf32, #tpu.memory_space<vmem>> -> memref<1x56x128xf32, #tpu.memory_space<vmem>>
    %dma_wait3A_108 = tpu.memref_squeeze %dma_wait3A_107 : memref<1x56x128xf32, #tpu.memory_space<vmem>> -> memref<56x128xf32, #tpu.memory_space<vmem>>
    %dma_wait3A_109 = arith.constant 0 : i32
    %dma_wait3A_110 = tpu.memref_slice %arg4[%mul3A_2, %dma_wait3A_109] : memref<129024x128xf32, #tpu.memory_space<hbm>> -> memref<56x128xf32, #tpu.memory_space<hbm>>
    tpu.wait_dma2 semaphore(%arg8 : memref<!tpu.dma_semaphore, #tpu.memory_space<semaphore_mem>>) src(%dma_wait3A_110 : memref<56x128xf32, #tpu.memory_space<hbm>>) dst(%dma_wait3A_108 : memref<56x128xf32, #tpu.memory_space<vmem>>)
    %dma_wait3A_111 = arith.constant 0 : i32
    %dma_wait3A_112 = arith.constant 0 : i32
    %dma_wait3A_113 = arith.constant 0 : i32
    %dma_wait3A_114 = tpu.memref_slice %arg6[%dma_wait3A_111, %dma_wait3A_112, %dma_wait3A_113] : memref<12x56x128xf32, #tpu.memory_space<vmem>> -> memref<1x56x128xf32, #tpu.memory_space<vmem>>
    %dma_wait3A_115 = tpu.memref_squeeze %dma_wait3A_114 : memref<1x56x128xf32, #tpu.memory_space<vmem>> -> memref<56x128xf32, #tpu.memory_space<vmem>>
    %dma_wait3A_116 = arith.constant 0 : i32
    %dma_wait3A_117 = tpu.memref_slice %arg4[%mul3A_2, %dma_wait3A_116] : memref<129024x128xf32, #tpu.memory_space<hbm>> -> memref<56x128xf32, #tpu.memory_space<hbm>>
    %dma_wait3A_118 = arith.constant 0 : i32
    %dma_wait3A_119 = arith.constant 0 : i32
    %dma_wait3A_120 = tpu.memref_slice %arg6[%dma_wait3A_111, %dma_wait3A_118, %dma_wait3A_119] : memref<12x56x128xf32, #tpu.memory_space<vmem>> -> memref<1x56x128xf32, #tpu.memory_space<vmem>>
    %dma_wait3A_121 = tpu.memref_squeeze %dma_wait3A_120 : memref<1x56x128xf32, #tpu.memory_space<vmem>> -> memref<56x128xf32, #tpu.memory_space<vmem>>
    %dma_wait3A_122 = arith.constant 0 : i32
    %dma_wait3A_123 = tpu.memref_slice %arg4[%mul3A_2, %dma_wait3A_122] : memref<129024x128xf32, #tpu.memory_space<hbm>> -> memref<56x128xf32, #tpu.memory_space<hbm>>
    tpu.wait_dma2 semaphore(%arg8 : memref<!tpu.dma_semaphore, #tpu.memory_space<semaphore_mem>>) src(%dma_wait3A_123 : memref<56x128xf32, #tpu.memory_space<hbm>>) dst(%dma_wait3A_121 : memref<56x128xf32, #tpu.memory_space<vmem>>)
    %dma_wait3A_124 = arith.constant 0 : i32
    %dma_wait3A_125 = arith.constant 0 : i32
    %dma_wait3A_126 = arith.constant 0 : i32
    %dma_wait3A_127 = tpu.memref_slice %arg6[%dma_wait3A_124, %dma_wait3A_125, %dma_wait3A_126] : memref<12x56x128xf32, #tpu.memory_space<vmem>> -> memref<1x56x128xf32, #tpu.memory_space<vmem>>
    %dma_wait3A_128 = tpu.memref_squeeze %dma_wait3A_127 : memref<1x56x128xf32, #tpu.memory_space<vmem>> -> memref<56x128xf32, #tpu.memory_space<vmem>>
    %dma_wait3A_129 = arith.constant 0 : i32
    %dma_wait3A_130 = tpu.memref_slice %arg4[%mul3A_2, %dma_wait3A_129] : memref<129024x128xf32, #tpu.memory_space<hbm>> -> memref<56x128xf32, #tpu.memory_space<hbm>>
    %dma_wait3A_131 = arith.constant 0 : i32
    %dma_wait3A_132 = arith.constant 0 : i32
    %dma_wait3A_133 = tpu.memref_slice %arg6[%dma_wait3A_124, %dma_wait3A_131, %dma_wait3A_132] : memref<12x56x128xf32, #tpu.memory_space<vmem>> -> memref<1x56x128xf32, #tpu.memory_space<vmem>>
    %dma_wait3A_134 = tpu.memref_squeeze %dma_wait3A_133 : memref<1x56x128xf32, #tpu.memory_space<vmem>> -> memref<56x128xf32, #tpu.memory_space<vmem>>
    %dma_wait3A_135 = arith.constant 0 : i32
    %dma_wait3A_136 = tpu.memref_slice %arg4[%mul3A_2, %dma_wait3A_135] : memref<129024x128xf32, #tpu.memory_space<hbm>> -> memref<56x128xf32, #tpu.memory_space<hbm>>
    tpu.wait_dma2 semaphore(%arg8 : memref<!tpu.dma_semaphore, #tpu.memory_space<semaphore_mem>>) src(%dma_wait3A_136 : memref<56x128xf32, #tpu.memory_space<hbm>>) dst(%dma_wait3A_134 : memref<56x128xf32, #tpu.memory_space<vmem>>)
    %dma_wait3A_137 = arith.constant 0 : i32
    %dma_wait3A_138 = arith.constant 0 : i32
    %dma_wait3A_139 = arith.constant 0 : i32
    %dma_wait3A_140 = tpu.memref_slice %arg6[%dma_wait3A_137, %dma_wait3A_138, %dma_wait3A_139] : memref<12x56x128xf32, #tpu.memory_space<vmem>> -> memref<1x56x128xf32, #tpu.memory_space<vmem>>
    %dma_wait3A_141 = tpu.memref_squeeze %dma_wait3A_140 : memref<1x56x128xf32, #tpu.memory_space<vmem>> -> memref<56x128xf32, #tpu.memory_space<vmem>>
    %dma_wait3A_142 = arith.constant 0 : i32
    %dma_wait3A_143 = tpu.memref_slice %arg4[%mul3A_2, %dma_wait3A_142] : memref<129024x128xf32, #tpu.memory_space<hbm>> -> memref<56x128xf32, #tpu.memory_space<hbm>>
    %dma_wait3A_144 = arith.constant 0 : i32
    %dma_wait3A_145 = arith.constant 0 : i32
    %dma_wait3A_146 = tpu.memref_slice %arg6[%dma_wait3A_137, %dma_wait3A_144, %dma_wait3A_145] : memref<12x56x128xf32, #tpu.memory_space<vmem>> -> memref<1x56x128xf32, #tpu.memory_space<vmem>>
    %dma_wait3A_147 = tpu.memref_squeeze %dma_wait3A_146 : memref<1x56x128xf32, #tpu.memory_space<vmem>> -> memref<56x128xf32, #tpu.memory_space<vmem>>
    %dma_wait3A_148 = arith.constant 0 : i32
    %dma_wait3A_149 = tpu.memref_slice %arg4[%mul3A_2, %dma_wait3A_148] : memref<129024x128xf32, #tpu.memory_space<hbm>> -> memref<56x128xf32, #tpu.memory_space<hbm>>
    tpu.wait_dma2 semaphore(%arg8 : memref<!tpu.dma_semaphore, #tpu.memory_space<semaphore_mem>>) src(%dma_wait3A_149 : memref<56x128xf32, #tpu.memory_space<hbm>>) dst(%dma_wait3A_147 : memref<56x128xf32, #tpu.memory_space<vmem>>)
    %dma_wait3A_150 = arith.constant 0 : i32
    %dma_wait3A_151 = arith.constant 0 : i32
    %dma_wait3A_152 = arith.constant 0 : i32
    %dma_wait3A_153 = tpu.memref_slice %arg6[%dma_wait3A_150, %dma_wait3A_151, %dma_wait3A_152] : memref<12x56x128xf32, #tpu.memory_space<vmem>> -> memref<1x56x128xf32, #tpu.memory_space<vmem>>
    %dma_wait3A_154 = tpu.memref_squeeze %dma_wait3A_153 : memref<1x56x128xf32, #tpu.memory_space<vmem>> -> memref<56x128xf32, #tpu.memory_space<vmem>>
    %dma_wait3A_155 = arith.constant 0 : i32
    %dma_wait3A_156 = tpu.memref_slice %arg4[%mul3A_2, %dma_wait3A_155] : memref<129024x128xf32, #tpu.memory_space<hbm>> -> memref<56x128xf32, #tpu.memory_space<hbm>>
    %dma_wait3A_157 = arith.constant 0 : i32
    %dma_wait3A_158 = arith.constant 0 : i32
    %dma_wait3A_159 = tpu.memref_slice %arg6[%dma_wait3A_150, %dma_wait3A_157, %dma_wait3A_158] : memref<12x56x128xf32, #tpu.memory_space<vmem>> -> memref<1x56x128xf32, #tpu.memory_space<vmem>>
    %dma_wait3A_160 = tpu.memref_squeeze %dma_wait3A_159 : memref<1x56x128xf32, #tpu.memory_space<vmem>> -> memref<56x128xf32, #tpu.memory_space<vmem>>
    %dma_wait3A_161 = arith.constant 0 : i32
    %dma_wait3A_162 = tpu.memref_slice %arg4[%mul3A_2, %dma_wait3A_161] : memref<129024x128xf32, #tpu.memory_space<hbm>> -> memref<56x128xf32, #tpu.memory_space<hbm>>
    tpu.wait_dma2 semaphore(%arg8 : memref<!tpu.dma_semaphore, #tpu.memory_space<semaphore_mem>>) src(%dma_wait3A_162 : memref<56x128xf32, #tpu.memory_space<hbm>>) dst(%dma_wait3A_160 : memref<56x128xf32, #tpu.memory_space<vmem>>)
    return
  }
}

module attributes {stable_mosaic.version = 14 : i64} {
  func.func @body(%arg0: i32, %arg1: memref<256x128xf32, #tpu.memory_space<vmem>>, %arg2: memref<256x1xf32, #tpu.memory_space<vmem>>, %arg3: memref<20x256x128xf32, #tpu.memory_space<vmem>>, %arg4: memref<20x256x16xf32, #tpu.memory_space<vmem>>, %arg5: memref<256x20xi32, #tpu.memory_space<vmem>>, %arg6: memref<128x128xf32, #tpu.memory_space<vmem>>, %arg7: memref<128x128xf32, #tpu.memory_space<vmem>>, %arg8: memref<16x128xf32, #tpu.memory_space<vmem>>, %arg9: memref<128x128xf32, #tpu.memory_space<vmem>>, %arg10: memref<16x128xf32, #tpu.memory_space<vmem>>, %arg11: memref<1x128xf32, #tpu.memory_space<vmem>>, %arg12: memref<1x128xf32, #tpu.memory_space<vmem>>, %arg13: memref<1x128xf32, #tpu.memory_space<vmem>>, %arg14: memref<128x128xf32, #tpu.memory_space<vmem>>, %arg15: memref<1x128xf32, #tpu.memory_space<vmem>>, %arg16: memref<1x128xf32, #tpu.memory_space<vmem>>, %arg17: memref<1x128xf32, #tpu.memory_space<vmem>>, %arg18: memref<256x128xf32, #tpu.memory_space<vmem>>) attributes {dimension_semantics = [#tpu.dimension_semantics<arbitrary>], iteration_bounds = array<i64: 24>, scalar_prefetch = 0 : i64, scratch_operands = 0 : i64, tpu.core_type = #tpu.core_type<tc>, window_params = [{transform_indices = @transform_0, window_bounds = array<i64: 256, 128>}, {transform_indices = @transform_1, window_bounds = array<i64: 256, 1>}, {transform_indices = @transform_2, window_bounds = array<i64: 20, 256, 128>}, {transform_indices = @transform_3, window_bounds = array<i64: 20, 256, 16>}, {transform_indices = @transform_4, window_bounds = array<i64: 256, 20>}, {pipeline_mode = #tpu.pipeline_mode<synchronous>, transform_indices = @transform_5, window_bounds = array<i64: 128, 128>}, {pipeline_mode = #tpu.pipeline_mode<synchronous>, transform_indices = @transform_6, window_bounds = array<i64: 128, 128>}, {pipeline_mode = #tpu.pipeline_mode<synchronous>, transform_indices = @transform_7, window_bounds = array<i64: 16, 128>}, {pipeline_mode = #tpu.pipeline_mode<synchronous>, transform_indices = @transform_8, window_bounds = array<i64: 128, 128>}, {pipeline_mode = #tpu.pipeline_mode<synchronous>, transform_indices = @transform_9, window_bounds = array<i64: 16, 128>}, {pipeline_mode = #tpu.pipeline_mode<synchronous>, transform_indices = @transform_10, window_bounds = array<i64: 1, 128>}, {pipeline_mode = #tpu.pipeline_mode<synchronous>, transform_indices = @transform_11, window_bounds = array<i64: 1, 128>}, {pipeline_mode = #tpu.pipeline_mode<synchronous>, transform_indices = @transform_12, window_bounds = array<i64: 1, 128>}, {pipeline_mode = #tpu.pipeline_mode<synchronous>, transform_indices = @transform_13, window_bounds = array<i64: 128, 128>}, {pipeline_mode = #tpu.pipeline_mode<synchronous>, transform_indices = @transform_14, window_bounds = array<i64: 1, 128>}, {pipeline_mode = #tpu.pipeline_mode<synchronous>, transform_indices = @transform_15, window_bounds = array<i64: 1, 128>}, {pipeline_mode = #tpu.pipeline_mode<synchronous>, transform_indices = @transform_16, window_bounds = array<i64: 1, 128>}, {transform_indices = @transform_17, window_bounds = array<i64: 256, 128>}]} {
    %get3A = arith.constant 0 : index
    %get3A_0 = arith.constant 0 : index
    %get3A_1 = vector.load %arg2[%get3A, %get3A_0] : memref<256x1xf32, #tpu.memory_space<vmem>>, vector<256x1xf32>
    %get3A_2 = arith.constant 0 : index
    %get3A_3 = arith.constant 0 : index
    %get3A_4 = vector.load %arg16[%get3A_2, %get3A_3] : memref<1x128xf32, #tpu.memory_space<vmem>>, vector<1x128xf32>
    %mul3A = vector.broadcast %get3A_1 : vector<256x1xf32> to vector<256x128xf32>
    %mul3A_5 = vector.broadcast %get3A_4 : vector<1x128xf32> to vector<256x128xf32>
    %mul3A_6 = arith.mulf %mul3A, %mul3A_5 : vector<256x128xf32>
    %get3A_7 = arith.constant 0 : index
    %get3A_8 = arith.constant 0 : index
    %get3A_9 = vector.load %arg17[%get3A_7, %get3A_8] : memref<1x128xf32, #tpu.memory_space<vmem>>, vector<1x128xf32>
    %add3A = vector.broadcast %get3A_9 : vector<1x128xf32> to vector<256x128xf32>
    %add3A_10 = arith.addf %mul3A_6, %add3A : vector<256x128xf32>
    %cos3A = math.cos %add3A_10 : vector<256x128xf32>
    %get3A_11 = arith.constant 0 : index
    %get3A_12 = arith.constant 0 : index
    %get3A_13 = vector.load %arg6[%get3A_11, %get3A_12] : memref<128x128xf32, #tpu.memory_space<vmem>>, vector<128x128xf32>
    %convert_element_type3A = arith.truncf %get3A_13 : vector<128x128xf32> to vector<128x128xbf16>
    %get3A_14 = arith.constant 0 : index
    %get3A_15 = arith.constant 0 : index
    %get3A_16 = vector.load %arg1[%get3A_14, %get3A_15] : memref<256x128xf32, #tpu.memory_space<vmem>>, vector<256x128xf32>
    %convert_element_type3A_17 = arith.truncf %get3A_16 : vector<256x128xf32> to vector<256x128xbf16>
    %dot_general3A = arith.constant dense<0.000000e+00> : vector<256x128xf32>
    %dot_general3A_18 = tpu.matmul %convert_element_type3A_17, %convert_element_type3A, %dot_general3A {dimension_numbers = #tpu.dot_dimension_numbers<[1], [0], [0], [1], [0, 0, 1, 1], [], []>, transpose_lhs_hint = false} : vector<256x128xbf16>, vector<128x128xbf16>, vector<256x128xf32> -> vector<256x128xf32>
    %get3A_19 = arith.constant 0 : index
    %get3A_20 = arith.constant 0 : index
    %get3A_21 = vector.load %arg6[%get3A_19, %get3A_20] : memref<128x128xf32, #tpu.memory_space<vmem>>, vector<128x128xf32>
    %dot_general3A_22 = arith.constant dense<0.000000e+00> : vector<256x128xf32>
    %dot_general3A_23 = tpu.matmul %cos3A, %get3A_21, %dot_general3A_22 {dimension_numbers = #tpu.dot_dimension_numbers<[1], [0], [0], [1], [0, 0, 1, 1], [], []>, transpose_lhs_hint = false} : vector<256x128xf32>, vector<128x128xf32>, vector<256x128xf32> -> vector<256x128xf32>
    %add3A_24 = arith.addf %dot_general3A_18, %dot_general3A_23 : vector<256x128xf32>
    %get3A_25 = arith.constant 0 : index
    %get3A_26 = arith.constant 0 : index
    %get3A_27 = vector.load %arg11[%get3A_25, %get3A_26] : memref<1x128xf32, #tpu.memory_space<vmem>>, vector<1x128xf32>
    %add3A_28 = vector.broadcast %get3A_27 : vector<1x128xf32> to vector<256x128xf32>
    %add3A_29 = arith.addf %add3A_24, %add3A_28 : vector<256x128xf32>
    %get3A_30 = arith.constant 0 : index
    %get3A_31 = arith.constant 0 : index
    %get3A_32 = vector.load %arg5[%get3A_30, %get3A_31] : memref<256x20xi32, #tpu.memory_space<vmem>>, vector<256x20xi32>
    %eq3A = arith.constant 0 : i32
    %eq3A_33 = vector.broadcast %eq3A : i32 to vector<256x20xi32>
    %eq3A_34 = arith.cmpi eq, %get3A_32, %eq3A_33 : vector<256x20xi32>
    %jit3A = arith.constant 1.000000e+00 : f32
    %jit3A_35 = arith.constant 0.000000e+00 : f32
    %broadcast_in_dim3A = vector.broadcast %jit3A : f32 to vector<256x20xf32>
    %broadcast_in_dim3A_36 = vector.broadcast %jit3A_35 : f32 to vector<256x20xf32>
    %select_n3A = arith.select %eq3A_34, %broadcast_in_dim3A, %broadcast_in_dim3A_36 : vector<256x20xi1>, vector<256x20xf32>
    %reduce_sum3A = arith.constant dense<0.000000e+00> : vector<256xf32>
    %reduce_sum3A_37 = vector.multi_reduction <add>, %select_n3A, %reduce_sum3A [1] : vector<256x20xf32> to vector<256xf32>
    %broadcast_in_dim3A_38 = vector.shape_cast %reduce_sum3A_37 : vector<256xf32> to vector<256x1xf32>
    %ge3A = arith.constant 2.000000e+01 : f32
    %ge3A_39 = vector.broadcast %ge3A : f32 to vector<256x1xf32>
    %ge3A_40 = arith.cmpf oge, %broadcast_in_dim3A_38, %ge3A_39 : vector<256x1xf32>
    %jit3A_41 = arith.constant 1.000000e+00 : f32
    %jit3A_42 = arith.constant 0.000000e+00 : f32
    %broadcast_in_dim3A_43 = vector.broadcast %jit3A_41 : f32 to vector<256x1xf32>
    %broadcast_in_dim3A_44 = vector.broadcast %jit3A_42 : f32 to vector<256x1xf32>
    %select_n3A_45 = arith.select %ge3A_40, %broadcast_in_dim3A_43, %broadcast_in_dim3A_44 : vector<256x1xi1>, vector<256x1xf32>
    %iota3A = tpu.iota {dimensions = array<i32: 1>} : vector<256x20xi32>
    %eq3A_46 = arith.constant 0 : i32
    %eq3A_47 = vector.broadcast %eq3A_46 : i32 to vector<256x20xi32>
    %eq3A_48 = arith.cmpi eq, %iota3A, %eq3A_47 : vector<256x20xi32>
    %jit3A_49 = arith.constant 1.000000e+00 : f32
    %jit3A_50 = arith.constant 0.000000e+00 : f32
    %broadcast_in_dim3A_51 = vector.broadcast %jit3A_49 : f32 to vector<256x20xf32>
    %broadcast_in_dim3A_52 = vector.broadcast %jit3A_50 : f32 to vector<256x20xf32>
    %select_n3A_53 = arith.select %eq3A_48, %broadcast_in_dim3A_51, %broadcast_in_dim3A_52 : vector<256x20xi1>, vector<256x20xf32>
    %mul3A_54 = vector.broadcast %select_n3A_45 : vector<256x1xf32> to vector<256x20xf32>
    %mul3A_55 = arith.mulf %select_n3A_53, %mul3A_54 : vector<256x20xf32>
    %sub3A = arith.constant 1.000000e+00 : f32
    %sub3A_56 = vector.broadcast %sub3A : f32 to vector<256x20xf32>
    %sub3A_57 = arith.subf %sub3A_56, %mul3A_55 : vector<256x20xf32>
    %mul3A_58 = arith.mulf %select_n3A, %sub3A_57 : vector<256x20xf32>
    %get3A_59 = arith.constant 0 : index
    %get3A_60 = arith.constant 0 : index
    %get3A_61 = vector.load %arg7[%get3A_59, %get3A_60] : memref<128x128xf32, #tpu.memory_space<vmem>>, vector<128x128xf32>
    %convert_element_type3A_62 = arith.truncf %get3A_61 : vector<128x128xf32> to vector<128x128xbf16>
    %get3A_63 = arith.constant 0 : index
    %get3A_64 = arith.constant 0 : index
    %get3A_65 = vector.load %arg8[%get3A_63, %get3A_64] : memref<16x128xf32, #tpu.memory_space<vmem>>, vector<16x128xf32>
    %dot_general3A_66 = arith.constant dense<0.000000e+00> : vector<256x128xf32>
    %dot_general3A_67 = tpu.matmul %cos3A, %get3A_61, %dot_general3A_66 {dimension_numbers = #tpu.dot_dimension_numbers<[1], [0], [0], [1], [0, 0, 1, 1], [], []>, transpose_lhs_hint = false} : vector<256x128xf32>, vector<128x128xf32>, vector<256x128xf32> -> vector<256x128xf32>
    %get3A_68 = arith.constant 0 : index
    %get3A_69 = arith.constant 0 : index
    %get3A_70 = vector.load %arg12[%get3A_68, %get3A_69] : memref<1x128xf32, #tpu.memory_space<vmem>>, vector<1x128xf32>
    %add3A_71 = vector.broadcast %get3A_70 : vector<1x128xf32> to vector<256x128xf32>
    %add3A_72 = arith.addf %dot_general3A_67, %add3A_71 : vector<256x128xf32>
    %get3A_73 = arith.constant 0 : index
    %get3A_74 = arith.constant 0 : index
    %get3A_75 = arith.constant 0 : index
    %get3A_76 = vector.load %arg3[%get3A_73, %get3A_74, %get3A_75] : memref<20x256x128xf32, #tpu.memory_space<vmem>>, vector<1x256x128xf32>
    %get3A_77 = vector.shape_cast %get3A_76 : vector<1x256x128xf32> to vector<256x128xf32>
    %convert_element_type3A_78 = arith.truncf %get3A_77 : vector<256x128xf32> to vector<256x128xbf16>
    %dot_general3A_79 = arith.constant dense<0.000000e+00> : vector<256x128xf32>
    %dot_general3A_80 = tpu.matmul %convert_element_type3A_78, %convert_element_type3A_62, %dot_general3A_79 {dimension_numbers = #tpu.dot_dimension_numbers<[1], [0], [0], [1], [0, 0, 1, 1], [], []>, transpose_lhs_hint = false} : vector<256x128xbf16>, vector<128x128xbf16>, vector<256x128xf32> -> vector<256x128xf32>
    %get3A_81 = arith.constant 0 : index
    %get3A_82 = arith.constant 0 : index
    %get3A_83 = arith.constant 0 : index
    %get3A_84 = vector.load %arg4[%get3A_81, %get3A_82, %get3A_83] : memref<20x256x16xf32, #tpu.memory_space<vmem>>, vector<1x256x16xf32>
    %get3A_85 = vector.shape_cast %get3A_84 : vector<1x256x16xf32> to vector<256x16xf32>
    %dot_general3A_86 = arith.constant dense<0.000000e+00> : vector<256x128xf32>
    %dot_general3A_87 = tpu.matmul %get3A_85, %get3A_65, %dot_general3A_86 {dimension_numbers = #tpu.dot_dimension_numbers<[1], [0], [0], [1], [0, 0, 1, 1], [], []>, transpose_lhs_hint = false} : vector<256x16xf32>, vector<16x128xf32>, vector<256x128xf32> -> vector<256x128xf32>
    %add3A_88 = arith.addf %dot_general3A_80, %dot_general3A_87 : vector<256x128xf32>
    %add3A_89 = arith.addf %add3A_88, %add3A_72 : vector<256x128xf32>
    %mul3A_90 = arith.mulf %add3A_29, %add3A_89 : vector<256x128xf32>
    %slice3A = vector.extract_strided_slice %mul3A_90 {offsets = [0, 0], sizes = [256, 64], strides = [1, 1]} : vector<256x128xf32> to vector<256x64xf32>
    %reduce_sum3A_91 = arith.constant dense<0.000000e+00> : vector<256xf32>
    %reduce_sum3A_92 = vector.multi_reduction <add>, %slice3A, %reduce_sum3A_91 [1] : vector<256x64xf32> to vector<256xf32>
    %broadcast_in_dim3A_93 = vector.shape_cast %reduce_sum3A_92 : vector<256xf32> to vector<256x1xf32>
    %slice3A_94 = vector.extract_strided_slice %mul3A_90 {offsets = [0, 64], sizes = [256, 64], strides = [1, 1]} : vector<256x128xf32> to vector<256x64xf32>
    %reduce_sum3A_95 = arith.constant dense<0.000000e+00> : vector<256xf32>
    %reduce_sum3A_96 = vector.multi_reduction <add>, %slice3A_94, %reduce_sum3A_95 [1] : vector<256x64xf32> to vector<256xf32>
    %broadcast_in_dim3A_97 = vector.shape_cast %reduce_sum3A_96 : vector<256xf32> to vector<256x1xf32>
    %get3A_98 = arith.constant 1 : index
    %get3A_99 = arith.constant 0 : index
    %get3A_100 = arith.constant 0 : index
    %get3A_101 = vector.load %arg3[%get3A_98, %get3A_99, %get3A_100] : memref<20x256x128xf32, #tpu.memory_space<vmem>>, vector<1x256x128xf32>
    %get3A_102 = vector.shape_cast %get3A_101 : vector<1x256x128xf32> to vector<256x128xf32>
    %convert_element_type3A_103 = arith.truncf %get3A_102 : vector<256x128xf32> to vector<256x128xbf16>
    %dot_general3A_104 = arith.constant dense<0.000000e+00> : vector<256x128xf32>
    %dot_general3A_105 = tpu.matmul %convert_element_type3A_103, %convert_element_type3A_62, %dot_general3A_104 {dimension_numbers = #tpu.dot_dimension_numbers<[1], [0], [0], [1], [0, 0, 1, 1], [], []>, transpose_lhs_hint = false} : vector<256x128xbf16>, vector<128x128xbf16>, vector<256x128xf32> -> vector<256x128xf32>
    %get3A_106 = arith.constant 1 : index
    %get3A_107 = arith.constant 0 : index
    %get3A_108 = arith.constant 0 : index
    %get3A_109 = vector.load %arg4[%get3A_106, %get3A_107, %get3A_108] : memref<20x256x16xf32, #tpu.memory_space<vmem>>, vector<1x256x16xf32>
    %get3A_110 = vector.shape_cast %get3A_109 : vector<1x256x16xf32> to vector<256x16xf32>
    %dot_general3A_111 = arith.constant dense<0.000000e+00> : vector<256x128xf32>
    %dot_general3A_112 = tpu.matmul %get3A_110, %get3A_65, %dot_general3A_111 {dimension_numbers = #tpu.dot_dimension_numbers<[1], [0], [0], [1], [0, 0, 1, 1], [], []>, transpose_lhs_hint = false} : vector<256x16xf32>, vector<16x128xf32>, vector<256x128xf32> -> vector<256x128xf32>
    %add3A_113 = arith.addf %dot_general3A_105, %dot_general3A_112 : vector<256x128xf32>
    %add3A_114 = arith.addf %add3A_113, %add3A_72 : vector<256x128xf32>
    %mul3A_115 = arith.mulf %add3A_29, %add3A_114 : vector<256x128xf32>
    %slice3A_116 = vector.extract_strided_slice %mul3A_115 {offsets = [0, 0], sizes = [256, 64], strides = [1, 1]} : vector<256x128xf32> to vector<256x64xf32>
    %reduce_sum3A_117 = arith.constant dense<0.000000e+00> : vector<256xf32>
    %reduce_sum3A_118 = vector.multi_reduction <add>, %slice3A_116, %reduce_sum3A_117 [1] : vector<256x64xf32> to vector<256xf32>
    %broadcast_in_dim3A_119 = vector.shape_cast %reduce_sum3A_118 : vector<256xf32> to vector<256x1xf32>
    %slice3A_120 = vector.extract_strided_slice %mul3A_115 {offsets = [0, 64], sizes = [256, 64], strides = [1, 1]} : vector<256x128xf32> to vector<256x64xf32>
    %reduce_sum3A_121 = arith.constant dense<0.000000e+00> : vector<256xf32>
    %reduce_sum3A_122 = vector.multi_reduction <add>, %slice3A_120, %reduce_sum3A_121 [1] : vector<256x64xf32> to vector<256xf32>
    %broadcast_in_dim3A_123 = vector.shape_cast %reduce_sum3A_122 : vector<256xf32> to vector<256x1xf32>
    %get3A_124 = arith.constant 2 : index
    %get3A_125 = arith.constant 0 : index
    %get3A_126 = arith.constant 0 : index
    %get3A_127 = vector.load %arg3[%get3A_124, %get3A_125, %get3A_126] : memref<20x256x128xf32, #tpu.memory_space<vmem>>, vector<1x256x128xf32>
    %get3A_128 = vector.shape_cast %get3A_127 : vector<1x256x128xf32> to vector<256x128xf32>
    %convert_element_type3A_129 = arith.truncf %get3A_128 : vector<256x128xf32> to vector<256x128xbf16>
    %dot_general3A_130 = arith.constant dense<0.000000e+00> : vector<256x128xf32>
    %dot_general3A_131 = tpu.matmul %convert_element_type3A_129, %convert_element_type3A_62, %dot_general3A_130 {dimension_numbers = #tpu.dot_dimension_numbers<[1], [0], [0], [1], [0, 0, 1, 1], [], []>, transpose_lhs_hint = false} : vector<256x128xbf16>, vector<128x128xbf16>, vector<256x128xf32> -> vector<256x128xf32>
    %get3A_132 = arith.constant 2 : index
    %get3A_133 = arith.constant 0 : index
    %get3A_134 = arith.constant 0 : index
    %get3A_135 = vector.load %arg4[%get3A_132, %get3A_133, %get3A_134] : memref<20x256x16xf32, #tpu.memory_space<vmem>>, vector<1x256x16xf32>
    %get3A_136 = vector.shape_cast %get3A_135 : vector<1x256x16xf32> to vector<256x16xf32>
    %dot_general3A_137 = arith.constant dense<0.000000e+00> : vector<256x128xf32>
    %dot_general3A_138 = tpu.matmul %get3A_136, %get3A_65, %dot_general3A_137 {dimension_numbers = #tpu.dot_dimension_numbers<[1], [0], [0], [1], [0, 0, 1, 1], [], []>, transpose_lhs_hint = false} : vector<256x16xf32>, vector<16x128xf32>, vector<256x128xf32> -> vector<256x128xf32>
    %add3A_139 = arith.addf %dot_general3A_131, %dot_general3A_138 : vector<256x128xf32>
    %add3A_140 = arith.addf %add3A_139, %add3A_72 : vector<256x128xf32>
    %mul3A_141 = arith.mulf %add3A_29, %add3A_140 : vector<256x128xf32>
    %slice3A_142 = vector.extract_strided_slice %mul3A_141 {offsets = [0, 0], sizes = [256, 64], strides = [1, 1]} : vector<256x128xf32> to vector<256x64xf32>
    %reduce_sum3A_143 = arith.constant dense<0.000000e+00> : vector<256xf32>
    %reduce_sum3A_144 = vector.multi_reduction <add>, %slice3A_142, %reduce_sum3A_143 [1] : vector<256x64xf32> to vector<256xf32>
    %broadcast_in_dim3A_145 = vector.shape_cast %reduce_sum3A_144 : vector<256xf32> to vector<256x1xf32>
    %slice3A_146 = vector.extract_strided_slice %mul3A_141 {offsets = [0, 64], sizes = [256, 64], strides = [1, 1]} : vector<256x128xf32> to vector<256x64xf32>
    %reduce_sum3A_147 = arith.constant dense<0.000000e+00> : vector<256xf32>
    %reduce_sum3A_148 = vector.multi_reduction <add>, %slice3A_146, %reduce_sum3A_147 [1] : vector<256x64xf32> to vector<256xf32>
    %broadcast_in_dim3A_149 = vector.shape_cast %reduce_sum3A_148 : vector<256xf32> to vector<256x1xf32>
    %get3A_150 = arith.constant 3 : index
    %get3A_151 = arith.constant 0 : index
    %get3A_152 = arith.constant 0 : index
    %get3A_153 = vector.load %arg3[%get3A_150, %get3A_151, %get3A_152] : memref<20x256x128xf32, #tpu.memory_space<vmem>>, vector<1x256x128xf32>
    %get3A_154 = vector.shape_cast %get3A_153 : vector<1x256x128xf32> to vector<256x128xf32>
    %convert_element_type3A_155 = arith.truncf %get3A_154 : vector<256x128xf32> to vector<256x128xbf16>
    %dot_general3A_156 = arith.constant dense<0.000000e+00> : vector<256x128xf32>
    %dot_general3A_157 = tpu.matmul %convert_element_type3A_155, %convert_element_type3A_62, %dot_general3A_156 {dimension_numbers = #tpu.dot_dimension_numbers<[1], [0], [0], [1], [0, 0, 1, 1], [], []>, transpose_lhs_hint = false} : vector<256x128xbf16>, vector<128x128xbf16>, vector<256x128xf32> -> vector<256x128xf32>
    %get3A_158 = arith.constant 3 : index
    %get3A_159 = arith.constant 0 : index
    %get3A_160 = arith.constant 0 : index
    %get3A_161 = vector.load %arg4[%get3A_158, %get3A_159, %get3A_160] : memref<20x256x16xf32, #tpu.memory_space<vmem>>, vector<1x256x16xf32>
    %get3A_162 = vector.shape_cast %get3A_161 : vector<1x256x16xf32> to vector<256x16xf32>
    %dot_general3A_163 = arith.constant dense<0.000000e+00> : vector<256x128xf32>
    %dot_general3A_164 = tpu.matmul %get3A_162, %get3A_65, %dot_general3A_163 {dimension_numbers = #tpu.dot_dimension_numbers<[1], [0], [0], [1], [0, 0, 1, 1], [], []>, transpose_lhs_hint = false} : vector<256x16xf32>, vector<16x128xf32>, vector<256x128xf32> -> vector<256x128xf32>
    %add3A_165 = arith.addf %dot_general3A_157, %dot_general3A_164 : vector<256x128xf32>
    %add3A_166 = arith.addf %add3A_165, %add3A_72 : vector<256x128xf32>
    %mul3A_167 = arith.mulf %add3A_29, %add3A_166 : vector<256x128xf32>
    %slice3A_168 = vector.extract_strided_slice %mul3A_167 {offsets = [0, 0], sizes = [256, 64], strides = [1, 1]} : vector<256x128xf32> to vector<256x64xf32>
    %reduce_sum3A_169 = arith.constant dense<0.000000e+00> : vector<256xf32>
    %reduce_sum3A_170 = vector.multi_reduction <add>, %slice3A_168, %reduce_sum3A_169 [1] : vector<256x64xf32> to vector<256xf32>
    %broadcast_in_dim3A_171 = vector.shape_cast %reduce_sum3A_170 : vector<256xf32> to vector<256x1xf32>
    %slice3A_172 = vector.extract_strided_slice %mul3A_167 {offsets = [0, 64], sizes = [256, 64], strides = [1, 1]} : vector<256x128xf32> to vector<256x64xf32>
    %reduce_sum3A_173 = arith.constant dense<0.000000e+00> : vector<256xf32>
    %reduce_sum3A_174 = vector.multi_reduction <add>, %slice3A_172, %reduce_sum3A_173 [1] : vector<256x64xf32> to vector<256xf32>
    %broadcast_in_dim3A_175 = vector.shape_cast %reduce_sum3A_174 : vector<256xf32> to vector<256x1xf32>
    %get3A_176 = arith.constant 4 : index
    %get3A_177 = arith.constant 0 : index
    %get3A_178 = arith.constant 0 : index
    %get3A_179 = vector.load %arg3[%get3A_176, %get3A_177, %get3A_178] : memref<20x256x128xf32, #tpu.memory_space<vmem>>, vector<1x256x128xf32>
    %get3A_180 = vector.shape_cast %get3A_179 : vector<1x256x128xf32> to vector<256x128xf32>
    %convert_element_type3A_181 = arith.truncf %get3A_180 : vector<256x128xf32> to vector<256x128xbf16>
    %dot_general3A_182 = arith.constant dense<0.000000e+00> : vector<256x128xf32>
    %dot_general3A_183 = tpu.matmul %convert_element_type3A_181, %convert_element_type3A_62, %dot_general3A_182 {dimension_numbers = #tpu.dot_dimension_numbers<[1], [0], [0], [1], [0, 0, 1, 1], [], []>, transpose_lhs_hint = false} : vector<256x128xbf16>, vector<128x128xbf16>, vector<256x128xf32> -> vector<256x128xf32>
    %get3A_184 = arith.constant 4 : index
    %get3A_185 = arith.constant 0 : index
    %get3A_186 = arith.constant 0 : index
    %get3A_187 = vector.load %arg4[%get3A_184, %get3A_185, %get3A_186] : memref<20x256x16xf32, #tpu.memory_space<vmem>>, vector<1x256x16xf32>
    %get3A_188 = vector.shape_cast %get3A_187 : vector<1x256x16xf32> to vector<256x16xf32>
    %dot_general3A_189 = arith.constant dense<0.000000e+00> : vector<256x128xf32>
    %dot_general3A_190 = tpu.matmul %get3A_188, %get3A_65, %dot_general3A_189 {dimension_numbers = #tpu.dot_dimension_numbers<[1], [0], [0], [1], [0, 0, 1, 1], [], []>, transpose_lhs_hint = false} : vector<256x16xf32>, vector<16x128xf32>, vector<256x128xf32> -> vector<256x128xf32>
    %add3A_191 = arith.addf %dot_general3A_183, %dot_general3A_190 : vector<256x128xf32>
    %add3A_192 = arith.addf %add3A_191, %add3A_72 : vector<256x128xf32>
    %mul3A_193 = arith.mulf %add3A_29, %add3A_192 : vector<256x128xf32>
    %slice3A_194 = vector.extract_strided_slice %mul3A_193 {offsets = [0, 0], sizes = [256, 64], strides = [1, 1]} : vector<256x128xf32> to vector<256x64xf32>
    %reduce_sum3A_195 = arith.constant dense<0.000000e+00> : vector<256xf32>
    %reduce_sum3A_196 = vector.multi_reduction <add>, %slice3A_194, %reduce_sum3A_195 [1] : vector<256x64xf32> to vector<256xf32>
    %broadcast_in_dim3A_197 = vector.shape_cast %reduce_sum3A_196 : vector<256xf32> to vector<256x1xf32>
    %slice3A_198 = vector.extract_strided_slice %mul3A_193 {offsets = [0, 64], sizes = [256, 64], strides = [1, 1]} : vector<256x128xf32> to vector<256x64xf32>
    %reduce_sum3A_199 = arith.constant dense<0.000000e+00> : vector<256xf32>
    %reduce_sum3A_200 = vector.multi_reduction <add>, %slice3A_198, %reduce_sum3A_199 [1] : vector<256x64xf32> to vector<256xf32>
    %broadcast_in_dim3A_201 = vector.shape_cast %reduce_sum3A_200 : vector<256xf32> to vector<256x1xf32>
    %get3A_202 = arith.constant 5 : index
    %get3A_203 = arith.constant 0 : index
    %get3A_204 = arith.constant 0 : index
    %get3A_205 = vector.load %arg3[%get3A_202, %get3A_203, %get3A_204] : memref<20x256x128xf32, #tpu.memory_space<vmem>>, vector<1x256x128xf32>
    %get3A_206 = vector.shape_cast %get3A_205 : vector<1x256x128xf32> to vector<256x128xf32>
    %convert_element_type3A_207 = arith.truncf %get3A_206 : vector<256x128xf32> to vector<256x128xbf16>
    %dot_general3A_208 = arith.constant dense<0.000000e+00> : vector<256x128xf32>
    %dot_general3A_209 = tpu.matmul %convert_element_type3A_207, %convert_element_type3A_62, %dot_general3A_208 {dimension_numbers = #tpu.dot_dimension_numbers<[1], [0], [0], [1], [0, 0, 1, 1], [], []>, transpose_lhs_hint = false} : vector<256x128xbf16>, vector<128x128xbf16>, vector<256x128xf32> -> vector<256x128xf32>
    %get3A_210 = arith.constant 5 : index
    %get3A_211 = arith.constant 0 : index
    %get3A_212 = arith.constant 0 : index
    %get3A_213 = vector.load %arg4[%get3A_210, %get3A_211, %get3A_212] : memref<20x256x16xf32, #tpu.memory_space<vmem>>, vector<1x256x16xf32>
    %get3A_214 = vector.shape_cast %get3A_213 : vector<1x256x16xf32> to vector<256x16xf32>
    %dot_general3A_215 = arith.constant dense<0.000000e+00> : vector<256x128xf32>
    %dot_general3A_216 = tpu.matmul %get3A_214, %get3A_65, %dot_general3A_215 {dimension_numbers = #tpu.dot_dimension_numbers<[1], [0], [0], [1], [0, 0, 1, 1], [], []>, transpose_lhs_hint = false} : vector<256x16xf32>, vector<16x128xf32>, vector<256x128xf32> -> vector<256x128xf32>
    %add3A_217 = arith.addf %dot_general3A_209, %dot_general3A_216 : vector<256x128xf32>
    %add3A_218 = arith.addf %add3A_217, %add3A_72 : vector<256x128xf32>
    %mul3A_219 = arith.mulf %add3A_29, %add3A_218 : vector<256x128xf32>
    %slice3A_220 = vector.extract_strided_slice %mul3A_219 {offsets = [0, 0], sizes = [256, 64], strides = [1, 1]} : vector<256x128xf32> to vector<256x64xf32>
    %reduce_sum3A_221 = arith.constant dense<0.000000e+00> : vector<256xf32>
    %reduce_sum3A_222 = vector.multi_reduction <add>, %slice3A_220, %reduce_sum3A_221 [1] : vector<256x64xf32> to vector<256xf32>
    %broadcast_in_dim3A_223 = vector.shape_cast %reduce_sum3A_222 : vector<256xf32> to vector<256x1xf32>
    %slice3A_224 = vector.extract_strided_slice %mul3A_219 {offsets = [0, 64], sizes = [256, 64], strides = [1, 1]} : vector<256x128xf32> to vector<256x64xf32>
    %reduce_sum3A_225 = arith.constant dense<0.000000e+00> : vector<256xf32>
    %reduce_sum3A_226 = vector.multi_reduction <add>, %slice3A_224, %reduce_sum3A_225 [1] : vector<256x64xf32> to vector<256xf32>
    %broadcast_in_dim3A_227 = vector.shape_cast %reduce_sum3A_226 : vector<256xf32> to vector<256x1xf32>
    %get3A_228 = arith.constant 6 : index
    %get3A_229 = arith.constant 0 : index
    %get3A_230 = arith.constant 0 : index
    %get3A_231 = vector.load %arg3[%get3A_228, %get3A_229, %get3A_230] : memref<20x256x128xf32, #tpu.memory_space<vmem>>, vector<1x256x128xf32>
    %get3A_232 = vector.shape_cast %get3A_231 : vector<1x256x128xf32> to vector<256x128xf32>
    %convert_element_type3A_233 = arith.truncf %get3A_232 : vector<256x128xf32> to vector<256x128xbf16>
    %dot_general3A_234 = arith.constant dense<0.000000e+00> : vector<256x128xf32>
    %dot_general3A_235 = tpu.matmul %convert_element_type3A_233, %convert_element_type3A_62, %dot_general3A_234 {dimension_numbers = #tpu.dot_dimension_numbers<[1], [0], [0], [1], [0, 0, 1, 1], [], []>, transpose_lhs_hint = false} : vector<256x128xbf16>, vector<128x128xbf16>, vector<256x128xf32> -> vector<256x128xf32>
    %get3A_236 = arith.constant 6 : index
    %get3A_237 = arith.constant 0 : index
    %get3A_238 = arith.constant 0 : index
    %get3A_239 = vector.load %arg4[%get3A_236, %get3A_237, %get3A_238] : memref<20x256x16xf32, #tpu.memory_space<vmem>>, vector<1x256x16xf32>
    %get3A_240 = vector.shape_cast %get3A_239 : vector<1x256x16xf32> to vector<256x16xf32>
    %dot_general3A_241 = arith.constant dense<0.000000e+00> : vector<256x128xf32>
    %dot_general3A_242 = tpu.matmul %get3A_240, %get3A_65, %dot_general3A_241 {dimension_numbers = #tpu.dot_dimension_numbers<[1], [0], [0], [1], [0, 0, 1, 1], [], []>, transpose_lhs_hint = false} : vector<256x16xf32>, vector<16x128xf32>, vector<256x128xf32> -> vector<256x128xf32>
    %add3A_243 = arith.addf %dot_general3A_235, %dot_general3A_242 : vector<256x128xf32>
    %add3A_244 = arith.addf %add3A_243, %add3A_72 : vector<256x128xf32>
    %mul3A_245 = arith.mulf %add3A_29, %add3A_244 : vector<256x128xf32>
    %slice3A_246 = vector.extract_strided_slice %mul3A_245 {offsets = [0, 0], sizes = [256, 64], strides = [1, 1]} : vector<256x128xf32> to vector<256x64xf32>
    %reduce_sum3A_247 = arith.constant dense<0.000000e+00> : vector<256xf32>
    %reduce_sum3A_248 = vector.multi_reduction <add>, %slice3A_246, %reduce_sum3A_247 [1] : vector<256x64xf32> to vector<256xf32>
    %broadcast_in_dim3A_249 = vector.shape_cast %reduce_sum3A_248 : vector<256xf32> to vector<256x1xf32>
    %slice3A_250 = vector.extract_strided_slice %mul3A_245 {offsets = [0, 64], sizes = [256, 64], strides = [1, 1]} : vector<256x128xf32> to vector<256x64xf32>
    %reduce_sum3A_251 = arith.constant dense<0.000000e+00> : vector<256xf32>
    %reduce_sum3A_252 = vector.multi_reduction <add>, %slice3A_250, %reduce_sum3A_251 [1] : vector<256x64xf32> to vector<256xf32>
    %broadcast_in_dim3A_253 = vector.shape_cast %reduce_sum3A_252 : vector<256xf32> to vector<256x1xf32>
    %get3A_254 = arith.constant 7 : index
    %get3A_255 = arith.constant 0 : index
    %get3A_256 = arith.constant 0 : index
    %get3A_257 = vector.load %arg3[%get3A_254, %get3A_255, %get3A_256] : memref<20x256x128xf32, #tpu.memory_space<vmem>>, vector<1x256x128xf32>
    %get3A_258 = vector.shape_cast %get3A_257 : vector<1x256x128xf32> to vector<256x128xf32>
    %convert_element_type3A_259 = arith.truncf %get3A_258 : vector<256x128xf32> to vector<256x128xbf16>
    %dot_general3A_260 = arith.constant dense<0.000000e+00> : vector<256x128xf32>
    %dot_general3A_261 = tpu.matmul %convert_element_type3A_259, %convert_element_type3A_62, %dot_general3A_260 {dimension_numbers = #tpu.dot_dimension_numbers<[1], [0], [0], [1], [0, 0, 1, 1], [], []>, transpose_lhs_hint = false} : vector<256x128xbf16>, vector<128x128xbf16>, vector<256x128xf32> -> vector<256x128xf32>
    %get3A_262 = arith.constant 7 : index
    %get3A_263 = arith.constant 0 : index
    %get3A_264 = arith.constant 0 : index
    %get3A_265 = vector.load %arg4[%get3A_262, %get3A_263, %get3A_264] : memref<20x256x16xf32, #tpu.memory_space<vmem>>, vector<1x256x16xf32>
    %get3A_266 = vector.shape_cast %get3A_265 : vector<1x256x16xf32> to vector<256x16xf32>
    %dot_general3A_267 = arith.constant dense<0.000000e+00> : vector<256x128xf32>
    %dot_general3A_268 = tpu.matmul %get3A_266, %get3A_65, %dot_general3A_267 {dimension_numbers = #tpu.dot_dimension_numbers<[1], [0], [0], [1], [0, 0, 1, 1], [], []>, transpose_lhs_hint = false} : vector<256x16xf32>, vector<16x128xf32>, vector<256x128xf32> -> vector<256x128xf32>
    %add3A_269 = arith.addf %dot_general3A_261, %dot_general3A_268 : vector<256x128xf32>
    %add3A_270 = arith.addf %add3A_269, %add3A_72 : vector<256x128xf32>
    %mul3A_271 = arith.mulf %add3A_29, %add3A_270 : vector<256x128xf32>
    %slice3A_272 = vector.extract_strided_slice %mul3A_271 {offsets = [0, 0], sizes = [256, 64], strides = [1, 1]} : vector<256x128xf32> to vector<256x64xf32>
    %reduce_sum3A_273 = arith.constant dense<0.000000e+00> : vector<256xf32>
    %reduce_sum3A_274 = vector.multi_reduction <add>, %slice3A_272, %reduce_sum3A_273 [1] : vector<256x64xf32> to vector<256xf32>
    %broadcast_in_dim3A_275 = vector.shape_cast %reduce_sum3A_274 : vector<256xf32> to vector<256x1xf32>
    %slice3A_276 = vector.extract_strided_slice %mul3A_271 {offsets = [0, 64], sizes = [256, 64], strides = [1, 1]} : vector<256x128xf32> to vector<256x64xf32>
    %reduce_sum3A_277 = arith.constant dense<0.000000e+00> : vector<256xf32>
    %reduce_sum3A_278 = vector.multi_reduction <add>, %slice3A_276, %reduce_sum3A_277 [1] : vector<256x64xf32> to vector<256xf32>
    %broadcast_in_dim3A_279 = vector.shape_cast %reduce_sum3A_278 : vector<256xf32> to vector<256x1xf32>
    %get3A_280 = arith.constant 8 : index
    %get3A_281 = arith.constant 0 : index
    %get3A_282 = arith.constant 0 : index
    %get3A_283 = vector.load %arg3[%get3A_280, %get3A_281, %get3A_282] : memref<20x256x128xf32, #tpu.memory_space<vmem>>, vector<1x256x128xf32>
    %get3A_284 = vector.shape_cast %get3A_283 : vector<1x256x128xf32> to vector<256x128xf32>
    %convert_element_type3A_285 = arith.truncf %get3A_284 : vector<256x128xf32> to vector<256x128xbf16>
    %dot_general3A_286 = arith.constant dense<0.000000e+00> : vector<256x128xf32>
    %dot_general3A_287 = tpu.matmul %convert_element_type3A_285, %convert_element_type3A_62, %dot_general3A_286 {dimension_numbers = #tpu.dot_dimension_numbers<[1], [0], [0], [1], [0, 0, 1, 1], [], []>, transpose_lhs_hint = false} : vector<256x128xbf16>, vector<128x128xbf16>, vector<256x128xf32> -> vector<256x128xf32>
    %get3A_288 = arith.constant 8 : index
    %get3A_289 = arith.constant 0 : index
    %get3A_290 = arith.constant 0 : index
    %get3A_291 = vector.load %arg4[%get3A_288, %get3A_289, %get3A_290] : memref<20x256x16xf32, #tpu.memory_space<vmem>>, vector<1x256x16xf32>
    %get3A_292 = vector.shape_cast %get3A_291 : vector<1x256x16xf32> to vector<256x16xf32>
    %dot_general3A_293 = arith.constant dense<0.000000e+00> : vector<256x128xf32>
    %dot_general3A_294 = tpu.matmul %get3A_292, %get3A_65, %dot_general3A_293 {dimension_numbers = #tpu.dot_dimension_numbers<[1], [0], [0], [1], [0, 0, 1, 1], [], []>, transpose_lhs_hint = false} : vector<256x16xf32>, vector<16x128xf32>, vector<256x128xf32> -> vector<256x128xf32>
    %add3A_295 = arith.addf %dot_general3A_287, %dot_general3A_294 : vector<256x128xf32>
    %add3A_296 = arith.addf %add3A_295, %add3A_72 : vector<256x128xf32>
    %mul3A_297 = arith.mulf %add3A_29, %add3A_296 : vector<256x128xf32>
    %slice3A_298 = vector.extract_strided_slice %mul3A_297 {offsets = [0, 0], sizes = [256, 64], strides = [1, 1]} : vector<256x128xf32> to vector<256x64xf32>
    %reduce_sum3A_299 = arith.constant dense<0.000000e+00> : vector<256xf32>
    %reduce_sum3A_300 = vector.multi_reduction <add>, %slice3A_298, %reduce_sum3A_299 [1] : vector<256x64xf32> to vector<256xf32>
    %broadcast_in_dim3A_301 = vector.shape_cast %reduce_sum3A_300 : vector<256xf32> to vector<256x1xf32>
    %slice3A_302 = vector.extract_strided_slice %mul3A_297 {offsets = [0, 64], sizes = [256, 64], strides = [1, 1]} : vector<256x128xf32> to vector<256x64xf32>
    %reduce_sum3A_303 = arith.constant dense<0.000000e+00> : vector<256xf32>
    %reduce_sum3A_304 = vector.multi_reduction <add>, %slice3A_302, %reduce_sum3A_303 [1] : vector<256x64xf32> to vector<256xf32>
    %broadcast_in_dim3A_305 = vector.shape_cast %reduce_sum3A_304 : vector<256xf32> to vector<256x1xf32>
    %get3A_306 = arith.constant 9 : index
    %get3A_307 = arith.constant 0 : index
    %get3A_308 = arith.constant 0 : index
    %get3A_309 = vector.load %arg3[%get3A_306, %get3A_307, %get3A_308] : memref<20x256x128xf32, #tpu.memory_space<vmem>>, vector<1x256x128xf32>
    %get3A_310 = vector.shape_cast %get3A_309 : vector<1x256x128xf32> to vector<256x128xf32>
    %convert_element_type3A_311 = arith.truncf %get3A_310 : vector<256x128xf32> to vector<256x128xbf16>
    %dot_general3A_312 = arith.constant dense<0.000000e+00> : vector<256x128xf32>
    %dot_general3A_313 = tpu.matmul %convert_element_type3A_311, %convert_element_type3A_62, %dot_general3A_312 {dimension_numbers = #tpu.dot_dimension_numbers<[1], [0], [0], [1], [0, 0, 1, 1], [], []>, transpose_lhs_hint = false} : vector<256x128xbf16>, vector<128x128xbf16>, vector<256x128xf32> -> vector<256x128xf32>
    %get3A_314 = arith.constant 9 : index
    %get3A_315 = arith.constant 0 : index
    %get3A_316 = arith.constant 0 : index
    %get3A_317 = vector.load %arg4[%get3A_314, %get3A_315, %get3A_316] : memref<20x256x16xf32, #tpu.memory_space<vmem>>, vector<1x256x16xf32>
    %get3A_318 = vector.shape_cast %get3A_317 : vector<1x256x16xf32> to vector<256x16xf32>
    %dot_general3A_319 = arith.constant dense<0.000000e+00> : vector<256x128xf32>
    %dot_general3A_320 = tpu.matmul %get3A_318, %get3A_65, %dot_general3A_319 {dimension_numbers = #tpu.dot_dimension_numbers<[1], [0], [0], [1], [0, 0, 1, 1], [], []>, transpose_lhs_hint = false} : vector<256x16xf32>, vector<16x128xf32>, vector<256x128xf32> -> vector<256x128xf32>
    %add3A_321 = arith.addf %dot_general3A_313, %dot_general3A_320 : vector<256x128xf32>
    %add3A_322 = arith.addf %add3A_321, %add3A_72 : vector<256x128xf32>
    %mul3A_323 = arith.mulf %add3A_29, %add3A_322 : vector<256x128xf32>
    %slice3A_324 = vector.extract_strided_slice %mul3A_323 {offsets = [0, 0], sizes = [256, 64], strides = [1, 1]} : vector<256x128xf32> to vector<256x64xf32>
    %reduce_sum3A_325 = arith.constant dense<0.000000e+00> : vector<256xf32>
    %reduce_sum3A_326 = vector.multi_reduction <add>, %slice3A_324, %reduce_sum3A_325 [1] : vector<256x64xf32> to vector<256xf32>
    %broadcast_in_dim3A_327 = vector.shape_cast %reduce_sum3A_326 : vector<256xf32> to vector<256x1xf32>
    %slice3A_328 = vector.extract_strided_slice %mul3A_323 {offsets = [0, 64], sizes = [256, 64], strides = [1, 1]} : vector<256x128xf32> to vector<256x64xf32>
    %reduce_sum3A_329 = arith.constant dense<0.000000e+00> : vector<256xf32>
    %reduce_sum3A_330 = vector.multi_reduction <add>, %slice3A_328, %reduce_sum3A_329 [1] : vector<256x64xf32> to vector<256xf32>
    %broadcast_in_dim3A_331 = vector.shape_cast %reduce_sum3A_330 : vector<256xf32> to vector<256x1xf32>
    %get3A_332 = arith.constant 10 : index
    %get3A_333 = arith.constant 0 : index
    %get3A_334 = arith.constant 0 : index
    %get3A_335 = vector.load %arg3[%get3A_332, %get3A_333, %get3A_334] : memref<20x256x128xf32, #tpu.memory_space<vmem>>, vector<1x256x128xf32>
    %get3A_336 = vector.shape_cast %get3A_335 : vector<1x256x128xf32> to vector<256x128xf32>
    %convert_element_type3A_337 = arith.truncf %get3A_336 : vector<256x128xf32> to vector<256x128xbf16>
    %dot_general3A_338 = arith.constant dense<0.000000e+00> : vector<256x128xf32>
    %dot_general3A_339 = tpu.matmul %convert_element_type3A_337, %convert_element_type3A_62, %dot_general3A_338 {dimension_numbers = #tpu.dot_dimension_numbers<[1], [0], [0], [1], [0, 0, 1, 1], [], []>, transpose_lhs_hint = false} : vector<256x128xbf16>, vector<128x128xbf16>, vector<256x128xf32> -> vector<256x128xf32>
    %get3A_340 = arith.constant 10 : index
    %get3A_341 = arith.constant 0 : index
    %get3A_342 = arith.constant 0 : index
    %get3A_343 = vector.load %arg4[%get3A_340, %get3A_341, %get3A_342] : memref<20x256x16xf32, #tpu.memory_space<vmem>>, vector<1x256x16xf32>
    %get3A_344 = vector.shape_cast %get3A_343 : vector<1x256x16xf32> to vector<256x16xf32>
    %dot_general3A_345 = arith.constant dense<0.000000e+00> : vector<256x128xf32>
    %dot_general3A_346 = tpu.matmul %get3A_344, %get3A_65, %dot_general3A_345 {dimension_numbers = #tpu.dot_dimension_numbers<[1], [0], [0], [1], [0, 0, 1, 1], [], []>, transpose_lhs_hint = false} : vector<256x16xf32>, vector<16x128xf32>, vector<256x128xf32> -> vector<256x128xf32>
    %add3A_347 = arith.addf %dot_general3A_339, %dot_general3A_346 : vector<256x128xf32>
    %add3A_348 = arith.addf %add3A_347, %add3A_72 : vector<256x128xf32>
    %mul3A_349 = arith.mulf %add3A_29, %add3A_348 : vector<256x128xf32>
    %slice3A_350 = vector.extract_strided_slice %mul3A_349 {offsets = [0, 0], sizes = [256, 64], strides = [1, 1]} : vector<256x128xf32> to vector<256x64xf32>
    %reduce_sum3A_351 = arith.constant dense<0.000000e+00> : vector<256xf32>
    %reduce_sum3A_352 = vector.multi_reduction <add>, %slice3A_350, %reduce_sum3A_351 [1] : vector<256x64xf32> to vector<256xf32>
    %broadcast_in_dim3A_353 = vector.shape_cast %reduce_sum3A_352 : vector<256xf32> to vector<256x1xf32>
    %slice3A_354 = vector.extract_strided_slice %mul3A_349 {offsets = [0, 64], sizes = [256, 64], strides = [1, 1]} : vector<256x128xf32> to vector<256x64xf32>
    %reduce_sum3A_355 = arith.constant dense<0.000000e+00> : vector<256xf32>
    %reduce_sum3A_356 = vector.multi_reduction <add>, %slice3A_354, %reduce_sum3A_355 [1] : vector<256x64xf32> to vector<256xf32>
    %broadcast_in_dim3A_357 = vector.shape_cast %reduce_sum3A_356 : vector<256xf32> to vector<256x1xf32>
    %get3A_358 = arith.constant 11 : index
    %get3A_359 = arith.constant 0 : index
    %get3A_360 = arith.constant 0 : index
    %get3A_361 = vector.load %arg3[%get3A_358, %get3A_359, %get3A_360] : memref<20x256x128xf32, #tpu.memory_space<vmem>>, vector<1x256x128xf32>
    %get3A_362 = vector.shape_cast %get3A_361 : vector<1x256x128xf32> to vector<256x128xf32>
    %convert_element_type3A_363 = arith.truncf %get3A_362 : vector<256x128xf32> to vector<256x128xbf16>
    %dot_general3A_364 = arith.constant dense<0.000000e+00> : vector<256x128xf32>
    %dot_general3A_365 = tpu.matmul %convert_element_type3A_363, %convert_element_type3A_62, %dot_general3A_364 {dimension_numbers = #tpu.dot_dimension_numbers<[1], [0], [0], [1], [0, 0, 1, 1], [], []>, transpose_lhs_hint = false} : vector<256x128xbf16>, vector<128x128xbf16>, vector<256x128xf32> -> vector<256x128xf32>
    %get3A_366 = arith.constant 11 : index
    %get3A_367 = arith.constant 0 : index
    %get3A_368 = arith.constant 0 : index
    %get3A_369 = vector.load %arg4[%get3A_366, %get3A_367, %get3A_368] : memref<20x256x16xf32, #tpu.memory_space<vmem>>, vector<1x256x16xf32>
    %get3A_370 = vector.shape_cast %get3A_369 : vector<1x256x16xf32> to vector<256x16xf32>
    %dot_general3A_371 = arith.constant dense<0.000000e+00> : vector<256x128xf32>
    %dot_general3A_372 = tpu.matmul %get3A_370, %get3A_65, %dot_general3A_371 {dimension_numbers = #tpu.dot_dimension_numbers<[1], [0], [0], [1], [0, 0, 1, 1], [], []>, transpose_lhs_hint = false} : vector<256x16xf32>, vector<16x128xf32>, vector<256x128xf32> -> vector<256x128xf32>
    %add3A_373 = arith.addf %dot_general3A_365, %dot_general3A_372 : vector<256x128xf32>
    %add3A_374 = arith.addf %add3A_373, %add3A_72 : vector<256x128xf32>
    %mul3A_375 = arith.mulf %add3A_29, %add3A_374 : vector<256x128xf32>
    %slice3A_376 = vector.extract_strided_slice %mul3A_375 {offsets = [0, 0], sizes = [256, 64], strides = [1, 1]} : vector<256x128xf32> to vector<256x64xf32>
    %reduce_sum3A_377 = arith.constant dense<0.000000e+00> : vector<256xf32>
    %reduce_sum3A_378 = vector.multi_reduction <add>, %slice3A_376, %reduce_sum3A_377 [1] : vector<256x64xf32> to vector<256xf32>
    %broadcast_in_dim3A_379 = vector.shape_cast %reduce_sum3A_378 : vector<256xf32> to vector<256x1xf32>
    %slice3A_380 = vector.extract_strided_slice %mul3A_375 {offsets = [0, 64], sizes = [256, 64], strides = [1, 1]} : vector<256x128xf32> to vector<256x64xf32>
    %reduce_sum3A_381 = arith.constant dense<0.000000e+00> : vector<256xf32>
    %reduce_sum3A_382 = vector.multi_reduction <add>, %slice3A_380, %reduce_sum3A_381 [1] : vector<256x64xf32> to vector<256xf32>
    %broadcast_in_dim3A_383 = vector.shape_cast %reduce_sum3A_382 : vector<256xf32> to vector<256x1xf32>
    %get3A_384 = arith.constant 12 : index
    %get3A_385 = arith.constant 0 : index
    %get3A_386 = arith.constant 0 : index
    %get3A_387 = vector.load %arg3[%get3A_384, %get3A_385, %get3A_386] : memref<20x256x128xf32, #tpu.memory_space<vmem>>, vector<1x256x128xf32>
    %get3A_388 = vector.shape_cast %get3A_387 : vector<1x256x128xf32> to vector<256x128xf32>
    %convert_element_type3A_389 = arith.truncf %get3A_388 : vector<256x128xf32> to vector<256x128xbf16>
    %dot_general3A_390 = arith.constant dense<0.000000e+00> : vector<256x128xf32>
    %dot_general3A_391 = tpu.matmul %convert_element_type3A_389, %convert_element_type3A_62, %dot_general3A_390 {dimension_numbers = #tpu.dot_dimension_numbers<[1], [0], [0], [1], [0, 0, 1, 1], [], []>, transpose_lhs_hint = false} : vector<256x128xbf16>, vector<128x128xbf16>, vector<256x128xf32> -> vector<256x128xf32>
    %get3A_392 = arith.constant 12 : index
    %get3A_393 = arith.constant 0 : index
    %get3A_394 = arith.constant 0 : index
    %get3A_395 = vector.load %arg4[%get3A_392, %get3A_393, %get3A_394] : memref<20x256x16xf32, #tpu.memory_space<vmem>>, vector<1x256x16xf32>
    %get3A_396 = vector.shape_cast %get3A_395 : vector<1x256x16xf32> to vector<256x16xf32>
    %dot_general3A_397 = arith.constant dense<0.000000e+00> : vector<256x128xf32>
    %dot_general3A_398 = tpu.matmul %get3A_396, %get3A_65, %dot_general3A_397 {dimension_numbers = #tpu.dot_dimension_numbers<[1], [0], [0], [1], [0, 0, 1, 1], [], []>, transpose_lhs_hint = false} : vector<256x16xf32>, vector<16x128xf32>, vector<256x128xf32> -> vector<256x128xf32>
    %add3A_399 = arith.addf %dot_general3A_391, %dot_general3A_398 : vector<256x128xf32>
    %add3A_400 = arith.addf %add3A_399, %add3A_72 : vector<256x128xf32>
    %mul3A_401 = arith.mulf %add3A_29, %add3A_400 : vector<256x128xf32>
    %slice3A_402 = vector.extract_strided_slice %mul3A_401 {offsets = [0, 0], sizes = [256, 64], strides = [1, 1]} : vector<256x128xf32> to vector<256x64xf32>
    %reduce_sum3A_403 = arith.constant dense<0.000000e+00> : vector<256xf32>
    %reduce_sum3A_404 = vector.multi_reduction <add>, %slice3A_402, %reduce_sum3A_403 [1] : vector<256x64xf32> to vector<256xf32>
    %broadcast_in_dim3A_405 = vector.shape_cast %reduce_sum3A_404 : vector<256xf32> to vector<256x1xf32>
    %slice3A_406 = vector.extract_strided_slice %mul3A_401 {offsets = [0, 64], sizes = [256, 64], strides = [1, 1]} : vector<256x128xf32> to vector<256x64xf32>
    %reduce_sum3A_407 = arith.constant dense<0.000000e+00> : vector<256xf32>
    %reduce_sum3A_408 = vector.multi_reduction <add>, %slice3A_406, %reduce_sum3A_407 [1] : vector<256x64xf32> to vector<256xf32>
    %broadcast_in_dim3A_409 = vector.shape_cast %reduce_sum3A_408 : vector<256xf32> to vector<256x1xf32>
    %get3A_410 = arith.constant 13 : index
    %get3A_411 = arith.constant 0 : index
    %get3A_412 = arith.constant 0 : index
    %get3A_413 = vector.load %arg3[%get3A_410, %get3A_411, %get3A_412] : memref<20x256x128xf32, #tpu.memory_space<vmem>>, vector<1x256x128xf32>
    %get3A_414 = vector.shape_cast %get3A_413 : vector<1x256x128xf32> to vector<256x128xf32>
    %convert_element_type3A_415 = arith.truncf %get3A_414 : vector<256x128xf32> to vector<256x128xbf16>
    %dot_general3A_416 = arith.constant dense<0.000000e+00> : vector<256x128xf32>
    %dot_general3A_417 = tpu.matmul %convert_element_type3A_415, %convert_element_type3A_62, %dot_general3A_416 {dimension_numbers = #tpu.dot_dimension_numbers<[1], [0], [0], [1], [0, 0, 1, 1], [], []>, transpose_lhs_hint = false} : vector<256x128xbf16>, vector<128x128xbf16>, vector<256x128xf32> -> vector<256x128xf32>
    %get3A_418 = arith.constant 13 : index
    %get3A_419 = arith.constant 0 : index
    %get3A_420 = arith.constant 0 : index
    %get3A_421 = vector.load %arg4[%get3A_418, %get3A_419, %get3A_420] : memref<20x256x16xf32, #tpu.memory_space<vmem>>, vector<1x256x16xf32>
    %get3A_422 = vector.shape_cast %get3A_421 : vector<1x256x16xf32> to vector<256x16xf32>
    %dot_general3A_423 = arith.constant dense<0.000000e+00> : vector<256x128xf32>
    %dot_general3A_424 = tpu.matmul %get3A_422, %get3A_65, %dot_general3A_423 {dimension_numbers = #tpu.dot_dimension_numbers<[1], [0], [0], [1], [0, 0, 1, 1], [], []>, transpose_lhs_hint = false} : vector<256x16xf32>, vector<16x128xf32>, vector<256x128xf32> -> vector<256x128xf32>
    %add3A_425 = arith.addf %dot_general3A_417, %dot_general3A_424 : vector<256x128xf32>
    %add3A_426 = arith.addf %add3A_425, %add3A_72 : vector<256x128xf32>
    %mul3A_427 = arith.mulf %add3A_29, %add3A_426 : vector<256x128xf32>
    %slice3A_428 = vector.extract_strided_slice %mul3A_427 {offsets = [0, 0], sizes = [256, 64], strides = [1, 1]} : vector<256x128xf32> to vector<256x64xf32>
    %reduce_sum3A_429 = arith.constant dense<0.000000e+00> : vector<256xf32>
    %reduce_sum3A_430 = vector.multi_reduction <add>, %slice3A_428, %reduce_sum3A_429 [1] : vector<256x64xf32> to vector<256xf32>
    %broadcast_in_dim3A_431 = vector.shape_cast %reduce_sum3A_430 : vector<256xf32> to vector<256x1xf32>
    %slice3A_432 = vector.extract_strided_slice %mul3A_427 {offsets = [0, 64], sizes = [256, 64], strides = [1, 1]} : vector<256x128xf32> to vector<256x64xf32>
    %reduce_sum3A_433 = arith.constant dense<0.000000e+00> : vector<256xf32>
    %reduce_sum3A_434 = vector.multi_reduction <add>, %slice3A_432, %reduce_sum3A_433 [1] : vector<256x64xf32> to vector<256xf32>
    %broadcast_in_dim3A_435 = vector.shape_cast %reduce_sum3A_434 : vector<256xf32> to vector<256x1xf32>
    %get3A_436 = arith.constant 14 : index
    %get3A_437 = arith.constant 0 : index
    %get3A_438 = arith.constant 0 : index
    %get3A_439 = vector.load %arg3[%get3A_436, %get3A_437, %get3A_438] : memref<20x256x128xf32, #tpu.memory_space<vmem>>, vector<1x256x128xf32>
    %get3A_440 = vector.shape_cast %get3A_439 : vector<1x256x128xf32> to vector<256x128xf32>
    %convert_element_type3A_441 = arith.truncf %get3A_440 : vector<256x128xf32> to vector<256x128xbf16>
    %dot_general3A_442 = arith.constant dense<0.000000e+00> : vector<256x128xf32>
    %dot_general3A_443 = tpu.matmul %convert_element_type3A_441, %convert_element_type3A_62, %dot_general3A_442 {dimension_numbers = #tpu.dot_dimension_numbers<[1], [0], [0], [1], [0, 0, 1, 1], [], []>, transpose_lhs_hint = false} : vector<256x128xbf16>, vector<128x128xbf16>, vector<256x128xf32> -> vector<256x128xf32>
    %get3A_444 = arith.constant 14 : index
    %get3A_445 = arith.constant 0 : index
    %get3A_446 = arith.constant 0 : index
    %get3A_447 = vector.load %arg4[%get3A_444, %get3A_445, %get3A_446] : memref<20x256x16xf32, #tpu.memory_space<vmem>>, vector<1x256x16xf32>
    %get3A_448 = vector.shape_cast %get3A_447 : vector<1x256x16xf32> to vector<256x16xf32>
    %dot_general3A_449 = arith.constant dense<0.000000e+00> : vector<256x128xf32>
    %dot_general3A_450 = tpu.matmul %get3A_448, %get3A_65, %dot_general3A_449 {dimension_numbers = #tpu.dot_dimension_numbers<[1], [0], [0], [1], [0, 0, 1, 1], [], []>, transpose_lhs_hint = false} : vector<256x16xf32>, vector<16x128xf32>, vector<256x128xf32> -> vector<256x128xf32>
    %add3A_451 = arith.addf %dot_general3A_443, %dot_general3A_450 : vector<256x128xf32>
    %add3A_452 = arith.addf %add3A_451, %add3A_72 : vector<256x128xf32>
    %mul3A_453 = arith.mulf %add3A_29, %add3A_452 : vector<256x128xf32>
    %slice3A_454 = vector.extract_strided_slice %mul3A_453 {offsets = [0, 0], sizes = [256, 64], strides = [1, 1]} : vector<256x128xf32> to vector<256x64xf32>
    %reduce_sum3A_455 = arith.constant dense<0.000000e+00> : vector<256xf32>
    %reduce_sum3A_456 = vector.multi_reduction <add>, %slice3A_454, %reduce_sum3A_455 [1] : vector<256x64xf32> to vector<256xf32>
    %broadcast_in_dim3A_457 = vector.shape_cast %reduce_sum3A_456 : vector<256xf32> to vector<256x1xf32>
    %slice3A_458 = vector.extract_strided_slice %mul3A_453 {offsets = [0, 64], sizes = [256, 64], strides = [1, 1]} : vector<256x128xf32> to vector<256x64xf32>
    %reduce_sum3A_459 = arith.constant dense<0.000000e+00> : vector<256xf32>
    %reduce_sum3A_460 = vector.multi_reduction <add>, %slice3A_458, %reduce_sum3A_459 [1] : vector<256x64xf32> to vector<256xf32>
    %broadcast_in_dim3A_461 = vector.shape_cast %reduce_sum3A_460 : vector<256xf32> to vector<256x1xf32>
    %get3A_462 = arith.constant 15 : index
    %get3A_463 = arith.constant 0 : index
    %get3A_464 = arith.constant 0 : index
    %get3A_465 = vector.load %arg3[%get3A_462, %get3A_463, %get3A_464] : memref<20x256x128xf32, #tpu.memory_space<vmem>>, vector<1x256x128xf32>
    %get3A_466 = vector.shape_cast %get3A_465 : vector<1x256x128xf32> to vector<256x128xf32>
    %convert_element_type3A_467 = arith.truncf %get3A_466 : vector<256x128xf32> to vector<256x128xbf16>
    %dot_general3A_468 = arith.constant dense<0.000000e+00> : vector<256x128xf32>
    %dot_general3A_469 = tpu.matmul %convert_element_type3A_467, %convert_element_type3A_62, %dot_general3A_468 {dimension_numbers = #tpu.dot_dimension_numbers<[1], [0], [0], [1], [0, 0, 1, 1], [], []>, transpose_lhs_hint = false} : vector<256x128xbf16>, vector<128x128xbf16>, vector<256x128xf32> -> vector<256x128xf32>
    %get3A_470 = arith.constant 15 : index
    %get3A_471 = arith.constant 0 : index
    %get3A_472 = arith.constant 0 : index
    %get3A_473 = vector.load %arg4[%get3A_470, %get3A_471, %get3A_472] : memref<20x256x16xf32, #tpu.memory_space<vmem>>, vector<1x256x16xf32>
    %get3A_474 = vector.shape_cast %get3A_473 : vector<1x256x16xf32> to vector<256x16xf32>
    %dot_general3A_475 = arith.constant dense<0.000000e+00> : vector<256x128xf32>
    %dot_general3A_476 = tpu.matmul %get3A_474, %get3A_65, %dot_general3A_475 {dimension_numbers = #tpu.dot_dimension_numbers<[1], [0], [0], [1], [0, 0, 1, 1], [], []>, transpose_lhs_hint = false} : vector<256x16xf32>, vector<16x128xf32>, vector<256x128xf32> -> vector<256x128xf32>
    %add3A_477 = arith.addf %dot_general3A_469, %dot_general3A_476 : vector<256x128xf32>
    %add3A_478 = arith.addf %add3A_477, %add3A_72 : vector<256x128xf32>
    %mul3A_479 = arith.mulf %add3A_29, %add3A_478 : vector<256x128xf32>
    %slice3A_480 = vector.extract_strided_slice %mul3A_479 {offsets = [0, 0], sizes = [256, 64], strides = [1, 1]} : vector<256x128xf32> to vector<256x64xf32>
    %reduce_sum3A_481 = arith.constant dense<0.000000e+00> : vector<256xf32>
    %reduce_sum3A_482 = vector.multi_reduction <add>, %slice3A_480, %reduce_sum3A_481 [1] : vector<256x64xf32> to vector<256xf32>
    %broadcast_in_dim3A_483 = vector.shape_cast %reduce_sum3A_482 : vector<256xf32> to vector<256x1xf32>
    %slice3A_484 = vector.extract_strided_slice %mul3A_479 {offsets = [0, 64], sizes = [256, 64], strides = [1, 1]} : vector<256x128xf32> to vector<256x64xf32>
    %reduce_sum3A_485 = arith.constant dense<0.000000e+00> : vector<256xf32>
    %reduce_sum3A_486 = vector.multi_reduction <add>, %slice3A_484, %reduce_sum3A_485 [1] : vector<256x64xf32> to vector<256xf32>
    %broadcast_in_dim3A_487 = vector.shape_cast %reduce_sum3A_486 : vector<256xf32> to vector<256x1xf32>
    %get3A_488 = arith.constant 16 : index
    %get3A_489 = arith.constant 0 : index
    %get3A_490 = arith.constant 0 : index
    %get3A_491 = vector.load %arg3[%get3A_488, %get3A_489, %get3A_490] : memref<20x256x128xf32, #tpu.memory_space<vmem>>, vector<1x256x128xf32>
    %get3A_492 = vector.shape_cast %get3A_491 : vector<1x256x128xf32> to vector<256x128xf32>
    %convert_element_type3A_493 = arith.truncf %get3A_492 : vector<256x128xf32> to vector<256x128xbf16>
    %dot_general3A_494 = arith.constant dense<0.000000e+00> : vector<256x128xf32>
    %dot_general3A_495 = tpu.matmul %convert_element_type3A_493, %convert_element_type3A_62, %dot_general3A_494 {dimension_numbers = #tpu.dot_dimension_numbers<[1], [0], [0], [1], [0, 0, 1, 1], [], []>, transpose_lhs_hint = false} : vector<256x128xbf16>, vector<128x128xbf16>, vector<256x128xf32> -> vector<256x128xf32>
    %get3A_496 = arith.constant 16 : index
    %get3A_497 = arith.constant 0 : index
    %get3A_498 = arith.constant 0 : index
    %get3A_499 = vector.load %arg4[%get3A_496, %get3A_497, %get3A_498] : memref<20x256x16xf32, #tpu.memory_space<vmem>>, vector<1x256x16xf32>
    %get3A_500 = vector.shape_cast %get3A_499 : vector<1x256x16xf32> to vector<256x16xf32>
    %dot_general3A_501 = arith.constant dense<0.000000e+00> : vector<256x128xf32>
    %dot_general3A_502 = tpu.matmul %get3A_500, %get3A_65, %dot_general3A_501 {dimension_numbers = #tpu.dot_dimension_numbers<[1], [0], [0], [1], [0, 0, 1, 1], [], []>, transpose_lhs_hint = false} : vector<256x16xf32>, vector<16x128xf32>, vector<256x128xf32> -> vector<256x128xf32>
    %add3A_503 = arith.addf %dot_general3A_495, %dot_general3A_502 : vector<256x128xf32>
    %add3A_504 = arith.addf %add3A_503, %add3A_72 : vector<256x128xf32>
    %mul3A_505 = arith.mulf %add3A_29, %add3A_504 : vector<256x128xf32>
    %slice3A_506 = vector.extract_strided_slice %mul3A_505 {offsets = [0, 0], sizes = [256, 64], strides = [1, 1]} : vector<256x128xf32> to vector<256x64xf32>
    %reduce_sum3A_507 = arith.constant dense<0.000000e+00> : vector<256xf32>
    %reduce_sum3A_508 = vector.multi_reduction <add>, %slice3A_506, %reduce_sum3A_507 [1] : vector<256x64xf32> to vector<256xf32>
    %broadcast_in_dim3A_509 = vector.shape_cast %reduce_sum3A_508 : vector<256xf32> to vector<256x1xf32>
    %slice3A_510 = vector.extract_strided_slice %mul3A_505 {offsets = [0, 64], sizes = [256, 64], strides = [1, 1]} : vector<256x128xf32> to vector<256x64xf32>
    %reduce_sum3A_511 = arith.constant dense<0.000000e+00> : vector<256xf32>
    %reduce_sum3A_512 = vector.multi_reduction <add>, %slice3A_510, %reduce_sum3A_511 [1] : vector<256x64xf32> to vector<256xf32>
    %broadcast_in_dim3A_513 = vector.shape_cast %reduce_sum3A_512 : vector<256xf32> to vector<256x1xf32>
    %get3A_514 = arith.constant 17 : index
    %get3A_515 = arith.constant 0 : index
    %get3A_516 = arith.constant 0 : index
    %get3A_517 = vector.load %arg3[%get3A_514, %get3A_515, %get3A_516] : memref<20x256x128xf32, #tpu.memory_space<vmem>>, vector<1x256x128xf32>
    %get3A_518 = vector.shape_cast %get3A_517 : vector<1x256x128xf32> to vector<256x128xf32>
    %convert_element_type3A_519 = arith.truncf %get3A_518 : vector<256x128xf32> to vector<256x128xbf16>
    %dot_general3A_520 = arith.constant dense<0.000000e+00> : vector<256x128xf32>
    %dot_general3A_521 = tpu.matmul %convert_element_type3A_519, %convert_element_type3A_62, %dot_general3A_520 {dimension_numbers = #tpu.dot_dimension_numbers<[1], [0], [0], [1], [0, 0, 1, 1], [], []>, transpose_lhs_hint = false} : vector<256x128xbf16>, vector<128x128xbf16>, vector<256x128xf32> -> vector<256x128xf32>
    %get3A_522 = arith.constant 17 : index
    %get3A_523 = arith.constant 0 : index
    %get3A_524 = arith.constant 0 : index
    %get3A_525 = vector.load %arg4[%get3A_522, %get3A_523, %get3A_524] : memref<20x256x16xf32, #tpu.memory_space<vmem>>, vector<1x256x16xf32>
    %get3A_526 = vector.shape_cast %get3A_525 : vector<1x256x16xf32> to vector<256x16xf32>
    %dot_general3A_527 = arith.constant dense<0.000000e+00> : vector<256x128xf32>
    %dot_general3A_528 = tpu.matmul %get3A_526, %get3A_65, %dot_general3A_527 {dimension_numbers = #tpu.dot_dimension_numbers<[1], [0], [0], [1], [0, 0, 1, 1], [], []>, transpose_lhs_hint = false} : vector<256x16xf32>, vector<16x128xf32>, vector<256x128xf32> -> vector<256x128xf32>
    %add3A_529 = arith.addf %dot_general3A_521, %dot_general3A_528 : vector<256x128xf32>
    %add3A_530 = arith.addf %add3A_529, %add3A_72 : vector<256x128xf32>
    %mul3A_531 = arith.mulf %add3A_29, %add3A_530 : vector<256x128xf32>
    %slice3A_532 = vector.extract_strided_slice %mul3A_531 {offsets = [0, 0], sizes = [256, 64], strides = [1, 1]} : vector<256x128xf32> to vector<256x64xf32>
    %reduce_sum3A_533 = arith.constant dense<0.000000e+00> : vector<256xf32>
    %reduce_sum3A_534 = vector.multi_reduction <add>, %slice3A_532, %reduce_sum3A_533 [1] : vector<256x64xf32> to vector<256xf32>
    %broadcast_in_dim3A_535 = vector.shape_cast %reduce_sum3A_534 : vector<256xf32> to vector<256x1xf32>
    %slice3A_536 = vector.extract_strided_slice %mul3A_531 {offsets = [0, 64], sizes = [256, 64], strides = [1, 1]} : vector<256x128xf32> to vector<256x64xf32>
    %reduce_sum3A_537 = arith.constant dense<0.000000e+00> : vector<256xf32>
    %reduce_sum3A_538 = vector.multi_reduction <add>, %slice3A_536, %reduce_sum3A_537 [1] : vector<256x64xf32> to vector<256xf32>
    %broadcast_in_dim3A_539 = vector.shape_cast %reduce_sum3A_538 : vector<256xf32> to vector<256x1xf32>
    %get3A_540 = arith.constant 18 : index
    %get3A_541 = arith.constant 0 : index
    %get3A_542 = arith.constant 0 : index
    %get3A_543 = vector.load %arg3[%get3A_540, %get3A_541, %get3A_542] : memref<20x256x128xf32, #tpu.memory_space<vmem>>, vector<1x256x128xf32>
    %get3A_544 = vector.shape_cast %get3A_543 : vector<1x256x128xf32> to vector<256x128xf32>
    %convert_element_type3A_545 = arith.truncf %get3A_544 : vector<256x128xf32> to vector<256x128xbf16>
    %dot_general3A_546 = arith.constant dense<0.000000e+00> : vector<256x128xf32>
    %dot_general3A_547 = tpu.matmul %convert_element_type3A_545, %convert_element_type3A_62, %dot_general3A_546 {dimension_numbers = #tpu.dot_dimension_numbers<[1], [0], [0], [1], [0, 0, 1, 1], [], []>, transpose_lhs_hint = false} : vector<256x128xbf16>, vector<128x128xbf16>, vector<256x128xf32> -> vector<256x128xf32>
    %get3A_548 = arith.constant 18 : index
    %get3A_549 = arith.constant 0 : index
    %get3A_550 = arith.constant 0 : index
    %get3A_551 = vector.load %arg4[%get3A_548, %get3A_549, %get3A_550] : memref<20x256x16xf32, #tpu.memory_space<vmem>>, vector<1x256x16xf32>
    %get3A_552 = vector.shape_cast %get3A_551 : vector<1x256x16xf32> to vector<256x16xf32>
    %dot_general3A_553 = arith.constant dense<0.000000e+00> : vector<256x128xf32>
    %dot_general3A_554 = tpu.matmul %get3A_552, %get3A_65, %dot_general3A_553 {dimension_numbers = #tpu.dot_dimension_numbers<[1], [0], [0], [1], [0, 0, 1, 1], [], []>, transpose_lhs_hint = false} : vector<256x16xf32>, vector<16x128xf32>, vector<256x128xf32> -> vector<256x128xf32>
    %add3A_555 = arith.addf %dot_general3A_547, %dot_general3A_554 : vector<256x128xf32>
    %add3A_556 = arith.addf %add3A_555, %add3A_72 : vector<256x128xf32>
    %mul3A_557 = arith.mulf %add3A_29, %add3A_556 : vector<256x128xf32>
    %slice3A_558 = vector.extract_strided_slice %mul3A_557 {offsets = [0, 0], sizes = [256, 64], strides = [1, 1]} : vector<256x128xf32> to vector<256x64xf32>
    %reduce_sum3A_559 = arith.constant dense<0.000000e+00> : vector<256xf32>
    %reduce_sum3A_560 = vector.multi_reduction <add>, %slice3A_558, %reduce_sum3A_559 [1] : vector<256x64xf32> to vector<256xf32>
    %broadcast_in_dim3A_561 = vector.shape_cast %reduce_sum3A_560 : vector<256xf32> to vector<256x1xf32>
    %slice3A_562 = vector.extract_strided_slice %mul3A_557 {offsets = [0, 64], sizes = [256, 64], strides = [1, 1]} : vector<256x128xf32> to vector<256x64xf32>
    %reduce_sum3A_563 = arith.constant dense<0.000000e+00> : vector<256xf32>
    %reduce_sum3A_564 = vector.multi_reduction <add>, %slice3A_562, %reduce_sum3A_563 [1] : vector<256x64xf32> to vector<256xf32>
    %broadcast_in_dim3A_565 = vector.shape_cast %reduce_sum3A_564 : vector<256xf32> to vector<256x1xf32>
    %get3A_566 = arith.constant 19 : index
    %get3A_567 = arith.constant 0 : index
    %get3A_568 = arith.constant 0 : index
    %get3A_569 = vector.load %arg3[%get3A_566, %get3A_567, %get3A_568] : memref<20x256x128xf32, #tpu.memory_space<vmem>>, vector<1x256x128xf32>
    %get3A_570 = vector.shape_cast %get3A_569 : vector<1x256x128xf32> to vector<256x128xf32>
    %convert_element_type3A_571 = arith.truncf %get3A_570 : vector<256x128xf32> to vector<256x128xbf16>
    %dot_general3A_572 = arith.constant dense<0.000000e+00> : vector<256x128xf32>
    %dot_general3A_573 = tpu.matmul %convert_element_type3A_571, %convert_element_type3A_62, %dot_general3A_572 {dimension_numbers = #tpu.dot_dimension_numbers<[1], [0], [0], [1], [0, 0, 1, 1], [], []>, transpose_lhs_hint = false} : vector<256x128xbf16>, vector<128x128xbf16>, vector<256x128xf32> -> vector<256x128xf32>
    %get3A_574 = arith.constant 19 : index
    %get3A_575 = arith.constant 0 : index
    %get3A_576 = arith.constant 0 : index
    %get3A_577 = vector.load %arg4[%get3A_574, %get3A_575, %get3A_576] : memref<20x256x16xf32, #tpu.memory_space<vmem>>, vector<1x256x16xf32>
    %get3A_578 = vector.shape_cast %get3A_577 : vector<1x256x16xf32> to vector<256x16xf32>
    %dot_general3A_579 = arith.constant dense<0.000000e+00> : vector<256x128xf32>
    %dot_general3A_580 = tpu.matmul %get3A_578, %get3A_65, %dot_general3A_579 {dimension_numbers = #tpu.dot_dimension_numbers<[1], [0], [0], [1], [0, 0, 1, 1], [], []>, transpose_lhs_hint = false} : vector<256x16xf32>, vector<16x128xf32>, vector<256x128xf32> -> vector<256x128xf32>
    %add3A_581 = arith.addf %dot_general3A_573, %dot_general3A_580 : vector<256x128xf32>
    %add3A_582 = arith.addf %add3A_581, %add3A_72 : vector<256x128xf32>
    %mul3A_583 = arith.mulf %add3A_29, %add3A_582 : vector<256x128xf32>
    %slice3A_584 = vector.extract_strided_slice %mul3A_583 {offsets = [0, 0], sizes = [256, 64], strides = [1, 1]} : vector<256x128xf32> to vector<256x64xf32>
    %reduce_sum3A_585 = arith.constant dense<0.000000e+00> : vector<256xf32>
    %reduce_sum3A_586 = vector.multi_reduction <add>, %slice3A_584, %reduce_sum3A_585 [1] : vector<256x64xf32> to vector<256xf32>
    %broadcast_in_dim3A_587 = vector.shape_cast %reduce_sum3A_586 : vector<256xf32> to vector<256x1xf32>
    %slice3A_588 = vector.extract_strided_slice %mul3A_583 {offsets = [0, 64], sizes = [256, 64], strides = [1, 1]} : vector<256x128xf32> to vector<256x64xf32>
    %reduce_sum3A_589 = arith.constant dense<0.000000e+00> : vector<256xf32>
    %reduce_sum3A_590 = vector.multi_reduction <add>, %slice3A_588, %reduce_sum3A_589 [1] : vector<256x64xf32> to vector<256xf32>
    %broadcast_in_dim3A_591 = vector.shape_cast %reduce_sum3A_590 : vector<256xf32> to vector<256x1xf32>
    %concatenate3A = tpu.concatenate %broadcast_in_dim3A_93, %broadcast_in_dim3A_119, %broadcast_in_dim3A_145, %broadcast_in_dim3A_171, %broadcast_in_dim3A_197, %broadcast_in_dim3A_223, %broadcast_in_dim3A_249, %broadcast_in_dim3A_275, %broadcast_in_dim3A_301, %broadcast_in_dim3A_327, %broadcast_in_dim3A_353, %broadcast_in_dim3A_379, %broadcast_in_dim3A_405, %broadcast_in_dim3A_431, %broadcast_in_dim3A_457, %broadcast_in_dim3A_483, %broadcast_in_dim3A_509, %broadcast_in_dim3A_535, %broadcast_in_dim3A_561, %broadcast_in_dim3A_587 in 1 : vector<256x1xf32>, vector<256x1xf32>, vector<256x1xf32>, vector<256x1xf32>, vector<256x1xf32>, vector<256x1xf32>, vector<256x1xf32>, vector<256x1xf32>, vector<256x1xf32>, vector<256x1xf32>, vector<256x1xf32>, vector<256x1xf32>, vector<256x1xf32>, vector<256x1xf32>, vector<256x1xf32>, vector<256x1xf32>, vector<256x1xf32>, vector<256x1xf32>, vector<256x1xf32>, vector<256x1xf32> -> vector<256x20xf32>
    %mul3A_592 = arith.constant 1.250000e-01 : f32
    %mul3A_593 = vector.broadcast %mul3A_592 : f32 to vector<256x20xf32>
    %mul3A_594 = arith.mulf %concatenate3A, %mul3A_593 : vector<256x20xf32>
    %concatenate3A_595 = tpu.concatenate %broadcast_in_dim3A_97, %broadcast_in_dim3A_123, %broadcast_in_dim3A_149, %broadcast_in_dim3A_175, %broadcast_in_dim3A_201, %broadcast_in_dim3A_227, %broadcast_in_dim3A_253, %broadcast_in_dim3A_279, %broadcast_in_dim3A_305, %broadcast_in_dim3A_331, %broadcast_in_dim3A_357, %broadcast_in_dim3A_383, %broadcast_in_dim3A_409, %broadcast_in_dim3A_435, %broadcast_in_dim3A_461, %broadcast_in_dim3A_487, %broadcast_in_dim3A_513, %broadcast_in_dim3A_539, %broadcast_in_dim3A_565, %broadcast_in_dim3A_591 in 1 : vector<256x1xf32>, vector<256x1xf32>, vector<256x1xf32>, vector<256x1xf32>, vector<256x1xf32>, vector<256x1xf32>, vector<256x1xf32>, vector<256x1xf32>, vector<256x1xf32>, vector<256x1xf32>, vector<256x1xf32>, vector<256x1xf32>, vector<256x1xf32>, vector<256x1xf32>, vector<256x1xf32>, vector<256x1xf32>, vector<256x1xf32>, vector<256x1xf32>, vector<256x1xf32>, vector<256x1xf32> -> vector<256x20xf32>
    %mul3A_596 = arith.constant 1.250000e-01 : f32
    %mul3A_597 = vector.broadcast %mul3A_596 : f32 to vector<256x20xf32>
    %mul3A_598 = arith.mulf %concatenate3A_595, %mul3A_597 : vector<256x20xf32>
    %sub3A_599 = arith.constant 1.000000e+00 : f32
    %sub3A_600 = vector.broadcast %sub3A_599 : f32 to vector<256x20xf32>
    %sub3A_601 = arith.subf %sub3A_600, %mul3A_58 : vector<256x20xf32>
    %mul3A_602 = arith.mulf %mul3A_594, %sub3A_601 : vector<256x20xf32>
    %mul3A_603 = arith.constant -1.000000e+09 : f32
    %mul3A_604 = vector.broadcast %mul3A_603 : f32 to vector<256x20xf32>
    %mul3A_605 = arith.mulf %mul3A_604, %mul3A_58 : vector<256x20xf32>
    %add3A_606 = arith.addf %mul3A_602, %mul3A_605 : vector<256x20xf32>
    %sub3A_607 = arith.constant 1.000000e+00 : f32
    %sub3A_608 = vector.broadcast %sub3A_607 : f32 to vector<256x20xf32>
    %sub3A_609 = arith.subf %sub3A_608, %mul3A_58 : vector<256x20xf32>
    %mul3A_610 = arith.mulf %mul3A_598, %sub3A_609 : vector<256x20xf32>
    %mul3A_611 = arith.constant -1.000000e+09 : f32
    %mul3A_612 = vector.broadcast %mul3A_611 : f32 to vector<256x20xf32>
    %mul3A_613 = arith.mulf %mul3A_612, %mul3A_58 : vector<256x20xf32>
    %add3A_614 = arith.addf %mul3A_610, %mul3A_613 : vector<256x20xf32>
    %reduce_max3A = arith.constant dense<0xFF800000> : vector<256xf32>
    %reduce_max3A_615 = vector.multi_reduction <maximumf>, %add3A_606, %reduce_max3A [1] : vector<256x20xf32> to vector<256xf32>
    %broadcast_in_dim3A_616 = vector.shape_cast %reduce_max3A_615 : vector<256xf32> to vector<256x1xf32>
    %sub3A_617 = vector.broadcast %broadcast_in_dim3A_616 : vector<256x1xf32> to vector<256x20xf32>
    %sub3A_618 = arith.subf %add3A_606, %sub3A_617 : vector<256x20xf32>
    %exp3A = math.exp %sub3A_618 : vector<256x20xf32>
    %reduce_sum3A_619 = arith.constant dense<0.000000e+00> : vector<256xf32>
    %reduce_sum3A_620 = vector.multi_reduction <add>, %exp3A, %reduce_sum3A_619 [1] : vector<256x20xf32> to vector<256xf32>
    %broadcast_in_dim3A_621 = vector.shape_cast %reduce_sum3A_620 : vector<256xf32> to vector<256x1xf32>
    %div3A = vector.broadcast %broadcast_in_dim3A_621 : vector<256x1xf32> to vector<256x20xf32>
    %div3A_622 = arith.divf %exp3A, %div3A : vector<256x20xf32>
    %reduce_max3A_623 = arith.constant dense<0xFF800000> : vector<256xf32>
    %reduce_max3A_624 = vector.multi_reduction <maximumf>, %add3A_614, %reduce_max3A_623 [1] : vector<256x20xf32> to vector<256xf32>
    %broadcast_in_dim3A_625 = vector.shape_cast %reduce_max3A_624 : vector<256xf32> to vector<256x1xf32>
    %sub3A_626 = vector.broadcast %broadcast_in_dim3A_625 : vector<256x1xf32> to vector<256x20xf32>
    %sub3A_627 = arith.subf %add3A_614, %sub3A_626 : vector<256x20xf32>
    %exp3A_628 = math.exp %sub3A_627 : vector<256x20xf32>
    %reduce_sum3A_629 = arith.constant dense<0.000000e+00> : vector<256xf32>
    %reduce_sum3A_630 = vector.multi_reduction <add>, %exp3A_628, %reduce_sum3A_629 [1] : vector<256x20xf32> to vector<256xf32>
    %broadcast_in_dim3A_631 = vector.shape_cast %reduce_sum3A_630 : vector<256xf32> to vector<256x1xf32>
    %div3A_632 = vector.broadcast %broadcast_in_dim3A_631 : vector<256x1xf32> to vector<256x20xf32>
    %div3A_633 = arith.divf %exp3A_628, %div3A_632 : vector<256x20xf32>
    %get3A_634 = arith.constant 0 : index
    %get3A_635 = arith.constant 0 : index
    %get3A_636 = vector.load %arg9[%get3A_634, %get3A_635] : memref<128x128xf32, #tpu.memory_space<vmem>>, vector<128x128xf32>
    %convert_element_type3A_637 = arith.truncf %get3A_636 : vector<128x128xf32> to vector<128x128xbf16>
    %get3A_638 = arith.constant 0 : index
    %get3A_639 = arith.constant 0 : index
    %get3A_640 = vector.load %arg10[%get3A_638, %get3A_639] : memref<16x128xf32, #tpu.memory_space<vmem>>, vector<16x128xf32>
    %dot_general3A_641 = arith.constant dense<0.000000e+00> : vector<256x128xf32>
    %dot_general3A_642 = tpu.matmul %cos3A, %get3A_636, %dot_general3A_641 {dimension_numbers = #tpu.dot_dimension_numbers<[1], [0], [0], [1], [0, 0, 1, 1], [], []>, transpose_lhs_hint = false} : vector<256x128xf32>, vector<128x128xf32>, vector<256x128xf32> -> vector<256x128xf32>
    %get3A_643 = arith.constant 0 : index
    %get3A_644 = arith.constant 0 : index
    %get3A_645 = vector.load %arg13[%get3A_643, %get3A_644] : memref<1x128xf32, #tpu.memory_space<vmem>>, vector<1x128xf32>
    %add3A_646 = vector.broadcast %get3A_645 : vector<1x128xf32> to vector<256x128xf32>
    %add3A_647 = arith.addf %dot_general3A_642, %add3A_646 : vector<256x128xf32>
    %iota3A_648 = tpu.iota {dimensions = array<i32: 1>} : vector<1x128xi32>
    %lt3A = arith.constant 64 : i32
    %lt3A_649 = vector.broadcast %lt3A : i32 to vector<1x128xi32>
    %lt3A_650 = arith.cmpi slt, %iota3A_648, %lt3A_649 : vector<1x128xi32>
    %convert_element_type3A_651 = arith.extui %lt3A_650 : vector<1x128xi1> to vector<1x128xi32>
    %convert_element_type3A_652 = arith.sitofp %convert_element_type3A_651 : vector<1x128xi32> to vector<1x128xf32>
    %sub3A_653 = arith.constant 1.000000e+00 : f32
    %sub3A_654 = vector.broadcast %sub3A_653 : f32 to vector<1x128xf32>
    %sub3A_655 = arith.subf %sub3A_654, %convert_element_type3A_652 : vector<1x128xf32>
    %broadcast_in_dim3A_656 = arith.constant 0.000000e+00 : f32
    %broadcast_in_dim3A_657 = vector.broadcast %broadcast_in_dim3A_656 : f32 to vector<256x128xf32>
    %get3A_658 = arith.constant 0 : index
    %get3A_659 = arith.constant 0 : index
    %get3A_660 = arith.constant 0 : index
    %get3A_661 = vector.load %arg3[%get3A_658, %get3A_659, %get3A_660] : memref<20x256x128xf32, #tpu.memory_space<vmem>>, vector<1x256x128xf32>
    %get3A_662 = vector.shape_cast %get3A_661 : vector<1x256x128xf32> to vector<256x128xf32>
    %convert_element_type3A_663 = arith.truncf %get3A_662 : vector<256x128xf32> to vector<256x128xbf16>
    %dot_general3A_664 = arith.constant dense<0.000000e+00> : vector<256x128xf32>
    %dot_general3A_665 = tpu.matmul %convert_element_type3A_663, %convert_element_type3A_637, %dot_general3A_664 {dimension_numbers = #tpu.dot_dimension_numbers<[1], [0], [0], [1], [0, 0, 1, 1], [], []>, transpose_lhs_hint = false} : vector<256x128xbf16>, vector<128x128xbf16>, vector<256x128xf32> -> vector<256x128xf32>
    %get3A_666 = arith.constant 0 : index
    %get3A_667 = arith.constant 0 : index
    %get3A_668 = arith.constant 0 : index
    %get3A_669 = vector.load %arg4[%get3A_666, %get3A_667, %get3A_668] : memref<20x256x16xf32, #tpu.memory_space<vmem>>, vector<1x256x16xf32>
    %get3A_670 = vector.shape_cast %get3A_669 : vector<1x256x16xf32> to vector<256x16xf32>
    %dot_general3A_671 = arith.constant dense<0.000000e+00> : vector<256x128xf32>
    %dot_general3A_672 = tpu.matmul %get3A_670, %get3A_640, %dot_general3A_671 {dimension_numbers = #tpu.dot_dimension_numbers<[1], [0], [0], [1], [0, 0, 1, 1], [], []>, transpose_lhs_hint = false} : vector<256x16xf32>, vector<16x128xf32>, vector<256x128xf32> -> vector<256x128xf32>
    %add3A_673 = arith.addf %dot_general3A_665, %dot_general3A_672 : vector<256x128xf32>
    %add3A_674 = arith.addf %add3A_673, %add3A_647 : vector<256x128xf32>
    %slice3A_675 = vector.extract_strided_slice %div3A_622 {offsets = [0, 0], sizes = [256, 1], strides = [1, 1]} : vector<256x20xf32> to vector<256x1xf32>
    %mul3A_676 = vector.broadcast %slice3A_675 : vector<256x1xf32> to vector<256x128xf32>
    %mul3A_677 = vector.broadcast %convert_element_type3A_652 : vector<1x128xf32> to vector<256x128xf32>
    %mul3A_678 = arith.mulf %mul3A_676, %mul3A_677 : vector<256x128xf32>
    %slice3A_679 = vector.extract_strided_slice %div3A_633 {offsets = [0, 0], sizes = [256, 1], strides = [1, 1]} : vector<256x20xf32> to vector<256x1xf32>
    %mul3A_680 = vector.broadcast %slice3A_679 : vector<256x1xf32> to vector<256x128xf32>
    %mul3A_681 = vector.broadcast %sub3A_655 : vector<1x128xf32> to vector<256x128xf32>
    %mul3A_682 = arith.mulf %mul3A_680, %mul3A_681 : vector<256x128xf32>
    %add3A_683 = arith.addf %mul3A_678, %mul3A_682 : vector<256x128xf32>
    %mul3A_684 = arith.mulf %add3A_683, %add3A_674 : vector<256x128xf32>
    %add3A_685 = arith.addf %broadcast_in_dim3A_657, %mul3A_684 : vector<256x128xf32>
    %get3A_686 = arith.constant 1 : index
    %get3A_687 = arith.constant 0 : index
    %get3A_688 = arith.constant 0 : index
    %get3A_689 = vector.load %arg3[%get3A_686, %get3A_687, %get3A_688] : memref<20x256x128xf32, #tpu.memory_space<vmem>>, vector<1x256x128xf32>
    %get3A_690 = vector.shape_cast %get3A_689 : vector<1x256x128xf32> to vector<256x128xf32>
    %convert_element_type3A_691 = arith.truncf %get3A_690 : vector<256x128xf32> to vector<256x128xbf16>
    %dot_general3A_692 = arith.constant dense<0.000000e+00> : vector<256x128xf32>
    %dot_general3A_693 = tpu.matmul %convert_element_type3A_691, %convert_element_type3A_637, %dot_general3A_692 {dimension_numbers = #tpu.dot_dimension_numbers<[1], [0], [0], [1], [0, 0, 1, 1], [], []>, transpose_lhs_hint = false} : vector<256x128xbf16>, vector<128x128xbf16>, vector<256x128xf32> -> vector<256x128xf32>
    %get3A_694 = arith.constant 1 : index
    %get3A_695 = arith.constant 0 : index
    %get3A_696 = arith.constant 0 : index
    %get3A_697 = vector.load %arg4[%get3A_694, %get3A_695, %get3A_696] : memref<20x256x16xf32, #tpu.memory_space<vmem>>, vector<1x256x16xf32>
    %get3A_698 = vector.shape_cast %get3A_697 : vector<1x256x16xf32> to vector<256x16xf32>
    %dot_general3A_699 = arith.constant dense<0.000000e+00> : vector<256x128xf32>
    %dot_general3A_700 = tpu.matmul %get3A_698, %get3A_640, %dot_general3A_699 {dimension_numbers = #tpu.dot_dimension_numbers<[1], [0], [0], [1], [0, 0, 1, 1], [], []>, transpose_lhs_hint = false} : vector<256x16xf32>, vector<16x128xf32>, vector<256x128xf32> -> vector<256x128xf32>
    %add3A_701 = arith.addf %dot_general3A_693, %dot_general3A_700 : vector<256x128xf32>
    %add3A_702 = arith.addf %add3A_701, %add3A_647 : vector<256x128xf32>
    %slice3A_703 = vector.extract_strided_slice %div3A_622 {offsets = [0, 1], sizes = [256, 1], strides = [1, 1]} : vector<256x20xf32> to vector<256x1xf32>
    %mul3A_704 = vector.broadcast %slice3A_703 : vector<256x1xf32> to vector<256x128xf32>
    %mul3A_705 = vector.broadcast %convert_element_type3A_652 : vector<1x128xf32> to vector<256x128xf32>
    %mul3A_706 = arith.mulf %mul3A_704, %mul3A_705 : vector<256x128xf32>
    %slice3A_707 = vector.extract_strided_slice %div3A_633 {offsets = [0, 1], sizes = [256, 1], strides = [1, 1]} : vector<256x20xf32> to vector<256x1xf32>
    %mul3A_708 = vector.broadcast %slice3A_707 : vector<256x1xf32> to vector<256x128xf32>
    %mul3A_709 = vector.broadcast %sub3A_655 : vector<1x128xf32> to vector<256x128xf32>
    %mul3A_710 = arith.mulf %mul3A_708, %mul3A_709 : vector<256x128xf32>
    %add3A_711 = arith.addf %mul3A_706, %mul3A_710 : vector<256x128xf32>
    %mul3A_712 = arith.mulf %add3A_711, %add3A_702 : vector<256x128xf32>
    %add3A_713 = arith.addf %add3A_685, %mul3A_712 : vector<256x128xf32>
    %get3A_714 = arith.constant 2 : index
    %get3A_715 = arith.constant 0 : index
    %get3A_716 = arith.constant 0 : index
    %get3A_717 = vector.load %arg3[%get3A_714, %get3A_715, %get3A_716] : memref<20x256x128xf32, #tpu.memory_space<vmem>>, vector<1x256x128xf32>
    %get3A_718 = vector.shape_cast %get3A_717 : vector<1x256x128xf32> to vector<256x128xf32>
    %convert_element_type3A_719 = arith.truncf %get3A_718 : vector<256x128xf32> to vector<256x128xbf16>
    %dot_general3A_720 = arith.constant dense<0.000000e+00> : vector<256x128xf32>
    %dot_general3A_721 = tpu.matmul %convert_element_type3A_719, %convert_element_type3A_637, %dot_general3A_720 {dimension_numbers = #tpu.dot_dimension_numbers<[1], [0], [0], [1], [0, 0, 1, 1], [], []>, transpose_lhs_hint = false} : vector<256x128xbf16>, vector<128x128xbf16>, vector<256x128xf32> -> vector<256x128xf32>
    %get3A_722 = arith.constant 2 : index
    %get3A_723 = arith.constant 0 : index
    %get3A_724 = arith.constant 0 : index
    %get3A_725 = vector.load %arg4[%get3A_722, %get3A_723, %get3A_724] : memref<20x256x16xf32, #tpu.memory_space<vmem>>, vector<1x256x16xf32>
    %get3A_726 = vector.shape_cast %get3A_725 : vector<1x256x16xf32> to vector<256x16xf32>
    %dot_general3A_727 = arith.constant dense<0.000000e+00> : vector<256x128xf32>
    %dot_general3A_728 = tpu.matmul %get3A_726, %get3A_640, %dot_general3A_727 {dimension_numbers = #tpu.dot_dimension_numbers<[1], [0], [0], [1], [0, 0, 1, 1], [], []>, transpose_lhs_hint = false} : vector<256x16xf32>, vector<16x128xf32>, vector<256x128xf32> -> vector<256x128xf32>
    %add3A_729 = arith.addf %dot_general3A_721, %dot_general3A_728 : vector<256x128xf32>
    %add3A_730 = arith.addf %add3A_729, %add3A_647 : vector<256x128xf32>
    %slice3A_731 = vector.extract_strided_slice %div3A_622 {offsets = [0, 2], sizes = [256, 1], strides = [1, 1]} : vector<256x20xf32> to vector<256x1xf32>
    %mul3A_732 = vector.broadcast %slice3A_731 : vector<256x1xf32> to vector<256x128xf32>
    %mul3A_733 = vector.broadcast %convert_element_type3A_652 : vector<1x128xf32> to vector<256x128xf32>
    %mul3A_734 = arith.mulf %mul3A_732, %mul3A_733 : vector<256x128xf32>
    %slice3A_735 = vector.extract_strided_slice %div3A_633 {offsets = [0, 2], sizes = [256, 1], strides = [1, 1]} : vector<256x20xf32> to vector<256x1xf32>
    %mul3A_736 = vector.broadcast %slice3A_735 : vector<256x1xf32> to vector<256x128xf32>
    %mul3A_737 = vector.broadcast %sub3A_655 : vector<1x128xf32> to vector<256x128xf32>
    %mul3A_738 = arith.mulf %mul3A_736, %mul3A_737 : vector<256x128xf32>
    %add3A_739 = arith.addf %mul3A_734, %mul3A_738 : vector<256x128xf32>
    %mul3A_740 = arith.mulf %add3A_739, %add3A_730 : vector<256x128xf32>
    %add3A_741 = arith.addf %add3A_713, %mul3A_740 : vector<256x128xf32>
    %get3A_742 = arith.constant 3 : index
    %get3A_743 = arith.constant 0 : index
    %get3A_744 = arith.constant 0 : index
    %get3A_745 = vector.load %arg3[%get3A_742, %get3A_743, %get3A_744] : memref<20x256x128xf32, #tpu.memory_space<vmem>>, vector<1x256x128xf32>
    %get3A_746 = vector.shape_cast %get3A_745 : vector<1x256x128xf32> to vector<256x128xf32>
    %convert_element_type3A_747 = arith.truncf %get3A_746 : vector<256x128xf32> to vector<256x128xbf16>
    %dot_general3A_748 = arith.constant dense<0.000000e+00> : vector<256x128xf32>
    %dot_general3A_749 = tpu.matmul %convert_element_type3A_747, %convert_element_type3A_637, %dot_general3A_748 {dimension_numbers = #tpu.dot_dimension_numbers<[1], [0], [0], [1], [0, 0, 1, 1], [], []>, transpose_lhs_hint = false} : vector<256x128xbf16>, vector<128x128xbf16>, vector<256x128xf32> -> vector<256x128xf32>
    %get3A_750 = arith.constant 3 : index
    %get3A_751 = arith.constant 0 : index
    %get3A_752 = arith.constant 0 : index
    %get3A_753 = vector.load %arg4[%get3A_750, %get3A_751, %get3A_752] : memref<20x256x16xf32, #tpu.memory_space<vmem>>, vector<1x256x16xf32>
    %get3A_754 = vector.shape_cast %get3A_753 : vector<1x256x16xf32> to vector<256x16xf32>
    %dot_general3A_755 = arith.constant dense<0.000000e+00> : vector<256x128xf32>
    %dot_general3A_756 = tpu.matmul %get3A_754, %get3A_640, %dot_general3A_755 {dimension_numbers = #tpu.dot_dimension_numbers<[1], [0], [0], [1], [0, 0, 1, 1], [], []>, transpose_lhs_hint = false} : vector<256x16xf32>, vector<16x128xf32>, vector<256x128xf32> -> vector<256x128xf32>
    %add3A_757 = arith.addf %dot_general3A_749, %dot_general3A_756 : vector<256x128xf32>
    %add3A_758 = arith.addf %add3A_757, %add3A_647 : vector<256x128xf32>
    %slice3A_759 = vector.extract_strided_slice %div3A_622 {offsets = [0, 3], sizes = [256, 1], strides = [1, 1]} : vector<256x20xf32> to vector<256x1xf32>
    %mul3A_760 = vector.broadcast %slice3A_759 : vector<256x1xf32> to vector<256x128xf32>
    %mul3A_761 = vector.broadcast %convert_element_type3A_652 : vector<1x128xf32> to vector<256x128xf32>
    %mul3A_762 = arith.mulf %mul3A_760, %mul3A_761 : vector<256x128xf32>
    %slice3A_763 = vector.extract_strided_slice %div3A_633 {offsets = [0, 3], sizes = [256, 1], strides = [1, 1]} : vector<256x20xf32> to vector<256x1xf32>
    %mul3A_764 = vector.broadcast %slice3A_763 : vector<256x1xf32> to vector<256x128xf32>
    %mul3A_765 = vector.broadcast %sub3A_655 : vector<1x128xf32> to vector<256x128xf32>
    %mul3A_766 = arith.mulf %mul3A_764, %mul3A_765 : vector<256x128xf32>
    %add3A_767 = arith.addf %mul3A_762, %mul3A_766 : vector<256x128xf32>
    %mul3A_768 = arith.mulf %add3A_767, %add3A_758 : vector<256x128xf32>
    %add3A_769 = arith.addf %add3A_741, %mul3A_768 : vector<256x128xf32>
    %get3A_770 = arith.constant 4 : index
    %get3A_771 = arith.constant 0 : index
    %get3A_772 = arith.constant 0 : index
    %get3A_773 = vector.load %arg3[%get3A_770, %get3A_771, %get3A_772] : memref<20x256x128xf32, #tpu.memory_space<vmem>>, vector<1x256x128xf32>
    %get3A_774 = vector.shape_cast %get3A_773 : vector<1x256x128xf32> to vector<256x128xf32>
    %convert_element_type3A_775 = arith.truncf %get3A_774 : vector<256x128xf32> to vector<256x128xbf16>
    %dot_general3A_776 = arith.constant dense<0.000000e+00> : vector<256x128xf32>
    %dot_general3A_777 = tpu.matmul %convert_element_type3A_775, %convert_element_type3A_637, %dot_general3A_776 {dimension_numbers = #tpu.dot_dimension_numbers<[1], [0], [0], [1], [0, 0, 1, 1], [], []>, transpose_lhs_hint = false} : vector<256x128xbf16>, vector<128x128xbf16>, vector<256x128xf32> -> vector<256x128xf32>
    %get3A_778 = arith.constant 4 : index
    %get3A_779 = arith.constant 0 : index
    %get3A_780 = arith.constant 0 : index
    %get3A_781 = vector.load %arg4[%get3A_778, %get3A_779, %get3A_780] : memref<20x256x16xf32, #tpu.memory_space<vmem>>, vector<1x256x16xf32>
    %get3A_782 = vector.shape_cast %get3A_781 : vector<1x256x16xf32> to vector<256x16xf32>
    %dot_general3A_783 = arith.constant dense<0.000000e+00> : vector<256x128xf32>
    %dot_general3A_784 = tpu.matmul %get3A_782, %get3A_640, %dot_general3A_783 {dimension_numbers = #tpu.dot_dimension_numbers<[1], [0], [0], [1], [0, 0, 1, 1], [], []>, transpose_lhs_hint = false} : vector<256x16xf32>, vector<16x128xf32>, vector<256x128xf32> -> vector<256x128xf32>
    %add3A_785 = arith.addf %dot_general3A_777, %dot_general3A_784 : vector<256x128xf32>
    %add3A_786 = arith.addf %add3A_785, %add3A_647 : vector<256x128xf32>
    %slice3A_787 = vector.extract_strided_slice %div3A_622 {offsets = [0, 4], sizes = [256, 1], strides = [1, 1]} : vector<256x20xf32> to vector<256x1xf32>
    %mul3A_788 = vector.broadcast %slice3A_787 : vector<256x1xf32> to vector<256x128xf32>
    %mul3A_789 = vector.broadcast %convert_element_type3A_652 : vector<1x128xf32> to vector<256x128xf32>
    %mul3A_790 = arith.mulf %mul3A_788, %mul3A_789 : vector<256x128xf32>
    %slice3A_791 = vector.extract_strided_slice %div3A_633 {offsets = [0, 4], sizes = [256, 1], strides = [1, 1]} : vector<256x20xf32> to vector<256x1xf32>
    %mul3A_792 = vector.broadcast %slice3A_791 : vector<256x1xf32> to vector<256x128xf32>
    %mul3A_793 = vector.broadcast %sub3A_655 : vector<1x128xf32> to vector<256x128xf32>
    %mul3A_794 = arith.mulf %mul3A_792, %mul3A_793 : vector<256x128xf32>
    %add3A_795 = arith.addf %mul3A_790, %mul3A_794 : vector<256x128xf32>
    %mul3A_796 = arith.mulf %add3A_795, %add3A_786 : vector<256x128xf32>
    %add3A_797 = arith.addf %add3A_769, %mul3A_796 : vector<256x128xf32>
    %get3A_798 = arith.constant 5 : index
    %get3A_799 = arith.constant 0 : index
    %get3A_800 = arith.constant 0 : index
    %get3A_801 = vector.load %arg3[%get3A_798, %get3A_799, %get3A_800] : memref<20x256x128xf32, #tpu.memory_space<vmem>>, vector<1x256x128xf32>
    %get3A_802 = vector.shape_cast %get3A_801 : vector<1x256x128xf32> to vector<256x128xf32>
    %convert_element_type3A_803 = arith.truncf %get3A_802 : vector<256x128xf32> to vector<256x128xbf16>
    %dot_general3A_804 = arith.constant dense<0.000000e+00> : vector<256x128xf32>
    %dot_general3A_805 = tpu.matmul %convert_element_type3A_803, %convert_element_type3A_637, %dot_general3A_804 {dimension_numbers = #tpu.dot_dimension_numbers<[1], [0], [0], [1], [0, 0, 1, 1], [], []>, transpose_lhs_hint = false} : vector<256x128xbf16>, vector<128x128xbf16>, vector<256x128xf32> -> vector<256x128xf32>
    %get3A_806 = arith.constant 5 : index
    %get3A_807 = arith.constant 0 : index
    %get3A_808 = arith.constant 0 : index
    %get3A_809 = vector.load %arg4[%get3A_806, %get3A_807, %get3A_808] : memref<20x256x16xf32, #tpu.memory_space<vmem>>, vector<1x256x16xf32>
    %get3A_810 = vector.shape_cast %get3A_809 : vector<1x256x16xf32> to vector<256x16xf32>
    %dot_general3A_811 = arith.constant dense<0.000000e+00> : vector<256x128xf32>
    %dot_general3A_812 = tpu.matmul %get3A_810, %get3A_640, %dot_general3A_811 {dimension_numbers = #tpu.dot_dimension_numbers<[1], [0], [0], [1], [0, 0, 1, 1], [], []>, transpose_lhs_hint = false} : vector<256x16xf32>, vector<16x128xf32>, vector<256x128xf32> -> vector<256x128xf32>
    %add3A_813 = arith.addf %dot_general3A_805, %dot_general3A_812 : vector<256x128xf32>
    %add3A_814 = arith.addf %add3A_813, %add3A_647 : vector<256x128xf32>
    %slice3A_815 = vector.extract_strided_slice %div3A_622 {offsets = [0, 5], sizes = [256, 1], strides = [1, 1]} : vector<256x20xf32> to vector<256x1xf32>
    %mul3A_816 = vector.broadcast %slice3A_815 : vector<256x1xf32> to vector<256x128xf32>
    %mul3A_817 = vector.broadcast %convert_element_type3A_652 : vector<1x128xf32> to vector<256x128xf32>
    %mul3A_818 = arith.mulf %mul3A_816, %mul3A_817 : vector<256x128xf32>
    %slice3A_819 = vector.extract_strided_slice %div3A_633 {offsets = [0, 5], sizes = [256, 1], strides = [1, 1]} : vector<256x20xf32> to vector<256x1xf32>
    %mul3A_820 = vector.broadcast %slice3A_819 : vector<256x1xf32> to vector<256x128xf32>
    %mul3A_821 = vector.broadcast %sub3A_655 : vector<1x128xf32> to vector<256x128xf32>
    %mul3A_822 = arith.mulf %mul3A_820, %mul3A_821 : vector<256x128xf32>
    %add3A_823 = arith.addf %mul3A_818, %mul3A_822 : vector<256x128xf32>
    %mul3A_824 = arith.mulf %add3A_823, %add3A_814 : vector<256x128xf32>
    %add3A_825 = arith.addf %add3A_797, %mul3A_824 : vector<256x128xf32>
    %get3A_826 = arith.constant 6 : index
    %get3A_827 = arith.constant 0 : index
    %get3A_828 = arith.constant 0 : index
    %get3A_829 = vector.load %arg3[%get3A_826, %get3A_827, %get3A_828] : memref<20x256x128xf32, #tpu.memory_space<vmem>>, vector<1x256x128xf32>
    %get3A_830 = vector.shape_cast %get3A_829 : vector<1x256x128xf32> to vector<256x128xf32>
    %convert_element_type3A_831 = arith.truncf %get3A_830 : vector<256x128xf32> to vector<256x128xbf16>
    %dot_general3A_832 = arith.constant dense<0.000000e+00> : vector<256x128xf32>
    %dot_general3A_833 = tpu.matmul %convert_element_type3A_831, %convert_element_type3A_637, %dot_general3A_832 {dimension_numbers = #tpu.dot_dimension_numbers<[1], [0], [0], [1], [0, 0, 1, 1], [], []>, transpose_lhs_hint = false} : vector<256x128xbf16>, vector<128x128xbf16>, vector<256x128xf32> -> vector<256x128xf32>
    %get3A_834 = arith.constant 6 : index
    %get3A_835 = arith.constant 0 : index
    %get3A_836 = arith.constant 0 : index
    %get3A_837 = vector.load %arg4[%get3A_834, %get3A_835, %get3A_836] : memref<20x256x16xf32, #tpu.memory_space<vmem>>, vector<1x256x16xf32>
    %get3A_838 = vector.shape_cast %get3A_837 : vector<1x256x16xf32> to vector<256x16xf32>
    %dot_general3A_839 = arith.constant dense<0.000000e+00> : vector<256x128xf32>
    %dot_general3A_840 = tpu.matmul %get3A_838, %get3A_640, %dot_general3A_839 {dimension_numbers = #tpu.dot_dimension_numbers<[1], [0], [0], [1], [0, 0, 1, 1], [], []>, transpose_lhs_hint = false} : vector<256x16xf32>, vector<16x128xf32>, vector<256x128xf32> -> vector<256x128xf32>
    %add3A_841 = arith.addf %dot_general3A_833, %dot_general3A_840 : vector<256x128xf32>
    %add3A_842 = arith.addf %add3A_841, %add3A_647 : vector<256x128xf32>
    %slice3A_843 = vector.extract_strided_slice %div3A_622 {offsets = [0, 6], sizes = [256, 1], strides = [1, 1]} : vector<256x20xf32> to vector<256x1xf32>
    %mul3A_844 = vector.broadcast %slice3A_843 : vector<256x1xf32> to vector<256x128xf32>
    %mul3A_845 = vector.broadcast %convert_element_type3A_652 : vector<1x128xf32> to vector<256x128xf32>
    %mul3A_846 = arith.mulf %mul3A_844, %mul3A_845 : vector<256x128xf32>
    %slice3A_847 = vector.extract_strided_slice %div3A_633 {offsets = [0, 6], sizes = [256, 1], strides = [1, 1]} : vector<256x20xf32> to vector<256x1xf32>
    %mul3A_848 = vector.broadcast %slice3A_847 : vector<256x1xf32> to vector<256x128xf32>
    %mul3A_849 = vector.broadcast %sub3A_655 : vector<1x128xf32> to vector<256x128xf32>
    %mul3A_850 = arith.mulf %mul3A_848, %mul3A_849 : vector<256x128xf32>
    %add3A_851 = arith.addf %mul3A_846, %mul3A_850 : vector<256x128xf32>
    %mul3A_852 = arith.mulf %add3A_851, %add3A_842 : vector<256x128xf32>
    %add3A_853 = arith.addf %add3A_825, %mul3A_852 : vector<256x128xf32>
    %get3A_854 = arith.constant 7 : index
    %get3A_855 = arith.constant 0 : index
    %get3A_856 = arith.constant 0 : index
    %get3A_857 = vector.load %arg3[%get3A_854, %get3A_855, %get3A_856] : memref<20x256x128xf32, #tpu.memory_space<vmem>>, vector<1x256x128xf32>
    %get3A_858 = vector.shape_cast %get3A_857 : vector<1x256x128xf32> to vector<256x128xf32>
    %convert_element_type3A_859 = arith.truncf %get3A_858 : vector<256x128xf32> to vector<256x128xbf16>
    %dot_general3A_860 = arith.constant dense<0.000000e+00> : vector<256x128xf32>
    %dot_general3A_861 = tpu.matmul %convert_element_type3A_859, %convert_element_type3A_637, %dot_general3A_860 {dimension_numbers = #tpu.dot_dimension_numbers<[1], [0], [0], [1], [0, 0, 1, 1], [], []>, transpose_lhs_hint = false} : vector<256x128xbf16>, vector<128x128xbf16>, vector<256x128xf32> -> vector<256x128xf32>
    %get3A_862 = arith.constant 7 : index
    %get3A_863 = arith.constant 0 : index
    %get3A_864 = arith.constant 0 : index
    %get3A_865 = vector.load %arg4[%get3A_862, %get3A_863, %get3A_864] : memref<20x256x16xf32, #tpu.memory_space<vmem>>, vector<1x256x16xf32>
    %get3A_866 = vector.shape_cast %get3A_865 : vector<1x256x16xf32> to vector<256x16xf32>
    %dot_general3A_867 = arith.constant dense<0.000000e+00> : vector<256x128xf32>
    %dot_general3A_868 = tpu.matmul %get3A_866, %get3A_640, %dot_general3A_867 {dimension_numbers = #tpu.dot_dimension_numbers<[1], [0], [0], [1], [0, 0, 1, 1], [], []>, transpose_lhs_hint = false} : vector<256x16xf32>, vector<16x128xf32>, vector<256x128xf32> -> vector<256x128xf32>
    %add3A_869 = arith.addf %dot_general3A_861, %dot_general3A_868 : vector<256x128xf32>
    %add3A_870 = arith.addf %add3A_869, %add3A_647 : vector<256x128xf32>
    %slice3A_871 = vector.extract_strided_slice %div3A_622 {offsets = [0, 7], sizes = [256, 1], strides = [1, 1]} : vector<256x20xf32> to vector<256x1xf32>
    %mul3A_872 = vector.broadcast %slice3A_871 : vector<256x1xf32> to vector<256x128xf32>
    %mul3A_873 = vector.broadcast %convert_element_type3A_652 : vector<1x128xf32> to vector<256x128xf32>
    %mul3A_874 = arith.mulf %mul3A_872, %mul3A_873 : vector<256x128xf32>
    %slice3A_875 = vector.extract_strided_slice %div3A_633 {offsets = [0, 7], sizes = [256, 1], strides = [1, 1]} : vector<256x20xf32> to vector<256x1xf32>
    %mul3A_876 = vector.broadcast %slice3A_875 : vector<256x1xf32> to vector<256x128xf32>
    %mul3A_877 = vector.broadcast %sub3A_655 : vector<1x128xf32> to vector<256x128xf32>
    %mul3A_878 = arith.mulf %mul3A_876, %mul3A_877 : vector<256x128xf32>
    %add3A_879 = arith.addf %mul3A_874, %mul3A_878 : vector<256x128xf32>
    %mul3A_880 = arith.mulf %add3A_879, %add3A_870 : vector<256x128xf32>
    %add3A_881 = arith.addf %add3A_853, %mul3A_880 : vector<256x128xf32>
    %get3A_882 = arith.constant 8 : index
    %get3A_883 = arith.constant 0 : index
    %get3A_884 = arith.constant 0 : index
    %get3A_885 = vector.load %arg3[%get3A_882, %get3A_883, %get3A_884] : memref<20x256x128xf32, #tpu.memory_space<vmem>>, vector<1x256x128xf32>
    %get3A_886 = vector.shape_cast %get3A_885 : vector<1x256x128xf32> to vector<256x128xf32>
    %convert_element_type3A_887 = arith.truncf %get3A_886 : vector<256x128xf32> to vector<256x128xbf16>
    %dot_general3A_888 = arith.constant dense<0.000000e+00> : vector<256x128xf32>
    %dot_general3A_889 = tpu.matmul %convert_element_type3A_887, %convert_element_type3A_637, %dot_general3A_888 {dimension_numbers = #tpu.dot_dimension_numbers<[1], [0], [0], [1], [0, 0, 1, 1], [], []>, transpose_lhs_hint = false} : vector<256x128xbf16>, vector<128x128xbf16>, vector<256x128xf32> -> vector<256x128xf32>
    %get3A_890 = arith.constant 8 : index
    %get3A_891 = arith.constant 0 : index
    %get3A_892 = arith.constant 0 : index
    %get3A_893 = vector.load %arg4[%get3A_890, %get3A_891, %get3A_892] : memref<20x256x16xf32, #tpu.memory_space<vmem>>, vector<1x256x16xf32>
    %get3A_894 = vector.shape_cast %get3A_893 : vector<1x256x16xf32> to vector<256x16xf32>
    %dot_general3A_895 = arith.constant dense<0.000000e+00> : vector<256x128xf32>
    %dot_general3A_896 = tpu.matmul %get3A_894, %get3A_640, %dot_general3A_895 {dimension_numbers = #tpu.dot_dimension_numbers<[1], [0], [0], [1], [0, 0, 1, 1], [], []>, transpose_lhs_hint = false} : vector<256x16xf32>, vector<16x128xf32>, vector<256x128xf32> -> vector<256x128xf32>
    %add3A_897 = arith.addf %dot_general3A_889, %dot_general3A_896 : vector<256x128xf32>
    %add3A_898 = arith.addf %add3A_897, %add3A_647 : vector<256x128xf32>
    %slice3A_899 = vector.extract_strided_slice %div3A_622 {offsets = [0, 8], sizes = [256, 1], strides = [1, 1]} : vector<256x20xf32> to vector<256x1xf32>
    %mul3A_900 = vector.broadcast %slice3A_899 : vector<256x1xf32> to vector<256x128xf32>
    %mul3A_901 = vector.broadcast %convert_element_type3A_652 : vector<1x128xf32> to vector<256x128xf32>
    %mul3A_902 = arith.mulf %mul3A_900, %mul3A_901 : vector<256x128xf32>
    %slice3A_903 = vector.extract_strided_slice %div3A_633 {offsets = [0, 8], sizes = [256, 1], strides = [1, 1]} : vector<256x20xf32> to vector<256x1xf32>
    %mul3A_904 = vector.broadcast %slice3A_903 : vector<256x1xf32> to vector<256x128xf32>
    %mul3A_905 = vector.broadcast %sub3A_655 : vector<1x128xf32> to vector<256x128xf32>
    %mul3A_906 = arith.mulf %mul3A_904, %mul3A_905 : vector<256x128xf32>
    %add3A_907 = arith.addf %mul3A_902, %mul3A_906 : vector<256x128xf32>
    %mul3A_908 = arith.mulf %add3A_907, %add3A_898 : vector<256x128xf32>
    %add3A_909 = arith.addf %add3A_881, %mul3A_908 : vector<256x128xf32>
    %get3A_910 = arith.constant 9 : index
    %get3A_911 = arith.constant 0 : index
    %get3A_912 = arith.constant 0 : index
    %get3A_913 = vector.load %arg3[%get3A_910, %get3A_911, %get3A_912] : memref<20x256x128xf32, #tpu.memory_space<vmem>>, vector<1x256x128xf32>
    %get3A_914 = vector.shape_cast %get3A_913 : vector<1x256x128xf32> to vector<256x128xf32>
    %convert_element_type3A_915 = arith.truncf %get3A_914 : vector<256x128xf32> to vector<256x128xbf16>
    %dot_general3A_916 = arith.constant dense<0.000000e+00> : vector<256x128xf32>
    %dot_general3A_917 = tpu.matmul %convert_element_type3A_915, %convert_element_type3A_637, %dot_general3A_916 {dimension_numbers = #tpu.dot_dimension_numbers<[1], [0], [0], [1], [0, 0, 1, 1], [], []>, transpose_lhs_hint = false} : vector<256x128xbf16>, vector<128x128xbf16>, vector<256x128xf32> -> vector<256x128xf32>
    %get3A_918 = arith.constant 9 : index
    %get3A_919 = arith.constant 0 : index
    %get3A_920 = arith.constant 0 : index
    %get3A_921 = vector.load %arg4[%get3A_918, %get3A_919, %get3A_920] : memref<20x256x16xf32, #tpu.memory_space<vmem>>, vector<1x256x16xf32>
    %get3A_922 = vector.shape_cast %get3A_921 : vector<1x256x16xf32> to vector<256x16xf32>
    %dot_general3A_923 = arith.constant dense<0.000000e+00> : vector<256x128xf32>
    %dot_general3A_924 = tpu.matmul %get3A_922, %get3A_640, %dot_general3A_923 {dimension_numbers = #tpu.dot_dimension_numbers<[1], [0], [0], [1], [0, 0, 1, 1], [], []>, transpose_lhs_hint = false} : vector<256x16xf32>, vector<16x128xf32>, vector<256x128xf32> -> vector<256x128xf32>
    %add3A_925 = arith.addf %dot_general3A_917, %dot_general3A_924 : vector<256x128xf32>
    %add3A_926 = arith.addf %add3A_925, %add3A_647 : vector<256x128xf32>
    %slice3A_927 = vector.extract_strided_slice %div3A_622 {offsets = [0, 9], sizes = [256, 1], strides = [1, 1]} : vector<256x20xf32> to vector<256x1xf32>
    %mul3A_928 = vector.broadcast %slice3A_927 : vector<256x1xf32> to vector<256x128xf32>
    %mul3A_929 = vector.broadcast %convert_element_type3A_652 : vector<1x128xf32> to vector<256x128xf32>
    %mul3A_930 = arith.mulf %mul3A_928, %mul3A_929 : vector<256x128xf32>
    %slice3A_931 = vector.extract_strided_slice %div3A_633 {offsets = [0, 9], sizes = [256, 1], strides = [1, 1]} : vector<256x20xf32> to vector<256x1xf32>
    %mul3A_932 = vector.broadcast %slice3A_931 : vector<256x1xf32> to vector<256x128xf32>
    %mul3A_933 = vector.broadcast %sub3A_655 : vector<1x128xf32> to vector<256x128xf32>
    %mul3A_934 = arith.mulf %mul3A_932, %mul3A_933 : vector<256x128xf32>
    %add3A_935 = arith.addf %mul3A_930, %mul3A_934 : vector<256x128xf32>
    %mul3A_936 = arith.mulf %add3A_935, %add3A_926 : vector<256x128xf32>
    %add3A_937 = arith.addf %add3A_909, %mul3A_936 : vector<256x128xf32>
    %get3A_938 = arith.constant 10 : index
    %get3A_939 = arith.constant 0 : index
    %get3A_940 = arith.constant 0 : index
    %get3A_941 = vector.load %arg3[%get3A_938, %get3A_939, %get3A_940] : memref<20x256x128xf32, #tpu.memory_space<vmem>>, vector<1x256x128xf32>
    %get3A_942 = vector.shape_cast %get3A_941 : vector<1x256x128xf32> to vector<256x128xf32>
    %convert_element_type3A_943 = arith.truncf %get3A_942 : vector<256x128xf32> to vector<256x128xbf16>
    %dot_general3A_944 = arith.constant dense<0.000000e+00> : vector<256x128xf32>
    %dot_general3A_945 = tpu.matmul %convert_element_type3A_943, %convert_element_type3A_637, %dot_general3A_944 {dimension_numbers = #tpu.dot_dimension_numbers<[1], [0], [0], [1], [0, 0, 1, 1], [], []>, transpose_lhs_hint = false} : vector<256x128xbf16>, vector<128x128xbf16>, vector<256x128xf32> -> vector<256x128xf32>
    %get3A_946 = arith.constant 10 : index
    %get3A_947 = arith.constant 0 : index
    %get3A_948 = arith.constant 0 : index
    %get3A_949 = vector.load %arg4[%get3A_946, %get3A_947, %get3A_948] : memref<20x256x16xf32, #tpu.memory_space<vmem>>, vector<1x256x16xf32>
    %get3A_950 = vector.shape_cast %get3A_949 : vector<1x256x16xf32> to vector<256x16xf32>
    %dot_general3A_951 = arith.constant dense<0.000000e+00> : vector<256x128xf32>
    %dot_general3A_952 = tpu.matmul %get3A_950, %get3A_640, %dot_general3A_951 {dimension_numbers = #tpu.dot_dimension_numbers<[1], [0], [0], [1], [0, 0, 1, 1], [], []>, transpose_lhs_hint = false} : vector<256x16xf32>, vector<16x128xf32>, vector<256x128xf32> -> vector<256x128xf32>
    %add3A_953 = arith.addf %dot_general3A_945, %dot_general3A_952 : vector<256x128xf32>
    %add3A_954 = arith.addf %add3A_953, %add3A_647 : vector<256x128xf32>
    %slice3A_955 = vector.extract_strided_slice %div3A_622 {offsets = [0, 10], sizes = [256, 1], strides = [1, 1]} : vector<256x20xf32> to vector<256x1xf32>
    %mul3A_956 = vector.broadcast %slice3A_955 : vector<256x1xf32> to vector<256x128xf32>
    %mul3A_957 = vector.broadcast %convert_element_type3A_652 : vector<1x128xf32> to vector<256x128xf32>
    %mul3A_958 = arith.mulf %mul3A_956, %mul3A_957 : vector<256x128xf32>
    %slice3A_959 = vector.extract_strided_slice %div3A_633 {offsets = [0, 10], sizes = [256, 1], strides = [1, 1]} : vector<256x20xf32> to vector<256x1xf32>
    %mul3A_960 = vector.broadcast %slice3A_959 : vector<256x1xf32> to vector<256x128xf32>
    %mul3A_961 = vector.broadcast %sub3A_655 : vector<1x128xf32> to vector<256x128xf32>
    %mul3A_962 = arith.mulf %mul3A_960, %mul3A_961 : vector<256x128xf32>
    %add3A_963 = arith.addf %mul3A_958, %mul3A_962 : vector<256x128xf32>
    %mul3A_964 = arith.mulf %add3A_963, %add3A_954 : vector<256x128xf32>
    %add3A_965 = arith.addf %add3A_937, %mul3A_964 : vector<256x128xf32>
    %get3A_966 = arith.constant 11 : index
    %get3A_967 = arith.constant 0 : index
    %get3A_968 = arith.constant 0 : index
    %get3A_969 = vector.load %arg3[%get3A_966, %get3A_967, %get3A_968] : memref<20x256x128xf32, #tpu.memory_space<vmem>>, vector<1x256x128xf32>
    %get3A_970 = vector.shape_cast %get3A_969 : vector<1x256x128xf32> to vector<256x128xf32>
    %convert_element_type3A_971 = arith.truncf %get3A_970 : vector<256x128xf32> to vector<256x128xbf16>
    %dot_general3A_972 = arith.constant dense<0.000000e+00> : vector<256x128xf32>
    %dot_general3A_973 = tpu.matmul %convert_element_type3A_971, %convert_element_type3A_637, %dot_general3A_972 {dimension_numbers = #tpu.dot_dimension_numbers<[1], [0], [0], [1], [0, 0, 1, 1], [], []>, transpose_lhs_hint = false} : vector<256x128xbf16>, vector<128x128xbf16>, vector<256x128xf32> -> vector<256x128xf32>
    %get3A_974 = arith.constant 11 : index
    %get3A_975 = arith.constant 0 : index
    %get3A_976 = arith.constant 0 : index
    %get3A_977 = vector.load %arg4[%get3A_974, %get3A_975, %get3A_976] : memref<20x256x16xf32, #tpu.memory_space<vmem>>, vector<1x256x16xf32>
    %get3A_978 = vector.shape_cast %get3A_977 : vector<1x256x16xf32> to vector<256x16xf32>
    %dot_general3A_979 = arith.constant dense<0.000000e+00> : vector<256x128xf32>
    %dot_general3A_980 = tpu.matmul %get3A_978, %get3A_640, %dot_general3A_979 {dimension_numbers = #tpu.dot_dimension_numbers<[1], [0], [0], [1], [0, 0, 1, 1], [], []>, transpose_lhs_hint = false} : vector<256x16xf32>, vector<16x128xf32>, vector<256x128xf32> -> vector<256x128xf32>
    %add3A_981 = arith.addf %dot_general3A_973, %dot_general3A_980 : vector<256x128xf32>
    %add3A_982 = arith.addf %add3A_981, %add3A_647 : vector<256x128xf32>
    %slice3A_983 = vector.extract_strided_slice %div3A_622 {offsets = [0, 11], sizes = [256, 1], strides = [1, 1]} : vector<256x20xf32> to vector<256x1xf32>
    %mul3A_984 = vector.broadcast %slice3A_983 : vector<256x1xf32> to vector<256x128xf32>
    %mul3A_985 = vector.broadcast %convert_element_type3A_652 : vector<1x128xf32> to vector<256x128xf32>
    %mul3A_986 = arith.mulf %mul3A_984, %mul3A_985 : vector<256x128xf32>
    %slice3A_987 = vector.extract_strided_slice %div3A_633 {offsets = [0, 11], sizes = [256, 1], strides = [1, 1]} : vector<256x20xf32> to vector<256x1xf32>
    %mul3A_988 = vector.broadcast %slice3A_987 : vector<256x1xf32> to vector<256x128xf32>
    %mul3A_989 = vector.broadcast %sub3A_655 : vector<1x128xf32> to vector<256x128xf32>
    %mul3A_990 = arith.mulf %mul3A_988, %mul3A_989 : vector<256x128xf32>
    %add3A_991 = arith.addf %mul3A_986, %mul3A_990 : vector<256x128xf32>
    %mul3A_992 = arith.mulf %add3A_991, %add3A_982 : vector<256x128xf32>
    %add3A_993 = arith.addf %add3A_965, %mul3A_992 : vector<256x128xf32>
    %get3A_994 = arith.constant 12 : index
    %get3A_995 = arith.constant 0 : index
    %get3A_996 = arith.constant 0 : index
    %get3A_997 = vector.load %arg3[%get3A_994, %get3A_995, %get3A_996] : memref<20x256x128xf32, #tpu.memory_space<vmem>>, vector<1x256x128xf32>
    %get3A_998 = vector.shape_cast %get3A_997 : vector<1x256x128xf32> to vector<256x128xf32>
    %convert_element_type3A_999 = arith.truncf %get3A_998 : vector<256x128xf32> to vector<256x128xbf16>
    %dot_general3A_1000 = arith.constant dense<0.000000e+00> : vector<256x128xf32>
    %dot_general3A_1001 = tpu.matmul %convert_element_type3A_999, %convert_element_type3A_637, %dot_general3A_1000 {dimension_numbers = #tpu.dot_dimension_numbers<[1], [0], [0], [1], [0, 0, 1, 1], [], []>, transpose_lhs_hint = false} : vector<256x128xbf16>, vector<128x128xbf16>, vector<256x128xf32> -> vector<256x128xf32>
    %get3A_1002 = arith.constant 12 : index
    %get3A_1003 = arith.constant 0 : index
    %get3A_1004 = arith.constant 0 : index
    %get3A_1005 = vector.load %arg4[%get3A_1002, %get3A_1003, %get3A_1004] : memref<20x256x16xf32, #tpu.memory_space<vmem>>, vector<1x256x16xf32>
    %get3A_1006 = vector.shape_cast %get3A_1005 : vector<1x256x16xf32> to vector<256x16xf32>
    %dot_general3A_1007 = arith.constant dense<0.000000e+00> : vector<256x128xf32>
    %dot_general3A_1008 = tpu.matmul %get3A_1006, %get3A_640, %dot_general3A_1007 {dimension_numbers = #tpu.dot_dimension_numbers<[1], [0], [0], [1], [0, 0, 1, 1], [], []>, transpose_lhs_hint = false} : vector<256x16xf32>, vector<16x128xf32>, vector<256x128xf32> -> vector<256x128xf32>
    %add3A_1009 = arith.addf %dot_general3A_1001, %dot_general3A_1008 : vector<256x128xf32>
    %add3A_1010 = arith.addf %add3A_1009, %add3A_647 : vector<256x128xf32>
    %slice3A_1011 = vector.extract_strided_slice %div3A_622 {offsets = [0, 12], sizes = [256, 1], strides = [1, 1]} : vector<256x20xf32> to vector<256x1xf32>
    %mul3A_1012 = vector.broadcast %slice3A_1011 : vector<256x1xf32> to vector<256x128xf32>
    %mul3A_1013 = vector.broadcast %convert_element_type3A_652 : vector<1x128xf32> to vector<256x128xf32>
    %mul3A_1014 = arith.mulf %mul3A_1012, %mul3A_1013 : vector<256x128xf32>
    %slice3A_1015 = vector.extract_strided_slice %div3A_633 {offsets = [0, 12], sizes = [256, 1], strides = [1, 1]} : vector<256x20xf32> to vector<256x1xf32>
    %mul3A_1016 = vector.broadcast %slice3A_1015 : vector<256x1xf32> to vector<256x128xf32>
    %mul3A_1017 = vector.broadcast %sub3A_655 : vector<1x128xf32> to vector<256x128xf32>
    %mul3A_1018 = arith.mulf %mul3A_1016, %mul3A_1017 : vector<256x128xf32>
    %add3A_1019 = arith.addf %mul3A_1014, %mul3A_1018 : vector<256x128xf32>
    %mul3A_1020 = arith.mulf %add3A_1019, %add3A_1010 : vector<256x128xf32>
    %add3A_1021 = arith.addf %add3A_993, %mul3A_1020 : vector<256x128xf32>
    %get3A_1022 = arith.constant 13 : index
    %get3A_1023 = arith.constant 0 : index
    %get3A_1024 = arith.constant 0 : index
    %get3A_1025 = vector.load %arg3[%get3A_1022, %get3A_1023, %get3A_1024] : memref<20x256x128xf32, #tpu.memory_space<vmem>>, vector<1x256x128xf32>
    %get3A_1026 = vector.shape_cast %get3A_1025 : vector<1x256x128xf32> to vector<256x128xf32>
    %convert_element_type3A_1027 = arith.truncf %get3A_1026 : vector<256x128xf32> to vector<256x128xbf16>
    %dot_general3A_1028 = arith.constant dense<0.000000e+00> : vector<256x128xf32>
    %dot_general3A_1029 = tpu.matmul %convert_element_type3A_1027, %convert_element_type3A_637, %dot_general3A_1028 {dimension_numbers = #tpu.dot_dimension_numbers<[1], [0], [0], [1], [0, 0, 1, 1], [], []>, transpose_lhs_hint = false} : vector<256x128xbf16>, vector<128x128xbf16>, vector<256x128xf32> -> vector<256x128xf32>
    %get3A_1030 = arith.constant 13 : index
    %get3A_1031 = arith.constant 0 : index
    %get3A_1032 = arith.constant 0 : index
    %get3A_1033 = vector.load %arg4[%get3A_1030, %get3A_1031, %get3A_1032] : memref<20x256x16xf32, #tpu.memory_space<vmem>>, vector<1x256x16xf32>
    %get3A_1034 = vector.shape_cast %get3A_1033 : vector<1x256x16xf32> to vector<256x16xf32>
    %dot_general3A_1035 = arith.constant dense<0.000000e+00> : vector<256x128xf32>
    %dot_general3A_1036 = tpu.matmul %get3A_1034, %get3A_640, %dot_general3A_1035 {dimension_numbers = #tpu.dot_dimension_numbers<[1], [0], [0], [1], [0, 0, 1, 1], [], []>, transpose_lhs_hint = false} : vector<256x16xf32>, vector<16x128xf32>, vector<256x128xf32> -> vector<256x128xf32>
    %add3A_1037 = arith.addf %dot_general3A_1029, %dot_general3A_1036 : vector<256x128xf32>
    %add3A_1038 = arith.addf %add3A_1037, %add3A_647 : vector<256x128xf32>
    %slice3A_1039 = vector.extract_strided_slice %div3A_622 {offsets = [0, 13], sizes = [256, 1], strides = [1, 1]} : vector<256x20xf32> to vector<256x1xf32>
    %mul3A_1040 = vector.broadcast %slice3A_1039 : vector<256x1xf32> to vector<256x128xf32>
    %mul3A_1041 = vector.broadcast %convert_element_type3A_652 : vector<1x128xf32> to vector<256x128xf32>
    %mul3A_1042 = arith.mulf %mul3A_1040, %mul3A_1041 : vector<256x128xf32>
    %slice3A_1043 = vector.extract_strided_slice %div3A_633 {offsets = [0, 13], sizes = [256, 1], strides = [1, 1]} : vector<256x20xf32> to vector<256x1xf32>
    %mul3A_1044 = vector.broadcast %slice3A_1043 : vector<256x1xf32> to vector<256x128xf32>
    %mul3A_1045 = vector.broadcast %sub3A_655 : vector<1x128xf32> to vector<256x128xf32>
    %mul3A_1046 = arith.mulf %mul3A_1044, %mul3A_1045 : vector<256x128xf32>
    %add3A_1047 = arith.addf %mul3A_1042, %mul3A_1046 : vector<256x128xf32>
    %mul3A_1048 = arith.mulf %add3A_1047, %add3A_1038 : vector<256x128xf32>
    %add3A_1049 = arith.addf %add3A_1021, %mul3A_1048 : vector<256x128xf32>
    %get3A_1050 = arith.constant 14 : index
    %get3A_1051 = arith.constant 0 : index
    %get3A_1052 = arith.constant 0 : index
    %get3A_1053 = vector.load %arg3[%get3A_1050, %get3A_1051, %get3A_1052] : memref<20x256x128xf32, #tpu.memory_space<vmem>>, vector<1x256x128xf32>
    %get3A_1054 = vector.shape_cast %get3A_1053 : vector<1x256x128xf32> to vector<256x128xf32>
    %convert_element_type3A_1055 = arith.truncf %get3A_1054 : vector<256x128xf32> to vector<256x128xbf16>
    %dot_general3A_1056 = arith.constant dense<0.000000e+00> : vector<256x128xf32>
    %dot_general3A_1057 = tpu.matmul %convert_element_type3A_1055, %convert_element_type3A_637, %dot_general3A_1056 {dimension_numbers = #tpu.dot_dimension_numbers<[1], [0], [0], [1], [0, 0, 1, 1], [], []>, transpose_lhs_hint = false} : vector<256x128xbf16>, vector<128x128xbf16>, vector<256x128xf32> -> vector<256x128xf32>
    %get3A_1058 = arith.constant 14 : index
    %get3A_1059 = arith.constant 0 : index
    %get3A_1060 = arith.constant 0 : index
    %get3A_1061 = vector.load %arg4[%get3A_1058, %get3A_1059, %get3A_1060] : memref<20x256x16xf32, #tpu.memory_space<vmem>>, vector<1x256x16xf32>
    %get3A_1062 = vector.shape_cast %get3A_1061 : vector<1x256x16xf32> to vector<256x16xf32>
    %dot_general3A_1063 = arith.constant dense<0.000000e+00> : vector<256x128xf32>
    %dot_general3A_1064 = tpu.matmul %get3A_1062, %get3A_640, %dot_general3A_1063 {dimension_numbers = #tpu.dot_dimension_numbers<[1], [0], [0], [1], [0, 0, 1, 1], [], []>, transpose_lhs_hint = false} : vector<256x16xf32>, vector<16x128xf32>, vector<256x128xf32> -> vector<256x128xf32>
    %add3A_1065 = arith.addf %dot_general3A_1057, %dot_general3A_1064 : vector<256x128xf32>
    %add3A_1066 = arith.addf %add3A_1065, %add3A_647 : vector<256x128xf32>
    %slice3A_1067 = vector.extract_strided_slice %div3A_622 {offsets = [0, 14], sizes = [256, 1], strides = [1, 1]} : vector<256x20xf32> to vector<256x1xf32>
    %mul3A_1068 = vector.broadcast %slice3A_1067 : vector<256x1xf32> to vector<256x128xf32>
    %mul3A_1069 = vector.broadcast %convert_element_type3A_652 : vector<1x128xf32> to vector<256x128xf32>
    %mul3A_1070 = arith.mulf %mul3A_1068, %mul3A_1069 : vector<256x128xf32>
    %slice3A_1071 = vector.extract_strided_slice %div3A_633 {offsets = [0, 14], sizes = [256, 1], strides = [1, 1]} : vector<256x20xf32> to vector<256x1xf32>
    %mul3A_1072 = vector.broadcast %slice3A_1071 : vector<256x1xf32> to vector<256x128xf32>
    %mul3A_1073 = vector.broadcast %sub3A_655 : vector<1x128xf32> to vector<256x128xf32>
    %mul3A_1074 = arith.mulf %mul3A_1072, %mul3A_1073 : vector<256x128xf32>
    %add3A_1075 = arith.addf %mul3A_1070, %mul3A_1074 : vector<256x128xf32>
    %mul3A_1076 = arith.mulf %add3A_1075, %add3A_1066 : vector<256x128xf32>
    %add3A_1077 = arith.addf %add3A_1049, %mul3A_1076 : vector<256x128xf32>
    %get3A_1078 = arith.constant 15 : index
    %get3A_1079 = arith.constant 0 : index
    %get3A_1080 = arith.constant 0 : index
    %get3A_1081 = vector.load %arg3[%get3A_1078, %get3A_1079, %get3A_1080] : memref<20x256x128xf32, #tpu.memory_space<vmem>>, vector<1x256x128xf32>
    %get3A_1082 = vector.shape_cast %get3A_1081 : vector<1x256x128xf32> to vector<256x128xf32>
    %convert_element_type3A_1083 = arith.truncf %get3A_1082 : vector<256x128xf32> to vector<256x128xbf16>
    %dot_general3A_1084 = arith.constant dense<0.000000e+00> : vector<256x128xf32>
    %dot_general3A_1085 = tpu.matmul %convert_element_type3A_1083, %convert_element_type3A_637, %dot_general3A_1084 {dimension_numbers = #tpu.dot_dimension_numbers<[1], [0], [0], [1], [0, 0, 1, 1], [], []>, transpose_lhs_hint = false} : vector<256x128xbf16>, vector<128x128xbf16>, vector<256x128xf32> -> vector<256x128xf32>
    %get3A_1086 = arith.constant 15 : index
    %get3A_1087 = arith.constant 0 : index
    %get3A_1088 = arith.constant 0 : index
    %get3A_1089 = vector.load %arg4[%get3A_1086, %get3A_1087, %get3A_1088] : memref<20x256x16xf32, #tpu.memory_space<vmem>>, vector<1x256x16xf32>
    %get3A_1090 = vector.shape_cast %get3A_1089 : vector<1x256x16xf32> to vector<256x16xf32>
    %dot_general3A_1091 = arith.constant dense<0.000000e+00> : vector<256x128xf32>
    %dot_general3A_1092 = tpu.matmul %get3A_1090, %get3A_640, %dot_general3A_1091 {dimension_numbers = #tpu.dot_dimension_numbers<[1], [0], [0], [1], [0, 0, 1, 1], [], []>, transpose_lhs_hint = false} : vector<256x16xf32>, vector<16x128xf32>, vector<256x128xf32> -> vector<256x128xf32>
    %add3A_1093 = arith.addf %dot_general3A_1085, %dot_general3A_1092 : vector<256x128xf32>
    %add3A_1094 = arith.addf %add3A_1093, %add3A_647 : vector<256x128xf32>
    %slice3A_1095 = vector.extract_strided_slice %div3A_622 {offsets = [0, 15], sizes = [256, 1], strides = [1, 1]} : vector<256x20xf32> to vector<256x1xf32>
    %mul3A_1096 = vector.broadcast %slice3A_1095 : vector<256x1xf32> to vector<256x128xf32>
    %mul3A_1097 = vector.broadcast %convert_element_type3A_652 : vector<1x128xf32> to vector<256x128xf32>
    %mul3A_1098 = arith.mulf %mul3A_1096, %mul3A_1097 : vector<256x128xf32>
    %slice3A_1099 = vector.extract_strided_slice %div3A_633 {offsets = [0, 15], sizes = [256, 1], strides = [1, 1]} : vector<256x20xf32> to vector<256x1xf32>
    %mul3A_1100 = vector.broadcast %slice3A_1099 : vector<256x1xf32> to vector<256x128xf32>
    %mul3A_1101 = vector.broadcast %sub3A_655 : vector<1x128xf32> to vector<256x128xf32>
    %mul3A_1102 = arith.mulf %mul3A_1100, %mul3A_1101 : vector<256x128xf32>
    %add3A_1103 = arith.addf %mul3A_1098, %mul3A_1102 : vector<256x128xf32>
    %mul3A_1104 = arith.mulf %add3A_1103, %add3A_1094 : vector<256x128xf32>
    %add3A_1105 = arith.addf %add3A_1077, %mul3A_1104 : vector<256x128xf32>
    %get3A_1106 = arith.constant 16 : index
    %get3A_1107 = arith.constant 0 : index
    %get3A_1108 = arith.constant 0 : index
    %get3A_1109 = vector.load %arg3[%get3A_1106, %get3A_1107, %get3A_1108] : memref<20x256x128xf32, #tpu.memory_space<vmem>>, vector<1x256x128xf32>
    %get3A_1110 = vector.shape_cast %get3A_1109 : vector<1x256x128xf32> to vector<256x128xf32>
    %convert_element_type3A_1111 = arith.truncf %get3A_1110 : vector<256x128xf32> to vector<256x128xbf16>
    %dot_general3A_1112 = arith.constant dense<0.000000e+00> : vector<256x128xf32>
    %dot_general3A_1113 = tpu.matmul %convert_element_type3A_1111, %convert_element_type3A_637, %dot_general3A_1112 {dimension_numbers = #tpu.dot_dimension_numbers<[1], [0], [0], [1], [0, 0, 1, 1], [], []>, transpose_lhs_hint = false} : vector<256x128xbf16>, vector<128x128xbf16>, vector<256x128xf32> -> vector<256x128xf32>
    %get3A_1114 = arith.constant 16 : index
    %get3A_1115 = arith.constant 0 : index
    %get3A_1116 = arith.constant 0 : index
    %get3A_1117 = vector.load %arg4[%get3A_1114, %get3A_1115, %get3A_1116] : memref<20x256x16xf32, #tpu.memory_space<vmem>>, vector<1x256x16xf32>
    %get3A_1118 = vector.shape_cast %get3A_1117 : vector<1x256x16xf32> to vector<256x16xf32>
    %dot_general3A_1119 = arith.constant dense<0.000000e+00> : vector<256x128xf32>
    %dot_general3A_1120 = tpu.matmul %get3A_1118, %get3A_640, %dot_general3A_1119 {dimension_numbers = #tpu.dot_dimension_numbers<[1], [0], [0], [1], [0, 0, 1, 1], [], []>, transpose_lhs_hint = false} : vector<256x16xf32>, vector<16x128xf32>, vector<256x128xf32> -> vector<256x128xf32>
    %add3A_1121 = arith.addf %dot_general3A_1113, %dot_general3A_1120 : vector<256x128xf32>
    %add3A_1122 = arith.addf %add3A_1121, %add3A_647 : vector<256x128xf32>
    %slice3A_1123 = vector.extract_strided_slice %div3A_622 {offsets = [0, 16], sizes = [256, 1], strides = [1, 1]} : vector<256x20xf32> to vector<256x1xf32>
    %mul3A_1124 = vector.broadcast %slice3A_1123 : vector<256x1xf32> to vector<256x128xf32>
    %mul3A_1125 = vector.broadcast %convert_element_type3A_652 : vector<1x128xf32> to vector<256x128xf32>
    %mul3A_1126 = arith.mulf %mul3A_1124, %mul3A_1125 : vector<256x128xf32>
    %slice3A_1127 = vector.extract_strided_slice %div3A_633 {offsets = [0, 16], sizes = [256, 1], strides = [1, 1]} : vector<256x20xf32> to vector<256x1xf32>
    %mul3A_1128 = vector.broadcast %slice3A_1127 : vector<256x1xf32> to vector<256x128xf32>
    %mul3A_1129 = vector.broadcast %sub3A_655 : vector<1x128xf32> to vector<256x128xf32>
    %mul3A_1130 = arith.mulf %mul3A_1128, %mul3A_1129 : vector<256x128xf32>
    %add3A_1131 = arith.addf %mul3A_1126, %mul3A_1130 : vector<256x128xf32>
    %mul3A_1132 = arith.mulf %add3A_1131, %add3A_1122 : vector<256x128xf32>
    %add3A_1133 = arith.addf %add3A_1105, %mul3A_1132 : vector<256x128xf32>
    %get3A_1134 = arith.constant 17 : index
    %get3A_1135 = arith.constant 0 : index
    %get3A_1136 = arith.constant 0 : index
    %get3A_1137 = vector.load %arg3[%get3A_1134, %get3A_1135, %get3A_1136] : memref<20x256x128xf32, #tpu.memory_space<vmem>>, vector<1x256x128xf32>
    %get3A_1138 = vector.shape_cast %get3A_1137 : vector<1x256x128xf32> to vector<256x128xf32>
    %convert_element_type3A_1139 = arith.truncf %get3A_1138 : vector<256x128xf32> to vector<256x128xbf16>
    %dot_general3A_1140 = arith.constant dense<0.000000e+00> : vector<256x128xf32>
    %dot_general3A_1141 = tpu.matmul %convert_element_type3A_1139, %convert_element_type3A_637, %dot_general3A_1140 {dimension_numbers = #tpu.dot_dimension_numbers<[1], [0], [0], [1], [0, 0, 1, 1], [], []>, transpose_lhs_hint = false} : vector<256x128xbf16>, vector<128x128xbf16>, vector<256x128xf32> -> vector<256x128xf32>
    %get3A_1142 = arith.constant 17 : index
    %get3A_1143 = arith.constant 0 : index
    %get3A_1144 = arith.constant 0 : index
    %get3A_1145 = vector.load %arg4[%get3A_1142, %get3A_1143, %get3A_1144] : memref<20x256x16xf32, #tpu.memory_space<vmem>>, vector<1x256x16xf32>
    %get3A_1146 = vector.shape_cast %get3A_1145 : vector<1x256x16xf32> to vector<256x16xf32>
    %dot_general3A_1147 = arith.constant dense<0.000000e+00> : vector<256x128xf32>
    %dot_general3A_1148 = tpu.matmul %get3A_1146, %get3A_640, %dot_general3A_1147 {dimension_numbers = #tpu.dot_dimension_numbers<[1], [0], [0], [1], [0, 0, 1, 1], [], []>, transpose_lhs_hint = false} : vector<256x16xf32>, vector<16x128xf32>, vector<256x128xf32> -> vector<256x128xf32>
    %add3A_1149 = arith.addf %dot_general3A_1141, %dot_general3A_1148 : vector<256x128xf32>
    %add3A_1150 = arith.addf %add3A_1149, %add3A_647 : vector<256x128xf32>
    %slice3A_1151 = vector.extract_strided_slice %div3A_622 {offsets = [0, 17], sizes = [256, 1], strides = [1, 1]} : vector<256x20xf32> to vector<256x1xf32>
    %mul3A_1152 = vector.broadcast %slice3A_1151 : vector<256x1xf32> to vector<256x128xf32>
    %mul3A_1153 = vector.broadcast %convert_element_type3A_652 : vector<1x128xf32> to vector<256x128xf32>
    %mul3A_1154 = arith.mulf %mul3A_1152, %mul3A_1153 : vector<256x128xf32>
    %slice3A_1155 = vector.extract_strided_slice %div3A_633 {offsets = [0, 17], sizes = [256, 1], strides = [1, 1]} : vector<256x20xf32> to vector<256x1xf32>
    %mul3A_1156 = vector.broadcast %slice3A_1155 : vector<256x1xf32> to vector<256x128xf32>
    %mul3A_1157 = vector.broadcast %sub3A_655 : vector<1x128xf32> to vector<256x128xf32>
    %mul3A_1158 = arith.mulf %mul3A_1156, %mul3A_1157 : vector<256x128xf32>
    %add3A_1159 = arith.addf %mul3A_1154, %mul3A_1158 : vector<256x128xf32>
    %mul3A_1160 = arith.mulf %add3A_1159, %add3A_1150 : vector<256x128xf32>
    %add3A_1161 = arith.addf %add3A_1133, %mul3A_1160 : vector<256x128xf32>
    %get3A_1162 = arith.constant 18 : index
    %get3A_1163 = arith.constant 0 : index
    %get3A_1164 = arith.constant 0 : index
    %get3A_1165 = vector.load %arg3[%get3A_1162, %get3A_1163, %get3A_1164] : memref<20x256x128xf32, #tpu.memory_space<vmem>>, vector<1x256x128xf32>
    %get3A_1166 = vector.shape_cast %get3A_1165 : vector<1x256x128xf32> to vector<256x128xf32>
    %convert_element_type3A_1167 = arith.truncf %get3A_1166 : vector<256x128xf32> to vector<256x128xbf16>
    %dot_general3A_1168 = arith.constant dense<0.000000e+00> : vector<256x128xf32>
    %dot_general3A_1169 = tpu.matmul %convert_element_type3A_1167, %convert_element_type3A_637, %dot_general3A_1168 {dimension_numbers = #tpu.dot_dimension_numbers<[1], [0], [0], [1], [0, 0, 1, 1], [], []>, transpose_lhs_hint = false} : vector<256x128xbf16>, vector<128x128xbf16>, vector<256x128xf32> -> vector<256x128xf32>
    %get3A_1170 = arith.constant 18 : index
    %get3A_1171 = arith.constant 0 : index
    %get3A_1172 = arith.constant 0 : index
    %get3A_1173 = vector.load %arg4[%get3A_1170, %get3A_1171, %get3A_1172] : memref<20x256x16xf32, #tpu.memory_space<vmem>>, vector<1x256x16xf32>
    %get3A_1174 = vector.shape_cast %get3A_1173 : vector<1x256x16xf32> to vector<256x16xf32>
    %dot_general3A_1175 = arith.constant dense<0.000000e+00> : vector<256x128xf32>
    %dot_general3A_1176 = tpu.matmul %get3A_1174, %get3A_640, %dot_general3A_1175 {dimension_numbers = #tpu.dot_dimension_numbers<[1], [0], [0], [1], [0, 0, 1, 1], [], []>, transpose_lhs_hint = false} : vector<256x16xf32>, vector<16x128xf32>, vector<256x128xf32> -> vector<256x128xf32>
    %add3A_1177 = arith.addf %dot_general3A_1169, %dot_general3A_1176 : vector<256x128xf32>
    %add3A_1178 = arith.addf %add3A_1177, %add3A_647 : vector<256x128xf32>
    %slice3A_1179 = vector.extract_strided_slice %div3A_622 {offsets = [0, 18], sizes = [256, 1], strides = [1, 1]} : vector<256x20xf32> to vector<256x1xf32>
    %mul3A_1180 = vector.broadcast %slice3A_1179 : vector<256x1xf32> to vector<256x128xf32>
    %mul3A_1181 = vector.broadcast %convert_element_type3A_652 : vector<1x128xf32> to vector<256x128xf32>
    %mul3A_1182 = arith.mulf %mul3A_1180, %mul3A_1181 : vector<256x128xf32>
    %slice3A_1183 = vector.extract_strided_slice %div3A_633 {offsets = [0, 18], sizes = [256, 1], strides = [1, 1]} : vector<256x20xf32> to vector<256x1xf32>
    %mul3A_1184 = vector.broadcast %slice3A_1183 : vector<256x1xf32> to vector<256x128xf32>
    %mul3A_1185 = vector.broadcast %sub3A_655 : vector<1x128xf32> to vector<256x128xf32>
    %mul3A_1186 = arith.mulf %mul3A_1184, %mul3A_1185 : vector<256x128xf32>
    %add3A_1187 = arith.addf %mul3A_1182, %mul3A_1186 : vector<256x128xf32>
    %mul3A_1188 = arith.mulf %add3A_1187, %add3A_1178 : vector<256x128xf32>
    %add3A_1189 = arith.addf %add3A_1161, %mul3A_1188 : vector<256x128xf32>
    %get3A_1190 = arith.constant 19 : index
    %get3A_1191 = arith.constant 0 : index
    %get3A_1192 = arith.constant 0 : index
    %get3A_1193 = vector.load %arg3[%get3A_1190, %get3A_1191, %get3A_1192] : memref<20x256x128xf32, #tpu.memory_space<vmem>>, vector<1x256x128xf32>
    %get3A_1194 = vector.shape_cast %get3A_1193 : vector<1x256x128xf32> to vector<256x128xf32>
    %convert_element_type3A_1195 = arith.truncf %get3A_1194 : vector<256x128xf32> to vector<256x128xbf16>
    %dot_general3A_1196 = arith.constant dense<0.000000e+00> : vector<256x128xf32>
    %dot_general3A_1197 = tpu.matmul %convert_element_type3A_1195, %convert_element_type3A_637, %dot_general3A_1196 {dimension_numbers = #tpu.dot_dimension_numbers<[1], [0], [0], [1], [0, 0, 1, 1], [], []>, transpose_lhs_hint = false} : vector<256x128xbf16>, vector<128x128xbf16>, vector<256x128xf32> -> vector<256x128xf32>
    %get3A_1198 = arith.constant 19 : index
    %get3A_1199 = arith.constant 0 : index
    %get3A_1200 = arith.constant 0 : index
    %get3A_1201 = vector.load %arg4[%get3A_1198, %get3A_1199, %get3A_1200] : memref<20x256x16xf32, #tpu.memory_space<vmem>>, vector<1x256x16xf32>
    %get3A_1202 = vector.shape_cast %get3A_1201 : vector<1x256x16xf32> to vector<256x16xf32>
    %dot_general3A_1203 = arith.constant dense<0.000000e+00> : vector<256x128xf32>
    %dot_general3A_1204 = tpu.matmul %get3A_1202, %get3A_640, %dot_general3A_1203 {dimension_numbers = #tpu.dot_dimension_numbers<[1], [0], [0], [1], [0, 0, 1, 1], [], []>, transpose_lhs_hint = false} : vector<256x16xf32>, vector<16x128xf32>, vector<256x128xf32> -> vector<256x128xf32>
    %add3A_1205 = arith.addf %dot_general3A_1197, %dot_general3A_1204 : vector<256x128xf32>
    %add3A_1206 = arith.addf %add3A_1205, %add3A_647 : vector<256x128xf32>
    %slice3A_1207 = vector.extract_strided_slice %div3A_622 {offsets = [0, 19], sizes = [256, 1], strides = [1, 1]} : vector<256x20xf32> to vector<256x1xf32>
    %mul3A_1208 = vector.broadcast %slice3A_1207 : vector<256x1xf32> to vector<256x128xf32>
    %mul3A_1209 = vector.broadcast %convert_element_type3A_652 : vector<1x128xf32> to vector<256x128xf32>
    %mul3A_1210 = arith.mulf %mul3A_1208, %mul3A_1209 : vector<256x128xf32>
    %slice3A_1211 = vector.extract_strided_slice %div3A_633 {offsets = [0, 19], sizes = [256, 1], strides = [1, 1]} : vector<256x20xf32> to vector<256x1xf32>
    %mul3A_1212 = vector.broadcast %slice3A_1211 : vector<256x1xf32> to vector<256x128xf32>
    %mul3A_1213 = vector.broadcast %sub3A_655 : vector<1x128xf32> to vector<256x128xf32>
    %mul3A_1214 = arith.mulf %mul3A_1212, %mul3A_1213 : vector<256x128xf32>
    %add3A_1215 = arith.addf %mul3A_1210, %mul3A_1214 : vector<256x128xf32>
    %mul3A_1216 = arith.mulf %add3A_1215, %add3A_1206 : vector<256x128xf32>
    %add3A_1217 = arith.addf %add3A_1189, %mul3A_1216 : vector<256x128xf32>
    %get3A_1218 = arith.constant 0 : index
    %get3A_1219 = arith.constant 0 : index
    %get3A_1220 = vector.load %arg14[%get3A_1218, %get3A_1219] : memref<128x128xf32, #tpu.memory_space<vmem>>, vector<128x128xf32>
    %dot_general3A_1221 = arith.constant dense<0.000000e+00> : vector<256x128xf32>
    %dot_general3A_1222 = tpu.matmul %add3A_1217, %get3A_1220, %dot_general3A_1221 {dimension_numbers = #tpu.dot_dimension_numbers<[1], [0], [0], [1], [0, 0, 1, 1], [], []>, transpose_lhs_hint = false} : vector<256x128xf32>, vector<128x128xf32>, vector<256x128xf32> -> vector<256x128xf32>
    %get3A_1223 = arith.constant 0 : index
    %get3A_1224 = arith.constant 0 : index
    %get3A_1225 = vector.load %arg15[%get3A_1223, %get3A_1224] : memref<1x128xf32, #tpu.memory_space<vmem>>, vector<1x128xf32>
    %add3A_1226 = vector.broadcast %get3A_1225 : vector<1x128xf32> to vector<256x128xf32>
    %add3A_1227 = arith.addf %dot_general3A_1222, %add3A_1226 : vector<256x128xf32>
    %swap3A = arith.constant 0 : index
    %swap3A_1228 = arith.constant 0 : index
    %swap3A_1229 = vector.load %arg18[%swap3A, %swap3A_1228] : memref<256x128xf32, #tpu.memory_space<vmem>>, vector<256x128xf32>
    tpu.vector_store %arg18[%swap3A, %swap3A_1228], %add3A_1227 {strides = array<i32>} : memref<256x128xf32, #tpu.memory_space<vmem>>, vector<256x128xf32>,
    return
  }
  func.func @transform_0(%arg0: i32) -> (i32, i32) {
    %c0_i32 = arith.constant 0 : i32
    %c0_i32_0 = arith.constant 0 : i32
    return %arg0, %c0_i32 : i32, i32
  }
  func.func @transform_1(%arg0: i32) -> (i32, i32) {
    %c0_i32 = arith.constant 0 : i32
    %c0_i32_0 = arith.constant 0 : i32
    return %arg0, %c0_i32 : i32, i32
  }
  func.func @transform_2(%arg0: i32) -> (i32, i32, i32) {
    %c0_i32 = arith.constant 0 : i32
    %c0_i32_0 = arith.constant 0 : i32
    %c0_i32_1 = arith.constant 0 : i32
    return %c0_i32, %arg0, %c0_i32_0 : i32, i32, i32
  }
  func.func @transform_3(%arg0: i32) -> (i32, i32, i32) {
    %c0_i32 = arith.constant 0 : i32
    %c0_i32_0 = arith.constant 0 : i32
    %c0_i32_1 = arith.constant 0 : i32
    return %c0_i32, %arg0, %c0_i32_0 : i32, i32, i32
  }
  func.func @transform_4(%arg0: i32) -> (i32, i32) {
    %c0_i32 = arith.constant 0 : i32
    %c0_i32_0 = arith.constant 0 : i32
    return %arg0, %c0_i32 : i32, i32
  }
  func.func @transform_5(%arg0: i32) -> (i32, i32) {
    %c0_i32 = arith.constant 0 : i32
    %c0_i32_0 = arith.constant 0 : i32
    %c0_i32_1 = arith.constant 0 : i32
    return %c0_i32, %c0_i32_0 : i32, i32
  }
  func.func @transform_6(%arg0: i32) -> (i32, i32) {
    %c0_i32 = arith.constant 0 : i32
    %c0_i32_0 = arith.constant 0 : i32
    %c0_i32_1 = arith.constant 0 : i32
    return %c0_i32, %c0_i32_0 : i32, i32
  }
  func.func @transform_7(%arg0: i32) -> (i32, i32) {
    %c0_i32 = arith.constant 0 : i32
    %c0_i32_0 = arith.constant 0 : i32
    %c0_i32_1 = arith.constant 0 : i32
    return %c0_i32, %c0_i32_0 : i32, i32
  }
  func.func @transform_8(%arg0: i32) -> (i32, i32) {
    %c0_i32 = arith.constant 0 : i32
    %c0_i32_0 = arith.constant 0 : i32
    %c0_i32_1 = arith.constant 0 : i32
    return %c0_i32, %c0_i32_0 : i32, i32
  }
  func.func @transform_9(%arg0: i32) -> (i32, i32) {
    %c0_i32 = arith.constant 0 : i32
    %c0_i32_0 = arith.constant 0 : i32
    %c0_i32_1 = arith.constant 0 : i32
    return %c0_i32, %c0_i32_0 : i32, i32
  }
  func.func @transform_10(%arg0: i32) -> (i32, i32) {
    %c0_i32 = arith.constant 0 : i32
    %c0_i32_0 = arith.constant 0 : i32
    %c0_i32_1 = arith.constant 0 : i32
    return %c0_i32, %c0_i32_0 : i32, i32
  }
  func.func @transform_11(%arg0: i32) -> (i32, i32) {
    %c0_i32 = arith.constant 0 : i32
    %c0_i32_0 = arith.constant 0 : i32
    %c0_i32_1 = arith.constant 0 : i32
    return %c0_i32, %c0_i32_0 : i32, i32
  }
  func.func @transform_12(%arg0: i32) -> (i32, i32) {
    %c0_i32 = arith.constant 0 : i32
    %c0_i32_0 = arith.constant 0 : i32
    %c0_i32_1 = arith.constant 0 : i32
    return %c0_i32, %c0_i32_0 : i32, i32
  }
  func.func @transform_13(%arg0: i32) -> (i32, i32) {
    %c0_i32 = arith.constant 0 : i32
    %c0_i32_0 = arith.constant 0 : i32
    %c0_i32_1 = arith.constant 0 : i32
    return %c0_i32, %c0_i32_0 : i32, i32
  }
  func.func @transform_14(%arg0: i32) -> (i32, i32) {
    %c0_i32 = arith.constant 0 : i32
    %c0_i32_0 = arith.constant 0 : i32
    %c0_i32_1 = arith.constant 0 : i32
    return %c0_i32, %c0_i32_0 : i32, i32
  }
  func.func @transform_15(%arg0: i32) -> (i32, i32) {
    %c0_i32 = arith.constant 0 : i32
    %c0_i32_0 = arith.constant 0 : i32
    %c0_i32_1 = arith.constant 0 : i32
    return %c0_i32, %c0_i32_0 : i32, i32
  }
  func.func @transform_16(%arg0: i32) -> (i32, i32) {
    %c0_i32 = arith.constant 0 : i32
    %c0_i32_0 = arith.constant 0 : i32
    %c0_i32_1 = arith.constant 0 : i32
    return %c0_i32, %c0_i32_0 : i32, i32
  }
  func.func @transform_17(%arg0: i32) -> (i32, i32) {
    %c0_i32 = arith.constant 0 : i32
    %c0_i32_0 = arith.constant 0 : i32
    return %arg0, %c0_i32 : i32, i32
  }
}

</mosaic_0001>

<sc_bundles>
// kernel: kernel.11.cloned.1.call-start
scs
__scs_entry_jumppad:
0x0: {  	(pc) =	sbr.rel $0x88, $3  }
0x1: {  	(tag) =	ssettag $0x0;
	lr =	simm.s32 $0x1  }
0x2: {  	[smem:$0x3F91] =	sst lr;
	_ =	strace $0xD0000000  }
0x3: {  	_ = 	snop  }
0x4: {  	_ = 	snop  }
0x5: {  	_ = 	snop  }
0x6: {  	_ = 	snop  }
0x7: {  	_ = 	snop  }
__scs_overlays_trampoline_lowered:
0x8: {  	[smem:$0x3FA0] =	sst s0  }
0x9: {  	[smem:$0x3FA1] =	sst s1  }
0xa: {  	[smem:$0x3FA2] =	sst s2  }
0xb: {  	[smem:$0x3FA3] =	sst s3  }
0xc: {  	[smem:$0x3FA4] =	sst s4  }
0xd: {  	[smem:$0x3FA5] =	sst s5  }
0xe: {  	[smem:$0x3FA6] =	sst s6  }
0xf: {  	[smem:$0x3FA7] =	sst s7  }
0x10: {  	[smem:$0x3FA8] =	sst s8  }
0x11: {  	[smem:$0x3FA9] =	sst s9;
	s0 =	simm.s32 @!p0 $0x0  }
0x12: {  	s1 =	sld [smem:$0x3F8F];
	s0 =	simm.s32 @p0 $0x1  }
0x13: {  	[smem:$0x3FAA] =	sst s0;
	s0 =	simm.s32 @!p1 $0x0  }
0x14: {  	s2 =	sld [smem:$0x3F8E];
	s0 =	simm.s32 @p1 $0x1  }
0x15: {  	[smem:$0x3FAB] =	sst s0;
	s0 =	simm.s32 @!p2 $0x0  }
0x16: {  	s3 =	sld [smem:$0x3FDB];
	s0 =	simm.s32 @p2 $0x1  }
0x17: {  	s4 =	simm.s32 $0x1BF5;
	[smem:$0x3FAD] =	sst s0  }
0x18: {  	s0 =	sld [smem:$0x3F90];
	_ =	swait.ge [sflag:s4], $0x0  }
0x19: {  	s7 =	sld [smem:$0x3F91]  }
0x1a: {  	s8 =	sadd.s32 $0xFFFFE003, lr  }
0x1b: {  	s9 =	sadd.s32 $0xFFFFFEF7, lr;
	s5 =	simm.s32 $0xFFFFFFFF;
	p2 =	slt.u32 s8, $0xFFFFF086  }
0x1c: {  	p1 =	slt.u32 s9, $0xF7A;
	s5 =	simm.s32 @!p2 $0x0  }
0x1d: {  	s5 =	simm.s32 @p1 $0x1;
	p0 =	seq.s32 s7, s2  }
0x1e: {  	s7 =	smul.u32 @!p0 $0xF7A, s2;
	p2 =	seq.s32 @!p0 s5, $0x0  }
0x1f: {  	s9 =	smul.u32 $0xF7A, s1;
	s8 =	simm.s32 @!p0 $0x1BF5;
	p2 =	por !p2, p0  }
0x20: {  	[sflag:s8] =	ssyncset.s32 @!p0 $0xFFFFF086;
	s6 =	sadd.s32 @!p0 s3, s7;
	s7 =	simm.s32 @!p0 $0x108  }
0x21: {  	s3 =	sadd.s32 s3, s9;
	s6 =	sadd.s32 @!p0 $0x88, s6;
	s7 =	simm.s32 @p2 $0x1082  }
0x22: {  	[simem:s7], [sflag:s8] =	dma.local @!p0 [hbm:s6], $0xF7A  }
0x23: {  	s9 =	sor.u32 $0xD0000000, s2;
	s6 =	simm.s32 $0x108;
	_ =	swait.ge @!p0 [sflag:s8], $0x0  }
0x24: {  	s3 =	sadd.s32 $0x88, s3;
	s6 =	simm.s32 @!p1 $0x1082;
	[sflag:s4] =	ssyncset.s32 $0xFFFFF086  }
0x25: {  	[simem:s6], [sflag:s4] =	dma.local [hbm:s3], $0xF7A  }
0x26: {  	[smem:$0x3F91] =	sst s1;
	(tag) =	ssettag s2;
	_ =	strace s9  }
0x27: {  	s1 =	sld [smem:$0x3FA1]  }
0x28: {  	s2 =	sld [smem:$0x3FA2]  }
0x29: {  	s4 =	sld [smem:$0x3FA4]  }
0x2a: {  	p0 =	seq.s32 s5, $0x0;
	s5 =	sld [smem:$0x3FA5]  }
0x2b: {  	s6 =	sld [smem:$0x3FA6]  }
0x2c: {  	s7 =	sld [smem:$0x3FA7]  }
0x2d: {  	s3 =	simm.s32 $0x108;
	s8 =	sld [smem:$0x3FA8]  }
0x2e: {  	s3 =	simm.s32 @!p0 $0x1082;
	s9 =	sld [smem:$0x3FA9]  }
0x2f: {  	lr =	sadd.s32 s0, s3;
	s0 =	sld [smem:$0x3FA0]  }
0x30: {  	s3 =	sld [smem:$0x3FA3]  }
0x31: {  	[smem:$0x3FAC] =	sst s10  }
0x32: {  	s10 =	sld [smem:$0x3FAA];
	_ =	sdelay $0x3  }
0x33: {  	p0 =	seq.s32 s10, $0x1;
	s10 =	sld [smem:$0x3FAC];
	_ =	sdelay $0x3  }
0x34: {  	[smem:$0x3FAC] =	sst s10  }
0x35: {  	s10 =	sld [smem:$0x3FAB];
	_ =	sdelay $0x3  }
0x36: {  	p1 =	seq.s32 s10, $0x1;
	s10 =	sld [smem:$0x3FAC];
	_ =	sdelay $0x3  }
0x37: {  	[smem:$0x3FAC] =	sst s10  }
0x38: {  	s10 =	sld [smem:$0x3FAD]  }
0x39: {  	_ = 	snop;
	(pc) =	sbr.ind lr, $3  }
0x3a: {  	_ = 	snop  }
0x3b: {  	_ = 	snop  }
0x3c: {  	p2 =	seq.s32 s10, $0x1;
	s10 =	sld [smem:$0x3FAC]  }
0x3d: {  	_ =	shalt  }
0x3e: {  	_ =	shalt  }
0x3f: {  	_ =	shalt  }
0x40: {  	_ =	shalt  }
0x41: {  	_ =	shalt  }
0x42: {  	_ =	shalt  }
0x43: {  	_ =	shalt  }
0x44: {  	_ =	shalt  }
0x45: {  	_ =	shalt  }
0x46: {  	_ =	shalt  }
0x47: {  	_ =	shalt  }
0x48: {  	_ =	shalt  }
0x49: {  	_ =	shalt  }
0x4a: {  	_ =	shalt  }
0x4b: {  	_ =	shalt  }
0x4c: {  	_ =	shalt  }
0x4d: {  	_ =	shalt  }
0x4e: {  	_ =	shalt  }
0x4f: {  	_ =	shalt  }
0x50: {  	_ =	shalt  }
0x51: {  	_ =	shalt  }
0x52: {  	_ =	shalt  }
0x53: {  	_ =	shalt  }
0x54: {  	_ =	shalt  }
0x55: {  	_ =	shalt  }
0x56: {  	_ =	shalt  }
0x57: {  	_ =	shalt  }
0x58: {  	_ =	shalt  }
0x59: {  	_ =	shalt  }
0x5a: {  	_ =	shalt  }
0x5b: {  	_ =	shalt  }
0x5c: {  	_ =	shalt  }
0x5d: {  	_ =	shalt  }
0x5e: {  	_ =	shalt  }
0x5f: {  	_ =	shalt  }
0x60: {  	_ =	shalt  }
0x61: {  	_ =	shalt  }
0x62: {  	_ =	shalt  }
0x63: {  	_ =	shalt  }
0x64: {  	_ =	shalt  }
0x65: {  	_ =	shalt  }
0x66: {  	_ =	shalt  }
0x67: {  	_ =	shalt  }
0x68: {  	_ =	shalt  }
0x69: {  	_ =	shalt  }
0x6a: {  	_ =	shalt  }
0x6b: {  	_ =	shalt  }
0x6c: {  	_ =	shalt  }
0x6d: {  	_ =	shalt  }
0x6e: {  	_ =	shalt  }
0x6f: {  	_ =	shalt  }
0x70: {  	_ =	shalt  }
0x71: {  	_ =	shalt  }
0x72: {  	_ =	shalt  }
0x73: {  	_ =	shalt  }
0x74: {  	_ =	shalt  }
0x75: {  	_ =	shalt  }
0x76: {  	_ =	shalt  }
0x77: {  	_ =	shalt  }
0x78: {  	_ =	shalt  }
0x79: {  	_ =	shalt  }
0x7a: {  	_ =	shalt  }
0x7b: {  	_ =	shalt  }
0x7c: {  	_ =	shalt  }
0x7d: {  	_ =	shalt  }
0x7e: {  	_ =	shalt  }
0x7f: {  	_ =	shalt  }
0x80: {  	_ =	shalt  }
0x81: {  	_ =	shalt  }
0x82: {  	_ =	shalt  }
0x83: {  	_ =	shalt  }
0x84: {  	_ =	shalt  }
0x85: {  	_ =	shalt  }
0x86: {  	_ =	shalt  }
0x87: {  	_ =	shalt  }
.Lfunc_end0:
.L_simem_size_0:
called_computation.1_lowered:
.L_overlay_start_0:
0x88: {  	s2 =	sld [smem:$0x3FD9]  }
0x89: {  	s3 =	sld [smem:$0x3FFE];
	_ =	sdelay $0x1  }
0x8a: {  	s1 =	srdreg.scid  }
0x8b: {  	s0 =	sand.u32 $0x1, s1  }
0x8c: {  	s14 =	sshll.u32 s0, $0xA;
	s2 =	sadd.s32 s3, s2  }
0x8d: {  	s2 =	sadd.s32 s2, s14  }
0x8e: {  	[smem:$0x3FB8] =	sst s2  }
0x8f: {  	_ = 	snop  }
0x90: {  	s2 =	sld [smem:$0x3FD0];
	_ =	sdelay $0x2  }
0x91: {  	s15 =	simm.s32 $0xB;
	s4 =	simm.s32 $0x10  }
0x92: {  	[smem:s4], [sflag:s15] =	dma.local [hbm:s2], $0x1  }
0x93: {  	_ =	swait.eq [sflag:s15], $0x1  }
0x94: {  	[sflag:s15] =	ssyncset.done $0x0  }
0x95: {  	[sflag:s15] =	ssyncadd.s32 $0xFFFFFFFF  }
0x96: {  	s16 =	sld [smem:$0x11];
	(tm) =	ssettm $0x1  }
0x97: {  	s17 =	sld [smem:$0x3FFB];
	_ =	sdelay $0x3  }
0x98: {  	_ =	strace s17  }
0x99: {  	s3 =	sld [smem:$0x3FFC];
	_ =	sdelay $0x3  }
0x9a: {  	_ =	strace s3  }
0x9b: {  	s3 =	sld [smem:$0x3FFD];
	_ =	sdelay $0x3  }
0x9c: {  	_ =	strace s3  }
0x9d: {  	_ =	strace $0x8FFFFFFF  }
0x9e: {  	s18 =	sld [smem:$0x3FDB];
	_ =	sdelay $0x1  }
0x9f: {  	s19 =	simm.s32 $_scs_section_size  }
0xa0: {  	s5 =	simm.s32 $_size__tile_overlayer_lowered;
	s6 =	simm.s32 $_tile_overlayer_lowered  }
0xa1: {  	s22 =	simm.s32 $0x1BFF;
	s21 =	sshll.u32 s6, $0x1;
	s3 =	sadd.s32 s19, s18  }
0xa2: {  	s7 =	simm.s32 $0x0;
	s20 =	sshll.u32 s5, $0x1;
	s5 =	sadd.s32 s21, s3  }
0xa3: {  	[timem:s7], [sflag:s22] =	dma.local [hbm:s5], s20  }
0xa4: {  	_ =	swait.ge [sflag:s22], s20  }
0xa5: {  	s4 =	ssub.s32 $0x0, s20;
	[sflag:s22] =	ssyncset.done $0x0  }
0xa6: {  	[sflag:s22] =	ssyncadd.s32 s4;
	_ =	sdelay $0x1  }
0xa7: {  	s23 =	simm.s32 $0x1B8B  }
0xa8: {  	_ =	swait.ge [sflag:s23], $0x1  }
0xa9: {  	[sflag:s23] =	ssyncset.done $0x0  }
0xaa: {  	s25 =	simm.s32 $0x1B8E;
	s24 =	sld [smem:$0x3FFE];
	[sflag:s23] =	ssyncadd.s32 $0xFFFFFFFF  }
0xab: {  	s26 =	simm.s32 $execute0_lowered;
	[smem:$0x3FD2] =	sst s25  }
0xac: {  	s5 =	sshll.u32 s26, $0x1;
	_ =	strace $0x80000046;
	[dreg:$0x1] =	wrdreg $0xFFFFFFFF  }
0xad: {  	s28 =	simm.s32 $_size_execute0_lowered;
	s3 =	sadd.s32 s3, s5;
	[dreg:$0x0] =	wrdreg $0x0  }
0xae: {  	s5 =	sshll.u32 s28, $0x1;
	[dreg:$0x2] =	wrdreg s3  }
0xaf: {  	[dreg:$0x3] =	wrdreg s5  }
0xb0: {  	[dreg:$0x4] =	wrdreg $0xC0  }
0xb1: {  	_ =	task [dreg:s7], $0x5FFFF  }
0xb2: {  	[dreg:$0x1] =	wrdreg $0xFFFFFFFF  }
0xb3: {  	[dreg:$0x0] =	wrdreg $0x60  }
0xb4: {  	[dreg:$0x2] =	wrdreg s24  }
0xb5: {  	[dreg:$0x3] =	wrdreg s16  }
0xb6: {  	[dreg:$0x4] =	wrdreg $0xA  }
0xb7: {  	_ =	task.clear_ibuf [dreg:s7], $0x5FFFF;
	_ =	strace $0x90000046  }
0xb8: {  	s29 =	simm.s32 $0xA;
	_ =	strace $0x80000048  }
0xb9: {  	_ =	swait.ge [sflag:s29], $0x1  }
0xba: {  	[sflag:s29] =	ssyncadd.s32 $0xFFFFFFFF  }
0xbb: {  	_ =	strace $0x90000048  }
0xbc: {  	_ =	sfence  }
0xbd: {  	s30 =	sld [smem:$0x0];
	_ =	sdelay $0x2  }
0xbe: {  	s31 =	sshll.u32 s1, $0xD;
	s1 =	sshrl.u32 s1, $0x2  }
0xbf: {  	s3 =	sand.u32 $0x4000, s31;
	s1 =	sadd.s32 s1, s30  }
0xc0: {  	s0 =	sor.u32 s3, s0;
	s1 =	sshll.u32 s1, $0x11  }
0xc1: {  	s0 =	sor.u32 s1, s0  }
0xc2: {  	s0 =	sadd.s32 $0x8F2B, s0  }
0xc3: {  	[sflag:s0] =	ssyncadd.remote.s32 $0x1  }
0xc4: {  	_ =	sfence.sel $0xFFFF  }
0xc5: {  	[dreg:$0x0] =	wrdreg $0xFFFFFFFF;
	(pc) =	sbr.abs _section_cstart, $3  }
0xc6: {  	[dreg:$0x1] =	wrdreg $0xFFFFFFFF  }
0xc7: {  	_ =	task.clear_ibuf [dreg:s7], $0x2FFFF;
	_ =	strace $0x9FFFFFFF  }
0xc8: {  	(tm) =	ssettm $0x7FFFFFFF  }
0xc9: {  	_ =	shalt  }
tec
execute0_lowered:
.L_overlay_start_1:
0x0: {  	(tag) =	ssettag $0x1  }
0x1: {  	s4 =	rddreg [dreg:$0x0]  }
0x2: {  	s5 =	rddreg [dreg:$0x1]  }
0x3: {  	s0 =	rddreg [dreg:$0x2];
	s2 =	simm.s32 $0x0  }
0x4: {  	s3 =	srdreg.scid;
	s1 =	stileid.u32;
	s12 =	simm.s32 $0x1  }
0x5: {  	s13 =	simm.s32 $0x2;
	s14 =	simm.s32 $0x0;
	[smem:$0x7FF] =	sst s2  }
0x6: {  	s7 =	sand.u32 $0x1, s3;
	s24 =	sshll.u32 s1, $0x1;
	s6 =	smul.u32 $0x1E00, s1  }
0x7: {  	s3 =	sadd.s32 $0x4E6000, s4;
	s11 =	sadd.s32 $0x4000, s4;
	s30 =	smul.u32 $0x3C00, s1  }
0x8: {  	s8 =	sor.u32 s7, s24;
	s9 =	smul.u32 $0xF00, s7;
	s10 =	ssub.s32 $0x2, s7  }
0x9: {  	_ =	strace $0x80000047;
	s8 =	smul.u32 $0xF00, s8;
	s25 =	sshrl.u32 s10, $0x1  }
0xa: {  	s31 =	smul.u32 $0x1E00, s7;
	s6 =	sadd.s32 s9, s6;
	s26 =	ssub.s32 s10, s25  }
0xb: {  	s10 =	sadd.s32 s30, s11;
	s28 =	sshrl.u32 s8, $0x3;
	s6 =	sshll.u32 s6, $0x1  }
0xc: {  	s9 =	sadd.s32 s31, s10;
	s10 =	simm.s32 $0x3;
	s4 =	sadd.s32 s5, s28  }
0xd: {  	s29 =	sadd.s32 s6, s11;
	s5 =	smax.u32 s26, $0x1;
	s11 =	simm.s32 $0x60  }
0xe: {  	s6 =	sadd.s32 $0x240, s29;
	s7 =	sadd.s32 $0x180, s29;
	s8 =	sadd.s32 $0xC0, s29  }
.LBB2_1:
0xf: {  	[tilespmem:s2], [sflag:$0x3] =	stream.linear.gather [hbm4b:s4+s2], $0xF00, $0x38;
	[tilespmem:$0x3F00] =	vst v63  }
0x10: {  	p0 =	por $0x1, $0x1;
	_ =	swait.ge [sflag:s10], $0xF00  }
0x11: {  	p0 =	por p0, p0;
	[sflag:s10] =	ssyncset.done $0x0  }
0x12: {  	s15 =	simm.s32 @!p0 $0x2;
	[sflag:s10] =	ssyncadd.s32 $0xFFFFF100  }
0x13: {  	_ =	swait.ge @!p0 [sflag:s15], $0x600  }
0x14: {  	[sflag:s15] =	ssyncset.done @!p0 $0x0  }
0x15: {  	[sflag:s15] =	ssyncadd.s32 @!p0 $0xFFFFFA00  }
0x16: {  	_ =	swait.ge @!p0 [sflag:s15], $0x600  }
0x17: {  	[sflag:s15] =	ssyncset.done @!p0 $0x0  }
0x18: {  	[sflag:s15] =	ssyncadd.s32 @!p0 $0xFFFFFA00  }
0x19: {  	_ =	swait.ge @!p0 [sflag:s15], $0x600  }
0x1a: {  	s16 =	sand.u32 $0x4, s2;
	[sflag:s15] =	ssyncset.done @!p0 $0x0  }
0x1b: {  	s16 =	smul.u32 $0x1800, s16;
	[sflag:s15] =	ssyncadd.s32 @!p0 $0xFFFFFA00  }
0x1c: {  	_ =	swait.ge @!p0 [sflag:s15], $0x600  }
0x1d: {  	s16 =	sshrl.u32 s16, $0x2;
	[sflag:s15] =	ssyncset.done @!p0 $0x0  }
0x1e: {  	s17 =	simm.s32 $0x0;
	s28 =	sadd.s32 $0xF00, s16;
	[sflag:s15] =	ssyncadd.s32 @!p0 $0xFFFFFA00  }
0x1f: {  	[tilespmem:s28], [sflag:$0x1] =	stream.indirect.gather [hbm4b:s3+s11], $0x10, s17, s11, $0xb8;
	[tilespmem:$0x3F00] =	vst v63  }
0x20: {  	s18 =	simm.s32 $0x60;
	s29 =	sadd.s32 $0x1500, s16  }
0x21: {  	[tilespmem:s29], [sflag:$0x1] =	stream.indirect.gather [hbm4b:s3+s11], $0x10, s18, s11, $0xb8;
	[tilespmem:$0x3F00] =	vst v63  }
0x22: {  	s19 =	simm.s32 $0xC0;
	s30 =	sadd.s32 $0x1B00, s16  }
0x23: {  	[tilespmem:s30], [sflag:$0x1] =	stream.indirect.gather [hbm4b:s3+s11], $0x10, s19, s11, $0xb8;
	[tilespmem:$0x3F00] =	vst v63  }
0x24: {  	s31 =	simm.s32 $0x120;
	s24 =	sadd.s32 $0x2100, s16  }
0x25: {  	[tilespmem:s24], [sflag:$0x1] =	stream.indirect.gather [hbm4b:s3+s11], $0x10, s31, s11, $0xb8;
	[tilespmem:$0x3F00] =	vst v63  }
0x26: {  	_ =	swait.ge [sflag:s12], $0x600  }
0x27: {  	[sflag:s12] =	ssyncset.done $0x0  }
0x28: {  	[sflag:s12] =	ssyncadd.s32 $0xFFFFFA00  }
0x29: {  	_ =	swait.ge [sflag:s12], $0x600  }
0x2a: {  	[sflag:s12] =	ssyncset.done $0x0  }
0x2b: {  	[sflag:s12] =	ssyncadd.s32 $0xFFFFFA00  }
0x2c: {  	_ =	swait.ge [sflag:s12], $0x600  }
0x2d: {  	[sflag:s12] =	ssyncset.done $0x0  }
0x2e: {  	[sflag:s12] =	ssyncadd.s32 $0xFFFFFA00  }
0x2f: {  	p6 =	por $0x1, $0x1;
	_ =	swait.ge [sflag:s12], $0x600  }
0x30: {  	s21 =	simm.s32 $0xC00;
	s20 =	simm.s32 $0x4;
	[sflag:s12] =	ssyncset.done $0x0  }
0x31: {  	s22 =	simm.s32 $0x2;
	s23 =	smov.u32 s6;
	[sflag:s12] =	ssyncadd.s32 $0xFFFFFA00  }
0x32: {  	[hbm4b:s9+s2] =	stream.linear.scatter [tilespmem:s28], [sflag:$0x2], $0x600, $0x38;
	[tilespmem:$0x3F00] =	vst v63  }
0x33: {  	s16 =	sadd.s32 $0x300, s6;
	p0 =	por p6, p6;
	s15 =	sadd.s32 $0x300, s8  }
0x34: {  	[hbm4b:s8+s2] =	stream.linear.scatter [tilespmem:s29], [sflag:$0x2], $0x600, $0x38;
	[tilespmem:$0x3F00] =	vst v63  }
0x35: {  	s17 =	sadd.s32 $0x300, s9;
	s18 =	sadd.s32 $0x300, s7;
	s19 =	simm.s32 $0x600  }
0x36: {  	[hbm4b:s7+s2] =	stream.linear.scatter [tilespmem:s30], [sflag:$0x2], $0x600, $0x38;
	[tilespmem:$0x3F00] =	vst v63  }
.LBB2_2:
0x37: {  	[hbm4b:s23+s2] =	stream.linear.scatter [tilespmem:s24], [sflag:$0x2], $0x600, $0x38;
	[tilespmem:$0x3F00] =	vst v63  }
0x38: {  	s24 =	smov.u32 s21;
	s23 =	smov.u32 s16  }
0x39: {  	p2 =	slt.u32 s22, $0x2;
	s21 =	sadd.s32 $0x600, s21;
	s25 =	simm.s32 @!p0 $0x2  }
0x3a: {  	p1 =	sne.s32 s21, $0x3C00;
	_ =	swait.ge @!p0 [sflag:s25], $0x600  }
0x3b: {  	[sflag:s25] =	ssyncset.done @!p0 $0x0  }
0x3c: {  	[sflag:s25] =	ssyncadd.s32 @!p0 $0xFFFFFA00  }
0x3d: {  	_ =	swait.ge @!p0 [sflag:s25], $0x600  }
0x3e: {  	[sflag:s25] =	ssyncset.done @!p0 $0x0  }
0x3f: {  	[sflag:s25] =	ssyncadd.s32 @!p0 $0xFFFFFA00  }
0x40: {  	_ =	swait.ge @!p0 [sflag:s25], $0x600  }
0x41: {  	s26 =	sand.u32 $0x4, s20;
	[sflag:s25] =	ssyncset.done @!p0 $0x0  }
0x42: {  	s26 =	smul.u32 $0x1800, s26;
	[sflag:s25] =	ssyncadd.s32 @!p0 $0xFFFFFA00  }
0x43: {  	_ =	swait.ge @!p0 [sflag:s25], $0x600  }
0x44: {  	s26 =	sshrl.u32 s26, $0x2;
	[sflag:s25] =	ssyncset.done @!p0 $0x0  }
0x45: {  	s28 =	sshra.s32 s19, $0x2;
	[sflag:s25] =	ssyncadd.s32 @!p0 $0xFFFFFA00;
	s25 =	sadd.s32 $0xF00, s26  }
0x46: {  	[tilespmem:s25], [sflag:$0x1] =	stream.indirect.gather [hbm4b:s3+s11], $0x10, s28, s11, $0xb8;
	[tilespmem:$0x3F00] =	vst v63  }
0x47: {  	s30 =	sadd.s32 $0x60, s28;
	s19 =	smov.u32 s24;
	s29 =	sadd.s32 $0x1500, s26  }
0x48: {  	[tilespmem:s29], [sflag:$0x1] =	stream.indirect.gather [hbm4b:s3+s11], $0x10, s30, s11, $0xb8;
	[tilespmem:$0x3F00] =	vst v63  }
0x49: {  	s24 =	sadd.s32 $0xC0, s28;
	p0 =	por p2, p2;
	s30 =	sadd.s32 $0x1B00, s26  }
0x4a: {  	[tilespmem:s30], [sflag:$0x1] =	stream.indirect.gather [hbm4b:s3+s11], $0x10, s24, s11, $0xb8;
	[tilespmem:$0x3F00] =	vst v63  }
0x4b: {  	s24 =	sadd.s32 $0x2100, s26;
	s26 =	sadd.s32 $0x120, s28  }
0x4c: {  	[tilespmem:s24], [sflag:$0x1] =	stream.indirect.gather [hbm4b:s3+s11], $0x10, s26, s11, $0xb8;
	[tilespmem:$0x3F00] =	vst v63  }
0x4d: {  	_ =	swait.ge [sflag:s12], $0x600  }
0x4e: {  	[sflag:s12] =	ssyncset.done $0x0  }
0x4f: {  	[sflag:s12] =	ssyncadd.s32 $0xFFFFFA00  }
0x50: {  	_ =	swait.ge [sflag:s12], $0x600  }
0x51: {  	[sflag:s12] =	ssyncset.done $0x0  }
0x52: {  	[sflag:s12] =	ssyncadd.s32 $0xFFFFFA00  }
0x53: {  	_ =	swait.ge [sflag:s12], $0x600  }
0x54: {  	[sflag:s12] =	ssyncset.done $0x0  }
0x55: {  	[sflag:s12] =	ssyncadd.s32 $0xFFFFFA00  }
0x56: {  	_ =	swait.ge [sflag:s12], $0x600  }
0x57: {  	[sflag:s12] =	ssyncset.done $0x0  }
0x58: {  	[sflag:s12] =	ssyncadd.s32 $0xFFFFFA00  }
0x59: {  	[hbm4b:s17+s2] =	stream.linear.scatter [tilespmem:s25], [sflag:$0x2], $0x600, $0x38;
	[tilespmem:$0x3F00] =	vst v63  }
.Ltmp0:
0x5a: {  	(pc) =	sbr.rel @p1 .LBB2_2-.Ltmp0, $4  }
0x5b: {  	[hbm4b:s15+s2] =	stream.linear.scatter [tilespmem:s29], [sflag:$0x2], $0x600, $0x38;
	[tilespmem:$0x3F00] =	vst v63  }
0x5c: {  	s20 =	sadd.s32 $0x4, s20;
	s17 =	sadd.s32 $0x300, s17;
	s15 =	sadd.s32 $0x300, s15  }
0x5d: {  	[hbm4b:s18+s2] =	stream.linear.scatter [tilespmem:s30], [sflag:$0x2], $0x600, $0x38;
	[tilespmem:$0x3F00] =	vst v63  }
0x5e: {  	s22 =	sadd.s32 $0x1, s22;
	s16 =	sadd.s32 $0x300, s16;
	s18 =	sadd.s32 $0x300, s18  }
0x5f: {  	[hbm4b:s23+s2] =	stream.linear.scatter [tilespmem:s24], [sflag:$0x2], $0x600, $0x38;
	[tilespmem:$0x3F00] =	vst v63  }
0x60: {  	s21 =	simm.s32 @!p0 $0x2  }
0x61: {  	_ =	swait.ge @!p0 [sflag:s21], $0x600  }
0x62: {  	[sflag:s21] =	ssyncset.done @!p0 $0x0  }
0x63: {  	[sflag:s21] =	ssyncadd.s32 @!p0 $0xFFFFFA00  }
0x64: {  	_ =	swait.ge @!p0 [sflag:s21], $0x600  }
0x65: {  	[sflag:s21] =	ssyncset.done @!p0 $0x0  }
0x66: {  	[sflag:s21] =	ssyncadd.s32 @!p0 $0xFFFFFA00  }
0x67: {  	_ =	swait.ge @!p0 [sflag:s21], $0x600  }
0x68: {  	s20 =	sand.u32 $0x4, s20;
	[sflag:s21] =	ssyncset.done @!p0 $0x0  }
0x69: {  	s20 =	smul.u32 $0x1800, s20;
	[sflag:s21] =	ssyncadd.s32 @!p0 $0xFFFFFA00  }
0x6a: {  	_ =	swait.ge @!p0 [sflag:s21], $0x600  }
0x6b: {  	s20 =	sshrl.u32 s20, $0x2;
	[sflag:s21] =	ssyncset.done @!p0 $0x0  }
0x6c: {  	s19 =	sshra.s32 s19, $0x2;
	s28 =	sadd.s32 $0xF00, s20;
	[sflag:s21] =	ssyncadd.s32 @!p0 $0xFFFFFA00  }
0x6d: {  	[tilespmem:s28], [sflag:$0x1] =	stream.indirect.gather [hbm4b:s3+s11], $0x10, s19, s11, $0xb8;
	[tilespmem:$0x3F00] =	vst v63  }
0x6e: {  	s29 =	sadd.s32 $0x60, s19;
	s22 =	sadd.s32 $0x1500, s20  }
0x6f: {  	[tilespmem:s22], [sflag:$0x1] =	stream.indirect.gather [hbm4b:s3+s11], $0x10, s29, s11, $0xb8;
	[tilespmem:$0x3F00] =	vst v63  }
0x70: {  	s31 =	sadd.s32 $0xC0, s19;
	s30 =	sadd.s32 $0x1B00, s20  }
0x71: {  	[tilespmem:s30], [sflag:$0x1] =	stream.indirect.gather [hbm4b:s3+s11], $0x10, s31, s11, $0xb8;
	[tilespmem:$0x3F00] =	vst v63  }
0x72: {  	s20 =	sadd.s32 $0x2100, s20;
	s19 =	sadd.s32 $0x120, s19  }
0x73: {  	[tilespmem:s20], [sflag:$0x1] =	stream.indirect.gather [hbm4b:s3+s11], $0x10, s19, s11, $0xb8;
	[tilespmem:$0x3F00] =	vst v63  }
0x74: {  	_ =	swait.ge [sflag:s12], $0x600  }
0x75: {  	[sflag:s12] =	ssyncset.done $0x0  }
0x76: {  	[sflag:s12] =	ssyncadd.s32 $0xFFFFFA00  }
0x77: {  	_ =	swait.ge [sflag:s12], $0x600  }
0x78: {  	[sflag:s12] =	ssyncset.done $0x0  }
0x79: {  	[sflag:s12] =	ssyncadd.s32 $0xFFFFFA00  }
0x7a: {  	_ =	swait.ge [sflag:s12], $0x600  }
0x7b: {  	[sflag:s12] =	ssyncset.done $0x0  }
0x7c: {  	[sflag:s12] =	ssyncadd.s32 $0xFFFFFA00  }
0x7d: {  	_ =	swait.ge [sflag:s12], $0x600  }
0x7e: {  	[sflag:s12] =	ssyncset.done $0x0  }
0x7f: {  	[sflag:s12] =	ssyncadd.s32 $0xFFFFFA00  }
0x80: {  	[hbm4b:s17+s2] =	stream.linear.scatter [tilespmem:s28], [sflag:$0x2], $0x600, $0x38;
	[tilespmem:$0x3F00] =	vst v63  }
0x81: {  	_ = 	snop  }
0x82: {  	[hbm4b:s15+s2] =	stream.linear.scatter [tilespmem:s22], [sflag:$0x2], $0x600, $0x38;
	[tilespmem:$0x3F00] =	vst v63  }
0x83: {  	_ = 	snop  }
0x84: {  	[hbm4b:s18+s2] =	stream.linear.scatter [tilespmem:s30], [sflag:$0x2], $0x600, $0x38;
	[tilespmem:$0x3F00] =	vst v63  }
0x85: {  	_ = 	snop  }
0x86: {  	[hbm4b:s16+s2] =	stream.linear.scatter [tilespmem:s20], [sflag:$0x2], $0x600, $0x38;
	[tilespmem:$0x3F00] =	vst v63  }
0x87: {  	_ =	swait.ge [sflag:s13], $0x600  }
0x88: {  	[sflag:s13] =	ssyncset.done $0x0  }
0x89: {  	[sflag:s13] =	ssyncadd.s32 $0xFFFFFA00  }
0x8a: {  	_ =	swait.ge [sflag:s13], $0x600  }
0x8b: {  	[sflag:s13] =	ssyncset.done $0x0  }
0x8c: {  	[sflag:s13] =	ssyncadd.s32 $0xFFFFFA00  }
0x8d: {  	_ =	swait.ge [sflag:s13], $0x600  }
0x8e: {  	[sflag:s13] =	ssyncset.done $0x0  }
0x8f: {  	[sflag:s13] =	ssyncadd.s32 $0xFFFFFA00  }
0x90: {  	_ =	swait.ge [sflag:s13], $0x600  }
0x91: {  	[sflag:s13] =	ssyncset.done $0x0  }
0x92: {  	[sflag:s13] =	ssyncadd.s32 $0xFFFFFA00  }
0x93: {  	_ =	swait.ge [sflag:s13], $0x600  }
0x94: {  	[sflag:s13] =	ssyncset.done $0x0  }
0x95: {  	[sflag:s13] =	ssyncadd.s32 $0xFFFFFA00  }
0x96: {  	_ =	swait.ge [sflag:s13], $0x600  }
0x97: {  	[sflag:s13] =	ssyncset.done $0x0  }
0x98: {  	s14 =	sadd.s32 $0x1, s14;
	[sflag:s13] =	ssyncadd.s32 $0xFFFFFA00  }
0x99: {  	p0 =	sne.s32 s14, s5;
	_ =	swait.ge [sflag:s13], $0x600  }
.Ltmp1:
0x9a: {  	[sflag:s13] =	ssyncset.done $0x0;
	(pc) =	sbr.rel @p0 .LBB2_1-.Ltmp1, $4  }
0x9b: {  	[sflag:s13] =	ssyncadd.s32 $0xFFFFFA00  }
0x9c: {  	_ =	swait.ge [sflag:s13], $0x600  }
0x9d: {  	[sflag:s13] =	ssyncset.done $0x0  }
0x9e: {  	[sflag:s13] =	ssyncadd.s32 $0xFFFFFA00  }
0x9f: {  	_ =	sfence.sel $0x180000  }
0xa0: {  	[bflag:$0x0] =	sbarrier.arrive $0xFFFF  }
0xa1: {  	p0 =	sne.s32 s1, $0x0;
	_ =	strace $0x90000047  }
0xa2: {  	s0 =	sadd.s32 @!p0 $0x100000, s0;
	[bflag:$0x2] =	sbarrier.arrive $0xFFFF  }
0xa3: {  	[sflag:s0] =	ssyncadd.tile.s32 @!p0 $0x1;
	_ =	shalt  }
.Lfunc_end2:
_tile_overlayer_lowered:
.L_overlay_start_2:
0xa4: {  	(tag) =	ssettag $0x2  }
0xa5: {  	s0 =	rddreg [dreg:$0x0];
	s2 =	stileid.u32  }
0xa6: {  	s1 =	rddreg [dreg:$0x1];
	p0 =	sne.s32 s2, $0x0  }
0xa7: {  	s3 =	rddreg [dreg:$0x2];
	[bflag:$0x3] =	sbarrier.arrive $0xFFFF;
	s2 =	simm.s32 @!p0 $0x1C03  }
0xa8: {  	[timem:s3], [sflag:s2] =	dma.local @!p0 [hbm:s0], s1  }
0xa9: {  	s0 =	simm.s32 @!p0 $0x3  }
0xaa: {  	_ =	swait.ge @!p0 [sflag:s0], s1  }
0xab: {  	s1 =	ssub.s32 @!p0 $0x0, s1;
	[sflag:s0] =	ssyncset.done @!p0 $0x0  }
0xac: {  	[sflag:s0] =	ssyncadd.s32 @!p0 s1  }
0xad: {  	[bflag:$0x3] =	sbarrier.arrive $0xFFFF  }
0xae: {  	_ =	shalt  }

// kernel: kernel.14.cloned.1.call-start
scs
__scs_entry_jumppad:
0x0: {  	(pc) =	sbr.rel $0x88, $3  }
0x1: {  	(tag) =	ssettag $0x0;
	lr =	simm.s32 $0x1  }
0x2: {  	[smem:$0x3F91] =	sst lr;
	_ =	strace $0xD0000000  }
0x3: {  	_ = 	snop  }
0x4: {  	_ = 	snop  }
0x5: {  	_ = 	snop  }
0x6: {  	_ = 	snop  }
0x7: {  	_ = 	snop  }
__scs_overlays_trampoline_lowered:
0x8: {  	[smem:$0x3FA0] =	sst s0  }
0x9: {  	[smem:$0x3FA1] =	sst s1  }
0xa: {  	[smem:$0x3FA2] =	sst s2  }
0xb: {  	[smem:$0x3FA3] =	sst s3  }
0xc: {  	[smem:$0x3FA4] =	sst s4  }
0xd: {  	[smem:$0x3FA5] =	sst s5  }
0xe: {  	[smem:$0x3FA6] =	sst s6  }
0xf: {  	[smem:$0x3FA7] =	sst s7  }
0x10: {  	[smem:$0x3FA8] =	sst s8  }
0x11: {  	[smem:$0x3FA9] =	sst s9;
	s0 =	simm.s32 @!p0 $0x0  }
0x12: {  	s1 =	sld [smem:$0x3F8F];
	s0 =	simm.s32 @p0 $0x1  }
0x13: {  	[smem:$0x3FAA] =	sst s0;
	s0 =	simm.s32 @!p1 $0x0  }
0x14: {  	s2 =	sld [smem:$0x3F8E];
	s0 =	simm.s32 @p1 $0x1  }
0x15: {  	[smem:$0x3FAB] =	sst s0;
	s0 =	simm.s32 @!p2 $0x0  }
0x16: {  	s3 =	sld [smem:$0x3FDB];
	s0 =	simm.s32 @p2 $0x1  }
0x17: {  	s4 =	simm.s32 $0x1BF5;
	[smem:$0x3FAD] =	sst s0  }
0x18: {  	s0 =	sld [smem:$0x3F90];
	_ =	swait.ge [sflag:s4], $0x0  }
0x19: {  	s7 =	sld [smem:$0x3F91]  }
0x1a: {  	s8 =	sadd.s32 $0xFFFFE003, lr  }
0x1b: {  	s9 =	sadd.s32 $0xFFFFFEF7, lr;
	s5 =	simm.s32 $0xFFFFFFFF;
	p2 =	slt.u32 s8, $0xFFFFF086  }
0x1c: {  	p1 =	slt.u32 s9, $0xF7A;
	s5 =	simm.s32 @!p2 $0x0  }
0x1d: {  	s5 =	simm.s32 @p1 $0x1;
	p0 =	seq.s32 s7, s2  }
0x1e: {  	s7 =	smul.u32 @!p0 $0xF7A, s2;
	p2 =	seq.s32 @!p0 s5, $0x0  }
0x1f: {  	s9 =	smul.u32 $0xF7A, s1;
	s8 =	simm.s32 @!p0 $0x1BF5;
	p2 =	por !p2, p0  }
0x20: {  	[sflag:s8] =	ssyncset.s32 @!p0 $0xFFFFF086;
	s6 =	sadd.s32 @!p0 s3, s7;
	s7 =	simm.s32 @!p0 $0x108  }
0x21: {  	s3 =	sadd.s32 s3, s9;
	s6 =	sadd.s32 @!p0 $0x88, s6;
	s7 =	simm.s32 @p2 $0x1082  }
0x22: {  	[simem:s7], [sflag:s8] =	dma.local @!p0 [hbm:s6], $0xF7A  }
0x23: {  	s9 =	sor.u32 $0xD0000000, s2;
	s6 =	simm.s32 $0x108;
	_ =	swait.ge @!p0 [sflag:s8], $0x0  }
0x24: {  	s3 =	sadd.s32 $0x88, s3;
	s6 =	simm.s32 @!p1 $0x1082;
	[sflag:s4] =	ssyncset.s32 $0xFFFFF086  }
0x25: {  	[simem:s6], [sflag:s4] =	dma.local [hbm:s3], $0xF7A  }
0x26: {  	[smem:$0x3F91] =	sst s1;
	(tag) =	ssettag s2;
	_ =	strace s9  }
0x27: {  	s1 =	sld [smem:$0x3FA1]  }
0x28: {  	s2 =	sld [smem:$0x3FA2]  }
0x29: {  	s4 =	sld [smem:$0x3FA4]  }
0x2a: {  	p0 =	seq.s32 s5, $0x0;
	s5 =	sld [smem:$0x3FA5]  }
0x2b: {  	s6 =	sld [smem:$0x3FA6]  }
0x2c: {  	s7 =	sld [smem:$0x3FA7]  }
0x2d: {  	s3 =	simm.s32 $0x108;
	s8 =	sld [smem:$0x3FA8]  }
0x2e: {  	s3 =	simm.s32 @!p0 $0x1082;
	s9 =	sld [smem:$0x3FA9]  }
0x2f: {  	lr =	sadd.s32 s0, s3;
	s0 =	sld [smem:$0x3FA0]  }
0x30: {  	s3 =	sld [smem:$0x3FA3]  }
0x31: {  	[smem:$0x3FAC] =	sst s10  }
0x32: {  	s10 =	sld [smem:$0x3FAA];
	_ =	sdelay $0x3  }
0x33: {  	p0 =	seq.s32 s10, $0x1;
	s10 =	sld [smem:$0x3FAC];
	_ =	sdelay $0x3  }
0x34: {  	[smem:$0x3FAC] =	sst s10  }
0x35: {  	s10 =	sld [smem:$0x3FAB];
	_ =	sdelay $0x3  }
0x36: {  	p1 =	seq.s32 s10, $0x1;
	s10 =	sld [smem:$0x3FAC];
	_ =	sdelay $0x3  }
0x37: {  	[smem:$0x3FAC] =	sst s10  }
0x38: {  	s10 =	sld [smem:$0x3FAD]  }
0x39: {  	_ = 	snop;
	(pc) =	sbr.ind lr, $3  }
0x3a: {  	_ = 	snop  }
0x3b: {  	_ = 	snop  }
0x3c: {  	p2 =	seq.s32 s10, $0x1;
	s10 =	sld [smem:$0x3FAC]  }
0x3d: {  	_ =	shalt  }
0x3e: {  	_ =	shalt  }
0x3f: {  	_ =	shalt  }
0x40: {  	_ =	shalt  }
0x41: {  	_ =	shalt  }
0x42: {  	_ =	shalt  }
0x43: {  	_ =	shalt  }
0x44: {  	_ =	shalt  }
0x45: {  	_ =	shalt  }
0x46: {  	_ =	shalt  }
0x47: {  	_ =	shalt  }
0x48: {  	_ =	shalt  }
0x49: {  	_ =	shalt  }
0x4a: {  	_ =	shalt  }
0x4b: {  	_ =	shalt  }
0x4c: {  	_ =	shalt  }
0x4d: {  	_ =	shalt  }
0x4e: {  	_ =	shalt  }
0x4f: {  	_ =	shalt  }
0x50: {  	_ =	shalt  }
0x51: {  	_ =	shalt  }
0x52: {  	_ =	shalt  }
0x53: {  	_ =	shalt  }
0x54: {  	_ =	shalt  }
0x55: {  	_ =	shalt  }
0x56: {  	_ =	shalt  }
0x57: {  	_ =	shalt  }
0x58: {  	_ =	shalt  }
0x59: {  	_ =	shalt  }
0x5a: {  	_ =	shalt  }
0x5b: {  	_ =	shalt  }
0x5c: {  	_ =	shalt  }
0x5d: {  	_ =	shalt  }
0x5e: {  	_ =	shalt  }
0x5f: {  	_ =	shalt  }
0x60: {  	_ =	shalt  }
0x61: {  	_ =	shalt  }
0x62: {  	_ =	shalt  }
0x63: {  	_ =	shalt  }
0x64: {  	_ =	shalt  }
0x65: {  	_ =	shalt  }
0x66: {  	_ =	shalt  }
0x67: {  	_ =	shalt  }
0x68: {  	_ =	shalt  }
0x69: {  	_ =	shalt  }
0x6a: {  	_ =	shalt  }
0x6b: {  	_ =	shalt  }
0x6c: {  	_ =	shalt  }
0x6d: {  	_ =	shalt  }
0x6e: {  	_ =	shalt  }
0x6f: {  	_ =	shalt  }
0x70: {  	_ =	shalt  }
0x71: {  	_ =	shalt  }
0x72: {  	_ =	shalt  }
0x73: {  	_ =	shalt  }
0x74: {  	_ =	shalt  }
0x75: {  	_ =	shalt  }
0x76: {  	_ =	shalt  }
0x77: {  	_ =	shalt  }
0x78: {  	_ =	shalt  }
0x79: {  	_ =	shalt  }
0x7a: {  	_ =	shalt  }
0x7b: {  	_ =	shalt  }
0x7c: {  	_ =	shalt  }
0x7d: {  	_ =	shalt  }
0x7e: {  	_ =	shalt  }
0x7f: {  	_ =	shalt  }
0x80: {  	_ =	shalt  }
0x81: {  	_ =	shalt  }
0x82: {  	_ =	shalt  }
0x83: {  	_ =	shalt  }
0x84: {  	_ =	shalt  }
0x85: {  	_ =	shalt  }
0x86: {  	_ =	shalt  }
0x87: {  	_ =	shalt  }
.Lfunc_end0:
.L_simem_size_0:
called_computation.2_lowered:
.L_overlay_start_0:
0x88: {  	s2 =	sld [smem:$0x3FD9]  }
0x89: {  	s3 =	sld [smem:$0x3FFE];
	_ =	sdelay $0x1  }
0x8a: {  	s1 =	srdreg.scid  }
0x8b: {  	s0 =	sand.u32 $0x1, s1  }
0x8c: {  	s14 =	sshll.u32 s0, $0xA;
	s2 =	sadd.s32 s3, s2  }
0x8d: {  	s2 =	sadd.s32 s2, s14  }
0x8e: {  	[smem:$0x3FB8] =	sst s2  }
0x8f: {  	_ = 	snop  }
0x90: {  	s2 =	sld [smem:$0x3FD0];
	_ =	sdelay $0x2  }
0x91: {  	s15 =	simm.s32 $0xB;
	s4 =	simm.s32 $0x10  }
0x92: {  	[smem:s4], [sflag:s15] =	dma.local [hbm:s2], $0x1  }
0x93: {  	_ =	swait.eq [sflag:s15], $0x1  }
0x94: {  	[sflag:s15] =	ssyncset.done $0x0  }
0x95: {  	[sflag:s15] =	ssyncadd.s32 $0xFFFFFFFF  }
0x96: {  	s16 =	sld [smem:$0x12];
	(tm) =	ssettm $0x1  }
0x97: {  	s17 =	sld [smem:$0x3FFB];
	_ =	sdelay $0x3  }
0x98: {  	_ =	strace s17  }
0x99: {  	s3 =	sld [smem:$0x3FFC];
	_ =	sdelay $0x3  }
0x9a: {  	_ =	strace s3  }
0x9b: {  	s3 =	sld [smem:$0x3FFD];
	_ =	sdelay $0x3  }
0x9c: {  	_ =	strace s3  }
0x9d: {  	_ =	strace $0x8FFFFFFF  }
0x9e: {  	s18 =	sld [smem:$0x3FDB];
	_ =	sdelay $0x1  }
0x9f: {  	s19 =	simm.s32 $_scs_section_size  }
0xa0: {  	s5 =	simm.s32 $_size__tile_overlayer_lowered;
	s6 =	simm.s32 $_tile_overlayer_lowered  }
0xa1: {  	s22 =	simm.s32 $0x1BFF;
	s21 =	sshll.u32 s6, $0x1;
	s3 =	sadd.s32 s19, s18  }
0xa2: {  	s7 =	simm.s32 $0x0;
	s20 =	sshll.u32 s5, $0x1;
	s5 =	sadd.s32 s21, s3  }
0xa3: {  	[timem:s7], [sflag:s22] =	dma.local [hbm:s5], s20  }
0xa4: {  	_ =	swait.ge [sflag:s22], s20  }
0xa5: {  	s4 =	ssub.s32 $0x0, s20;
	[sflag:s22] =	ssyncset.done $0x0  }
0xa6: {  	[sflag:s22] =	ssyncadd.s32 s4;
	_ =	sdelay $0x1  }
0xa7: {  	s23 =	simm.s32 $0x1B8B  }
0xa8: {  	_ =	swait.ge [sflag:s23], $0x1  }
0xa9: {  	[sflag:s23] =	ssyncset.done $0x0  }
0xaa: {  	s25 =	simm.s32 $0x1B8E;
	s24 =	sld [smem:$0x3FFE];
	[sflag:s23] =	ssyncadd.s32 $0xFFFFFFFF  }
0xab: {  	s26 =	simm.s32 $execute0_lowered;
	[smem:$0x3FD2] =	sst s25  }
0xac: {  	s5 =	sshll.u32 s26, $0x1;
	_ =	strace $0x8000004C;
	[dreg:$0x1] =	wrdreg $0xFFFFFFFF  }
0xad: {  	s28 =	simm.s32 $_size_execute0_lowered;
	s3 =	sadd.s32 s3, s5;
	[dreg:$0x0] =	wrdreg $0x0  }
0xae: {  	s5 =	sshll.u32 s28, $0x1;
	[dreg:$0x2] =	wrdreg s3  }
0xaf: {  	[dreg:$0x3] =	wrdreg s5  }
0xb0: {  	[dreg:$0x4] =	wrdreg $0xC0  }
0xb1: {  	_ =	task [dreg:s7], $0x5FFFF  }
0xb2: {  	[dreg:$0x1] =	wrdreg $0xFFFFFFFF  }
0xb3: {  	[dreg:$0x0] =	wrdreg $0x60  }
0xb4: {  	[dreg:$0x2] =	wrdreg s24  }
0xb5: {  	[dreg:$0x3] =	wrdreg s16  }
0xb6: {  	[dreg:$0x4] =	wrdreg $0x9  }
0xb7: {  	_ =	task.clear_ibuf [dreg:s7], $0x5FFFF;
	_ =	strace $0x9000004C  }
0xb8: {  	s29 =	simm.s32 $0x9;
	_ =	strace $0x8000004E  }
0xb9: {  	_ =	swait.ge [sflag:s29], $0x1  }
0xba: {  	[sflag:s29] =	ssyncadd.s32 $0xFFFFFFFF  }
0xbb: {  	_ =	strace $0x9000004E  }
0xbc: {  	_ =	sfence  }
0xbd: {  	s30 =	sld [smem:$0x0];
	_ =	sdelay $0x2  }
0xbe: {  	s31 =	sshll.u32 s1, $0xD;
	s1 =	sshrl.u32 s1, $0x2  }
0xbf: {  	s3 =	sand.u32 $0x4000, s31;
	s1 =	sadd.s32 s1, s30  }
0xc0: {  	s0 =	sor.u32 s3, s0;
	s1 =	sshll.u32 s1, $0x11  }
0xc1: {  	s0 =	sor.u32 s1, s0  }
0xc2: {  	s0 =	sadd.s32 $0x8F2B, s0  }
0xc3: {  	[sflag:s0] =	ssyncadd.remote.s32 $0x1  }
0xc4: {  	_ =	sfence.sel $0xFFFF  }
0xc5: {  	[dreg:$0x0] =	wrdreg $0xFFFFFFFF;
	(pc) =	sbr.abs _section_cstart, $3  }
0xc6: {  	[dreg:$0x1] =	wrdreg $0xFFFFFFFF  }
0xc7: {  	_ =	task.clear_ibuf [dreg:s7], $0x2FFFF;
	_ =	strace $0x9FFFFFFF  }
0xc8: {  	(tm) =	ssettm $0x7FFFFFFF  }
0xc9: {  	_ =	shalt  }
tec
execute0_lowered:
.L_overlay_start_1:
0x0: {  	(tag) =	ssettag $0x1  }
0x1: {  	s0 =	rddreg [dreg:$0x0]  }
0x2: {  	s1 =	srdreg.scid;
	s9 =	stileid.u32;
	s3 =	simm.s32 $0x0  }
0x3: {  	s30 =	simm.s32 $0xA180;
	s1 =	sand.u32 $0x1, s1;
	s2 =	sshll.u32 s9, $0x1  }
0x4: {  	[smem:$0x7FF] =	sst s3;
	s4 =	sadd.s32 $0x4000, s0;
	s5 =	sadd.s32 $0x68000, s0  }
0x5: {  	s13 =	sshll.u32 s9, $0x6;
	s2 =	sor.u32 s1, s2;
	s1 =	ssub.s32 $0x2, s1  }
0x6: {  	_ =	strace $0x8000004D;
	s6 =	smul.u32 $0x1400, s2;
	s8 =	sshrl.u32 s1, $0x1  }
0x7: {  	s1 =	ssub.s32 s1, s8;
	s8 =	smul.u32 $0x140, s2;
	s2 =	sor.u32 $0x1C01, s13  }
0x8: {  	s13 =	simm.s32 $0x2180;
	s7 =	sadd.s32 s6, s0;
	s12 =	sadd.s32 s5, s6  }
0x9: {  	[dreg:$0x5] =	wrdreg s2;
	s0 =	smax.u32 s1, $0x1;
	s1 =	simm.s32 $0xB180  }
0xa: {  	s6 =	simm.s32 $0x3;
	s11 =	sadd.s32 $0x40000, s7;
	[dreg:$0x4] =	wrdreg s12  }
0xb: {  	s14 =	sadd.s32 $0x140, s8;
	s15 =	sor.u32 $0x10, s8;
	s16 =	sor.u32 $0x20, s8  }
0xc: {  	s17 =	sor.u32 $0x30, s8;
	s20 =	sadd.s32 $0x40, s8;
	s12 =	sadd.s32 $0x50, s8  }
0xd: {  	s18 =	sadd.s32 $0x60, s8;
	s19 =	sadd.s32 $0x70, s8;
	s21 =	sadd.s32 $0x80, s8  }
0xe: {  	s22 =	sadd.s32 $0x90, s8;
	s23 =	sadd.s32 $0xA0, s8;
	s24 =	sadd.s32 $0xB0, s8  }
0xf: {  	s25 =	sadd.s32 $0xC0, s8;
	s26 =	sadd.s32 $0xD0, s8;
	s28 =	sadd.s32 $0xE0, s8  }
0x10: {  	[dreg:$0x6] =	wrdreg s0;
	s0 =	sadd.s32 $0xF0, s8;
	s29 =	sadd.s32 $0x100, s8  }
0x11: {  	v1 =	vlaneseq.u32;
	v23 =	vimm.s32 $0xFFFFFFFF;
	s31 =	sadd.s32 $0x110, s8;
	s10 =	sadd.s32 $0x120, s8;
	[dreg:$0x3] =	wrdreg s11  }
0x12: {  	vm0 =	vmmov $0xffff;
	v24 =	vor.u32 $0x27F0, v1;
	s2 =	sadd.s32 $0x130, s8;
	v2 =	vmov s8;
	s7 =	simm.s32 $0x0;
	[dreg:$0x7] =	wrdreg s10  }
0x13: {  	v3 =	vor.u32 s8, v1;
	v0 =	vmov s14;
	s10 =	simm.s32 $0x4;
	s11 =	simm.s32 $0x1800;
	v4 =	vor.u32 s15, v1;
	s14 =	simm.s32 $0x2980  }
0x14: {  	v5 =	vor.u32 s16, v1;
	v6 =	vor.u32 s17, v1;
	v7 =	vor.u32 s20, v1;
	s15 =	simm.s32 $0x3180;
	s16 =	simm.s32 $0x3980;
	s17 =	simm.s32 $0x4180  }
0x15: {  	v8 =	vor.u32 s12, v1;
	v9 =	vor.u32 s18, v1;
	v10 =	vor.u32 s19, v1;
	s18 =	simm.s32 $0x4980;
	s19 =	simm.s32 $0x5180;
	s20 =	simm.s32 $0x5980  }
0x16: {  	v11 =	vor.u32 s21, v1;
	v12 =	vor.u32 s22, v1;
	v13 =	vor.u32 s23, v1;
	s21 =	simm.s32 $0x6180;
	s22 =	simm.s32 $0x6980;
	s23 =	simm.s32 $0x7180  }
0x17: {  	v14 =	vor.u32 s24, v1;
	v15 =	vor.u32 s25, v1;
	v16 =	vor.u32 s26, v1;
	s24 =	simm.s32 $0x7980;
	s25 =	simm.s32 $0x8180;
	s26 =	simm.s32 $0x8980  }
0x18: {  	v17 =	vor.u32 s28, v1;
	v18 =	vor.u32 s0, v1;
	v19 =	vor.u32 s29, v1;
	s28 =	simm.s32 $0x9180;
	s29 =	simm.s32 $0x9980;
	s12 =	rddreg [dreg:$0x7]  }
0x19: {  	v20 =	vor.u32 s31, v1;
	v22 =	vor.u32 s2, v1;
	s31 =	simm.s32 $0xA980;
	s0 =	simm.s32 $0x2;
	s2 =	simm.s32 $0x1;
	v21 =	vor.u32 s12, v1  }
.LBB2_1:
0x1a: {  	s8 =	rddreg [dreg:$0x3]  }
0x1b: {  	s9 =	rddreg [dreg:$0x4]  }
0x1c: {  	s12 =	rddreg [dreg:$0x5]  }
0x1d: {  	[hbm:s9], [sflag:s12] =	dma.local [hbm:s8], $0x1400  }
0x1e: {  	s8 =	rddreg [dreg:$0x1]  }
0x1f: {  	[tilespmem:s3], [sflag:$0x4] =	stream.linear.gather [hbm4b:s8+s3], $0x1800, $0x38;
	[tilespmem:$0xB980] =	vst v63  }
0x20: {  	_ =	swait.ge [sflag:s10], $0x1800  }
0x21: {  	[sflag:s10] =	ssyncset.done $0x0  }
0x22: {  	[sflag:s10] =	ssyncadd.s32 $0xFFFFE800  }
0x23: {  	[tilespmem:$0x1800] =	vst v23  }
0x24: {  	[tilespmem:$0x1810] =	vst v23  }
0x25: {  	[tilespmem:$0x1820] =	vst v23  }
0x26: {  	[tilespmem:$0x1830] =	vst v23  }
0x27: {  	[tilespmem:$0x1840] =	vst v23  }
0x28: {  	[tilespmem:$0x1850] =	vst v23  }
0x29: {  	[tilespmem:$0x1860] =	vst v23  }
0x2a: {  	[tilespmem:$0x1870] =	vst v23  }
0x2b: {  	[tilespmem:$0x1880] =	vst v23  }
0x2c: {  	[tilespmem:$0x1890] =	vst v23  }
0x2d: {  	[tilespmem:$0x18A0] =	vst v23  }
0x2e: {  	[tilespmem:$0x18B0] =	vst v23  }
0x2f: {  	[tilespmem:$0x18C0] =	vst v23  }
0x30: {  	[tilespmem:$0x18D0] =	vst v23  }
0x31: {  	[tilespmem:$0x18E0] =	vst v23  }
0x32: {  	[tilespmem:$0x18F0] =	vst v23  }
0x33: {  	[tilespmem:$0x1900] =	vst v23  }
0x34: {  	[tilespmem:$0x1910] =	vst v23  }
0x35: {  	[tilespmem:$0x1920] =	vst v23  }
0x36: {  	[tilespmem:$0x1930] =	vst v23  }
0x37: {  	s9 =	simm.s32 $0x10;
	s12 =	simm.s32 $0x0;
	s8 =	simm.s32 $0x0;
	v25 =	vld [tilespmem:s3+$0x0]  }
.LBB2_2:
0x38: {  	p0 =	sne.s32 s9, $0x17F0;
	_ =	sdelay $0x3  }
0x39: {  	vm1 =	vge.s32 v25, v2;
	vm2 =	vlt.s32 v25, v0  }
0x3a: {  	v25 =	vsub.s32 v25, v2;
	vm1 =	vmand vm1, vm2  }
0x3b: {  	v25 =	vnsel vm1, $0x0, v25;
	_ =	sdelay $0x1  }
.Ltmp0:
0x3c: {  	(pc) =	sbr.rel @p0 .LBB2_2-.Ltmp0, $4  }
0x3d: {  	_ = 	snop  }
0x3e: {  	v26 =	vor.u32 s8, v1;
	s8 =	smov.u32 s9  }
0x3f: {  	s12 =	sadd.s32 $0x10, s12;
	[tilespmem:v25+s11+$0x0] =	vst.idx.msk vm1, v26  }
0x40: {  	s9 =	sadd.s32 $0x10, s9;
	v25 =	vld [tilespmem:s12+$0x0]  }
0x41: {  	_ =	sdelay $0x3  }
0x42: {  	vm1 =	vge.s32 v25, v2;
	vm2 =	vlt.s32 v25, v0  }
0x43: {  	v25 =	vsub.s32 v25, v2;
	vm1 =	vmand vm1, vm2  }
0x44: {  	v25 =	vnsel vm1, $0x0, v25;
	_ =	sdelay $0x3  }
0x45: {  	v26 =	vor.u32 s8, v1  }
0x46: {  	[tilespmem:v25+s11+$0x0] =	vst.idx.msk vm1, v26  }
0x47: {  	v25 =	vld [tilespmem:$0x1800];
	_ =	sdelay $0x4  }
0x48: {  	vm1 =	vgt.s32 v25, $0x0  }
0x49: {  	v26 =	vnsel vm1, $0x0, v25;
	_ =	sdelay $0x3  }
0x4a: {  	s9 =	simm.s32 $0x1980  }
0x4b: {  	[tilespmem:s9], [sflag:$0x2] =	stream.indirect_vreg.gather [hbm4b:s4+s3], $0x80, v26, vm0, $0xb8;
	[tilespmem:$0xB980] =	vst v63  }
0x4c: {  	v26 =	vld [tilespmem:$0x1810];
	_ =	sdelay $0x4  }
0x4d: {  	vm1 =	vgt.s32 v26, $0x0  }
0x4e: {  	v27 =	vnsel vm1, $0x0, v26;
	_ =	sdelay $0x4  }
0x4f: {  	[tilespmem:s13], [sflag:$0x2] =	stream.indirect_vreg.gather [hbm4b:s4+s3], $0x80, v27, vm0, $0xb8;
	[tilespmem:$0xB980] =	vst v63  }
0x50: {  	v27 =	vld [tilespmem:$0x1820];
	_ =	sdelay $0x4  }
0x51: {  	vm1 =	vgt.s32 v27, $0x0  }
0x52: {  	v28 =	vnsel vm1, $0x0, v27;
	_ =	sdelay $0x4  }
0x53: {  	[tilespmem:s14], [sflag:$0x2] =	stream.indirect_vreg.gather [hbm4b:s4+s3], $0x80, v28, vm0, $0xb8;
	[tilespmem:$0xB980] =	vst v63  }
0x54: {  	v28 =	vld [tilespmem:$0x1830];
	_ =	sdelay $0x4  }
0x55: {  	vm1 =	vgt.s32 v28, $0x0  }
0x56: {  	v29 =	vnsel vm1, $0x0, v28;
	_ =	sdelay $0x4  }
0x57: {  	[tilespmem:s15], [sflag:$0x2] =	stream.indirect_vreg.gather [hbm4b:s4+s3], $0x80, v29, vm0, $0xb8;
	[tilespmem:$0xB980] =	vst v63  }
0x58: {  	v29 =	vld [tilespmem:$0x1840];
	_ =	sdelay $0x4  }
0x59: {  	vm1 =	vgt.s32 v29, $0x0  }
0x5a: {  	v30 =	vnsel vm1, $0x0, v29;
	_ =	sdelay $0x4  }
0x5b: {  	[tilespmem:s16], [sflag:$0x2] =	stream.indirect_vreg.gather [hbm4b:s4+s3], $0x80, v30, vm0, $0xb8;
	[tilespmem:$0xB980] =	vst v63  }
0x5c: {  	v30 =	vld [tilespmem:$0x1850];
	_ =	sdelay $0x4  }
0x5d: {  	vm1 =	vgt.s32 v30, $0x0  }
0x5e: {  	v31 =	vnsel vm1, $0x0, v30;
	_ =	sdelay $0x4  }
0x5f: {  	[tilespmem:s17], [sflag:$0x2] =	stream.indirect_vreg.gather [hbm4b:s4+s3], $0x80, v31, vm0, $0xb8;
	[tilespmem:$0xB980] =	vst v63  }
0x60: {  	v31 =	vld [tilespmem:$0x1860];
	_ =	sdelay $0x4  }
0x61: {  	vm1 =	vgt.s32 v31, $0x0  }
0x62: {  	v32 =	vnsel vm1, $0x0, v31;
	_ =	sdelay $0x4  }
0x63: {  	[tilespmem:s18], [sflag:$0x2] =	stream.indirect_vreg.gather [hbm4b:s4+s3], $0x80, v32, vm0, $0xb8;
	[tilespmem:$0xB980] =	vst v63  }
0x64: {  	v32 =	vld [tilespmem:$0x1870];
	_ =	sdelay $0x4  }
0x65: {  	vm1 =	vgt.s32 v32, $0x0  }
0x66: {  	v33 =	vnsel vm1, $0x0, v32;
	_ =	sdelay $0x4  }
0x67: {  	[tilespmem:s19], [sflag:$0x2] =	stream.indirect_vreg.gather [hbm4b:s4+s3], $0x80, v33, vm0, $0xb8;
	[tilespmem:$0xB980] =	vst v63  }
0x68: {  	v33 =	vld [tilespmem:$0x1880];
	_ =	sdelay $0x4  }
0x69: {  	vm1 =	vgt.s32 v33, $0x0  }
0x6a: {  	v34 =	vnsel vm1, $0x0, v33;
	_ =	sdelay $0x4  }
0x6b: {  	[tilespmem:s20], [sflag:$0x2] =	stream.indirect_vreg.gather [hbm4b:s4+s3], $0x80, v34, vm0, $0xb8;
	[tilespmem:$0xB980] =	vst v63  }
0x6c: {  	v34 =	vld [tilespmem:$0x1890];
	_ =	sdelay $0x4  }
0x6d: {  	vm1 =	vgt.s32 v34, $0x0  }
0x6e: {  	v35 =	vnsel vm1, $0x0, v34;
	_ =	sdelay $0x4  }
0x6f: {  	[tilespmem:s21], [sflag:$0x2] =	stream.indirect_vreg.gather [hbm4b:s4+s3], $0x80, v35, vm0, $0xb8;
	[tilespmem:$0xB980] =	vst v63  }
0x70: {  	v35 =	vld [tilespmem:$0x18A0];
	_ =	sdelay $0x4  }
0x71: {  	vm1 =	vgt.s32 v35, $0x0  }
0x72: {  	v36 =	vnsel vm1, $0x0, v35;
	_ =	sdelay $0x4  }
0x73: {  	[tilespmem:s22], [sflag:$0x2] =	stream.indirect_vreg.gather [hbm4b:s4+s3], $0x80, v36, vm0, $0xb8;
	[tilespmem:$0xB980] =	vst v63  }
0x74: {  	v36 =	vld [tilespmem:$0x18B0];
	_ =	sdelay $0x4  }
0x75: {  	vm1 =	vgt.s32 v36, $0x0  }
0x76: {  	v37 =	vnsel vm1, $0x0, v36;
	_ =	sdelay $0x4  }
0x77: {  	[tilespmem:s23], [sflag:$0x2] =	stream.indirect_vreg.gather [hbm4b:s4+s3], $0x80, v37, vm0, $0xb8;
	[tilespmem:$0xB980] =	vst v63  }
0x78: {  	v37 =	vld [tilespmem:$0x18C0];
	_ =	sdelay $0x4  }
0x79: {  	vm1 =	vgt.s32 v37, $0x0  }
0x7a: {  	v38 =	vnsel vm1, $0x0, v37;
	_ =	sdelay $0x4  }
0x7b: {  	[tilespmem:s24], [sflag:$0x2] =	stream.indirect_vreg.gather [hbm4b:s4+s3], $0x80, v38, vm0, $0xb8;
	[tilespmem:$0xB980] =	vst v63  }
0x7c: {  	v38 =	vld [tilespmem:$0x18D0];
	_ =	sdelay $0x4  }
0x7d: {  	vm1 =	vgt.s32 v38, $0x0  }
0x7e: {  	v39 =	vnsel vm1, $0x0, v38;
	_ =	sdelay $0x4  }
0x7f: {  	[tilespmem:s25], [sflag:$0x2] =	stream.indirect_vreg.gather [hbm4b:s4+s3], $0x80, v39, vm0, $0xb8;
	[tilespmem:$0xB980] =	vst v63  }
0x80: {  	v39 =	vld [tilespmem:$0x18E0];
	_ =	sdelay $0x4  }
0x81: {  	vm1 =	vgt.s32 v39, $0x0  }
0x82: {  	v40 =	vnsel vm1, $0x0, v39;
	_ =	sdelay $0x4  }
0x83: {  	[tilespmem:s26], [sflag:$0x2] =	stream.indirect_vreg.gather [hbm4b:s4+s3], $0x80, v40, vm0, $0xb8;
	[tilespmem:$0xB980] =	vst v63  }
0x84: {  	v40 =	vld [tilespmem:$0x18F0];
	_ =	sdelay $0x4  }
0x85: {  	vm1 =	vgt.s32 v40, $0x0  }
0x86: {  	v41 =	vnsel vm1, $0x0, v40;
	_ =	sdelay $0x4  }
0x87: {  	[tilespmem:s28], [sflag:$0x2] =	stream.indirect_vreg.gather [hbm4b:s4+s3], $0x80, v41, vm0, $0xb8;
	[tilespmem:$0xB980] =	vst v63  }
0x88: {  	v41 =	vld [tilespmem:$0x1900];
	_ =	sdelay $0x4  }
0x89: {  	vm1 =	vgt.s32 v41, $0x0  }
0x8a: {  	v42 =	vnsel vm1, $0x0, v41;
	_ =	sdelay $0x4  }
0x8b: {  	[tilespmem:s29], [sflag:$0x2] =	stream.indirect_vreg.gather [hbm4b:s4+s3], $0x80, v42, vm0, $0xb8;
	[tilespmem:$0xB980] =	vst v63  }
0x8c: {  	v42 =	vld [tilespmem:$0x1910];
	_ =	sdelay $0x4  }
0x8d: {  	vm1 =	vgt.s32 v42, $0x0  }
0x8e: {  	v43 =	vnsel vm1, $0x0, v42;
	_ =	sdelay $0x4  }
0x8f: {  	[tilespmem:s30], [sflag:$0x2] =	stream.indirect_vreg.gather [hbm4b:s4+s3], $0x80, v43, vm0, $0xb8;
	[tilespmem:$0xB980] =	vst v63  }
0x90: {  	v43 =	vld [tilespmem:$0x1920];
	_ =	sdelay $0x4  }
0x91: {  	vm1 =	vgt.s32 v43, $0x0  }
0x92: {  	v44 =	vnsel vm1, $0x0, v43;
	_ =	sdelay $0x4  }
0x93: {  	[tilespmem:s31], [sflag:$0x2] =	stream.indirect_vreg.gather [hbm4b:s4+s3], $0x80, v44, vm0, $0xb8;
	[tilespmem:$0xB980] =	vst v63  }
0x94: {  	v44 =	vld [tilespmem:$0x1930];
	_ =	sdelay $0x4  }
0x95: {  	vm1 =	vgt.s32 v44, $0x0  }
0x96: {  	v45 =	vnsel vm1, $0x0, v44;
	_ =	sdelay $0x4  }
0x97: {  	[tilespmem:s1], [sflag:$0x2] =	stream.indirect_vreg.gather [hbm4b:s4+s3], $0x80, v45, vm0, $0xb8;
	[tilespmem:$0xB980] =	vst v63  }
0x98: {  	_ =	swait.ge [sflag:s0], $0x800  }
0x99: {  	[sflag:s0] =	ssyncset.done $0x0  }
0x9a: {  	[sflag:s0] =	ssyncadd.s32 $0xFFFFF800  }
0x9b: {  	_ =	swait.ge [sflag:s0], $0x800  }
0x9c: {  	[sflag:s0] =	ssyncset.done $0x0  }
0x9d: {  	[sflag:s0] =	ssyncadd.s32 $0xFFFFF800  }
0x9e: {  	_ =	swait.ge [sflag:s0], $0x800  }
0x9f: {  	[sflag:s0] =	ssyncset.done $0x0  }
0xa0: {  	[sflag:s0] =	ssyncadd.s32 $0xFFFFF800  }
0xa1: {  	_ =	swait.ge [sflag:s0], $0x800  }
0xa2: {  	[sflag:s0] =	ssyncset.done $0x0  }
0xa3: {  	[sflag:s0] =	ssyncadd.s32 $0xFFFFF800  }
0xa4: {  	_ =	swait.ge [sflag:s0], $0x800  }
0xa5: {  	[sflag:s0] =	ssyncset.done $0x0  }
0xa6: {  	[sflag:s0] =	ssyncadd.s32 $0xFFFFF800  }
0xa7: {  	_ =	swait.ge [sflag:s0], $0x800  }
0xa8: {  	[sflag:s0] =	ssyncset.done $0x0  }
0xa9: {  	[sflag:s0] =	ssyncadd.s32 $0xFFFFF800  }
0xaa: {  	_ =	swait.ge [sflag:s0], $0x800  }
0xab: {  	[sflag:s0] =	ssyncset.done $0x0  }
0xac: {  	[sflag:s0] =	ssyncadd.s32 $0xFFFFF800  }
0xad: {  	_ =	swait.ge [sflag:s0], $0x800  }
0xae: {  	[sflag:s0] =	ssyncset.done $0x0  }
0xaf: {  	[sflag:s0] =	ssyncadd.s32 $0xFFFFF800  }
0xb0: {  	_ =	swait.ge [sflag:s0], $0x800  }
0xb1: {  	[sflag:s0] =	ssyncset.done $0x0  }
0xb2: {  	[sflag:s0] =	ssyncadd.s32 $0xFFFFF800  }
0xb3: {  	_ =	swait.ge [sflag:s0], $0x800  }
0xb4: {  	[sflag:s0] =	ssyncset.done $0x0  }
0xb5: {  	[sflag:s0] =	ssyncadd.s32 $0xFFFFF800  }
0xb6: {  	_ =	swait.ge [sflag:s0], $0x800  }
0xb7: {  	[sflag:s0] =	ssyncset.done $0x0  }
0xb8: {  	[sflag:s0] =	ssyncadd.s32 $0xFFFFF800  }
0xb9: {  	_ =	swait.ge [sflag:s0], $0x800  }
0xba: {  	[sflag:s0] =	ssyncset.done $0x0  }
0xbb: {  	[sflag:s0] =	ssyncadd.s32 $0xFFFFF800  }
0xbc: {  	_ =	swait.ge [sflag:s0], $0x800  }
0xbd: {  	[sflag:s0] =	ssyncset.done $0x0  }
0xbe: {  	[sflag:s0] =	ssyncadd.s32 $0xFFFFF800  }
0xbf: {  	_ =	swait.ge [sflag:s0], $0x800  }
0xc0: {  	[sflag:s0] =	ssyncset.done $0x0  }
0xc1: {  	[sflag:s0] =	ssyncadd.s32 $0xFFFFF800  }
0xc2: {  	_ =	swait.ge [sflag:s0], $0x800  }
0xc3: {  	[sflag:s0] =	ssyncset.done $0x0  }
0xc4: {  	[sflag:s0] =	ssyncadd.s32 $0xFFFFF800  }
0xc5: {  	_ =	swait.ge [sflag:s0], $0x800  }
0xc6: {  	[sflag:s0] =	ssyncset.done $0x0  }
0xc7: {  	[sflag:s0] =	ssyncadd.s32 $0xFFFFF800  }
0xc8: {  	_ =	swait.ge [sflag:s0], $0x800  }
0xc9: {  	[sflag:s0] =	ssyncset.done $0x0  }
0xca: {  	[sflag:s0] =	ssyncadd.s32 $0xFFFFF800  }
0xcb: {  	_ =	swait.ge [sflag:s0], $0x800  }
0xcc: {  	[sflag:s0] =	ssyncset.done $0x0  }
0xcd: {  	[sflag:s0] =	ssyncadd.s32 $0xFFFFF800  }
0xce: {  	_ =	swait.ge [sflag:s0], $0x800  }
0xcf: {  	[sflag:s0] =	ssyncset.done $0x0  }
0xd0: {  	[sflag:s0] =	ssyncadd.s32 $0xFFFFF800  }
0xd1: {  	vm1 =	vgt.s32 v25, $0xFFFFFFFF;
	_ =	swait.ge [sflag:s0], $0x800  }
0xd2: {  	v25 =	vsel vm1, v3, v24;
	[sflag:s0] =	ssyncset.done $0x0  }
0xd3: {  	vm1 =	vgt.s32 v26, $0xFFFFFFFF;
	[sflag:s0] =	ssyncadd.s32 $0xFFFFF800  }
0xd4: {  	v26 =	vsel vm1, v4, v24;
	_ =	swait.ge [sflag:s2], $0x1400  }
0xd5: {  	vm1 =	vgt.s32 v27, $0xFFFFFFFF;
	[sflag:s2] =	ssyncset.done $0x0  }
0xd6: {  	v27 =	vsel vm1, v5, v24;
	[sflag:s2] =	ssyncadd.s32 $0xFFFFEC00  }
0xd7: {  	vm1 =	vgt.s32 v28, $0xFFFFFFFF;
	[hbm4b:s5+s3] =	stream.indirect_vreg.scatter [tilespmem:s9], [sflag:$0x3], $0x80, v25, vm0, $0xb8;
	[tilespmem:$0xB980] =	vst v63  }
0xd8: {  	v25 =	vsel vm1, v6, v24  }
0xd9: {  	vm1 =	vgt.s32 v29, $0xFFFFFFFF;
	[hbm4b:s5+s3] =	stream.indirect_vreg.scatter [tilespmem:s13], [sflag:$0x3], $0x80, v26, vm0, $0xb8;
	[tilespmem:$0xB980] =	vst v63  }
0xda: {  	v26 =	vsel vm1, v7, v24  }
0xdb: {  	vm1 =	vgt.s32 v30, $0xFFFFFFFF;
	[hbm4b:s5+s3] =	stream.indirect_vreg.scatter [tilespmem:s14], [sflag:$0x3], $0x80, v27, vm0, $0xb8;
	[tilespmem:$0xB980] =	vst v63  }
0xdc: {  	v27 =	vsel vm1, v8, v24  }
0xdd: {  	vm1 =	vgt.s32 v31, $0xFFFFFFFF;
	[hbm4b:s5+s3] =	stream.indirect_vreg.scatter [tilespmem:s15], [sflag:$0x3], $0x80, v25, vm0, $0xb8;
	[tilespmem:$0xB980] =	vst v63  }
0xde: {  	v25 =	vsel vm1, v9, v24  }
0xdf: {  	vm1 =	vgt.s32 v32, $0xFFFFFFFF;
	[hbm4b:s5+s3] =	stream.indirect_vreg.scatter [tilespmem:s16], [sflag:$0x3], $0x80, v26, vm0, $0xb8;
	[tilespmem:$0xB980] =	vst v63  }
0xe0: {  	v26 =	vsel vm1, v10, v24  }
0xe1: {  	vm1 =	vgt.s32 v33, $0xFFFFFFFF;
	[hbm4b:s5+s3] =	stream.indirect_vreg.scatter [tilespmem:s17], [sflag:$0x3], $0x80, v27, vm0, $0xb8;
	[tilespmem:$0xB980] =	vst v63  }
0xe2: {  	v27 =	vsel vm1, v11, v24  }
0xe3: {  	vm1 =	vgt.s32 v34, $0xFFFFFFFF;
	[hbm4b:s5+s3] =	stream.indirect_vreg.scatter [tilespmem:s18], [sflag:$0x3], $0x80, v25, vm0, $0xb8;
	[tilespmem:$0xB980] =	vst v63  }
0xe4: {  	v25 =	vsel vm1, v12, v24  }
0xe5: {  	vm1 =	vgt.s32 v35, $0xFFFFFFFF;
	[hbm4b:s5+s3] =	stream.indirect_vreg.scatter [tilespmem:s19], [sflag:$0x3], $0x80, v26, vm0, $0xb8;
	[tilespmem:$0xB980] =	vst v63  }
0xe6: {  	v26 =	vsel vm1, v13, v24  }
0xe7: {  	vm1 =	vgt.s32 v36, $0xFFFFFFFF;
	[hbm4b:s5+s3] =	stream.indirect_vreg.scatter [tilespmem:s20], [sflag:$0x3], $0x80, v27, vm0, $0xb8;
	[tilespmem:$0xB980] =	vst v63  }
0xe8: {  	v27 =	vsel vm1, v14, v24  }
0xe9: {  	vm1 =	vgt.s32 v37, $0xFFFFFFFF;
	[hbm4b:s5+s3] =	stream.indirect_vreg.scatter [tilespmem:s21], [sflag:$0x3], $0x80, v25, vm0, $0xb8;
	[tilespmem:$0xB980] =	vst v63  }
0xea: {  	v25 =	vsel vm1, v15, v24  }
0xeb: {  	vm1 =	vgt.s32 v38, $0xFFFFFFFF;
	[hbm4b:s5+s3] =	stream.indirect_vreg.scatter [tilespmem:s22], [sflag:$0x3], $0x80, v26, vm0, $0xb8;
	[tilespmem:$0xB980] =	vst v63  }
0xec: {  	v26 =	vsel vm1, v16, v24  }
0xed: {  	vm1 =	vgt.s32 v39, $0xFFFFFFFF;
	[hbm4b:s5+s3] =	stream.indirect_vreg.scatter [tilespmem:s23], [sflag:$0x3], $0x80, v27, vm0, $0xb8;
	[tilespmem:$0xB980] =	vst v63  }
0xee: {  	v27 =	vsel vm1, v17, v24  }
0xef: {  	vm1 =	vgt.s32 v40, $0xFFFFFFFF;
	[hbm4b:s5+s3] =	stream.indirect_vreg.scatter [tilespmem:s24], [sflag:$0x3], $0x80, v25, vm0, $0xb8;
	[tilespmem:$0xB980] =	vst v63  }
0xf0: {  	v25 =	vsel vm1, v18, v24  }
0xf1: {  	vm1 =	vgt.s32 v41, $0xFFFFFFFF;
	[hbm4b:s5+s3] =	stream.indirect_vreg.scatter [tilespmem:s25], [sflag:$0x3], $0x80, v26, vm0, $0xb8;
	[tilespmem:$0xB980] =	vst v63  }
0xf2: {  	v26 =	vsel vm1, v19, v24  }
0xf3: {  	vm1 =	vgt.s32 v42, $0xFFFFFFFF;
	[hbm4b:s5+s3] =	stream.indirect_vreg.scatter [tilespmem:s26], [sflag:$0x3], $0x80, v27, vm0, $0xb8;
	[tilespmem:$0xB980] =	vst v63  }
0xf4: {  	v27 =	vsel vm1, v20, v24  }
0xf5: {  	vm1 =	vgt.s32 v43, $0xFFFFFFFF;
	[hbm4b:s5+s3] =	stream.indirect_vreg.scatter [tilespmem:s28], [sflag:$0x3], $0x80, v25, vm0, $0xb8;
	[tilespmem:$0xB980] =	vst v63  }
0xf6: {  	v25 =	vsel vm1, v21, v24  }
0xf7: {  	vm1 =	vgt.s32 v44, $0xFFFFFFFF;
	[hbm4b:s5+s3] =	stream.indirect_vreg.scatter [tilespmem:s29], [sflag:$0x3], $0x80, v26, vm0, $0xb8;
	[tilespmem:$0xB980] =	vst v63  }
0xf8: {  	v26 =	vsel vm1, v22, v24  }
0xf9: {  	[hbm4b:s5+s3] =	stream.indirect_vreg.scatter [tilespmem:s30], [sflag:$0x3], $0x80, v27, vm0, $0xb8;
	[tilespmem:$0xB980] =	vst v63  }
0xfa: {  	_ = 	snop  }
0xfb: {  	[hbm4b:s5+s3] =	stream.indirect_vreg.scatter [tilespmem:s31], [sflag:$0x3], $0x80, v25, vm0, $0xb8;
	[tilespmem:$0xB980] =	vst v63  }
0xfc: {  	_ = 	snop  }
0xfd: {  	[hbm4b:s5+s3] =	stream.indirect_vreg.scatter [tilespmem:s1], [sflag:$0x3], $0x80, v26, vm0, $0xb8;
	[tilespmem:$0xB980] =	vst v63  }
0xfe: {  	_ =	swait.ge [sflag:s6], $0x800  }
0xff: {  	[sflag:s6] =	ssyncset.done $0x0  }
0x100: {  	[sflag:s6] =	ssyncadd.s32 $0xFFFFF800  }
0x101: {  	_ =	swait.ge [sflag:s6], $0x800  }
0x102: {  	[sflag:s6] =	ssyncset.done $0x0  }
0x103: {  	[sflag:s6] =	ssyncadd.s32 $0xFFFFF800  }
0x104: {  	_ =	swait.ge [sflag:s6], $0x800  }
0x105: {  	[sflag:s6] =	ssyncset.done $0x0  }
0x106: {  	[sflag:s6] =	ssyncadd.s32 $0xFFFFF800  }
0x107: {  	_ =	swait.ge [sflag:s6], $0x800  }
0x108: {  	[sflag:s6] =	ssyncset.done $0x0  }
0x109: {  	[sflag:s6] =	ssyncadd.s32 $0xFFFFF800  }
0x10a: {  	_ =	swait.ge [sflag:s6], $0x800  }
0x10b: {  	[sflag:s6] =	ssyncset.done $0x0  }
0x10c: {  	[sflag:s6] =	ssyncadd.s32 $0xFFFFF800  }
0x10d: {  	_ =	swait.ge [sflag:s6], $0x800  }
0x10e: {  	[sflag:s6] =	ssyncset.done $0x0  }
0x10f: {  	[sflag:s6] =	ssyncadd.s32 $0xFFFFF800  }
0x110: {  	_ =	swait.ge [sflag:s6], $0x800  }
0x111: {  	[sflag:s6] =	ssyncset.done $0x0  }
0x112: {  	[sflag:s6] =	ssyncadd.s32 $0xFFFFF800  }
0x113: {  	_ =	swait.ge [sflag:s6], $0x800  }
0x114: {  	[sflag:s6] =	ssyncset.done $0x0  }
0x115: {  	[sflag:s6] =	ssyncadd.s32 $0xFFFFF800  }
0x116: {  	_ =	swait.ge [sflag:s6], $0x800  }
0x117: {  	[sflag:s6] =	ssyncset.done $0x0  }
0x118: {  	[sflag:s6] =	ssyncadd.s32 $0xFFFFF800  }
0x119: {  	_ =	swait.ge [sflag:s6], $0x800  }
0x11a: {  	[sflag:s6] =	ssyncset.done $0x0  }
0x11b: {  	[sflag:s6] =	ssyncadd.s32 $0xFFFFF800  }
0x11c: {  	_ =	swait.ge [sflag:s6], $0x800  }
0x11d: {  	[sflag:s6] =	ssyncset.done $0x0  }
0x11e: {  	[sflag:s6] =	ssyncadd.s32 $0xFFFFF800  }
0x11f: {  	_ =	swait.ge [sflag:s6], $0x800  }
0x120: {  	[sflag:s6] =	ssyncset.done $0x0  }
0x121: {  	[sflag:s6] =	ssyncadd.s32 $0xFFFFF800  }
0x122: {  	_ =	swait.ge [sflag:s6], $0x800  }
0x123: {  	[sflag:s6] =	ssyncset.done $0x0  }
0x124: {  	[sflag:s6] =	ssyncadd.s32 $0xFFFFF800  }
0x125: {  	_ =	swait.ge [sflag:s6], $0x800  }
0x126: {  	[sflag:s6] =	ssyncset.done $0x0  }
0x127: {  	[sflag:s6] =	ssyncadd.s32 $0xFFFFF800  }
0x128: {  	_ =	swait.ge [sflag:s6], $0x800  }
0x129: {  	[sflag:s6] =	ssyncset.done $0x0  }
0x12a: {  	[sflag:s6] =	ssyncadd.s32 $0xFFFFF800  }
0x12b: {  	_ =	swait.ge [sflag:s6], $0x800  }
0x12c: {  	[sflag:s6] =	ssyncset.done $0x0  }
0x12d: {  	[sflag:s6] =	ssyncadd.s32 $0xFFFFF800  }
0x12e: {  	_ =	swait.ge [sflag:s6], $0x800  }
0x12f: {  	[sflag:s6] =	ssyncset.done $0x0  }
0x130: {  	[sflag:s6] =	ssyncadd.s32 $0xFFFFF800  }
0x131: {  	_ =	swait.ge [sflag:s6], $0x800  }
0x132: {  	[sflag:s6] =	ssyncset.done $0x0  }
0x133: {  	[sflag:s6] =	ssyncadd.s32 $0xFFFFF800  }
0x134: {  	_ =	swait.ge [sflag:s6], $0x800  }
0x135: {  	[sflag:s6] =	ssyncset.done $0x0  }
0x136: {  	[sflag:s6] =	ssyncadd.s32 $0xFFFFF800  }
0x137: {  	_ =	swait.ge [sflag:s6], $0x800  }
0x138: {  	s7 =	sadd.s32 $0x1, s7;
	s12 =	rddreg [dreg:$0x6]  }
0x139: {  	p0 =	sne.s32 s7, s12  }
.Ltmp1:
0x13a: {  	_ = 	snop;
	(pc) =	sbr.rel @p0 .LBB2_1-.Ltmp1, $3  }
0x13b: {  	_ =	sdelay $0x1  }
0x13c: {  	[sflag:s6] =	ssyncset.done $0x0  }
0x13d: {  	[sflag:s6] =	ssyncadd.s32 $0xFFFFF800  }
0x13e: {  	_ =	sfence.sel $0x180000  }
0x13f: {  	[bflag:$0x0] =	sbarrier.arrive $0xFFFF  }
0x140: {  	_ =	strace $0x9000004D  }
0x141: {  	s0 =	stileid.u32;
	[bflag:$0x2] =	sbarrier.arrive $0xFFFF  }
0x142: {  	p0 =	sne.s32 s0, $0x0;
	s0 =	rddreg [dreg:$0x2]  }
0x143: {  	s0 =	sadd.s32 @!p0 $0x100000, s0  }
0x144: {  	[sflag:s0] =	ssyncadd.tile.s32 @!p0 $0x1;
	_ =	shalt  }
.Lfunc_end2:
_tile_overlayer_lowered:
.L_overlay_start_2:
0x145: {  	(tag) =	ssettag $0x2  }
0x146: {  	s0 =	rddreg [dreg:$0x0];
	s2 =	stileid.u32  }
0x147: {  	s1 =	rddreg [dreg:$0x1];
	p0 =	sne.s32 s2, $0x0  }
0x148: {  	s3 =	rddreg [dreg:$0x2];
	[bflag:$0x3] =	sbarrier.arrive $0xFFFF;
	s2 =	simm.s32 @!p0 $0x1C04  }
0x149: {  	[timem:s3], [sflag:s2] =	dma.local @!p0 [hbm:s0], s1  }
0x14a: {  	s0 =	simm.s32 @!p0 $0x4  }
0x14b: {  	_ =	swait.ge @!p0 [sflag:s0], s1  }
0x14c: {  	s1 =	ssub.s32 @!p0 $0x0, s1;
	[sflag:s0] =	ssyncset.done @!p0 $0x0  }
0x14d: {  	[sflag:s0] =	ssyncadd.s32 @!p0 s1  }
0x14e: {  	[bflag:$0x3] =	sbarrier.arrive $0xFFFF  }
0x14f: {  	_ =	shalt  }

// kernel: kernel.17.cloned.1.call-start
scs
__scs_entry_jumppad:
0x0: {  	(pc) =	sbr.rel $0x88, $3  }
0x1: {  	(tag) =	ssettag $0x0;
	lr =	simm.s32 $0x1  }
0x2: {  	[smem:$0x3F91] =	sst lr;
	_ =	strace $0xD0000000  }
0x3: {  	_ = 	snop  }
0x4: {  	_ = 	snop  }
0x5: {  	_ = 	snop  }
0x6: {  	_ = 	snop  }
0x7: {  	_ = 	snop  }
__scs_overlays_trampoline_lowered:
0x8: {  	[smem:$0x3FA0] =	sst s0  }
0x9: {  	[smem:$0x3FA1] =	sst s1  }
0xa: {  	[smem:$0x3FA2] =	sst s2  }
0xb: {  	[smem:$0x3FA3] =	sst s3  }
0xc: {  	[smem:$0x3FA4] =	sst s4  }
0xd: {  	[smem:$0x3FA5] =	sst s5  }
0xe: {  	[smem:$0x3FA6] =	sst s6  }
0xf: {  	[smem:$0x3FA7] =	sst s7  }
0x10: {  	[smem:$0x3FA8] =	sst s8  }
0x11: {  	[smem:$0x3FA9] =	sst s9;
	s0 =	simm.s32 @!p0 $0x0  }
0x12: {  	s1 =	sld [smem:$0x3F8F];
	s0 =	simm.s32 @p0 $0x1  }
0x13: {  	[smem:$0x3FAA] =	sst s0;
	s0 =	simm.s32 @!p1 $0x0  }
0x14: {  	s2 =	sld [smem:$0x3F8E];
	s0 =	simm.s32 @p1 $0x1  }
0x15: {  	[smem:$0x3FAB] =	sst s0;
	s0 =	simm.s32 @!p2 $0x0  }
0x16: {  	s3 =	sld [smem:$0x3FDB];
	s0 =	simm.s32 @p2 $0x1  }
0x17: {  	s4 =	simm.s32 $0x1BF5;
	[smem:$0x3FAD] =	sst s0  }
0x18: {  	s0 =	sld [smem:$0x3F90];
	_ =	swait.ge [sflag:s4], $0x0  }
0x19: {  	s7 =	sld [smem:$0x3F91]  }
0x1a: {  	s8 =	sadd.s32 $0xFFFFE003, lr  }
0x1b: {  	s9 =	sadd.s32 $0xFFFFFEF7, lr;
	s5 =	simm.s32 $0xFFFFFFFF;
	p2 =	slt.u32 s8, $0xFFFFF086  }
0x1c: {  	p1 =	slt.u32 s9, $0xF7A;
	s5 =	simm.s32 @!p2 $0x0  }
0x1d: {  	s5 =	simm.s32 @p1 $0x1;
	p0 =	seq.s32 s7, s2  }
0x1e: {  	s7 =	smul.u32 @!p0 $0xF7A, s2;
	p2 =	seq.s32 @!p0 s5, $0x0  }
0x1f: {  	s9 =	smul.u32 $0xF7A, s1;
	s8 =	simm.s32 @!p0 $0x1BF5;
	p2 =	por !p2, p0  }
0x20: {  	[sflag:s8] =	ssyncset.s32 @!p0 $0xFFFFF086;
	s6 =	sadd.s32 @!p0 s3, s7;
	s7 =	simm.s32 @!p0 $0x108  }
0x21: {  	s3 =	sadd.s32 s3, s9;
	s6 =	sadd.s32 @!p0 $0x88, s6;
	s7 =	simm.s32 @p2 $0x1082  }
0x22: {  	[simem:s7], [sflag:s8] =	dma.local @!p0 [hbm:s6], $0xF7A  }
0x23: {  	s9 =	sor.u32 $0xD0000000, s2;
	s6 =	simm.s32 $0x108;
	_ =	swait.ge @!p0 [sflag:s8], $0x0  }
0x24: {  	s3 =	sadd.s32 $0x88, s3;
	s6 =	simm.s32 @!p1 $0x1082;
	[sflag:s4] =	ssyncset.s32 $0xFFFFF086  }
0x25: {  	[simem:s6], [sflag:s4] =	dma.local [hbm:s3], $0xF7A  }
0x26: {  	[smem:$0x3F91] =	sst s1;
	(tag) =	ssettag s2;
	_ =	strace s9  }
0x27: {  	s1 =	sld [smem:$0x3FA1]  }
0x28: {  	s2 =	sld [smem:$0x3FA2]  }
0x29: {  	s4 =	sld [smem:$0x3FA4]  }
0x2a: {  	p0 =	seq.s32 s5, $0x0;
	s5 =	sld [smem:$0x3FA5]  }
0x2b: {  	s6 =	sld [smem:$0x3FA6]  }
0x2c: {  	s7 =	sld [smem:$0x3FA7]  }
0x2d: {  	s3 =	simm.s32 $0x108;
	s8 =	sld [smem:$0x3FA8]  }
0x2e: {  	s3 =	simm.s32 @!p0 $0x1082;
	s9 =	sld [smem:$0x3FA9]  }
0x2f: {  	lr =	sadd.s32 s0, s3;
	s0 =	sld [smem:$0x3FA0]  }
0x30: {  	s3 =	sld [smem:$0x3FA3]  }
0x31: {  	[smem:$0x3FAC] =	sst s10  }
0x32: {  	s10 =	sld [smem:$0x3FAA];
	_ =	sdelay $0x3  }
0x33: {  	p0 =	seq.s32 s10, $0x1;
	s10 =	sld [smem:$0x3FAC];
	_ =	sdelay $0x3  }
0x34: {  	[smem:$0x3FAC] =	sst s10  }
0x35: {  	s10 =	sld [smem:$0x3FAB];
	_ =	sdelay $0x3  }
0x36: {  	p1 =	seq.s32 s10, $0x1;
	s10 =	sld [smem:$0x3FAC];
	_ =	sdelay $0x3  }
0x37: {  	[smem:$0x3FAC] =	sst s10  }
0x38: {  	s10 =	sld [smem:$0x3FAD]  }
0x39: {  	_ = 	snop;
	(pc) =	sbr.ind lr, $3  }
0x3a: {  	_ = 	snop  }
0x3b: {  	_ = 	snop  }
0x3c: {  	p2 =	seq.s32 s10, $0x1;
	s10 =	sld [smem:$0x3FAC]  }
0x3d: {  	_ =	shalt  }
0x3e: {  	_ =	shalt  }
0x3f: {  	_ =	shalt  }
0x40: {  	_ =	shalt  }
0x41: {  	_ =	shalt  }
0x42: {  	_ =	shalt  }
0x43: {  	_ =	shalt  }
0x44: {  	_ =	shalt  }
0x45: {  	_ =	shalt  }
0x46: {  	_ =	shalt  }
0x47: {  	_ =	shalt  }
0x48: {  	_ =	shalt  }
0x49: {  	_ =	shalt  }
0x4a: {  	_ =	shalt  }
0x4b: {  	_ =	shalt  }
0x4c: {  	_ =	shalt  }
0x4d: {  	_ =	shalt  }
0x4e: {  	_ =	shalt  }
0x4f: {  	_ =	shalt  }
0x50: {  	_ =	shalt  }
0x51: {  	_ =	shalt  }
0x52: {  	_ =	shalt  }
0x53: {  	_ =	shalt  }
0x54: {  	_ =	shalt  }
0x55: {  	_ =	shalt  }
0x56: {  	_ =	shalt  }
0x57: {  	_ =	shalt  }
0x58: {  	_ =	shalt  }
0x59: {  	_ =	shalt  }
0x5a: {  	_ =	shalt  }
0x5b: {  	_ =	shalt  }
0x5c: {  	_ =	shalt  }
0x5d: {  	_ =	shalt  }
0x5e: {  	_ =	shalt  }
0x5f: {  	_ =	shalt  }
0x60: {  	_ =	shalt  }
0x61: {  	_ =	shalt  }
0x62: {  	_ =	shalt  }
0x63: {  	_ =	shalt  }
0x64: {  	_ =	shalt  }
0x65: {  	_ =	shalt  }
0x66: {  	_ =	shalt  }
0x67: {  	_ =	shalt  }
0x68: {  	_ =	shalt  }
0x69: {  	_ =	shalt  }
0x6a: {  	_ =	shalt  }
0x6b: {  	_ =	shalt  }
0x6c: {  	_ =	shalt  }
0x6d: {  	_ =	shalt  }
0x6e: {  	_ =	shalt  }
0x6f: {  	_ =	shalt  }
0x70: {  	_ =	shalt  }
0x71: {  	_ =	shalt  }
0x72: {  	_ =	shalt  }
0x73: {  	_ =	shalt  }
0x74: {  	_ =	shalt  }
0x75: {  	_ =	shalt  }
0x76: {  	_ =	shalt  }
0x77: {  	_ =	shalt  }
0x78: {  	_ =	shalt  }
0x79: {  	_ =	shalt  }
0x7a: {  	_ =	shalt  }
0x7b: {  	_ =	shalt  }
0x7c: {  	_ =	shalt  }
0x7d: {  	_ =	shalt  }
0x7e: {  	_ =	shalt  }
0x7f: {  	_ =	shalt  }
0x80: {  	_ =	shalt  }
0x81: {  	_ =	shalt  }
0x82: {  	_ =	shalt  }
0x83: {  	_ =	shalt  }
0x84: {  	_ =	shalt  }
0x85: {  	_ =	shalt  }
0x86: {  	_ =	shalt  }
0x87: {  	_ =	shalt  }
.Lfunc_end0:
.L_simem_size_0:
called_computation.3_lowered:
.L_overlay_start_0:
0x88: {  	s2 =	sld [smem:$0x3FD9]  }
0x89: {  	s3 =	sld [smem:$0x3FFE];
	_ =	sdelay $0x1  }
0x8a: {  	s1 =	srdreg.scid  }
0x8b: {  	s0 =	sand.u32 $0x1, s1  }
0x8c: {  	s14 =	sshll.u32 s0, $0xA;
	s2 =	sadd.s32 s3, s2  }
0x8d: {  	s2 =	sadd.s32 s2, s14  }
0x8e: {  	[smem:$0x3FB8] =	sst s2  }
0x8f: {  	_ = 	snop  }
0x90: {  	s2 =	sld [smem:$0x3FD0];
	_ =	sdelay $0x2  }
0x91: {  	s15 =	simm.s32 $0xB;
	s4 =	simm.s32 $0x10  }
0x92: {  	[smem:s4], [sflag:s15] =	dma.local [hbm:s2], $0x1  }
0x93: {  	_ =	swait.eq [sflag:s15], $0x1  }
0x94: {  	[sflag:s15] =	ssyncset.done $0x0  }
0x95: {  	[sflag:s15] =	ssyncadd.s32 $0xFFFFFFFF  }
0x96: {  	s16 =	sld [smem:$0x10];
	(tm) =	ssettm $0x1  }
0x97: {  	s17 =	sld [smem:$0x3FFB];
	_ =	sdelay $0x3  }
0x98: {  	_ =	strace s17  }
0x99: {  	s3 =	sld [smem:$0x3FFC];
	_ =	sdelay $0x3  }
0x9a: {  	_ =	strace s3  }
0x9b: {  	s3 =	sld [smem:$0x3FFD];
	_ =	sdelay $0x3  }
0x9c: {  	_ =	strace s3  }
0x9d: {  	_ =	strace $0x8FFFFFFF  }
0x9e: {  	s18 =	sld [smem:$0x3FDB];
	_ =	sdelay $0x1  }
0x9f: {  	s19 =	simm.s32 $_scs_section_size  }
0xa0: {  	s5 =	simm.s32 $_size__tile_overlayer_lowered;
	s6 =	simm.s32 $_tile_overlayer_lowered  }
0xa1: {  	s22 =	simm.s32 $0x1BFF;
	s21 =	sshll.u32 s6, $0x1;
	s3 =	sadd.s32 s19, s18  }
0xa2: {  	s7 =	simm.s32 $0x0;
	s20 =	sshll.u32 s5, $0x1;
	s5 =	sadd.s32 s21, s3  }
0xa3: {  	[timem:s7], [sflag:s22] =	dma.local [hbm:s5], s20  }
0xa4: {  	_ =	swait.ge [sflag:s22], s20  }
0xa5: {  	s4 =	ssub.s32 $0x0, s20;
	[sflag:s22] =	ssyncset.done $0x0  }
0xa6: {  	[sflag:s22] =	ssyncadd.s32 s4;
	_ =	sdelay $0x1  }
0xa7: {  	s23 =	simm.s32 $0x1B8B  }
0xa8: {  	_ =	swait.ge [sflag:s23], $0x1  }
0xa9: {  	[sflag:s23] =	ssyncset.done $0x0  }
0xaa: {  	s25 =	simm.s32 $0x1B8E;
	s24 =	sld [smem:$0x3FFE];
	[sflag:s23] =	ssyncadd.s32 $0xFFFFFFFF  }
0xab: {  	s26 =	simm.s32 $execute0_lowered;
	[smem:$0x3FD2] =	sst s25  }
0xac: {  	s5 =	sshll.u32 s26, $0x1;
	_ =	strace $0x8000004F;
	[dreg:$0x1] =	wrdreg $0xFFFFFFFF  }
0xad: {  	s28 =	simm.s32 $_size_execute0_lowered;
	s3 =	sadd.s32 s3, s5;
	[dreg:$0x0] =	wrdreg $0x0  }
0xae: {  	s5 =	sshll.u32 s28, $0x1;
	[dreg:$0x2] =	wrdreg s3  }
0xaf: {  	[dreg:$0x3] =	wrdreg s5  }
0xb0: {  	[dreg:$0x4] =	wrdreg $0xC0  }
0xb1: {  	_ =	task [dreg:s7], $0x5FFFF  }
0xb2: {  	[dreg:$0x1] =	wrdreg $0xFFFFFFFF  }
0xb3: {  	[dreg:$0x0] =	wrdreg $0x60  }
0xb4: {  	[dreg:$0x2] =	wrdreg s24  }
0xb5: {  	[dreg:$0x3] =	wrdreg s16  }
0xb6: {  	[dreg:$0x4] =	wrdreg $0x9  }
0xb7: {  	_ =	task.clear_ibuf [dreg:s7], $0x5FFFF;
	_ =	strace $0x9000004F  }
0xb8: {  	s29 =	simm.s32 $0x9;
	_ =	strace $0x80000051  }
0xb9: {  	_ =	swait.ge [sflag:s29], $0x1  }
0xba: {  	[sflag:s29] =	ssyncadd.s32 $0xFFFFFFFF  }
0xbb: {  	_ =	strace $0x90000051  }
0xbc: {  	_ =	sfence  }
0xbd: {  	s30 =	sld [smem:$0x0];
	_ =	sdelay $0x2  }
0xbe: {  	s31 =	sshll.u32 s1, $0xD;
	s1 =	sshrl.u32 s1, $0x2  }
0xbf: {  	s3 =	sand.u32 $0x4000, s31;
	s1 =	sadd.s32 s1, s30  }
0xc0: {  	s0 =	sor.u32 s3, s0;
	s1 =	sshll.u32 s1, $0x11  }
0xc1: {  	s0 =	sor.u32 s1, s0  }
0xc2: {  	s0 =	sadd.s32 $0x8F2B, s0  }
0xc3: {  	[sflag:s0] =	ssyncadd.remote.s32 $0x1  }
0xc4: {  	_ =	sfence.sel $0xFFFF  }
0xc5: {  	[dreg:$0x0] =	wrdreg $0xFFFFFFFF;
	(pc) =	sbr.abs _section_cstart, $3  }
0xc6: {  	[dreg:$0x1] =	wrdreg $0xFFFFFFFF  }
0xc7: {  	_ =	task.clear_ibuf [dreg:s7], $0x2FFFF;
	_ =	strace $0x9FFFFFFF  }
0xc8: {  	(tm) =	ssettm $0x7FFFFFFF  }
0xc9: {  	_ =	shalt  }
tec
execute0_lowered:
.L_overlay_start_1:
0x0: {  	(tag) =	ssettag $0x1  }
0x1: {  	s4 =	rddreg [dreg:$0x0]  }
0x2: {  	s5 =	rddreg [dreg:$0x1]  }
0x3: {  	s0 =	rddreg [dreg:$0x2]  }
0x4: {  	s1 =	stileid.u32;
	s3 =	srdreg.scid  }
0x5: {  	s2 =	simm.s32 $0x0;
	s11 =	simm.s32 $0x0;
	s6 =	sand.u32 $0x1, s3  }
0x6: {  	s30 =	sshll.u32 s1, $0x1;
	[smem:$0x7FF] =	sst s2;
	s7 =	smul.u32 $0x1F800, s1  }
0x7: {  	s3 =	sor.u32 s6, s30;
	s8 =	ssub.s32 $0x2, s6;
	s6 =	smul.u32 $0xFC00, s6  }
0x8: {  	_ =	strace $0x80000050;
	s9 =	smul.u32 $0xFC0, s3;
	s10 =	sshrl.u32 s8, $0x1  }
0x9: {  	s3 =	sadd.s32 $0x68000, s4;
	s7 =	sadd.s32 s7, s4;
	s8 =	ssub.s32 s8, s10  }
0xa: {  	s6 =	sadd.s32 s6, s7;
	s7 =	simm.s32 $0x3;
	s10 =	simm.s32 $0x2  }
0xb: {  	s31 =	sshrl.u32 s9, $0x3;
	s6 =	sadd.s32 $0x440000, s6;
	s9 =	simm.s32 $0x1  }
0xc: {  	s4 =	sadd.s32 s5, s31;
	s5 =	smax.u32 s8, $0x1;
	s8 =	simm.s32 $0x38  }
.LBB2_1:
0xd: {  	[tilespmem:s2], [sflag:$0x3] =	stream.linear.gather [hbm4b:s4+s2], $0xFC0, $0x38;
	[tilespmem:$0x16000] =	vst v63  }
0xe: {  	p0 =	por $0x1, $0x1;
	_ =	swait.ge [sflag:s7], $0xFC0  }
0xf: {  	p0 =	por p0, p0;
	[sflag:s7] =	ssyncset.done $0x0  }
0x10: {  	s12 =	simm.s32 @!p0 $0x2;
	[sflag:s7] =	ssyncadd.s32 $0xFFFFF040  }
0x11: {  	_ =	swait.ge @!p0 [sflag:s12], $0x1C00  }
0x12: {  	[sflag:s12] =	ssyncset.done @!p0 $0x0  }
0x13: {  	[sflag:s12] =	ssyncadd.s32 @!p0 $0xFFFFE400  }
0x14: {  	_ =	swait.ge @!p0 [sflag:s12], $0x1C00  }
0x15: {  	[sflag:s12] =	ssyncset.done @!p0 $0x0  }
0x16: {  	[sflag:s12] =	ssyncadd.s32 @!p0 $0xFFFFE400  }
0x17: {  	_ =	swait.ge @!p0 [sflag:s12], $0x1C00  }
0x18: {  	[sflag:s12] =	ssyncset.done @!p0 $0x0  }
0x19: {  	[sflag:s12] =	ssyncadd.s32 @!p0 $0xFFFFE400  }
0x1a: {  	_ =	swait.ge @!p0 [sflag:s12], $0x1C00  }
0x1b: {  	[sflag:s12] =	ssyncset.done @!p0 $0x0  }
0x1c: {  	[sflag:s12] =	ssyncadd.s32 @!p0 $0xFFFFE400  }
0x1d: {  	_ =	swait.ge @!p0 [sflag:s12], $0x1C00  }
0x1e: {  	[sflag:s12] =	ssyncset.done @!p0 $0x0  }
0x1f: {  	s13 =	sand.u32 $0x1, s2;
	[sflag:s12] =	ssyncadd.s32 @!p0 $0xFFFFE400  }
0x20: {  	p1 =	seq.s32 s13, $0x1;
	s13 =	simm.s32 $0xA800;
	_ =	swait.ge @!p0 [sflag:s12], $0x1C00  }
0x21: {  	s13 =	simm.s32 @!p1 $0x0;
	[sflag:s12] =	ssyncset.done @!p0 $0x0  }
0x22: {  	s14 =	simm.s32 $0x0;
	s21 =	sor.u32 $0x1000, s13;
	[sflag:s12] =	ssyncadd.s32 @!p0 $0xFFFFE400  }
0x23: {  	[tilespmem:s21], [sflag:$0x1] =	stream.indirect.gather [hbm4b:s3+s8], $0x80, s14, s8, $0xb8;
	[tilespmem:$0x16000] =	vst v63  }
0x24: {  	s15 =	simm.s32 $0x38;
	s22 =	sadd.s32 $0x2C00, s13  }
0x25: {  	[tilespmem:s22], [sflag:$0x1] =	stream.indirect.gather [hbm4b:s3+s8], $0x80, s15, s8, $0xb8;
	[tilespmem:$0x16000] =	vst v63  }
0x26: {  	s16 =	simm.s32 $0x70;
	s23 =	sadd.s32 $0x4800, s13  }
0x27: {  	[tilespmem:s23], [sflag:$0x1] =	stream.indirect.gather [hbm4b:s3+s8], $0x80, s16, s8, $0xb8;
	[tilespmem:$0x16000] =	vst v63  }
0x28: {  	s17 =	simm.s32 $0xA8;
	s24 =	sadd.s32 $0x6400, s13  }
0x29: {  	[tilespmem:s24], [sflag:$0x1] =	stream.indirect.gather [hbm4b:s3+s8], $0x80, s17, s8, $0xb8;
	[tilespmem:$0x16000] =	vst v63  }
0x2a: {  	s18 =	simm.s32 $0xE0;
	s25 =	sadd.s32 $0x8000, s13  }
0x2b: {  	[tilespmem:s25], [sflag:$0x1] =	stream.indirect.gather [hbm4b:s3+s8], $0x80, s18, s8, $0xb8;
	[tilespmem:$0x16000] =	vst v63  }
0x2c: {  	s19 =	simm.s32 $0x118;
	s18 =	sadd.s32 $0x9C00, s13  }
0x2d: {  	[tilespmem:s18], [sflag:$0x1] =	stream.indirect.gather [hbm4b:s3+s8], $0x80, s19, s8, $0xb8;
	[tilespmem:$0x16000] =	vst v63  }
0x2e: {  	_ =	swait.ge [sflag:s9], $0x1C00  }
0x2f: {  	[sflag:s9] =	ssyncset.done $0x0  }
0x30: {  	[sflag:s9] =	ssyncadd.s32 $0xFFFFE400  }
0x31: {  	_ =	swait.ge [sflag:s9], $0x1C00  }
0x32: {  	[sflag:s9] =	ssyncset.done $0x0  }
0x33: {  	[sflag:s9] =	ssyncadd.s32 $0xFFFFE400  }
0x34: {  	_ =	swait.ge [sflag:s9], $0x1C00  }
0x35: {  	[sflag:s9] =	ssyncset.done $0x0  }
0x36: {  	[sflag:s9] =	ssyncadd.s32 $0xFFFFE400  }
0x37: {  	_ =	swait.ge [sflag:s9], $0x1C00  }
0x38: {  	[sflag:s9] =	ssyncset.done $0x0  }
0x39: {  	[sflag:s9] =	ssyncadd.s32 $0xFFFFE400  }
0x3a: {  	_ =	swait.ge [sflag:s9], $0x1C00  }
0x3b: {  	[sflag:s9] =	ssyncset.done $0x0  }
0x3c: {  	[sflag:s9] =	ssyncadd.s32 $0xFFFFE400  }
0x3d: {  	_ =	swait.ge [sflag:s9], $0x1C00  }
0x3e: {  	[sflag:s9] =	ssyncset.done $0x0  }
0x3f: {  	s26 =	sadd.s32 $0x0, s6;
	[sflag:s9] =	ssyncadd.s32 $0xFFFFE400  }
0x40: {  	[hbm4b:s26+s2] =	stream.linear.scatter [tilespmem:s21], [sflag:$0x2], $0x1C00, $0x38;
	[tilespmem:$0x16000] =	vst v63  }
0x41: {  	p6 =	por $0x1, $0x1;
	s28 =	sadd.s32 $0x380, s26;
	s29 =	sadd.s32 $0x700, s26  }
0x42: {  	[hbm4b:s28+s2] =	stream.linear.scatter [tilespmem:s22], [sflag:$0x2], $0x1C00, $0x38;
	[tilespmem:$0x16000] =	vst v63  }
0x43: {  	s30 =	sadd.s32 $0xA80, s26;
	s31 =	sadd.s32 $0xE00, s26;
	s12 =	simm.s32 $0x1500  }
0x44: {  	[hbm4b:s29+s2] =	stream.linear.scatter [tilespmem:s23], [sflag:$0x2], $0x1C00, $0x38;
	[tilespmem:$0x16000] =	vst v63  }
0x45: {  	p0 =	por p6, p6;
	s14 =	simm.s32 $0x1;
	s15 =	simm.s32 $0x2A00  }
0x46: {  	[hbm4b:s30+s2] =	stream.linear.scatter [tilespmem:s24], [sflag:$0x2], $0x1C00, $0x38;
	[tilespmem:$0x16000] =	vst v63  }
0x47: {  	s16 =	simm.s32 $0x2;
	s17 =	sadd.s32 $0x1180, s26;
	s13 =	simm.s32 $0x268  }
0x48: {  	[hbm4b:s31+s2] =	stream.linear.scatter [tilespmem:s25], [sflag:$0x2], $0x1C00, $0x38;
	[tilespmem:$0x16000] =	vst v63  }
.LBB2_2:
0x49: {  	[hbm4b:s17+s2] =	stream.linear.scatter [tilespmem:s18], [sflag:$0x2], $0x1C00, $0x38;
	[tilespmem:$0x16000] =	vst v63  }
0x4a: {  	s17 =	smov.u32 s15  }
0x4b: {  	p2 =	slt.u32 s16, $0x2;
	s15 =	sadd.s32 $0x1500, s15;
	s18 =	simm.s32 @!p0 $0x2  }
0x4c: {  	p1 =	sne.s32 s15, $0xFC00;
	_ =	swait.ge @!p0 [sflag:s18], $0x1C00  }
0x4d: {  	[sflag:s18] =	ssyncset.done @!p0 $0x0  }
0x4e: {  	[sflag:s18] =	ssyncadd.s32 @!p0 $0xFFFFE400  }
0x4f: {  	_ =	swait.ge @!p0 [sflag:s18], $0x1C00  }
0x50: {  	[sflag:s18] =	ssyncset.done @!p0 $0x0  }
0x51: {  	[sflag:s18] =	ssyncadd.s32 @!p0 $0xFFFFE400  }
0x52: {  	_ =	swait.ge @!p0 [sflag:s18], $0x1C00  }
0x53: {  	[sflag:s18] =	ssyncset.done @!p0 $0x0  }
0x54: {  	[sflag:s18] =	ssyncadd.s32 @!p0 $0xFFFFE400  }
0x55: {  	_ =	swait.ge @!p0 [sflag:s18], $0x1C00  }
0x56: {  	[sflag:s18] =	ssyncset.done @!p0 $0x0  }
0x57: {  	[sflag:s18] =	ssyncadd.s32 @!p0 $0xFFFFE400  }
0x58: {  	_ =	swait.ge @!p0 [sflag:s18], $0x1C00  }
0x59: {  	[sflag:s18] =	ssyncset.done @!p0 $0x0  }
0x5a: {  	s19 =	sand.u32 $0x1, s14;
	s14 =	smov.u32 s16;
	[sflag:s18] =	ssyncadd.s32 @!p0 $0xFFFFE400  }
0x5b: {  	s24 =	simm.s32 $0xA800;
	p3 =	seq.s32 s19, $0x1;
	_ =	swait.ge @!p0 [sflag:s18], $0x1C00  }
0x5c: {  	s24 =	simm.s32 @!p3 $0x0;
	[sflag:s18] =	ssyncset.done @!p0 $0x0  }
0x5d: {  	s19 =	sor.u32 $0x1000, s24;
	[sflag:s18] =	ssyncadd.s32 @!p0 $0xFFFFE400;
	s18 =	sadd.s32 $0xFFFFFEE8, s13  }
0x5e: {  	[tilespmem:s19], [sflag:$0x1] =	stream.indirect.gather [hbm4b:s3+s8], $0x80, s18, s8, $0xb8;
	[tilespmem:$0x16000] =	vst v63  }
0x5f: {  	s20 =	sadd.s32 $0x2C00, s24;
	p0 =	por p2, p2;
	s18 =	sadd.s32 $0xFFFFFF20, s13  }
0x60: {  	[tilespmem:s20], [sflag:$0x1] =	stream.indirect.gather [hbm4b:s3+s8], $0x80, s18, s8, $0xb8;
	[tilespmem:$0x16000] =	vst v63  }
0x61: {  	s21 =	sadd.s32 $0x4800, s24;
	s18 =	sadd.s32 $0xFFFFFF58, s13  }
0x62: {  	[tilespmem:s21], [sflag:$0x1] =	stream.indirect.gather [hbm4b:s3+s8], $0x80, s18, s8, $0xb8;
	[tilespmem:$0x16000] =	vst v63  }
0x63: {  	s22 =	sadd.s32 $0x6400, s24;
	s18 =	sadd.s32 $0xFFFFFF90, s13  }
0x64: {  	[tilespmem:s22], [sflag:$0x1] =	stream.indirect.gather [hbm4b:s3+s8], $0x80, s18, s8, $0xb8;
	[tilespmem:$0x16000] =	vst v63  }
0x65: {  	s23 =	sadd.s32 $0x8000, s24;
	s18 =	sadd.s32 $0xFFFFFFC8, s13  }
0x66: {  	[tilespmem:s23], [sflag:$0x1] =	stream.indirect.gather [hbm4b:s3+s8], $0x80, s18, s8, $0xb8;
	[tilespmem:$0x16000] =	vst v63  }
0x67: {  	s18 =	sadd.s32 $0x9C00, s24  }
0x68: {  	[tilespmem:s18], [sflag:$0x1] =	stream.indirect.gather [hbm4b:s3+s8], $0x80, s13, s8, $0xb8;
	[tilespmem:$0x16000] =	vst v63  }
0x69: {  	_ =	swait.ge [sflag:s9], $0x1C00  }
0x6a: {  	[sflag:s9] =	ssyncset.done $0x0  }
0x6b: {  	[sflag:s9] =	ssyncadd.s32 $0xFFFFE400  }
0x6c: {  	_ =	swait.ge [sflag:s9], $0x1C00  }
0x6d: {  	[sflag:s9] =	ssyncset.done $0x0  }
0x6e: {  	[sflag:s9] =	ssyncadd.s32 $0xFFFFE400  }
0x6f: {  	_ =	swait.ge [sflag:s9], $0x1C00  }
0x70: {  	[sflag:s9] =	ssyncset.done $0x0  }
0x71: {  	[sflag:s9] =	ssyncadd.s32 $0xFFFFE400  }
0x72: {  	_ =	swait.ge [sflag:s9], $0x1C00  }
0x73: {  	[sflag:s9] =	ssyncset.done $0x0  }
0x74: {  	[sflag:s9] =	ssyncadd.s32 $0xFFFFE400  }
0x75: {  	_ =	swait.ge [sflag:s9], $0x1C00  }
0x76: {  	[sflag:s9] =	ssyncset.done $0x0  }
0x77: {  	[sflag:s9] =	ssyncadd.s32 $0xFFFFE400  }
0x78: {  	_ =	swait.ge [sflag:s9], $0x1C00  }
0x79: {  	[sflag:s9] =	ssyncset.done $0x0  }
0x7a: {  	s24 =	sadd.s32 s12, s6;
	s12 =	smov.u32 s17;
	[sflag:s9] =	ssyncadd.s32 $0xFFFFE400  }
0x7b: {  	[hbm4b:s24+s2] =	stream.linear.scatter [tilespmem:s19], [sflag:$0x2], $0x1C00, $0x38;
	[tilespmem:$0x16000] =	vst v63  }
0x7c: {  	s17 =	sadd.s32 $0x380, s24  }
0x7d: {  	[hbm4b:s17+s2] =	stream.linear.scatter [tilespmem:s20], [sflag:$0x2], $0x1C00, $0x38;
	[tilespmem:$0x16000] =	vst v63  }
0x7e: {  	s17 =	sadd.s32 $0x700, s24  }
0x7f: {  	[hbm4b:s17+s2] =	stream.linear.scatter [tilespmem:s21], [sflag:$0x2], $0x1C00, $0x38;
	[tilespmem:$0x16000] =	vst v63  }
.Ltmp0:
0x80: {  	s17 =	sadd.s32 $0xA80, s24;
	(pc) =	sbr.rel @p1 .LBB2_2-.Ltmp0, $4  }
0x81: {  	[hbm4b:s17+s2] =	stream.linear.scatter [tilespmem:s22], [sflag:$0x2], $0x1C00, $0x38;
	[tilespmem:$0x16000] =	vst v63  }
0x82: {  	s17 =	sadd.s32 $0xE00, s24  }
0x83: {  	[hbm4b:s17+s2] =	stream.linear.scatter [tilespmem:s23], [sflag:$0x2], $0x1C00, $0x38;
	[tilespmem:$0x16000] =	vst v63  }
0x84: {  	s16 =	sadd.s32 $0x1, s16;
	s13 =	sadd.s32 $0x150, s13;
	s17 =	sadd.s32 $0x1180, s24  }
0x85: {  	[hbm4b:s17+s2] =	stream.linear.scatter [tilespmem:s18], [sflag:$0x2], $0x1C00, $0x38;
	[tilespmem:$0x16000] =	vst v63  }
0x86: {  	s15 =	simm.s32 @!p0 $0x2  }
0x87: {  	_ =	swait.ge @!p0 [sflag:s15], $0x1C00  }
0x88: {  	[sflag:s15] =	ssyncset.done @!p0 $0x0  }
0x89: {  	[sflag:s15] =	ssyncadd.s32 @!p0 $0xFFFFE400  }
0x8a: {  	_ =	swait.ge @!p0 [sflag:s15], $0x1C00  }
0x8b: {  	[sflag:s15] =	ssyncset.done @!p0 $0x0  }
0x8c: {  	[sflag:s15] =	ssyncadd.s32 @!p0 $0xFFFFE400  }
0x8d: {  	_ =	swait.ge @!p0 [sflag:s15], $0x1C00  }
0x8e: {  	[sflag:s15] =	ssyncset.done @!p0 $0x0  }
0x8f: {  	[sflag:s15] =	ssyncadd.s32 @!p0 $0xFFFFE400  }
0x90: {  	_ =	swait.ge @!p0 [sflag:s15], $0x1C00  }
0x91: {  	[sflag:s15] =	ssyncset.done @!p0 $0x0  }
0x92: {  	[sflag:s15] =	ssyncadd.s32 @!p0 $0xFFFFE400  }
0x93: {  	_ =	swait.ge @!p0 [sflag:s15], $0x1C00  }
0x94: {  	[sflag:s15] =	ssyncset.done @!p0 $0x0  }
0x95: {  	s14 =	sand.u32 $0x1, s14;
	[sflag:s15] =	ssyncadd.s32 @!p0 $0xFFFFE400  }
0x96: {  	p1 =	seq.s32 s14, $0x1;
	s14 =	simm.s32 $0xA800;
	_ =	swait.ge @!p0 [sflag:s15], $0x1C00  }
0x97: {  	s14 =	simm.s32 @!p1 $0x0;
	[sflag:s15] =	ssyncset.done @!p0 $0x0  }
0x98: {  	s16 =	sadd.s32 $0xFFFFFEE8, s13;
	s31 =	sor.u32 $0x1000, s14;
	[sflag:s15] =	ssyncadd.s32 @!p0 $0xFFFFE400  }
0x99: {  	[tilespmem:s31], [sflag:$0x1] =	stream.indirect.gather [hbm4b:s3+s8], $0x80, s16, s8, $0xb8;
	[tilespmem:$0x16000] =	vst v63  }
0x9a: {  	s22 =	sadd.s32 $0xFFFFFF20, s13;
	s21 =	sadd.s32 $0x2C00, s14  }
0x9b: {  	[tilespmem:s21], [sflag:$0x1] =	stream.indirect.gather [hbm4b:s3+s8], $0x80, s22, s8, $0xb8;
	[tilespmem:$0x16000] =	vst v63  }
0x9c: {  	s24 =	sadd.s32 $0xFFFFFF58, s13;
	s23 =	sadd.s32 $0x4800, s14  }
0x9d: {  	[tilespmem:s23], [sflag:$0x1] =	stream.indirect.gather [hbm4b:s3+s8], $0x80, s24, s8, $0xb8;
	[tilespmem:$0x16000] =	vst v63  }
0x9e: {  	s19 =	sadd.s32 $0xFFFFFF90, s13;
	s25 =	sadd.s32 $0x6400, s14  }
0x9f: {  	[tilespmem:s25], [sflag:$0x1] =	stream.indirect.gather [hbm4b:s3+s8], $0x80, s19, s8, $0xb8;
	[tilespmem:$0x16000] =	vst v63  }
0xa0: {  	s20 =	sadd.s32 $0xFFFFFFC8, s13;
	s26 =	sadd.s32 $0x8000, s14  }
0xa1: {  	[tilespmem:s26], [sflag:$0x1] =	stream.indirect.gather [hbm4b:s3+s8], $0x80, s20, s8, $0xb8;
	[tilespmem:$0x16000] =	vst v63  }
0xa2: {  	s14 =	sadd.s32 $0x9C00, s14  }
0xa3: {  	[tilespmem:s14], [sflag:$0x1] =	stream.indirect.gather [hbm4b:s3+s8], $0x80, s13, s8, $0xb8;
	[tilespmem:$0x16000] =	vst v63  }
0xa4: {  	_ =	swait.ge [sflag:s9], $0x1C00  }
0xa5: {  	[sflag:s9] =	ssyncset.done $0x0  }
0xa6: {  	[sflag:s9] =	ssyncadd.s32 $0xFFFFE400  }
0xa7: {  	_ =	swait.ge [sflag:s9], $0x1C00  }
0xa8: {  	[sflag:s9] =	ssyncset.done $0x0  }
0xa9: {  	[sflag:s9] =	ssyncadd.s32 $0xFFFFE400  }
0xaa: {  	_ =	swait.ge [sflag:s9], $0x1C00  }
0xab: {  	[sflag:s9] =	ssyncset.done $0x0  }
0xac: {  	[sflag:s9] =	ssyncadd.s32 $0xFFFFE400  }
0xad: {  	_ =	swait.ge [sflag:s9], $0x1C00  }
0xae: {  	[sflag:s9] =	ssyncset.done $0x0  }
0xaf: {  	[sflag:s9] =	ssyncadd.s32 $0xFFFFE400  }
0xb0: {  	_ =	swait.ge [sflag:s9], $0x1C00  }
0xb1: {  	[sflag:s9] =	ssyncset.done $0x0  }
0xb2: {  	[sflag:s9] =	ssyncadd.s32 $0xFFFFE400  }
0xb3: {  	_ =	swait.ge [sflag:s9], $0x1C00  }
0xb4: {  	[sflag:s9] =	ssyncset.done $0x0  }
0xb5: {  	s12 =	sadd.s32 s12, s6;
	[sflag:s9] =	ssyncadd.s32 $0xFFFFE400  }
0xb6: {  	[hbm4b:s12+s2] =	stream.linear.scatter [tilespmem:s31], [sflag:$0x2], $0x1C00, $0x38;
	[tilespmem:$0x16000] =	vst v63  }
0xb7: {  	s28 =	sadd.s32 $0x380, s12  }
0xb8: {  	[hbm4b:s28+s2] =	stream.linear.scatter [tilespmem:s21], [sflag:$0x2], $0x1C00, $0x38;
	[tilespmem:$0x16000] =	vst v63  }
0xb9: {  	s29 =	sadd.s32 $0x700, s12  }
0xba: {  	[hbm4b:s29+s2] =	stream.linear.scatter [tilespmem:s23], [sflag:$0x2], $0x1C00, $0x38;
	[tilespmem:$0x16000] =	vst v63  }
0xbb: {  	s30 =	sadd.s32 $0xA80, s12  }
0xbc: {  	[hbm4b:s30+s2] =	stream.linear.scatter [tilespmem:s25], [sflag:$0x2], $0x1C00, $0x38;
	[tilespmem:$0x16000] =	vst v63  }
0xbd: {  	s31 =	sadd.s32 $0xE00, s12  }
0xbe: {  	[hbm4b:s31+s2] =	stream.linear.scatter [tilespmem:s26], [sflag:$0x2], $0x1C00, $0x38;
	[tilespmem:$0x16000] =	vst v63  }
0xbf: {  	s12 =	sadd.s32 $0x1180, s12  }
0xc0: {  	[hbm4b:s12+s2] =	stream.linear.scatter [tilespmem:s14], [sflag:$0x2], $0x1C00, $0x38;
	[tilespmem:$0x16000] =	vst v63  }
0xc1: {  	_ =	swait.ge [sflag:s10], $0x1C00  }
0xc2: {  	[sflag:s10] =	ssyncset.done $0x0  }
0xc3: {  	[sflag:s10] =	ssyncadd.s32 $0xFFFFE400  }
0xc4: {  	_ =	swait.ge [sflag:s10], $0x1C00  }
0xc5: {  	[sflag:s10] =	ssyncset.done $0x0  }
0xc6: {  	[sflag:s10] =	ssyncadd.s32 $0xFFFFE400  }
0xc7: {  	_ =	swait.ge [sflag:s10], $0x1C00  }
0xc8: {  	[sflag:s10] =	ssyncset.done $0x0  }
0xc9: {  	[sflag:s10] =	ssyncadd.s32 $0xFFFFE400  }
0xca: {  	_ =	swait.ge [sflag:s10], $0x1C00  }
0xcb: {  	[sflag:s10] =	ssyncset.done $0x0  }
0xcc: {  	[sflag:s10] =	ssyncadd.s32 $0xFFFFE400  }
0xcd: {  	_ =	swait.ge [sflag:s10], $0x1C00  }
0xce: {  	[sflag:s10] =	ssyncset.done $0x0  }
0xcf: {  	[sflag:s10] =	ssyncadd.s32 $0xFFFFE400  }
0xd0: {  	_ =	swait.ge [sflag:s10], $0x1C00  }
0xd1: {  	[sflag:s10] =	ssyncset.done $0x0  }
0xd2: {  	[sflag:s10] =	ssyncadd.s32 $0xFFFFE400  }
0xd3: {  	_ =	swait.ge [sflag:s10], $0x1C00  }
0xd4: {  	[sflag:s10] =	ssyncset.done $0x0  }
0xd5: {  	[sflag:s10] =	ssyncadd.s32 $0xFFFFE400  }
0xd6: {  	_ =	swait.ge [sflag:s10], $0x1C00  }
0xd7: {  	[sflag:s10] =	ssyncset.done $0x0  }
0xd8: {  	[sflag:s10] =	ssyncadd.s32 $0xFFFFE400  }
0xd9: {  	_ =	swait.ge [sflag:s10], $0x1C00  }
0xda: {  	[sflag:s10] =	ssyncset.done $0x0  }
0xdb: {  	[sflag:s10] =	ssyncadd.s32 $0xFFFFE400  }
0xdc: {  	_ =	swait.ge [sflag:s10], $0x1C00  }
0xdd: {  	[sflag:s10] =	ssyncset.done $0x0  }
0xde: {  	s11 =	sadd.s32 $0x1, s11;
	[sflag:s10] =	ssyncadd.s32 $0xFFFFE400  }
0xdf: {  	p0 =	sne.s32 s11, s5;
	_ =	swait.ge [sflag:s10], $0x1C00  }
.Ltmp1:
0xe0: {  	[sflag:s10] =	ssyncset.done $0x0;
	(pc) =	sbr.rel @p0 .LBB2_1-.Ltmp1, $4  }
0xe1: {  	[sflag:s10] =	ssyncadd.s32 $0xFFFFE400  }
0xe2: {  	_ =	swait.ge [sflag:s10], $0x1C00  }
0xe3: {  	[sflag:s10] =	ssyncset.done $0x0  }
0xe4: {  	[sflag:s10] =	ssyncadd.s32 $0xFFFFE400  }
0xe5: {  	_ =	sfence.sel $0x180000  }
0xe6: {  	[bflag:$0x0] =	sbarrier.arrive $0xFFFF  }
0xe7: {  	p0 =	sne.s32 s1, $0x0;
	_ =	strace $0x90000050  }
0xe8: {  	s0 =	sadd.s32 @!p0 $0x100000, s0;
	[bflag:$0x2] =	sbarrier.arrive $0xFFFF  }
0xe9: {  	[sflag:s0] =	ssyncadd.tile.s32 @!p0 $0x1;
	_ =	shalt  }
.Lfunc_end2:
_tile_overlayer_lowered:
.L_overlay_start_2:
0xea: {  	(tag) =	ssettag $0x2  }
0xeb: {  	s0 =	rddreg [dreg:$0x0];
	s2 =	stileid.u32  }
0xec: {  	s1 =	rddreg [dreg:$0x1];
	p0 =	sne.s32 s2, $0x0  }
0xed: {  	s3 =	rddreg [dreg:$0x2];
	[bflag:$0x3] =	sbarrier.arrive $0xFFFF;
	s2 =	simm.s32 @!p0 $0x1C03  }
0xee: {  	[timem:s3], [sflag:s2] =	dma.local @!p0 [hbm:s0], s1  }
0xef: {  	s0 =	simm.s32 @!p0 $0x3  }
0xf0: {  	_ =	swait.ge @!p0 [sflag:s0], s1  }
0xf1: {  	s1 =	ssub.s32 @!p0 $0x0, s1;
	[sflag:s0] =	ssyncset.done @!p0 $0x0  }
0xf2: {  	[sflag:s0] =	ssyncadd.s32 @!p0 s1  }
0xf3: {  	[bflag:$0x3] =	sbarrier.arrive $0xFFFF  }
0xf4: {  	_ =	shalt  }

// kernel: kernel.8.cloned.1.call-start
scs
__scs_entry_jumppad:
0x0: {  	(pc) =	sbr.rel $0x88, $3  }
0x1: {  	(tag) =	ssettag $0x0;
	lr =	simm.s32 $0x1  }
0x2: {  	[smem:$0x3F91] =	sst lr;
	_ =	strace $0xD0000000  }
0x3: {  	_ = 	snop  }
0x4: {  	_ = 	snop  }
0x5: {  	_ = 	snop  }
0x6: {  	_ = 	snop  }
0x7: {  	_ = 	snop  }
__scs_overlays_trampoline_lowered:
0x8: {  	[smem:$0x3FA0] =	sst s0  }
0x9: {  	[smem:$0x3FA1] =	sst s1  }
0xa: {  	[smem:$0x3FA2] =	sst s2  }
0xb: {  	[smem:$0x3FA3] =	sst s3  }
0xc: {  	[smem:$0x3FA4] =	sst s4  }
0xd: {  	[smem:$0x3FA5] =	sst s5  }
0xe: {  	[smem:$0x3FA6] =	sst s6  }
0xf: {  	[smem:$0x3FA7] =	sst s7  }
0x10: {  	[smem:$0x3FA8] =	sst s8  }
0x11: {  	[smem:$0x3FA9] =	sst s9;
	s0 =	simm.s32 @!p0 $0x0  }
0x12: {  	s1 =	sld [smem:$0x3F8F];
	s0 =	simm.s32 @p0 $0x1  }
0x13: {  	[smem:$0x3FAA] =	sst s0;
	s0 =	simm.s32 @!p1 $0x0  }
0x14: {  	s2 =	sld [smem:$0x3F8E];
	s0 =	simm.s32 @p1 $0x1  }
0x15: {  	[smem:$0x3FAB] =	sst s0;
	s0 =	simm.s32 @!p2 $0x0  }
0x16: {  	s3 =	sld [smem:$0x3FDB];
	s0 =	simm.s32 @p2 $0x1  }
0x17: {  	s4 =	simm.s32 $0x1BF5;
	[smem:$0x3FAD] =	sst s0  }
0x18: {  	s0 =	sld [smem:$0x3F90];
	_ =	swait.ge [sflag:s4], $0x0  }
0x19: {  	s7 =	sld [smem:$0x3F91]  }
0x1a: {  	s8 =	sadd.s32 $0xFFFFE003, lr  }
0x1b: {  	s9 =	sadd.s32 $0xFFFFFEF7, lr;
	s5 =	simm.s32 $0xFFFFFFFF;
	p2 =	slt.u32 s8, $0xFFFFF086  }
0x1c: {  	p1 =	slt.u32 s9, $0xF7A;
	s5 =	simm.s32 @!p2 $0x0  }
0x1d: {  	s5 =	simm.s32 @p1 $0x1;
	p0 =	seq.s32 s7, s2  }
0x1e: {  	s7 =	smul.u32 @!p0 $0xF7A, s2;
	p2 =	seq.s32 @!p0 s5, $0x0  }
0x1f: {  	s9 =	smul.u32 $0xF7A, s1;
	s8 =	simm.s32 @!p0 $0x1BF5;
	p2 =	por !p2, p0  }
0x20: {  	[sflag:s8] =	ssyncset.s32 @!p0 $0xFFFFF086;
	s6 =	sadd.s32 @!p0 s3, s7;
	s7 =	simm.s32 @!p0 $0x108  }
0x21: {  	s3 =	sadd.s32 s3, s9;
	s6 =	sadd.s32 @!p0 $0x88, s6;
	s7 =	simm.s32 @p2 $0x1082  }
0x22: {  	[simem:s7], [sflag:s8] =	dma.local @!p0 [hbm:s6], $0xF7A  }
0x23: {  	s9 =	sor.u32 $0xD0000000, s2;
	s6 =	simm.s32 $0x108;
	_ =	swait.ge @!p0 [sflag:s8], $0x0  }
0x24: {  	s3 =	sadd.s32 $0x88, s3;
	s6 =	simm.s32 @!p1 $0x1082;
	[sflag:s4] =	ssyncset.s32 $0xFFFFF086  }
0x25: {  	[simem:s6], [sflag:s4] =	dma.local [hbm:s3], $0xF7A  }
0x26: {  	[smem:$0x3F91] =	sst s1;
	(tag) =	ssettag s2;
	_ =	strace s9  }
0x27: {  	s1 =	sld [smem:$0x3FA1]  }
0x28: {  	s2 =	sld [smem:$0x3FA2]  }
0x29: {  	s4 =	sld [smem:$0x3FA4]  }
0x2a: {  	p0 =	seq.s32 s5, $0x0;
	s5 =	sld [smem:$0x3FA5]  }
0x2b: {  	s6 =	sld [smem:$0x3FA6]  }
0x2c: {  	s7 =	sld [smem:$0x3FA7]  }
0x2d: {  	s3 =	simm.s32 $0x108;
	s8 =	sld [smem:$0x3FA8]  }
0x2e: {  	s3 =	simm.s32 @!p0 $0x1082;
	s9 =	sld [smem:$0x3FA9]  }
0x2f: {  	lr =	sadd.s32 s0, s3;
	s0 =	sld [smem:$0x3FA0]  }
0x30: {  	s3 =	sld [smem:$0x3FA3]  }
0x31: {  	[smem:$0x3FAC] =	sst s10  }
0x32: {  	s10 =	sld [smem:$0x3FAA];
	_ =	sdelay $0x3  }
0x33: {  	p0 =	seq.s32 s10, $0x1;
	s10 =	sld [smem:$0x3FAC];
	_ =	sdelay $0x3  }
0x34: {  	[smem:$0x3FAC] =	sst s10  }
0x35: {  	s10 =	sld [smem:$0x3FAB];
	_ =	sdelay $0x3  }
0x36: {  	p1 =	seq.s32 s10, $0x1;
	s10 =	sld [smem:$0x3FAC];
	_ =	sdelay $0x3  }
0x37: {  	[smem:$0x3FAC] =	sst s10  }
0x38: {  	s10 =	sld [smem:$0x3FAD]  }
0x39: {  	_ = 	snop;
	(pc) =	sbr.ind lr, $3  }
0x3a: {  	_ = 	snop  }
0x3b: {  	_ = 	snop  }
0x3c: {  	p2 =	seq.s32 s10, $0x1;
	s10 =	sld [smem:$0x3FAC]  }
0x3d: {  	_ =	shalt  }
0x3e: {  	_ =	shalt  }
0x3f: {  	_ =	shalt  }
0x40: {  	_ =	shalt  }
0x41: {  	_ =	shalt  }
0x42: {  	_ =	shalt  }
0x43: {  	_ =	shalt  }
0x44: {  	_ =	shalt  }
0x45: {  	_ =	shalt  }
0x46: {  	_ =	shalt  }
0x47: {  	_ =	shalt  }
0x48: {  	_ =	shalt  }
0x49: {  	_ =	shalt  }
0x4a: {  	_ =	shalt  }
0x4b: {  	_ =	shalt  }
0x4c: {  	_ =	shalt  }
0x4d: {  	_ =	shalt  }
0x4e: {  	_ =	shalt  }
0x4f: {  	_ =	shalt  }
0x50: {  	_ =	shalt  }
0x51: {  	_ =	shalt  }
0x52: {  	_ =	shalt  }
0x53: {  	_ =	shalt  }
0x54: {  	_ =	shalt  }
0x55: {  	_ =	shalt  }
0x56: {  	_ =	shalt  }
0x57: {  	_ =	shalt  }
0x58: {  	_ =	shalt  }
0x59: {  	_ =	shalt  }
0x5a: {  	_ =	shalt  }
0x5b: {  	_ =	shalt  }
0x5c: {  	_ =	shalt  }
0x5d: {  	_ =	shalt  }
0x5e: {  	_ =	shalt  }
0x5f: {  	_ =	shalt  }
0x60: {  	_ =	shalt  }
0x61: {  	_ =	shalt  }
0x62: {  	_ =	shalt  }
0x63: {  	_ =	shalt  }
0x64: {  	_ =	shalt  }
0x65: {  	_ =	shalt  }
0x66: {  	_ =	shalt  }
0x67: {  	_ =	shalt  }
0x68: {  	_ =	shalt  }
0x69: {  	_ =	shalt  }
0x6a: {  	_ =	shalt  }
0x6b: {  	_ =	shalt  }
0x6c: {  	_ =	shalt  }
0x6d: {  	_ =	shalt  }
0x6e: {  	_ =	shalt  }
0x6f: {  	_ =	shalt  }
0x70: {  	_ =	shalt  }
0x71: {  	_ =	shalt  }
0x72: {  	_ =	shalt  }
0x73: {  	_ =	shalt  }
0x74: {  	_ =	shalt  }
0x75: {  	_ =	shalt  }
0x76: {  	_ =	shalt  }
0x77: {  	_ =	shalt  }
0x78: {  	_ =	shalt  }
0x79: {  	_ =	shalt  }
0x7a: {  	_ =	shalt  }
0x7b: {  	_ =	shalt  }
0x7c: {  	_ =	shalt  }
0x7d: {  	_ =	shalt  }
0x7e: {  	_ =	shalt  }
0x7f: {  	_ =	shalt  }
0x80: {  	_ =	shalt  }
0x81: {  	_ =	shalt  }
0x82: {  	_ =	shalt  }
0x83: {  	_ =	shalt  }
0x84: {  	_ =	shalt  }
0x85: {  	_ =	shalt  }
0x86: {  	_ =	shalt  }
0x87: {  	_ =	shalt  }
.Lfunc_end0:
.L_simem_size_0:
called_computation_lowered:
.L_overlay_start_0:
0x88: {  	s2 =	sld [smem:$0x3FD9]  }
0x89: {  	s3 =	sld [smem:$0x3FFE];
	_ =	sdelay $0x1  }
0x8a: {  	s1 =	srdreg.scid  }
0x8b: {  	s0 =	sand.u32 $0x1, s1  }
0x8c: {  	s15 =	sshll.u32 s0, $0xA;
	s2 =	sadd.s32 s3, s2  }
0x8d: {  	s2 =	sadd.s32 s2, s15  }
0x8e: {  	[smem:$0x3FB8] =	sst s2  }
0x8f: {  	_ = 	snop  }
0x90: {  	s2 =	sld [smem:$0x3FD0];
	_ =	sdelay $0x2  }
0x91: {  	s16 =	simm.s32 $0xB;
	s4 =	simm.s32 $0x10  }
0x92: {  	[smem:s4], [sflag:s16] =	dma.local [hbm:s2], $0x1  }
0x93: {  	_ =	swait.eq [sflag:s16], $0x1  }
0x94: {  	[sflag:s16] =	ssyncset.done $0x0  }
0x95: {  	[sflag:s16] =	ssyncadd.s32 $0xFFFFFFFF  }
0x96: {  	s17 =	sld [smem:$0x10];
	(tm) =	ssettm $0x1  }
0x97: {  	s18 =	sld [smem:$0x3FFB];
	_ =	sdelay $0x3  }
0x98: {  	_ =	strace s18  }
0x99: {  	s2 =	sld [smem:$0x3FFC];
	_ =	sdelay $0x3  }
0x9a: {  	_ =	strace s2  }
0x9b: {  	s2 =	sld [smem:$0x3FFD];
	_ =	sdelay $0x3  }
0x9c: {  	_ =	strace s2  }
0x9d: {  	_ =	strace $0x8FFFFFFF  }
0x9e: {  	s19 =	sld [smem:$0x3FDB];
	_ =	sdelay $0x1  }
0x9f: {  	s20 =	simm.s32 $_scs_section_size  }
0xa0: {  	s5 =	simm.s32 $_size__tile_overlayer_lowered;
	s6 =	simm.s32 $_tile_overlayer_lowered  }
0xa1: {  	s7 =	simm.s32 $0x1BFF;
	s21 =	sshll.u32 s6, $0x1;
	s4 =	sadd.s32 s20, s19  }
0xa2: {  	s22 =	simm.s32 $0x0;
	s5 =	sshll.u32 s5, $0x1;
	s6 =	sadd.s32 s21, s4  }
0xa3: {  	[timem:s22], [sflag:s7] =	dma.local [hbm:s6], s5  }
0xa4: {  	_ =	swait.ge [sflag:s7], s5  }
0xa5: {  	s5 =	ssub.s32 $0x0, s5;
	[sflag:s7] =	ssyncset.done $0x0  }
0xa6: {  	[sflag:s7] =	ssyncadd.s32 s5;
	_ =	sdelay $0x1  }
0xa7: {  	s23 =	simm.s32 $0x1B8B  }
0xa8: {  	_ =	swait.ge [sflag:s23], $0x1  }
0xa9: {  	[sflag:s23] =	ssyncset.done $0x0  }
0xaa: {  	[sflag:s23] =	ssyncadd.s32 $0xFFFFFFFF  }
0xab: {  	s5 =	sld [smem:$0x0]  }
0xac: {  	s6 =	sand.u32 $0xFFFFFFFE, s1  }
0xad: {  	p0 =	sne.s32 s1, s6  }
0xae: {  	s6 =	sshll.u32 @p0 s6, $0xE  }
0xaf: {  	s6 =	sadd.s32 @p0 $0x11B8D, s6;
	s7 =	sshll.u32 @p0 s5, $0x11  }
0xb0: {  	s6 =	sor.u32 @p0 s7, s6  }
0xb1: {  	[sflag:s6] =	ssyncadd.remote.s32 @p0 $0x1;
	_ =	sdelay $0x1  }
0xb2: {  	s6 =	simm.s32 @p0 $0x1B8D  }
0xb3: {  	_ =	swait.eq @p0 [sflag:s6], $0x1  }
0xb4: {  	[sflag:s6] =	ssyncadd.s32 @p0 $0xFFFFFFFF  }
0xb5: {  	s7 =	sshll.u32 @!p0 s1, $0xE  }
0xb6: {  	s7 =	sor.u32 @!p0 $0x4000, s7;
	s6 =	simm.s32 @!p0 $0x1B8D  }
0xb7: {  	s5 =	sshll.u32 @!p0 s5, $0x11;
	s7 =	sadd.s32 @!p0 $0x11B8D, s7;
	_ =	swait.eq @!p0 [sflag:s6], $0x1  }
0xb8: {  	s5 =	sor.u32 @!p0 s5, s7;
	[sflag:s6] =	ssyncadd.s32 @!p0 $0xFFFFFFFF  }
0xb9: {  	s25 =	simm.s32 $0x1B8E;
	s24 =	sld [smem:$0x3FFE];
	[sflag:s5] =	ssyncadd.remote.s32 @!p0 $0x1  }
0xba: {  	s26 =	simm.s32 $execute0_lowered;
	[smem:$0x3FD2] =	sst s25  }
0xbb: {  	s6 =	sshll.u32 s26, $0x1;
	_ =	strace $0x80000049;
	[dreg:$0x1] =	wrdreg $0xFFFFFFFF  }
0xbc: {  	s28 =	simm.s32 $_size_execute0_lowered;
	s4 =	sadd.s32 s4, s6;
	[dreg:$0x0] =	wrdreg $0x0  }
0xbd: {  	s6 =	sshll.u32 s28, $0x1;
	[dreg:$0x2] =	wrdreg s4  }
0xbe: {  	[dreg:$0x3] =	wrdreg s6  }
0xbf: {  	[dreg:$0x4] =	wrdreg $0xC0  }
0xc0: {  	_ =	task [dreg:s22], $0x5FFFF  }
0xc1: {  	[dreg:$0x1] =	wrdreg $0xFFFFFFFF  }
0xc2: {  	[dreg:$0x0] =	wrdreg $0x60  }
0xc3: {  	[dreg:$0x2] =	wrdreg s24  }
0xc4: {  	[dreg:$0x3] =	wrdreg s17  }
0xc5: {  	[dreg:$0x4] =	wrdreg $0x9  }
0xc6: {  	_ =	task.clear_ibuf [dreg:s22], $0x5FFFF;
	_ =	strace $0x90000049  }
0xc7: {  	s29 =	simm.s32 $0x9;
	_ =	strace $0x8000004B  }
0xc8: {  	_ =	swait.ge [sflag:s29], $0x1  }
0xc9: {  	[sflag:s29] =	ssyncadd.s32 $0xFFFFFFFF  }
0xca: {  	_ =	strace $0x9000004B  }
0xcb: {  	_ =	sfence  }
0xcc: {  	s30 =	sld [smem:$0x0];
	_ =	sdelay $0x2  }
0xcd: {  	s31 =	sshll.u32 s1, $0xD;
	s1 =	sshrl.u32 s1, $0x2  }
0xce: {  	s4 =	sand.u32 $0x4000, s31;
	s1 =	sadd.s32 s1, s30  }
0xcf: {  	s0 =	sor.u32 s4, s0;
	s1 =	sshll.u32 s1, $0x11  }
0xd0: {  	s0 =	sor.u32 s1, s0  }
0xd1: {  	s0 =	sadd.s32 $0x8F2B, s0  }
0xd2: {  	[sflag:s0] =	ssyncadd.remote.s32 $0x1  }
0xd3: {  	_ =	sfence.sel $0xFFFF  }
0xd4: {  	[dreg:$0x0] =	wrdreg $0xFFFFFFFF;
	(pc) =	sbr.abs _section_cstart, $3  }
0xd5: {  	[dreg:$0x1] =	wrdreg $0xFFFFFFFF  }
0xd6: {  	_ =	task.clear_ibuf [dreg:s22], $0x2FFFF;
	_ =	strace $0x9FFFFFFF  }
0xd7: {  	(tm) =	ssettm $0x7FFFFFFF  }
tec
execute0_lowered:
.L_overlay_start_1:
0x0: {  	(tag) =	ssettag $0x1  }
0x1: {  	s4 =	rddreg [dreg:$0x0]  }
0x2: {  	s5 =	rddreg [dreg:$0x1]  }
0x3: {  	s0 =	rddreg [dreg:$0x2]  }
0x4: {  	s1 =	stileid.u32;
	s3 =	srdreg.scid  }
0x5: {  	s2 =	simm.s32 $0x0;
	s11 =	simm.s32 $0x0;
	s6 =	sand.u32 $0x1, s3  }
0x6: {  	s30 =	sshll.u32 s1, $0x1;
	[smem:$0x7FF] =	sst s2;
	s7 =	smul.u32 $0x1F800, s1  }
0x7: {  	s3 =	sor.u32 s6, s30;
	s8 =	ssub.s32 $0x2, s6;
	s6 =	smul.u32 $0xFC00, s6  }
0x8: {  	_ =	strace $0x8000004A;
	s9 =	smul.u32 $0xFC0, s3;
	s10 =	sshrl.u32 s8, $0x1  }
0x9: {  	s3 =	sadd.s32 $0x40000, s4;
	s7 =	sadd.s32 s7, s4;
	s8 =	ssub.s32 s8, s10  }
0xa: {  	s6 =	sadd.s32 s6, s7;
	s7 =	simm.s32 $0x3;
	s10 =	simm.s32 $0x2  }
0xb: {  	s31 =	sshrl.u32 s9, $0x3;
	s6 =	sadd.s32 $0x68000, s6;
	s9 =	simm.s32 $0x1  }
0xc: {  	s4 =	sadd.s32 s5, s31;
	s5 =	smax.u32 s8, $0x1;
	s8 =	simm.s32 $0x38  }
.LBB2_1:
0xd: {  	[tilespmem:s2], [sflag:$0x3] =	stream.linear.gather [hbm4b:s4+s2], $0xFC0, $0x38;
	[tilespmem:$0x16000] =	vst v63  }
0xe: {  	p0 =	por $0x1, $0x1;
	_ =	swait.ge [sflag:s7], $0xFC0  }
0xf: {  	p0 =	por p0, p0;
	[sflag:s7] =	ssyncset.done $0x0  }
0x10: {  	s12 =	simm.s32 @!p0 $0x2;
	[sflag:s7] =	ssyncadd.s32 $0xFFFFF040  }
0x11: {  	_ =	swait.ge @!p0 [sflag:s12], $0x1C00  }
0x12: {  	[sflag:s12] =	ssyncset.done @!p0 $0x0  }
0x13: {  	[sflag:s12] =	ssyncadd.s32 @!p0 $0xFFFFE400  }
0x14: {  	_ =	swait.ge @!p0 [sflag:s12], $0x1C00  }
0x15: {  	[sflag:s12] =	ssyncset.done @!p0 $0x0  }
0x16: {  	[sflag:s12] =	ssyncadd.s32 @!p0 $0xFFFFE400  }
0x17: {  	_ =	swait.ge @!p0 [sflag:s12], $0x1C00  }
0x18: {  	[sflag:s12] =	ssyncset.done @!p0 $0x0  }
0x19: {  	[sflag:s12] =	ssyncadd.s32 @!p0 $0xFFFFE400  }
0x1a: {  	_ =	swait.ge @!p0 [sflag:s12], $0x1C00  }
0x1b: {  	[sflag:s12] =	ssyncset.done @!p0 $0x0  }
0x1c: {  	[sflag:s12] =	ssyncadd.s32 @!p0 $0xFFFFE400  }
0x1d: {  	_ =	swait.ge @!p0 [sflag:s12], $0x1C00  }
0x1e: {  	[sflag:s12] =	ssyncset.done @!p0 $0x0  }
0x1f: {  	s13 =	sand.u32 $0x1, s2;
	[sflag:s12] =	ssyncadd.s32 @!p0 $0xFFFFE400  }
0x20: {  	p1 =	seq.s32 s13, $0x1;
	s13 =	simm.s32 $0xA800;
	_ =	swait.ge @!p0 [sflag:s12], $0x1C00  }
0x21: {  	s13 =	simm.s32 @!p1 $0x0;
	[sflag:s12] =	ssyncset.done @!p0 $0x0  }
0x22: {  	s14 =	simm.s32 $0x0;
	s21 =	sor.u32 $0x1000, s13;
	[sflag:s12] =	ssyncadd.s32 @!p0 $0xFFFFE400  }
0x23: {  	[tilespmem:s21], [sflag:$0x1] =	stream.indirect.gather [hbm4b:s3+s8], $0x80, s14, s8, $0xb8;
	[tilespmem:$0x16000] =	vst v63  }
0x24: {  	s15 =	simm.s32 $0x38;
	s22 =	sadd.s32 $0x2C00, s13  }
0x25: {  	[tilespmem:s22], [sflag:$0x1] =	stream.indirect.gather [hbm4b:s3+s8], $0x80, s15, s8, $0xb8;
	[tilespmem:$0x16000] =	vst v63  }
0x26: {  	s16 =	simm.s32 $0x70;
	s23 =	sadd.s32 $0x4800, s13  }
0x27: {  	[tilespmem:s23], [sflag:$0x1] =	stream.indirect.gather [hbm4b:s3+s8], $0x80, s16, s8, $0xb8;
	[tilespmem:$0x16000] =	vst v63  }
0x28: {  	s17 =	simm.s32 $0xA8;
	s24 =	sadd.s32 $0x6400, s13  }
0x29: {  	[tilespmem:s24], [sflag:$0x1] =	stream.indirect.gather [hbm4b:s3+s8], $0x80, s17, s8, $0xb8;
	[tilespmem:$0x16000] =	vst v63  }
0x2a: {  	s18 =	simm.s32 $0xE0;
	s25 =	sadd.s32 $0x8000, s13  }
0x2b: {  	[tilespmem:s25], [sflag:$0x1] =	stream.indirect.gather [hbm4b:s3+s8], $0x80, s18, s8, $0xb8;
	[tilespmem:$0x16000] =	vst v63  }
0x2c: {  	s19 =	simm.s32 $0x118;
	s18 =	sadd.s32 $0x9C00, s13  }
0x2d: {  	[tilespmem:s18], [sflag:$0x1] =	stream.indirect.gather [hbm4b:s3+s8], $0x80, s19, s8, $0xb8;
	[tilespmem:$0x16000] =	vst v63  }
0x2e: {  	_ =	swait.ge [sflag:s9], $0x1C00  }
0x2f: {  	[sflag:s9] =	ssyncset.done $0x0  }
0x30: {  	[sflag:s9] =	ssyncadd.s32 $0xFFFFE400  }
0x31: {  	_ =	swait.ge [sflag:s9], $0x1C00  }
0x32: {  	[sflag:s9] =	ssyncset.done $0x0  }
0x33: {  	[sflag:s9] =	ssyncadd.s32 $0xFFFFE400  }
0x34: {  	_ =	swait.ge [sflag:s9], $0x1C00  }
0x35: {  	[sflag:s9] =	ssyncset.done $0x0  }
0x36: {  	[sflag:s9] =	ssyncadd.s32 $0xFFFFE400  }
0x37: {  	_ =	swait.ge [sflag:s9], $0x1C00  }
0x38: {  	[sflag:s9] =	ssyncset.done $0x0  }
0x39: {  	[sflag:s9] =	ssyncadd.s32 $0xFFFFE400  }
0x3a: {  	_ =	swait.ge [sflag:s9], $0x1C00  }
0x3b: {  	[sflag:s9] =	ssyncset.done $0x0  }
0x3c: {  	[sflag:s9] =	ssyncadd.s32 $0xFFFFE400  }
0x3d: {  	_ =	swait.ge [sflag:s9], $0x1C00  }
0x3e: {  	[sflag:s9] =	ssyncset.done $0x0  }
0x3f: {  	s26 =	sadd.s32 $0x0, s6;
	[sflag:s9] =	ssyncadd.s32 $0xFFFFE400  }
0x40: {  	[hbm4b:s26+s2] =	stream.linear.scatter [tilespmem:s21], [sflag:$0x2], $0x1C00, $0x38;
	[tilespmem:$0x16000] =	vst v63  }
0x41: {  	p6 =	por $0x1, $0x1;
	s28 =	sadd.s32 $0x380, s26;
	s29 =	sadd.s32 $0x700, s26  }
0x42: {  	[hbm4b:s28+s2] =	stream.linear.scatter [tilespmem:s22], [sflag:$0x2], $0x1C00, $0x38;
	[tilespmem:$0x16000] =	vst v63  }
0x43: {  	s30 =	sadd.s32 $0xA80, s26;
	s31 =	sadd.s32 $0xE00, s26;
	s12 =	simm.s32 $0x1500  }
0x44: {  	[hbm4b:s29+s2] =	stream.linear.scatter [tilespmem:s23], [sflag:$0x2], $0x1C00, $0x38;
	[tilespmem:$0x16000] =	vst v63  }
0x45: {  	p0 =	por p6, p6;
	s14 =	simm.s32 $0x1;
	s15 =	simm.s32 $0x2A00  }
0x46: {  	[hbm4b:s30+s2] =	stream.linear.scatter [tilespmem:s24], [sflag:$0x2], $0x1C00, $0x38;
	[tilespmem:$0x16000] =	vst v63  }
0x47: {  	s16 =	simm.s32 $0x2;
	s17 =	sadd.s32 $0x1180, s26;
	s13 =	simm.s32 $0x268  }
0x48: {  	[hbm4b:s31+s2] =	stream.linear.scatter [tilespmem:s25], [sflag:$0x2], $0x1C00, $0x38;
	[tilespmem:$0x16000] =	vst v63  }
.LBB2_2:
0x49: {  	[hbm4b:s17+s2] =	stream.linear.scatter [tilespmem:s18], [sflag:$0x2], $0x1C00, $0x38;
	[tilespmem:$0x16000] =	vst v63  }
0x4a: {  	s17 =	smov.u32 s15  }
0x4b: {  	p2 =	slt.u32 s16, $0x2;
	s15 =	sadd.s32 $0x1500, s15;
	s18 =	simm.s32 @!p0 $0x2  }
0x4c: {  	p1 =	sne.s32 s15, $0xFC00;
	_ =	swait.ge @!p0 [sflag:s18], $0x1C00  }
0x4d: {  	[sflag:s18] =	ssyncset.done @!p0 $0x0  }
0x4e: {  	[sflag:s18] =	ssyncadd.s32 @!p0 $0xFFFFE400  }
0x4f: {  	_ =	swait.ge @!p0 [sflag:s18], $0x1C00  }
0x50: {  	[sflag:s18] =	ssyncset.done @!p0 $0x0  }
0x51: {  	[sflag:s18] =	ssyncadd.s32 @!p0 $0xFFFFE400  }
0x52: {  	_ =	swait.ge @!p0 [sflag:s18], $0x1C00  }
0x53: {  	[sflag:s18] =	ssyncset.done @!p0 $0x0  }
0x54: {  	[sflag:s18] =	ssyncadd.s32 @!p0 $0xFFFFE400  }
0x55: {  	_ =	swait.ge @!p0 [sflag:s18], $0x1C00  }
0x56: {  	[sflag:s18] =	ssyncset.done @!p0 $0x0  }
0x57: {  	[sflag:s18] =	ssyncadd.s32 @!p0 $0xFFFFE400  }
0x58: {  	_ =	swait.ge @!p0 [sflag:s18], $0x1C00  }
0x59: {  	[sflag:s18] =	ssyncset.done @!p0 $0x0  }
0x5a: {  	s19 =	sand.u32 $0x1, s14;
	s14 =	smov.u32 s16;
	[sflag:s18] =	ssyncadd.s32 @!p0 $0xFFFFE400  }
0x5b: {  	s24 =	simm.s32 $0xA800;
	p3 =	seq.s32 s19, $0x1;
	_ =	swait.ge @!p0 [sflag:s18], $0x1C00  }
0x5c: {  	s24 =	simm.s32 @!p3 $0x0;
	[sflag:s18] =	ssyncset.done @!p0 $0x0  }
0x5d: {  	s19 =	sor.u32 $0x1000, s24;
	[sflag:s18] =	ssyncadd.s32 @!p0 $0xFFFFE400;
	s18 =	sadd.s32 $0xFFFFFEE8, s13  }
0x5e: {  	[tilespmem:s19], [sflag:$0x1] =	stream.indirect.gather [hbm4b:s3+s8], $0x80, s18, s8, $0xb8;
	[tilespmem:$0x16000] =	vst v63  }
0x5f: {  	s20 =	sadd.s32 $0x2C00, s24;
	p0 =	por p2, p2;
	s18 =	sadd.s32 $0xFFFFFF20, s13  }
0x60: {  	[tilespmem:s20], [sflag:$0x1] =	stream.indirect.gather [hbm4b:s3+s8], $0x80, s18, s8, $0xb8;
	[tilespmem:$0x16000] =	vst v63  }
0x61: {  	s21 =	sadd.s32 $0x4800, s24;
	s18 =	sadd.s32 $0xFFFFFF58, s13  }
0x62: {  	[tilespmem:s21], [sflag:$0x1] =	stream.indirect.gather [hbm4b:s3+s8], $0x80, s18, s8, $0xb8;
	[tilespmem:$0x16000] =	vst v63  }
0x63: {  	s22 =	sadd.s32 $0x6400, s24;
	s18 =	sadd.s32 $0xFFFFFF90, s13  }
0x64: {  	[tilespmem:s22], [sflag:$0x1] =	stream.indirect.gather [hbm4b:s3+s8], $0x80, s18, s8, $0xb8;
	[tilespmem:$0x16000] =	vst v63  }
0x65: {  	s23 =	sadd.s32 $0x8000, s24;
	s18 =	sadd.s32 $0xFFFFFFC8, s13  }
0x66: {  	[tilespmem:s23], [sflag:$0x1] =	stream.indirect.gather [hbm4b:s3+s8], $0x80, s18, s8, $0xb8;
	[tilespmem:$0x16000] =	vst v63  }
0x67: {  	s18 =	sadd.s32 $0x9C00, s24  }
0x68: {  	[tilespmem:s18], [sflag:$0x1] =	stream.indirect.gather [hbm4b:s3+s8], $0x80, s13, s8, $0xb8;
	[tilespmem:$0x16000] =	vst v63  }
0x69: {  	_ =	swait.ge [sflag:s9], $0x1C00  }
0x6a: {  	[sflag:s9] =	ssyncset.done $0x0  }
0x6b: {  	[sflag:s9] =	ssyncadd.s32 $0xFFFFE400  }
0x6c: {  	_ =	swait.ge [sflag:s9], $0x1C00  }
0x6d: {  	[sflag:s9] =	ssyncset.done $0x0  }
0x6e: {  	[sflag:s9] =	ssyncadd.s32 $0xFFFFE400  }
0x6f: {  	_ =	swait.ge [sflag:s9], $0x1C00  }
0x70: {  	[sflag:s9] =	ssyncset.done $0x0  }
0x71: {  	[sflag:s9] =	ssyncadd.s32 $0xFFFFE400  }
0x72: {  	_ =	swait.ge [sflag:s9], $0x1C00  }
0x73: {  	[sflag:s9] =	ssyncset.done $0x0  }
0x74: {  	[sflag:s9] =	ssyncadd.s32 $0xFFFFE400  }
0x75: {  	_ =	swait.ge [sflag:s9], $0x1C00  }
0x76: {  	[sflag:s9] =	ssyncset.done $0x0  }
0x77: {  	[sflag:s9] =	ssyncadd.s32 $0xFFFFE400  }
0x78: {  	_ =	swait.ge [sflag:s9], $0x1C00  }
0x79: {  	[sflag:s9] =	ssyncset.done $0x0  }
0x7a: {  	s24 =	sadd.s32 s12, s6;
	s12 =	smov.u32 s17;
	[sflag:s9] =	ssyncadd.s32 $0xFFFFE400  }
0x7b: {  	[hbm4b:s24+s2] =	stream.linear.scatter [tilespmem:s19], [sflag:$0x2], $0x1C00, $0x38;
	[tilespmem:$0x16000] =	vst v63  }
0x7c: {  	s17 =	sadd.s32 $0x380, s24  }
0x7d: {  	[hbm4b:s17+s2] =	stream.linear.scatter [tilespmem:s20], [sflag:$0x2], $0x1C00, $0x38;
	[tilespmem:$0x16000] =	vst v63  }
0x7e: {  	s17 =	sadd.s32 $0x700, s24  }
0x7f: {  	[hbm4b:s17+s2] =	stream.linear.scatter [tilespmem:s21], [sflag:$0x2], $0x1C00, $0x38;
	[tilespmem:$0x16000] =	vst v63  }
.Ltmp0:
0x80: {  	s17 =	sadd.s32 $0xA80, s24;
	(pc) =	sbr.rel @p1 .LBB2_2-.Ltmp0, $4  }
0x81: {  	[hbm4b:s17+s2] =	stream.linear.scatter [tilespmem:s22], [sflag:$0x2], $0x1C00, $0x38;
	[tilespmem:$0x16000] =	vst v63  }
0x82: {  	s17 =	sadd.s32 $0xE00, s24  }
0x83: {  	[hbm4b:s17+s2] =	stream.linear.scatter [tilespmem:s23], [sflag:$0x2], $0x1C00, $0x38;
	[tilespmem:$0x16000] =	vst v63  }
0x84: {  	s16 =	sadd.s32 $0x1, s16;
	s13 =	sadd.s32 $0x150, s13;
	s17 =	sadd.s32 $0x1180, s24  }
0x85: {  	[hbm4b:s17+s2] =	stream.linear.scatter [tilespmem:s18], [sflag:$0x2], $0x1C00, $0x38;
	[tilespmem:$0x16000] =	vst v63  }
0x86: {  	s15 =	simm.s32 @!p0 $0x2  }
0x87: {  	_ =	swait.ge @!p0 [sflag:s15], $0x1C00  }
0x88: {  	[sflag:s15] =	ssyncset.done @!p0 $0x0  }
0x89: {  	[sflag:s15] =	ssyncadd.s32 @!p0 $0xFFFFE400  }
0x8a: {  	_ =	swait.ge @!p0 [sflag:s15], $0x1C00  }
0x8b: {  	[sflag:s15] =	ssyncset.done @!p0 $0x0  }
0x8c: {  	[sflag:s15] =	ssyncadd.s32 @!p0 $0xFFFFE400  }
0x8d: {  	_ =	swait.ge @!p0 [sflag:s15], $0x1C00  }
0x8e: {  	[sflag:s15] =	ssyncset.done @!p0 $0x0  }
0x8f: {  	[sflag:s15] =	ssyncadd.s32 @!p0 $0xFFFFE400  }
0x90: {  	_ =	swait.ge @!p0 [sflag:s15], $0x1C00  }
0x91: {  	[sflag:s15] =	ssyncset.done @!p0 $0x0  }
0x92: {  	[sflag:s15] =	ssyncadd.s32 @!p0 $0xFFFFE400  }
0x93: {  	_ =	swait.ge @!p0 [sflag:s15], $0x1C00  }
0x94: {  	[sflag:s15] =	ssyncset.done @!p0 $0x0  }
0x95: {  	s14 =	sand.u32 $0x1, s14;
	[sflag:s15] =	ssyncadd.s32 @!p0 $0xFFFFE400  }
0x96: {  	p1 =	seq.s32 s14, $0x1;
	s14 =	simm.s32 $0xA800;
	_ =	swait.ge @!p0 [sflag:s15], $0x1C00  }
0x97: {  	s14 =	simm.s32 @!p1 $0x0;
	[sflag:s15] =	ssyncset.done @!p0 $0x0  }
0x98: {  	s16 =	sadd.s32 $0xFFFFFEE8, s13;
	s31 =	sor.u32 $0x1000, s14;
	[sflag:s15] =	ssyncadd.s32 @!p0 $0xFFFFE400  }
0x99: {  	[tilespmem:s31], [sflag:$0x1] =	stream.indirect.gather [hbm4b:s3+s8], $0x80, s16, s8, $0xb8;
	[tilespmem:$0x16000] =	vst v63  }
0x9a: {  	s22 =	sadd.s32 $0xFFFFFF20, s13;
	s21 =	sadd.s32 $0x2C00, s14  }
0x9b: {  	[tilespmem:s21], [sflag:$0x1] =	stream.indirect.gather [hbm4b:s3+s8], $0x80, s22, s8, $0xb8;
	[tilespmem:$0x16000] =	vst v63  }
0x9c: {  	s24 =	sadd.s32 $0xFFFFFF58, s13;
	s23 =	sadd.s32 $0x4800, s14  }
0x9d: {  	[tilespmem:s23], [sflag:$0x1] =	stream.indirect.gather [hbm4b:s3+s8], $0x80, s24, s8, $0xb8;
	[tilespmem:$0x16000] =	vst v63  }
0x9e: {  	s19 =	sadd.s32 $0xFFFFFF90, s13;
	s25 =	sadd.s32 $0x6400, s14  }
0x9f: {  	[tilespmem:s25], [sflag:$0x1] =	stream.indirect.gather [hbm4b:s3+s8], $0x80, s19, s8, $0xb8;
	[tilespmem:$0x16000] =	vst v63  }
0xa0: {  	s20 =	sadd.s32 $0xFFFFFFC8, s13;
	s26 =	sadd.s32 $0x8000, s14  }
0xa1: {  	[tilespmem:s26], [sflag:$0x1] =	stream.indirect.gather [hbm4b:s3+s8], $0x80, s20, s8, $0xb8;
	[tilespmem:$0x16000] =	vst v63  }
0xa2: {  	s14 =	sadd.s32 $0x9C00, s14  }
0xa3: {  	[tilespmem:s14], [sflag:$0x1] =	stream.indirect.gather [hbm4b:s3+s8], $0x80, s13, s8, $0xb8;
	[tilespmem:$0x16000] =	vst v63  }
0xa4: {  	_ =	swait.ge [sflag:s9], $0x1C00  }
0xa5: {  	[sflag:s9] =	ssyncset.done $0x0  }
0xa6: {  	[sflag:s9] =	ssyncadd.s32 $0xFFFFE400  }
0xa7: {  	_ =	swait.ge [sflag:s9], $0x1C00  }
0xa8: {  	[sflag:s9] =	ssyncset.done $0x0  }
0xa9: {  	[sflag:s9] =	ssyncadd.s32 $0xFFFFE400  }
0xaa: {  	_ =	swait.ge [sflag:s9], $0x1C00  }
0xab: {  	[sflag:s9] =	ssyncset.done $0x0  }
0xac: {  	[sflag:s9] =	ssyncadd.s32 $0xFFFFE400  }
0xad: {  	_ =	swait.ge [sflag:s9], $0x1C00  }
0xae: {  	[sflag:s9] =	ssyncset.done $0x0  }
0xaf: {  	[sflag:s9] =	ssyncadd.s32 $0xFFFFE400  }
0xb0: {  	_ =	swait.ge [sflag:s9], $0x1C00  }
0xb1: {  	[sflag:s9] =	ssyncset.done $0x0  }
0xb2: {  	[sflag:s9] =	ssyncadd.s32 $0xFFFFE400  }
0xb3: {  	_ =	swait.ge [sflag:s9], $0x1C00  }
0xb4: {  	[sflag:s9] =	ssyncset.done $0x0  }
0xb5: {  	s12 =	sadd.s32 s12, s6;
	[sflag:s9] =	ssyncadd.s32 $0xFFFFE400  }
0xb6: {  	[hbm4b:s12+s2] =	stream.linear.scatter [tilespmem:s31], [sflag:$0x2], $0x1C00, $0x38;
	[tilespmem:$0x16000] =	vst v63  }
0xb7: {  	s28 =	sadd.s32 $0x380, s12  }
0xb8: {  	[hbm4b:s28+s2] =	stream.linear.scatter [tilespmem:s21], [sflag:$0x2], $0x1C00, $0x38;
	[tilespmem:$0x16000] =	vst v63  }
0xb9: {  	s29 =	sadd.s32 $0x700, s12  }
0xba: {  	[hbm4b:s29+s2] =	stream.linear.scatter [tilespmem:s23], [sflag:$0x2], $0x1C00, $0x38;
	[tilespmem:$0x16000] =	vst v63  }
0xbb: {  	s30 =	sadd.s32 $0xA80, s12  }
0xbc: {  	[hbm4b:s30+s2] =	stream.linear.scatter [tilespmem:s25], [sflag:$0x2], $0x1C00, $0x38;
	[tilespmem:$0x16000] =	vst v63  }
0xbd: {  	s31 =	sadd.s32 $0xE00, s12  }
0xbe: {  	[hbm4b:s31+s2] =	stream.linear.scatter [tilespmem:s26], [sflag:$0x2], $0x1C00, $0x38;
	[tilespmem:$0x16000] =	vst v63  }
0xbf: {  	s12 =	sadd.s32 $0x1180, s12  }
0xc0: {  	[hbm4b:s12+s2] =	stream.linear.scatter [tilespmem:s14], [sflag:$0x2], $0x1C00, $0x38;
	[tilespmem:$0x16000] =	vst v63  }
0xc1: {  	_ =	swait.ge [sflag:s10], $0x1C00  }
0xc2: {  	[sflag:s10] =	ssyncset.done $0x0  }
0xc3: {  	[sflag:s10] =	ssyncadd.s32 $0xFFFFE400  }
0xc4: {  	_ =	swait.ge [sflag:s10], $0x1C00  }
0xc5: {  	[sflag:s10] =	ssyncset.done $0x0  }
0xc6: {  	[sflag:s10] =	ssyncadd.s32 $0xFFFFE400  }
0xc7: {  	_ =	swait.ge [sflag:s10], $0x1C00  }
0xc8: {  	[sflag:s10] =	ssyncset.done $0x0  }
0xc9: {  	[sflag:s10] =	ssyncadd.s32 $0xFFFFE400  }
0xca: {  	_ =	swait.ge [sflag:s10], $0x1C00  }
0xcb: {  	[sflag:s10] =	ssyncset.done $0x0  }
0xcc: {  	[sflag:s10] =	ssyncadd.s32 $0xFFFFE400  }
0xcd: {  	_ =	swait.ge [sflag:s10], $0x1C00  }
0xce: {  	[sflag:s10] =	ssyncset.done $0x0  }
0xcf: {  	[sflag:s10] =	ssyncadd.s32 $0xFFFFE400  }
0xd0: {  	_ =	swait.ge [sflag:s10], $0x1C00  }
0xd1: {  	[sflag:s10] =	ssyncset.done $0x0  }
0xd2: {  	[sflag:s10] =	ssyncadd.s32 $0xFFFFE400  }
0xd3: {  	_ =	swait.ge [sflag:s10], $0x1C00  }
0xd4: {  	[sflag:s10] =	ssyncset.done $0x0  }
0xd5: {  	[sflag:s10] =	ssyncadd.s32 $0xFFFFE400  }
0xd6: {  	_ =	swait.ge [sflag:s10], $0x1C00  }
0xd7: {  	[sflag:s10] =	ssyncset.done $0x0  }
0xd8: {  	[sflag:s10] =	ssyncadd.s32 $0xFFFFE400  }
0xd9: {  	_ =	swait.ge [sflag:s10], $0x1C00  }
0xda: {  	[sflag:s10] =	ssyncset.done $0x0  }
0xdb: {  	[sflag:s10] =	ssyncadd.s32 $0xFFFFE400  }
0xdc: {  	_ =	swait.ge [sflag:s10], $0x1C00  }
0xdd: {  	[sflag:s10] =	ssyncset.done $0x0  }
0xde: {  	s11 =	sadd.s32 $0x1, s11;
	[sflag:s10] =	ssyncadd.s32 $0xFFFFE400  }
0xdf: {  	p0 =	sne.s32 s11, s5;
	_ =	swait.ge [sflag:s10], $0x1C00  }
.Ltmp1:
0xe0: {  	[sflag:s10] =	ssyncset.done $0x0;
	(pc) =	sbr.rel @p0 .LBB2_1-.Ltmp1, $4  }
0xe1: {  	[sflag:s10] =	ssyncadd.s32 $0xFFFFE400  }
0xe2: {  	_ =	swait.ge [sflag:s10], $0x1C00  }
0xe3: {  	[sflag:s10] =	ssyncset.done $0x0  }
0xe4: {  	[sflag:s10] =	ssyncadd.s32 $0xFFFFE400  }
0xe5: {  	_ =	sfence.sel $0x180000  }
0xe6: {  	[bflag:$0x0] =	sbarrier.arrive $0xFFFF  }
0xe7: {  	p0 =	sne.s32 s1, $0x0;
	_ =	strace $0x9000004A  }
0xe8: {  	s0 =	sadd.s32 @!p0 $0x100000, s0;
	[bflag:$0x2] =	sbarrier.arrive $0xFFFF  }
0xe9: {  	[sflag:s0] =	ssyncadd.tile.s32 @!p0 $0x1;
	_ =	shalt  }
.Lfunc_end2:
_tile_overlayer_lowered:
.L_overlay_start_2:
0xea: {  	(tag) =	ssettag $0x2  }
0xeb: {  	s0 =	rddreg [dreg:$0x0];
	s2 =	stileid.u32  }
0xec: {  	s1 =	rddreg [dreg:$0x1];
	p0 =	sne.s32 s2, $0x0  }
0xed: {  	s3 =	rddreg [dreg:$0x2];
	[bflag:$0x3] =	sbarrier.arrive $0xFFFF;
	s2 =	simm.s32 @!p0 $0x1C03  }
0xee: {  	[timem:s3], [sflag:s2] =	dma.local @!p0 [hbm:s0], s1  }
0xef: {  	s0 =	simm.s32 @!p0 $0x3  }
0xf0: {  	_ =	swait.ge @!p0 [sflag:s0], s1  }
0xf1: {  	s1 =	ssub.s32 @!p0 $0x0, s1;
	[sflag:s0] =	ssyncset.done @!p0 $0x0  }
0xf2: {  	[sflag:s0] =	ssyncadd.s32 @!p0 s1  }
0xf3: {  	[bflag:$0x3] =	sbarrier.arrive $0xFFFF  }
0xf4: {  	_ =	shalt  }

</sc_bundles>
